<compile_context>
chip_gen: v7x
topology: tpu7x:2x2x1
jax: 0.10.2.dev20260603
libtpu: 0.0.44.dev20260713+nightly
codegen_flags: <defaults>
</compile_context>

<pallas_src>
import jax
import jax.numpy as jnp
from jax import lax
from jax.experimental import pallas as pl
from jax.experimental.pallas import tpu as pltpu
from jax.experimental.pallas import tpu_sc as plsc

B = 16384
D = 64
NC = 2
NS = 16
NW = NC * NS
RPW = B // NW
L = 16
G = RPW // L
NSLOT = 4


def _fm_body(user_h, item_h, age_h, eu_h, ei_h, ea_h, out_h,
             uidx_v, iidx_v, aidx_v, eu_v, ei_v, atab_v, out_v, sem0, sem1):
    wid = lax.axis_index("s") * NC + lax.axis_index("c")
    base = wid * RPW

    pltpu.sync_copy(user_h.at[pl.ds(base, RPW)], uidx_v)
    pltpu.sync_copy(item_h.at[pl.ds(base, RPW)], iidx_v)
    pltpu.sync_copy(age_h.at[pl.ds(base, RPW)], aidx_v)
    for a in range(3):
        pltpu.sync_copy(ea_h.at[pl.ds(a, 1), :],
                        atab_v.at[pl.ds(a, 1), :])

    iota = lax.iota(jnp.int32, L)

    def issue(c, sem):
        slot = jnp.bitwise_and(c, NSLOT - 1)
        uvec = uidx_v[pl.ds(c * L, L)]
        ivec = iidx_v[pl.ds(c * L, L)]
        for j in range(L):
            rr = slot * L + j
            pltpu.async_copy(eu_h.at[pl.ds(uvec[j], 1), :],
                             eu_v.at[pl.ds(rr, 1), :], sem)
            pltpu.async_copy(ei_h.at[pl.ds(ivec[j], 1), :],
                             ei_v.at[pl.ds(rr, 1), :], sem)

    def drain(c, sem):
        slot = jnp.bitwise_and(c, NSLOT - 1)
        pltpu.make_async_copy(eu_h.at[pl.ds(0, L), :],
                              eu_v.at[pl.ds(slot * L, L), :],
                              sem).wait()
        pltpu.make_async_copy(ei_h.at[pl.ds(0, L), :],
                              ei_v.at[pl.ds(slot * L, L), :],
                              sem).wait()

    def compute(c):
        slot = jnp.bitwise_and(c, NSLOT - 1)
        r16 = slot * L + iota
        age16 = aidx_v[pl.ds(c * L, L)]
        acc = jnp.zeros((L,), jnp.float32)
        for d in range(D):
            col = jnp.full((L,), d, jnp.int32)
            euc = plsc.load_gather(eu_v, [r16, col])
            eic = plsc.load_gather(ei_v, [r16, col])
            eac = plsc.load_gather(atab_v, [age16, col])
            acc = acc + euc * eic + eac * (euc + eic)
        out_v[pl.ds(c * L, L)] = acc

    issue(0, sem0)

    def pair_body(k, carry):
        c = k * 2
        issue(c + 1, sem1)
        drain(c, sem0)
        compute(c)

        @pl.when(c + 2 < G)
        def _():
            issue(c + 2, sem0)

        drain(c + 1, sem1)
        compute(c + 1)
        return carry

    lax.fori_loop(0, G // 2, pair_body, 0)
    pltpu.sync_copy(out_v, out_h.at[pl.ds(base, RPW)])


def kernel(user, item, age, embed_user, embed_item, embed_age,
           u_bias, i_bias, a_bias, bias_):
    mesh = plsc.VectorSubcoreMesh(core_axis_name="c", subcore_axis_name="s")
    fm = pl.kernel(
        _fm_body,
        mesh=mesh,
        out_type=jax.ShapeDtypeStruct((B,), jnp.float32),
        scratch_types=[
            pltpu.VMEM((RPW,), jnp.int32),
            pltpu.VMEM((RPW,), jnp.int32),
            pltpu.VMEM((RPW,), jnp.int32),
            pltpu.VMEM((NSLOT * L, D), jnp.float32),
            pltpu.VMEM((NSLOT * L, D), jnp.float32),
            pltpu.VMEM((3, D), jnp.float32),
            pltpu.VMEM((RPW,), jnp.float32),
            pltpu.SemaphoreType.DMA,
            pltpu.SemaphoreType.DMA,
        ],
        compiler_params=pltpu.CompilerParams(needs_layout_passes=False),
    )
    return fm(user, item, age, embed_user, embed_item, embed_age)

# --- scband reference (transcript-rebuilt; emitter-appended) ---
"""Pipeline reference for scband-point-fm-52450140618849 (READ-ONLY COPY).

The authoritative reference and input builder live on the scoring server;
editing this copy changes nothing except your own understanding.
"""

import jax, jax.numpy as jnp
import numpy as np

USER_NUM = 1000000
ITEM_NUM = 1000000
FACTORS = 64
BATCH = 16384


def setup_inputs(seed: int = 0) -> dict:
    key = jax.random.key(seed)
    ks = jax.random.split(key, 6)
    user = jax.random.randint(ks[0], (BATCH,), 0, USER_NUM)
    item = jax.random.randint(ks[1], (BATCH,), 0, ITEM_NUM)
    age = jax.random.randint(ks[2], (BATCH,), 0, 3)
    embed_user = jax.random.normal(ks[3], (USER_NUM, FACTORS), dtype=jnp.float32)
    embed_item = jax.random.normal(ks[4], (ITEM_NUM, FACTORS), dtype=jnp.float32)
    embed_age = jax.random.normal(ks[5], (3, FACTORS), dtype=jnp.float32)
    u_bias = jnp.zeros((USER_NUM, 1), dtype=jnp.float32)
    i_bias = jnp.zeros((ITEM_NUM, 1), dtype=jnp.float32)
    a_bias = jnp.zeros((3, 1), dtype=jnp.float32)
    bias_ = jnp.zeros((1,), dtype=jnp.float32)
    return {
        'user': user, 'item': item, 'age': age,
        'embed_user': embed_user, 'embed_item': embed_item, 'embed_age': embed_age,
        'u_bias': u_bias, 'i_bias': i_bias, 'a_bias': a_bias, 'bias_': bias_,
    }


def reference(user, item, age, embed_user, embed_item, embed_age, u_bias, i_bias, a_bias, bias_):
    eu = jnp.take(embed_user, user, axis=0)
    ei = jnp.take(embed_item, item, axis=0)
    ea = jnp.take(embed_age, age, axis=0)
    pred = jnp.sum(eu * ei, axis=-1, keepdims=True)
    pred = pred + jnp.take(u_bias, user, axis=0) + jnp.take(i_bias, item, axis=0) + bias_
    pred = pred + jnp.sum(ea * eu, axis=-1, keepdims=True) + jnp.sum(ea * ei, axis=-1, keepdims=True)
    pred = pred + jnp.take(a_bias, age, axis=0)
    return pred.reshape(-1)

if __name__ == "__main__":
    import jax
    _d = setup_inputs()
    print(jax.jit(kernel)(*tuple(_d.values())))

</pallas_src>

<mosaic_0001>
#map = affine_map<(d0, d1) -> (0)>
#map1 = affine_map<(d0, d1) -> (0, 0)>
module attributes {stable_mosaic.version = 14 : i64} {
  func.func @_fm_body(%arg0: i32, %arg1: i32, %arg2: memref<16384xi32, #tpu.memory_space<hbm>>, %arg3: memref<16384xi32, #tpu.memory_space<hbm>>, %arg4: memref<16384xi32, #tpu.memory_space<hbm>>, %arg5: memref<1000000x64xf32, #tpu.memory_space<hbm>>, %arg6: memref<1000000x64xf32, #tpu.memory_space<hbm>>, %arg7: memref<3x64xf32, #tpu.memory_space<hbm>>, %arg8: memref<16384xf32, #tpu.memory_space<hbm>>, %arg9: memref<512xi32, #tpu.memory_space<vmem>>, %arg10: memref<512xi32, #tpu.memory_space<vmem>>, %arg11: memref<512xi32, #tpu.memory_space<vmem>>, %arg12: memref<64x64xf32, #tpu.memory_space<vmem>>, %arg13: memref<64x64xf32, #tpu.memory_space<vmem>>, %arg14: memref<3x64xf32, #tpu.memory_space<vmem>>, %arg15: memref<512xf32, #tpu.memory_space<vmem>>, %arg16: memref<!tpu.dma_semaphore, #tpu.memory_space<semaphore_mem>>, %arg17: memref<!tpu.dma_semaphore, #tpu.memory_space<semaphore_mem>>) attributes {dimension_semantics = [#tpu.dimension_semantics<core_parallel>, #tpu.dimension_semantics<subcore_parallel>], iteration_bounds = array<i64: 2, 16>, scalar_prefetch = 0 : i64, scratch_operands = 9 : i64, tpu.core_type = #tpu.core_type<sc_vector_subcore>, window_params = [{transform_indices = #map}, {transform_indices = #map}, {transform_indices = #map}, {transform_indices = #map1}, {transform_indices = #map1}, {transform_indices = #map1}, {transform_indices = #map}]} {
    %mul3A = arith.constant 2 : i32
    %mul3A_0 = arith.muli %arg1, %mul3A : i32
    %add3A = arith.addi %mul3A_0, %arg0 : i32
    %mul3A_1 = arith.constant 512 : i32
    %mul3A_2 = arith.muli %add3A, %mul3A_1 : i32
    "tpu.region"() ({
      %run_scoped3A = tpu.sem_alloc : memref<!tpu.dma_semaphore, #tpu.memory_space<semaphore_mem>>
      %dma_start3A_394 = tpu.memref_slice %arg2[%mul3A_2] : memref<16384xi32, #tpu.memory_space<hbm>> -> memref<512xi32, #tpu.memory_space<hbm>>
      %dma_start3A_395 = tpu.memref_slice %arg2[%mul3A_2] : memref<16384xi32, #tpu.memory_space<hbm>> -> memref<512xi32, #tpu.memory_space<hbm>>
      tpu.enqueue_dma source(%dma_start3A_395 : memref<512xi32, #tpu.memory_space<hbm>>) target(%arg9 : memref<512xi32, #tpu.memory_space<vmem>>) target_semaphore(%run_scoped3A : memref<!tpu.dma_semaphore, #tpu.memory_space<semaphore_mem>>)
      %dma_wait3A = tpu.memref_slice %arg2[%mul3A_2] : memref<16384xi32, #tpu.memory_space<hbm>> -> memref<512xi32, #tpu.memory_space<hbm>>
      %dma_wait3A_396 = tpu.memref_slice %arg2[%mul3A_2] : memref<16384xi32, #tpu.memory_space<hbm>> -> memref<512xi32, #tpu.memory_space<hbm>>
      tpu.wait_dma2 semaphore(%run_scoped3A : memref<!tpu.dma_semaphore, #tpu.memory_space<semaphore_mem>>) src(%dma_wait3A_396 : memref<512xi32, #tpu.memory_space<hbm>>) dst(%arg9 : memref<512xi32, #tpu.memory_space<vmem>>)
      tpu.yield
    }) : () -> ()
    "tpu.region"() ({
      %run_scoped3A = tpu.sem_alloc : memref<!tpu.dma_semaphore, #tpu.memory_space<semaphore_mem>>
      %dma_start3A_394 = tpu.memref_slice %arg3[%mul3A_2] : memref<16384xi32, #tpu.memory_space<hbm>> -> memref<512xi32, #tpu.memory_space<hbm>>
      %dma_start3A_395 = tpu.memref_slice %arg3[%mul3A_2] : memref<16384xi32, #tpu.memory_space<hbm>> -> memref<512xi32, #tpu.memory_space<hbm>>
      tpu.enqueue_dma source(%dma_start3A_395 : memref<512xi32, #tpu.memory_space<hbm>>) target(%arg10 : memref<512xi32, #tpu.memory_space<vmem>>) target_semaphore(%run_scoped3A : memref<!tpu.dma_semaphore, #tpu.memory_space<semaphore_mem>>)
      %dma_wait3A = tpu.memref_slice %arg3[%mul3A_2] : memref<16384xi32, #tpu.memory_space<hbm>> -> memref<512xi32, #tpu.memory_space<hbm>>
      %dma_wait3A_396 = tpu.memref_slice %arg3[%mul3A_2] : memref<16384xi32, #tpu.memory_space<hbm>> -> memref<512xi32, #tpu.memory_space<hbm>>
      tpu.wait_dma2 semaphore(%run_scoped3A : memref<!tpu.dma_semaphore, #tpu.memory_space<semaphore_mem>>) src(%dma_wait3A_396 : memref<512xi32, #tpu.memory_space<hbm>>) dst(%arg10 : memref<512xi32, #tpu.memory_space<vmem>>)
      tpu.yield
    }) : () -> ()
    "tpu.region"() ({
      %run_scoped3A = tpu.sem_alloc : memref<!tpu.dma_semaphore, #tpu.memory_space<semaphore_mem>>
      %dma_start3A_394 = tpu.memref_slice %arg4[%mul3A_2] : memref<16384xi32, #tpu.memory_space<hbm>> -> memref<512xi32, #tpu.memory_space<hbm>>
      %dma_start3A_395 = tpu.memref_slice %arg4[%mul3A_2] : memref<16384xi32, #tpu.memory_space<hbm>> -> memref<512xi32, #tpu.memory_space<hbm>>
      tpu.enqueue_dma source(%dma_start3A_395 : memref<512xi32, #tpu.memory_space<hbm>>) target(%arg11 : memref<512xi32, #tpu.memory_space<vmem>>) target_semaphore(%run_scoped3A : memref<!tpu.dma_semaphore, #tpu.memory_space<semaphore_mem>>)
      %dma_wait3A = tpu.memref_slice %arg4[%mul3A_2] : memref<16384xi32, #tpu.memory_space<hbm>> -> memref<512xi32, #tpu.memory_space<hbm>>
      %dma_wait3A_396 = tpu.memref_slice %arg4[%mul3A_2] : memref<16384xi32, #tpu.memory_space<hbm>> -> memref<512xi32, #tpu.memory_space<hbm>>
      tpu.wait_dma2 semaphore(%run_scoped3A : memref<!tpu.dma_semaphore, #tpu.memory_space<semaphore_mem>>) src(%dma_wait3A_396 : memref<512xi32, #tpu.memory_space<hbm>>) dst(%arg11 : memref<512xi32, #tpu.memory_space<vmem>>)
      tpu.yield
    }) : () -> ()
    "tpu.region"() ({
      %run_scoped3A = tpu.sem_alloc : memref<!tpu.dma_semaphore, #tpu.memory_space<semaphore_mem>>
      %dma_start3A_394 = arith.constant 0 : i32
      %dma_start3A_395 = arith.constant 0 : i32
      %dma_start3A_396 = tpu.memref_slice %arg14[%dma_start3A_394, %dma_start3A_395] : memref<3x64xf32, #tpu.memory_space<vmem>> -> memref<1x64xf32, #tpu.memory_space<vmem>>
      %dma_start3A_397 = arith.constant 0 : i32
      %dma_start3A_398 = arith.constant 0 : i32
      %dma_start3A_399 = tpu.memref_slice %arg7[%dma_start3A_397, %dma_start3A_398] : memref<3x64xf32, #tpu.memory_space<hbm>> -> memref<1x64xf32, #tpu.memory_space<hbm>>
      %dma_start3A_400 = arith.constant 0 : i32
      %dma_start3A_401 = arith.constant 0 : i32
      %dma_start3A_402 = tpu.memref_slice %arg14[%dma_start3A_400, %dma_start3A_401] : memref<3x64xf32, #tpu.memory_space<vmem>> -> memref<1x64xf32, #tpu.memory_space<vmem>>
      %dma_start3A_403 = arith.constant 0 : i32
      %dma_start3A_404 = arith.constant 0 : i32
      %dma_start3A_405 = tpu.memref_slice %arg7[%dma_start3A_403, %dma_start3A_404] : memref<3x64xf32, #tpu.memory_space<hbm>> -> memref<1x64xf32, #tpu.memory_space<hbm>>
      tpu.enqueue_dma source(%dma_start3A_405 : memref<1x64xf32, #tpu.memory_space<hbm>>) target(%dma_start3A_402 : memref<1x64xf32, #tpu.memory_space<vmem>>) target_semaphore(%run_scoped3A : memref<!tpu.dma_semaphore, #tpu.memory_space<semaphore_mem>>)
      %dma_wait3A = arith.constant 0 : i32
      %dma_wait3A_406 = arith.constant 0 : i32
      %dma_wait3A_407 = tpu.memref_slice %arg14[%dma_wait3A, %dma_wait3A_406] : memref<3x64xf32, #tpu.memory_space<vmem>> -> memref<1x64xf32, #tpu.memory_space<vmem>>
      %dma_wait3A_408 = arith.constant 0 : i32
      %dma_wait3A_409 = arith.constant 0 : i32
      %dma_wait3A_410 = tpu.memref_slice %arg7[%dma_wait3A_408, %dma_wait3A_409] : memref<3x64xf32, #tpu.memory_space<hbm>> -> memref<1x64xf32, #tpu.memory_space<hbm>>
      %dma_wait3A_411 = arith.constant 0 : i32
      %dma_wait3A_412 = arith.constant 0 : i32
      %dma_wait3A_413 = tpu.memref_slice %arg14[%dma_wait3A_411, %dma_wait3A_412] : memref<3x64xf32, #tpu.memory_space<vmem>> -> memref<1x64xf32, #tpu.memory_space<vmem>>
      %dma_wait3A_414 = arith.constant 0 : i32
      %dma_wait3A_415 = arith.constant 0 : i32
      %dma_wait3A_416 = tpu.memref_slice %arg7[%dma_wait3A_414, %dma_wait3A_415] : memref<3x64xf32, #tpu.memory_space<hbm>> -> memref<1x64xf32, #tpu.memory_space<hbm>>
      tpu.wait_dma2 semaphore(%run_scoped3A : memref<!tpu.dma_semaphore, #tpu.memory_space<semaphore_mem>>) src(%dma_wait3A_416 : memref<1x64xf32, #tpu.memory_space<hbm>>) dst(%dma_wait3A_413 : memref<1x64xf32, #tpu.memory_space<vmem>>)
      tpu.yield
    }) : () -> ()
    "tpu.region"() ({
      %run_scoped3A = tpu.sem_alloc : memref<!tpu.dma_semaphore, #tpu.memory_space<semaphore_mem>>
      %dma_start3A_394 = arith.constant 1 : i32
      %dma_start3A_395 = arith.constant 0 : i32
      %dma_start3A_396 = tpu.memref_slice %arg14[%dma_start3A_394, %dma_start3A_395] : memref<3x64xf32, #tpu.memory_space<vmem>> -> memref<1x64xf32, #tpu.memory_space<vmem>>
      %dma_start3A_397 = arith.constant 1 : i32
      %dma_start3A_398 = arith.constant 0 : i32
      %dma_start3A_399 = tpu.memref_slice %arg7[%dma_start3A_397, %dma_start3A_398] : memref<3x64xf32, #tpu.memory_space<hbm>> -> memref<1x64xf32, #tpu.memory_space<hbm>>
      %dma_start3A_400 = arith.constant 1 : i32
      %dma_start3A_401 = arith.constant 0 : i32
      %dma_start3A_402 = tpu.memref_slice %arg14[%dma_start3A_400, %dma_start3A_401] : memref<3x64xf32, #tpu.memory_space<vmem>> -> memref<1x64xf32, #tpu.memory_space<vmem>>
      %dma_start3A_403 = arith.constant 1 : i32
      %dma_start3A_404 = arith.constant 0 : i32
      %dma_start3A_405 = tpu.memref_slice %arg7[%dma_start3A_403, %dma_start3A_404] : memref<3x64xf32, #tpu.memory_space<hbm>> -> memref<1x64xf32, #tpu.memory_space<hbm>>
      tpu.enqueue_dma source(%dma_start3A_405 : memref<1x64xf32, #tpu.memory_space<hbm>>) target(%dma_start3A_402 : memref<1x64xf32, #tpu.memory_space<vmem>>) target_semaphore(%run_scoped3A : memref<!tpu.dma_semaphore, #tpu.memory_space<semaphore_mem>>)
      %dma_wait3A = arith.constant 1 : i32
      %dma_wait3A_406 = arith.constant 0 : i32
      %dma_wait3A_407 = tpu.memref_slice %arg14[%dma_wait3A, %dma_wait3A_406] : memref<3x64xf32, #tpu.memory_space<vmem>> -> memref<1x64xf32, #tpu.memory_space<vmem>>
      %dma_wait3A_408 = arith.constant 1 : i32
      %dma_wait3A_409 = arith.constant 0 : i32
      %dma_wait3A_410 = tpu.memref_slice %arg7[%dma_wait3A_408, %dma_wait3A_409] : memref<3x64xf32, #tpu.memory_space<hbm>> -> memref<1x64xf32, #tpu.memory_space<hbm>>
      %dma_wait3A_411 = arith.constant 1 : i32
      %dma_wait3A_412 = arith.constant 0 : i32
      %dma_wait3A_413 = tpu.memref_slice %arg14[%dma_wait3A_411, %dma_wait3A_412] : memref<3x64xf32, #tpu.memory_space<vmem>> -> memref<1x64xf32, #tpu.memory_space<vmem>>
      %dma_wait3A_414 = arith.constant 1 : i32
      %dma_wait3A_415 = arith.constant 0 : i32
      %dma_wait3A_416 = tpu.memref_slice %arg7[%dma_wait3A_414, %dma_wait3A_415] : memref<3x64xf32, #tpu.memory_space<hbm>> -> memref<1x64xf32, #tpu.memory_space<hbm>>
      tpu.wait_dma2 semaphore(%run_scoped3A : memref<!tpu.dma_semaphore, #tpu.memory_space<semaphore_mem>>) src(%dma_wait3A_416 : memref<1x64xf32, #tpu.memory_space<hbm>>) dst(%dma_wait3A_413 : memref<1x64xf32, #tpu.memory_space<vmem>>)
      tpu.yield
    }) : () -> ()
    "tpu.region"() ({
      %run_scoped3A = tpu.sem_alloc : memref<!tpu.dma_semaphore, #tpu.memory_space<semaphore_mem>>
      %dma_start3A_394 = arith.constant 2 : i32
      %dma_start3A_395 = arith.constant 0 : i32
      %dma_start3A_396 = tpu.memref_slice %arg14[%dma_start3A_394, %dma_start3A_395] : memref<3x64xf32, #tpu.memory_space<vmem>> -> memref<1x64xf32, #tpu.memory_space<vmem>>
      %dma_start3A_397 = arith.constant 2 : i32
      %dma_start3A_398 = arith.constant 0 : i32
      %dma_start3A_399 = tpu.memref_slice %arg7[%dma_start3A_397, %dma_start3A_398] : memref<3x64xf32, #tpu.memory_space<hbm>> -> memref<1x64xf32, #tpu.memory_space<hbm>>
      %dma_start3A_400 = arith.constant 2 : i32
      %dma_start3A_401 = arith.constant 0 : i32
      %dma_start3A_402 = tpu.memref_slice %arg14[%dma_start3A_400, %dma_start3A_401] : memref<3x64xf32, #tpu.memory_space<vmem>> -> memref<1x64xf32, #tpu.memory_space<vmem>>
      %dma_start3A_403 = arith.constant 2 : i32
      %dma_start3A_404 = arith.constant 0 : i32
      %dma_start3A_405 = tpu.memref_slice %arg7[%dma_start3A_403, %dma_start3A_404] : memref<3x64xf32, #tpu.memory_space<hbm>> -> memref<1x64xf32, #tpu.memory_space<hbm>>
      tpu.enqueue_dma source(%dma_start3A_405 : memref<1x64xf32, #tpu.memory_space<hbm>>) target(%dma_start3A_402 : memref<1x64xf32, #tpu.memory_space<vmem>>) target_semaphore(%run_scoped3A : memref<!tpu.dma_semaphore, #tpu.memory_space<semaphore_mem>>)
      %dma_wait3A = arith.constant 2 : i32
      %dma_wait3A_406 = arith.constant 0 : i32
      %dma_wait3A_407 = tpu.memref_slice %arg14[%dma_wait3A, %dma_wait3A_406] : memref<3x64xf32, #tpu.memory_space<vmem>> -> memref<1x64xf32, #tpu.memory_space<vmem>>
      %dma_wait3A_408 = arith.constant 2 : i32
      %dma_wait3A_409 = arith.constant 0 : i32
      %dma_wait3A_410 = tpu.memref_slice %arg7[%dma_wait3A_408, %dma_wait3A_409] : memref<3x64xf32, #tpu.memory_space<hbm>> -> memref<1x64xf32, #tpu.memory_space<hbm>>
      %dma_wait3A_411 = arith.constant 2 : i32
      %dma_wait3A_412 = arith.constant 0 : i32
      %dma_wait3A_413 = tpu.memref_slice %arg14[%dma_wait3A_411, %dma_wait3A_412] : memref<3x64xf32, #tpu.memory_space<vmem>> -> memref<1x64xf32, #tpu.memory_space<vmem>>
      %dma_wait3A_414 = arith.constant 2 : i32
      %dma_wait3A_415 = arith.constant 0 : i32
      %dma_wait3A_416 = tpu.memref_slice %arg7[%dma_wait3A_414, %dma_wait3A_415] : memref<3x64xf32, #tpu.memory_space<hbm>> -> memref<1x64xf32, #tpu.memory_space<hbm>>
      tpu.wait_dma2 semaphore(%run_scoped3A : memref<!tpu.dma_semaphore, #tpu.memory_space<semaphore_mem>>) src(%dma_wait3A_416 : memref<1x64xf32, #tpu.memory_space<hbm>>) dst(%dma_wait3A_413 : memref<1x64xf32, #tpu.memory_space<vmem>>)
      tpu.yield
    }) : () -> ()
    %iota3A = tpu.iota {dimensions = array<i32: 0>} : vector<16xi32>
    %and3A = arith.constant 0 : i32
    %and3A_3 = arith.constant 3 : i32
    %and3A_4 = arith.andi %and3A, %and3A_3 : i32
    %get3A = arith.constant 0 : index
    %get3A_5 = tpu.vector_load %arg9[%get3A] {strides = array<i32>} : memref<512xi32, #tpu.memory_space<vmem>>, vector<16xi32>,
    %get3A_6 = arith.constant 0 : index
    %get3A_7 = tpu.vector_load %arg10[%get3A_6] {strides = array<i32>} : memref<512xi32, #tpu.memory_space<vmem>>, vector<16xi32>,
    %mul3A_8 = arith.constant 16 : i32
    %mul3A_9 = arith.muli %and3A_4, %mul3A_8 : i32
    %add3A_10 = arith.constant 0 : i32
    %add3A_11 = arith.addi %mul3A_9, %add3A_10 : i32
    %slice3A = vector.extract_strided_slice %get3A_5 {offsets = [0], sizes = [1], strides = [1]} : vector<16xi32> to vector<1xi32>
    %squeeze3A = vector.extract %slice3A[0] : i32 from vector<1xi32>
    %dma_start3A = arith.constant 0 : i32
    %dma_start3A_12 = tpu.memref_slice %arg12[%add3A_11, %dma_start3A] : memref<64x64xf32, #tpu.memory_space<vmem>> -> memref<1x64xf32, #tpu.memory_space<vmem>>
    %dma_start3A_13 = arith.constant 0 : i32
    %dma_start3A_14 = tpu.memref_slice %arg5[%squeeze3A, %dma_start3A_13] : memref<1000000x64xf32, #tpu.memory_space<hbm>> -> memref<1x64xf32, #tpu.memory_space<hbm>>
    %dma_start3A_15 = arith.constant 0 : i32
    %dma_start3A_16 = tpu.memref_slice %arg12[%add3A_11, %dma_start3A_15] : memref<64x64xf32, #tpu.memory_space<vmem>> -> memref<1x64xf32, #tpu.memory_space<vmem>>
    %dma_start3A_17 = arith.constant 0 : i32
    %dma_start3A_18 = tpu.memref_slice %arg5[%squeeze3A, %dma_start3A_17] : memref<1000000x64xf32, #tpu.memory_space<hbm>> -> memref<1x64xf32, #tpu.memory_space<hbm>>
    tpu.enqueue_dma source(%dma_start3A_18 : memref<1x64xf32, #tpu.memory_space<hbm>>) target(%dma_start3A_16 : memref<1x64xf32, #tpu.memory_space<vmem>>) target_semaphore(%arg16 : memref<!tpu.dma_semaphore, #tpu.memory_space<semaphore_mem>>)
    %slice3A_19 = vector.extract_strided_slice %get3A_7 {offsets = [0], sizes = [1], strides = [1]} : vector<16xi32> to vector<1xi32>
    %squeeze3A_20 = vector.extract %slice3A_19[0] : i32 from vector<1xi32>
    %dma_start3A_21 = arith.constant 0 : i32
    %dma_start3A_22 = tpu.memref_slice %arg13[%add3A_11, %dma_start3A_21] : memref<64x64xf32, #tpu.memory_space<vmem>> -> memref<1x64xf32, #tpu.memory_space<vmem>>
    %dma_start3A_23 = arith.constant 0 : i32
    %dma_start3A_24 = tpu.memref_slice %arg6[%squeeze3A_20, %dma_start3A_23] : memref<1000000x64xf32, #tpu.memory_space<hbm>> -> memref<1x64xf32, #tpu.memory_space<hbm>>
    %dma_start3A_25 = arith.constant 0 : i32
    %dma_start3A_26 = tpu.memref_slice %arg13[%add3A_11, %dma_start3A_25] : memref<64x64xf32, #tpu.memory_space<vmem>> -> memref<1x64xf32, #tpu.memory_space<vmem>>
    %dma_start3A_27 = arith.constant 0 : i32
    %dma_start3A_28 = tpu.memref_slice %arg6[%squeeze3A_20, %dma_start3A_27] : memref<1000000x64xf32, #tpu.memory_space<hbm>> -> memref<1x64xf32, #tpu.memory_space<hbm>>
    tpu.enqueue_dma source(%dma_start3A_28 : memref<1x64xf32, #tpu.memory_space<hbm>>) target(%dma_start3A_26 : memref<1x64xf32, #tpu.memory_space<vmem>>) target_semaphore(%arg16 : memref<!tpu.dma_semaphore, #tpu.memory_space<semaphore_mem>>)
    %mul3A_29 = arith.constant 16 : i32
    %mul3A_30 = arith.muli %and3A_4, %mul3A_29 : i32
    %add3A_31 = arith.constant 1 : i32
    %add3A_32 = arith.addi %mul3A_30, %add3A_31 : i32
    %slice3A_33 = vector.extract_strided_slice %get3A_5 {offsets = [1], sizes = [1], strides = [1]} : vector<16xi32> to vector<1xi32>
    %squeeze3A_34 = vector.extract %slice3A_33[0] : i32 from vector<1xi32>
    %dma_start3A_35 = arith.constant 0 : i32
    %dma_start3A_36 = tpu.memref_slice %arg12[%add3A_32, %dma_start3A_35] : memref<64x64xf32, #tpu.memory_space<vmem>> -> memref<1x64xf32, #tpu.memory_space<vmem>>
    %dma_start3A_37 = arith.constant 0 : i32
    %dma_start3A_38 = tpu.memref_slice %arg5[%squeeze3A_34, %dma_start3A_37] : memref<1000000x64xf32, #tpu.memory_space<hbm>> -> memref<1x64xf32, #tpu.memory_space<hbm>>
    %dma_start3A_39 = arith.constant 0 : i32
    %dma_start3A_40 = tpu.memref_slice %arg12[%add3A_32, %dma_start3A_39] : memref<64x64xf32, #tpu.memory_space<vmem>> -> memref<1x64xf32, #tpu.memory_space<vmem>>
    %dma_start3A_41 = arith.constant 0 : i32
    %dma_start3A_42 = tpu.memref_slice %arg5[%squeeze3A_34, %dma_start3A_41] : memref<1000000x64xf32, #tpu.memory_space<hbm>> -> memref<1x64xf32, #tpu.memory_space<hbm>>
    tpu.enqueue_dma source(%dma_start3A_42 : memref<1x64xf32, #tpu.memory_space<hbm>>) target(%dma_start3A_40 : memref<1x64xf32, #tpu.memory_space<vmem>>) target_semaphore(%arg16 : memref<!tpu.dma_semaphore, #tpu.memory_space<semaphore_mem>>)
    %slice3A_43 = vector.extract_strided_slice %get3A_7 {offsets = [1], sizes = [1], strides = [1]} : vector<16xi32> to vector<1xi32>
    %squeeze3A_44 = vector.extract %slice3A_43[0] : i32 from vector<1xi32>
    %dma_start3A_45 = arith.constant 0 : i32
    %dma_start3A_46 = tpu.memref_slice %arg13[%add3A_32, %dma_start3A_45] : memref<64x64xf32, #tpu.memory_space<vmem>> -> memref<1x64xf32, #tpu.memory_space<vmem>>
    %dma_start3A_47 = arith.constant 0 : i32
    %dma_start3A_48 = tpu.memref_slice %arg6[%squeeze3A_44, %dma_start3A_47] : memref<1000000x64xf32, #tpu.memory_space<hbm>> -> memref<1x64xf32, #tpu.memory_space<hbm>>
    %dma_start3A_49 = arith.constant 0 : i32
    %dma_start3A_50 = tpu.memref_slice %arg13[%add3A_32, %dma_start3A_49] : memref<64x64xf32, #tpu.memory_space<vmem>> -> memref<1x64xf32, #tpu.memory_space<vmem>>
    %dma_start3A_51 = arith.constant 0 : i32
    %dma_start3A_52 = tpu.memref_slice %arg6[%squeeze3A_44, %dma_start3A_51] : memref<1000000x64xf32, #tpu.memory_space<hbm>> -> memref<1x64xf32, #tpu.memory_space<hbm>>
    tpu.enqueue_dma source(%dma_start3A_52 : memref<1x64xf32, #tpu.memory_space<hbm>>) target(%dma_start3A_50 : memref<1x64xf32, #tpu.memory_space<vmem>>) target_semaphore(%arg16 : memref<!tpu.dma_semaphore, #tpu.memory_space<semaphore_mem>>)
    %mul3A_53 = arith.constant 16 : i32
    %mul3A_54 = arith.muli %and3A_4, %mul3A_53 : i32
    %add3A_55 = arith.constant 2 : i32
    %add3A_56 = arith.addi %mul3A_54, %add3A_55 : i32
    %slice3A_57 = vector.extract_strided_slice %get3A_5 {offsets = [2], sizes = [1], strides = [1]} : vector<16xi32> to vector<1xi32>
    %squeeze3A_58 = vector.extract %slice3A_57[0] : i32 from vector<1xi32>
    %dma_start3A_59 = arith.constant 0 : i32
    %dma_start3A_60 = tpu.memref_slice %arg12[%add3A_56, %dma_start3A_59] : memref<64x64xf32, #tpu.memory_space<vmem>> -> memref<1x64xf32, #tpu.memory_space<vmem>>
    %dma_start3A_61 = arith.constant 0 : i32
    %dma_start3A_62 = tpu.memref_slice %arg5[%squeeze3A_58, %dma_start3A_61] : memref<1000000x64xf32, #tpu.memory_space<hbm>> -> memref<1x64xf32, #tpu.memory_space<hbm>>
    %dma_start3A_63 = arith.constant 0 : i32
    %dma_start3A_64 = tpu.memref_slice %arg12[%add3A_56, %dma_start3A_63] : memref<64x64xf32, #tpu.memory_space<vmem>> -> memref<1x64xf32, #tpu.memory_space<vmem>>
    %dma_start3A_65 = arith.constant 0 : i32
    %dma_start3A_66 = tpu.memref_slice %arg5[%squeeze3A_58, %dma_start3A_65] : memref<1000000x64xf32, #tpu.memory_space<hbm>> -> memref<1x64xf32, #tpu.memory_space<hbm>>
    tpu.enqueue_dma source(%dma_start3A_66 : memref<1x64xf32, #tpu.memory_space<hbm>>) target(%dma_start3A_64 : memref<1x64xf32, #tpu.memory_space<vmem>>) target_semaphore(%arg16 : memref<!tpu.dma_semaphore, #tpu.memory_space<semaphore_mem>>)
    %slice3A_67 = vector.extract_strided_slice %get3A_7 {offsets = [2], sizes = [1], strides = [1]} : vector<16xi32> to vector<1xi32>
    %squeeze3A_68 = vector.extract %slice3A_67[0] : i32 from vector<1xi32>
    %dma_start3A_69 = arith.constant 0 : i32
    %dma_start3A_70 = tpu.memref_slice %arg13[%add3A_56, %dma_start3A_69] : memref<64x64xf32, #tpu.memory_space<vmem>> -> memref<1x64xf32, #tpu.memory_space<vmem>>
    %dma_start3A_71 = arith.constant 0 : i32
    %dma_start3A_72 = tpu.memref_slice %arg6[%squeeze3A_68, %dma_start3A_71] : memref<1000000x64xf32, #tpu.memory_space<hbm>> -> memref<1x64xf32, #tpu.memory_space<hbm>>
    %dma_start3A_73 = arith.constant 0 : i32
    %dma_start3A_74 = tpu.memref_slice %arg13[%add3A_56, %dma_start3A_73] : memref<64x64xf32, #tpu.memory_space<vmem>> -> memref<1x64xf32, #tpu.memory_space<vmem>>
    %dma_start3A_75 = arith.constant 0 : i32
    %dma_start3A_76 = tpu.memref_slice %arg6[%squeeze3A_68, %dma_start3A_75] : memref<1000000x64xf32, #tpu.memory_space<hbm>> -> memref<1x64xf32, #tpu.memory_space<hbm>>
    tpu.enqueue_dma source(%dma_start3A_76 : memref<1x64xf32, #tpu.memory_space<hbm>>) target(%dma_start3A_74 : memref<1x64xf32, #tpu.memory_space<vmem>>) target_semaphore(%arg16 : memref<!tpu.dma_semaphore, #tpu.memory_space<semaphore_mem>>)
    %mul3A_77 = arith.constant 16 : i32
    %mul3A_78 = arith.muli %and3A_4, %mul3A_77 : i32
    %add3A_79 = arith.constant 3 : i32
    %add3A_80 = arith.addi %mul3A_78, %add3A_79 : i32
    %slice3A_81 = vector.extract_strided_slice %get3A_5 {offsets = [3], sizes = [1], strides = [1]} : vector<16xi32> to vector<1xi32>
    %squeeze3A_82 = vector.extract %slice3A_81[0] : i32 from vector<1xi32>
    %dma_start3A_83 = arith.constant 0 : i32
    %dma_start3A_84 = tpu.memref_slice %arg12[%add3A_80, %dma_start3A_83] : memref<64x64xf32, #tpu.memory_space<vmem>> -> memref<1x64xf32, #tpu.memory_space<vmem>>
    %dma_start3A_85 = arith.constant 0 : i32
    %dma_start3A_86 = tpu.memref_slice %arg5[%squeeze3A_82, %dma_start3A_85] : memref<1000000x64xf32, #tpu.memory_space<hbm>> -> memref<1x64xf32, #tpu.memory_space<hbm>>
    %dma_start3A_87 = arith.constant 0 : i32
    %dma_start3A_88 = tpu.memref_slice %arg12[%add3A_80, %dma_start3A_87] : memref<64x64xf32, #tpu.memory_space<vmem>> -> memref<1x64xf32, #tpu.memory_space<vmem>>
    %dma_start3A_89 = arith.constant 0 : i32
    %dma_start3A_90 = tpu.memref_slice %arg5[%squeeze3A_82, %dma_start3A_89] : memref<1000000x64xf32, #tpu.memory_space<hbm>> -> memref<1x64xf32, #tpu.memory_space<hbm>>
    tpu.enqueue_dma source(%dma_start3A_90 : memref<1x64xf32, #tpu.memory_space<hbm>>) target(%dma_start3A_88 : memref<1x64xf32, #tpu.memory_space<vmem>>) target_semaphore(%arg16 : memref<!tpu.dma_semaphore, #tpu.memory_space<semaphore_mem>>)
    %slice3A_91 = vector.extract_strided_slice %get3A_7 {offsets = [3], sizes = [1], strides = [1]} : vector<16xi32> to vector<1xi32>
    %squeeze3A_92 = vector.extract %slice3A_91[0] : i32 from vector<1xi32>
    %dma_start3A_93 = arith.constant 0 : i32
    %dma_start3A_94 = tpu.memref_slice %arg13[%add3A_80, %dma_start3A_93] : memref<64x64xf32, #tpu.memory_space<vmem>> -> memref<1x64xf32, #tpu.memory_space<vmem>>
    %dma_start3A_95 = arith.constant 0 : i32
    %dma_start3A_96 = tpu.memref_slice %arg6[%squeeze3A_92, %dma_start3A_95] : memref<1000000x64xf32, #tpu.memory_space<hbm>> -> memref<1x64xf32, #tpu.memory_space<hbm>>
    %dma_start3A_97 = arith.constant 0 : i32
    %dma_start3A_98 = tpu.memref_slice %arg13[%add3A_80, %dma_start3A_97] : memref<64x64xf32, #tpu.memory_space<vmem>> -> memref<1x64xf32, #tpu.memory_space<vmem>>
    %dma_start3A_99 = arith.constant 0 : i32
    %dma_start3A_100 = tpu.memref_slice %arg6[%squeeze3A_92, %dma_start3A_99] : memref<1000000x64xf32, #tpu.memory_space<hbm>> -> memref<1x64xf32, #tpu.memory_space<hbm>>
    tpu.enqueue_dma source(%dma_start3A_100 : memref<1x64xf32, #tpu.memory_space<hbm>>) target(%dma_start3A_98 : memref<1x64xf32, #tpu.memory_space<vmem>>) target_semaphore(%arg16 : memref<!tpu.dma_semaphore, #tpu.memory_space<semaphore_mem>>)
    %mul3A_101 = arith.constant 16 : i32
    %mul3A_102 = arith.muli %and3A_4, %mul3A_101 : i32
    %add3A_103 = arith.constant 4 : i32
    %add3A_104 = arith.addi %mul3A_102, %add3A_103 : i32
    %slice3A_105 = vector.extract_strided_slice %get3A_5 {offsets = [4], sizes = [1], strides = [1]} : vector<16xi32> to vector<1xi32>
    %squeeze3A_106 = vector.extract %slice3A_105[0] : i32 from vector<1xi32>
    %dma_start3A_107 = arith.constant 0 : i32
    %dma_start3A_108 = tpu.memref_slice %arg12[%add3A_104, %dma_start3A_107] : memref<64x64xf32, #tpu.memory_space<vmem>> -> memref<1x64xf32, #tpu.memory_space<vmem>>
    %dma_start3A_109 = arith.constant 0 : i32
    %dma_start3A_110 = tpu.memref_slice %arg5[%squeeze3A_106, %dma_start3A_109] : memref<1000000x64xf32, #tpu.memory_space<hbm>> -> memref<1x64xf32, #tpu.memory_space<hbm>>
    %dma_start3A_111 = arith.constant 0 : i32
    %dma_start3A_112 = tpu.memref_slice %arg12[%add3A_104, %dma_start3A_111] : memref<64x64xf32, #tpu.memory_space<vmem>> -> memref<1x64xf32, #tpu.memory_space<vmem>>
    %dma_start3A_113 = arith.constant 0 : i32
    %dma_start3A_114 = tpu.memref_slice %arg5[%squeeze3A_106, %dma_start3A_113] : memref<1000000x64xf32, #tpu.memory_space<hbm>> -> memref<1x64xf32, #tpu.memory_space<hbm>>
    tpu.enqueue_dma source(%dma_start3A_114 : memref<1x64xf32, #tpu.memory_space<hbm>>) target(%dma_start3A_112 : memref<1x64xf32, #tpu.memory_space<vmem>>) target_semaphore(%arg16 : memref<!tpu.dma_semaphore, #tpu.memory_space<semaphore_mem>>)
    %slice3A_115 = vector.extract_strided_slice %get3A_7 {offsets = [4], sizes = [1], strides = [1]} : vector<16xi32> to vector<1xi32>
    %squeeze3A_116 = vector.extract %slice3A_115[0] : i32 from vector<1xi32>
    %dma_start3A_117 = arith.constant 0 : i32
    %dma_start3A_118 = tpu.memref_slice %arg13[%add3A_104, %dma_start3A_117] : memref<64x64xf32, #tpu.memory_space<vmem>> -> memref<1x64xf32, #tpu.memory_space<vmem>>
    %dma_start3A_119 = arith.constant 0 : i32
    %dma_start3A_120 = tpu.memref_slice %arg6[%squeeze3A_116, %dma_start3A_119] : memref<1000000x64xf32, #tpu.memory_space<hbm>> -> memref<1x64xf32, #tpu.memory_space<hbm>>
    %dma_start3A_121 = arith.constant 0 : i32
    %dma_start3A_122 = tpu.memref_slice %arg13[%add3A_104, %dma_start3A_121] : memref<64x64xf32, #tpu.memory_space<vmem>> -> memref<1x64xf32, #tpu.memory_space<vmem>>
    %dma_start3A_123 = arith.constant 0 : i32
    %dma_start3A_124 = tpu.memref_slice %arg6[%squeeze3A_116, %dma_start3A_123] : memref<1000000x64xf32, #tpu.memory_space<hbm>> -> memref<1x64xf32, #tpu.memory_space<hbm>>
    tpu.enqueue_dma source(%dma_start3A_124 : memref<1x64xf32, #tpu.memory_space<hbm>>) target(%dma_start3A_122 : memref<1x64xf32, #tpu.memory_space<vmem>>) target_semaphore(%arg16 : memref<!tpu.dma_semaphore, #tpu.memory_space<semaphore_mem>>)
    %mul3A_125 = arith.constant 16 : i32
    %mul3A_126 = arith.muli %and3A_4, %mul3A_125 : i32
    %add3A_127 = arith.constant 5 : i32
    %add3A_128 = arith.addi %mul3A_126, %add3A_127 : i32
    %slice3A_129 = vector.extract_strided_slice %get3A_5 {offsets = [5], sizes = [1], strides = [1]} : vector<16xi32> to vector<1xi32>
    %squeeze3A_130 = vector.extract %slice3A_129[0] : i32 from vector<1xi32>
    %dma_start3A_131 = arith.constant 0 : i32
    %dma_start3A_132 = tpu.memref_slice %arg12[%add3A_128, %dma_start3A_131] : memref<64x64xf32, #tpu.memory_space<vmem>> -> memref<1x64xf32, #tpu.memory_space<vmem>>
    %dma_start3A_133 = arith.constant 0 : i32
    %dma_start3A_134 = tpu.memref_slice %arg5[%squeeze3A_130, %dma_start3A_133] : memref<1000000x64xf32, #tpu.memory_space<hbm>> -> memref<1x64xf32, #tpu.memory_space<hbm>>
    %dma_start3A_135 = arith.constant 0 : i32
    %dma_start3A_136 = tpu.memref_slice %arg12[%add3A_128, %dma_start3A_135] : memref<64x64xf32, #tpu.memory_space<vmem>> -> memref<1x64xf32, #tpu.memory_space<vmem>>
    %dma_start3A_137 = arith.constant 0 : i32
    %dma_start3A_138 = tpu.memref_slice %arg5[%squeeze3A_130, %dma_start3A_137] : memref<1000000x64xf32, #tpu.memory_space<hbm>> -> memref<1x64xf32, #tpu.memory_space<hbm>>
    tpu.enqueue_dma source(%dma_start3A_138 : memref<1x64xf32, #tpu.memory_space<hbm>>) target(%dma_start3A_136 : memref<1x64xf32, #tpu.memory_space<vmem>>) target_semaphore(%arg16 : memref<!tpu.dma_semaphore, #tpu.memory_space<semaphore_mem>>)
    %slice3A_139 = vector.extract_strided_slice %get3A_7 {offsets = [5], sizes = [1], strides = [1]} : vector<16xi32> to vector<1xi32>
    %squeeze3A_140 = vector.extract %slice3A_139[0] : i32 from vector<1xi32>
    %dma_start3A_141 = arith.constant 0 : i32
    %dma_start3A_142 = tpu.memref_slice %arg13[%add3A_128, %dma_start3A_141] : memref<64x64xf32, #tpu.memory_space<vmem>> -> memref<1x64xf32, #tpu.memory_space<vmem>>
    %dma_start3A_143 = arith.constant 0 : i32
    %dma_start3A_144 = tpu.memref_slice %arg6[%squeeze3A_140, %dma_start3A_143] : memref<1000000x64xf32, #tpu.memory_space<hbm>> -> memref<1x64xf32, #tpu.memory_space<hbm>>
    %dma_start3A_145 = arith.constant 0 : i32
    %dma_start3A_146 = tpu.memref_slice %arg13[%add3A_128, %dma_start3A_145] : memref<64x64xf32, #tpu.memory_space<vmem>> -> memref<1x64xf32, #tpu.memory_space<vmem>>
    %dma_start3A_147 = arith.constant 0 : i32
    %dma_start3A_148 = tpu.memref_slice %arg6[%squeeze3A_140, %dma_start3A_147] : memref<1000000x64xf32, #tpu.memory_space<hbm>> -> memref<1x64xf32, #tpu.memory_space<hbm>>
    tpu.enqueue_dma source(%dma_start3A_148 : memref<1x64xf32, #tpu.memory_space<hbm>>) target(%dma_start3A_146 : memref<1x64xf32, #tpu.memory_space<vmem>>) target_semaphore(%arg16 : memref<!tpu.dma_semaphore, #tpu.memory_space<semaphore_mem>>)
    %mul3A_149 = arith.constant 16 : i32
    %mul3A_150 = arith.muli %and3A_4, %mul3A_149 : i32
    %add3A_151 = arith.constant 6 : i32
    %add3A_152 = arith.addi %mul3A_150, %add3A_151 : i32
    %slice3A_153 = vector.extract_strided_slice %get3A_5 {offsets = [6], sizes = [1], strides = [1]} : vector<16xi32> to vector<1xi32>
    %squeeze3A_154 = vector.extract %slice3A_153[0] : i32 from vector<1xi32>
    %dma_start3A_155 = arith.constant 0 : i32
    %dma_start3A_156 = tpu.memref_slice %arg12[%add3A_152, %dma_start3A_155] : memref<64x64xf32, #tpu.memory_space<vmem>> -> memref<1x64xf32, #tpu.memory_space<vmem>>
    %dma_start3A_157 = arith.constant 0 : i32
    %dma_start3A_158 = tpu.memref_slice %arg5[%squeeze3A_154, %dma_start3A_157] : memref<1000000x64xf32, #tpu.memory_space<hbm>> -> memref<1x64xf32, #tpu.memory_space<hbm>>
    %dma_start3A_159 = arith.constant 0 : i32
    %dma_start3A_160 = tpu.memref_slice %arg12[%add3A_152, %dma_start3A_159] : memref<64x64xf32, #tpu.memory_space<vmem>> -> memref<1x64xf32, #tpu.memory_space<vmem>>
    %dma_start3A_161 = arith.constant 0 : i32
    %dma_start3A_162 = tpu.memref_slice %arg5[%squeeze3A_154, %dma_start3A_161] : memref<1000000x64xf32, #tpu.memory_space<hbm>> -> memref<1x64xf32, #tpu.memory_space<hbm>>
    tpu.enqueue_dma source(%dma_start3A_162 : memref<1x64xf32, #tpu.memory_space<hbm>>) target(%dma_start3A_160 : memref<1x64xf32, #tpu.memory_space<vmem>>) target_semaphore(%arg16 : memref<!tpu.dma_semaphore, #tpu.memory_space<semaphore_mem>>)
    %slice3A_163 = vector.extract_strided_slice %get3A_7 {offsets = [6], sizes = [1], strides = [1]} : vector<16xi32> to vector<1xi32>
    %squeeze3A_164 = vector.extract %slice3A_163[0] : i32 from vector<1xi32>
    %dma_start3A_165 = arith.constant 0 : i32
    %dma_start3A_166 = tpu.memref_slice %arg13[%add3A_152, %dma_start3A_165] : memref<64x64xf32, #tpu.memory_space<vmem>> -> memref<1x64xf32, #tpu.memory_space<vmem>>
    %dma_start3A_167 = arith.constant 0 : i32
    %dma_start3A_168 = tpu.memref_slice %arg6[%squeeze3A_164, %dma_start3A_167] : memref<1000000x64xf32, #tpu.memory_space<hbm>> -> memref<1x64xf32, #tpu.memory_space<hbm>>
    %dma_start3A_169 = arith.constant 0 : i32
    %dma_start3A_170 = tpu.memref_slice %arg13[%add3A_152, %dma_start3A_169] : memref<64x64xf32, #tpu.memory_space<vmem>> -> memref<1x64xf32, #tpu.memory_space<vmem>>
    %dma_start3A_171 = arith.constant 0 : i32
    %dma_start3A_172 = tpu.memref_slice %arg6[%squeeze3A_164, %dma_start3A_171] : memref<1000000x64xf32, #tpu.memory_space<hbm>> -> memref<1x64xf32, #tpu.memory_space<hbm>>
    tpu.enqueue_dma source(%dma_start3A_172 : memref<1x64xf32, #tpu.memory_space<hbm>>) target(%dma_start3A_170 : memref<1x64xf32, #tpu.memory_space<vmem>>) target_semaphore(%arg16 : memref<!tpu.dma_semaphore, #tpu.memory_space<semaphore_mem>>)
    %mul3A_173 = arith.constant 16 : i32
    %mul3A_174 = arith.muli %and3A_4, %mul3A_173 : i32
    %add3A_175 = arith.constant 7 : i32
    %add3A_176 = arith.addi %mul3A_174, %add3A_175 : i32
    %slice3A_177 = vector.extract_strided_slice %get3A_5 {offsets = [7], sizes = [1], strides = [1]} : vector<16xi32> to vector<1xi32>
    %squeeze3A_178 = vector.extract %slice3A_177[0] : i32 from vector<1xi32>
    %dma_start3A_179 = arith.constant 0 : i32
    %dma_start3A_180 = tpu.memref_slice %arg12[%add3A_176, %dma_start3A_179] : memref<64x64xf32, #tpu.memory_space<vmem>> -> memref<1x64xf32, #tpu.memory_space<vmem>>
    %dma_start3A_181 = arith.constant 0 : i32
    %dma_start3A_182 = tpu.memref_slice %arg5[%squeeze3A_178, %dma_start3A_181] : memref<1000000x64xf32, #tpu.memory_space<hbm>> -> memref<1x64xf32, #tpu.memory_space<hbm>>
    %dma_start3A_183 = arith.constant 0 : i32
    %dma_start3A_184 = tpu.memref_slice %arg12[%add3A_176, %dma_start3A_183] : memref<64x64xf32, #tpu.memory_space<vmem>> -> memref<1x64xf32, #tpu.memory_space<vmem>>
    %dma_start3A_185 = arith.constant 0 : i32
    %dma_start3A_186 = tpu.memref_slice %arg5[%squeeze3A_178, %dma_start3A_185] : memref<1000000x64xf32, #tpu.memory_space<hbm>> -> memref<1x64xf32, #tpu.memory_space<hbm>>
    tpu.enqueue_dma source(%dma_start3A_186 : memref<1x64xf32, #tpu.memory_space<hbm>>) target(%dma_start3A_184 : memref<1x64xf32, #tpu.memory_space<vmem>>) target_semaphore(%arg16 : memref<!tpu.dma_semaphore, #tpu.memory_space<semaphore_mem>>)
    %slice3A_187 = vector.extract_strided_slice %get3A_7 {offsets = [7], sizes = [1], strides = [1]} : vector<16xi32> to vector<1xi32>
    %squeeze3A_188 = vector.extract %slice3A_187[0] : i32 from vector<1xi32>
    %dma_start3A_189 = arith.constant 0 : i32
    %dma_start3A_190 = tpu.memref_slice %arg13[%add3A_176, %dma_start3A_189] : memref<64x64xf32, #tpu.memory_space<vmem>> -> memref<1x64xf32, #tpu.memory_space<vmem>>
    %dma_start3A_191 = arith.constant 0 : i32
    %dma_start3A_192 = tpu.memref_slice %arg6[%squeeze3A_188, %dma_start3A_191] : memref<1000000x64xf32, #tpu.memory_space<hbm>> -> memref<1x64xf32, #tpu.memory_space<hbm>>
    %dma_start3A_193 = arith.constant 0 : i32
    %dma_start3A_194 = tpu.memref_slice %arg13[%add3A_176, %dma_start3A_193] : memref<64x64xf32, #tpu.memory_space<vmem>> -> memref<1x64xf32, #tpu.memory_space<vmem>>
    %dma_start3A_195 = arith.constant 0 : i32
    %dma_start3A_196 = tpu.memref_slice %arg6[%squeeze3A_188, %dma_start3A_195] : memref<1000000x64xf32, #tpu.memory_space<hbm>> -> memref<1x64xf32, #tpu.memory_space<hbm>>
    tpu.enqueue_dma source(%dma_start3A_196 : memref<1x64xf32, #tpu.memory_space<hbm>>) target(%dma_start3A_194 : memref<1x64xf32, #tpu.memory_space<vmem>>) target_semaphore(%arg16 : memref<!tpu.dma_semaphore, #tpu.memory_space<semaphore_mem>>)
    %mul3A_197 = arith.constant 16 : i32
    %mul3A_198 = arith.muli %and3A_4, %mul3A_197 : i32
    %add3A_199 = arith.constant 8 : i32
    %add3A_200 = arith.addi %mul3A_198, %add3A_199 : i32
    %slice3A_201 = vector.extract_strided_slice %get3A_5 {offsets = [8], sizes = [1], strides = [1]} : vector<16xi32> to vector<1xi32>
    %squeeze3A_202 = vector.extract %slice3A_201[0] : i32 from vector<1xi32>
    %dma_start3A_203 = arith.constant 0 : i32
    %dma_start3A_204 = tpu.memref_slice %arg12[%add3A_200, %dma_start3A_203] : memref<64x64xf32, #tpu.memory_space<vmem>> -> memref<1x64xf32, #tpu.memory_space<vmem>>
    %dma_start3A_205 = arith.constant 0 : i32
    %dma_start3A_206 = tpu.memref_slice %arg5[%squeeze3A_202, %dma_start3A_205] : memref<1000000x64xf32, #tpu.memory_space<hbm>> -> memref<1x64xf32, #tpu.memory_space<hbm>>
    %dma_start3A_207 = arith.constant 0 : i32
    %dma_start3A_208 = tpu.memref_slice %arg12[%add3A_200, %dma_start3A_207] : memref<64x64xf32, #tpu.memory_space<vmem>> -> memref<1x64xf32, #tpu.memory_space<vmem>>
    %dma_start3A_209 = arith.constant 0 : i32
    %dma_start3A_210 = tpu.memref_slice %arg5[%squeeze3A_202, %dma_start3A_209] : memref<1000000x64xf32, #tpu.memory_space<hbm>> -> memref<1x64xf32, #tpu.memory_space<hbm>>
    tpu.enqueue_dma source(%dma_start3A_210 : memref<1x64xf32, #tpu.memory_space<hbm>>) target(%dma_start3A_208 : memref<1x64xf32, #tpu.memory_space<vmem>>) target_semaphore(%arg16 : memref<!tpu.dma_semaphore, #tpu.memory_space<semaphore_mem>>)
    %slice3A_211 = vector.extract_strided_slice %get3A_7 {offsets = [8], sizes = [1], strides = [1]} : vector<16xi32> to vector<1xi32>
    %squeeze3A_212 = vector.extract %slice3A_211[0] : i32 from vector<1xi32>
    %dma_start3A_213 = arith.constant 0 : i32
    %dma_start3A_214 = tpu.memref_slice %arg13[%add3A_200, %dma_start3A_213] : memref<64x64xf32, #tpu.memory_space<vmem>> -> memref<1x64xf32, #tpu.memory_space<vmem>>
    %dma_start3A_215 = arith.constant 0 : i32
    %dma_start3A_216 = tpu.memref_slice %arg6[%squeeze3A_212, %dma_start3A_215] : memref<1000000x64xf32, #tpu.memory_space<hbm>> -> memref<1x64xf32, #tpu.memory_space<hbm>>
    %dma_start3A_217 = arith.constant 0 : i32
    %dma_start3A_218 = tpu.memref_slice %arg13[%add3A_200, %dma_start3A_217] : memref<64x64xf32, #tpu.memory_space<vmem>> -> memref<1x64xf32, #tpu.memory_space<vmem>>
    %dma_start3A_219 = arith.constant 0 : i32
    %dma_start3A_220 = tpu.memref_slice %arg6[%squeeze3A_212, %dma_start3A_219] : memref<1000000x64xf32, #tpu.memory_space<hbm>> -> memref<1x64xf32, #tpu.memory_space<hbm>>
    tpu.enqueue_dma source(%dma_start3A_220 : memref<1x64xf32, #tpu.memory_space<hbm>>) target(%dma_start3A_218 : memref<1x64xf32, #tpu.memory_space<vmem>>) target_semaphore(%arg16 : memref<!tpu.dma_semaphore, #tpu.memory_space<semaphore_mem>>)
    %mul3A_221 = arith.constant 16 : i32
    %mul3A_222 = arith.muli %and3A_4, %mul3A_221 : i32
    %add3A_223 = arith.constant 9 : i32
    %add3A_224 = arith.addi %mul3A_222, %add3A_223 : i32
    %slice3A_225 = vector.extract_strided_slice %get3A_5 {offsets = [9], sizes = [1], strides = [1]} : vector<16xi32> to vector<1xi32>
    %squeeze3A_226 = vector.extract %slice3A_225[0] : i32 from vector<1xi32>
    %dma_start3A_227 = arith.constant 0 : i32
    %dma_start3A_228 = tpu.memref_slice %arg12[%add3A_224, %dma_start3A_227] : memref<64x64xf32, #tpu.memory_space<vmem>> -> memref<1x64xf32, #tpu.memory_space<vmem>>
    %dma_start3A_229 = arith.constant 0 : i32
    %dma_start3A_230 = tpu.memref_slice %arg5[%squeeze3A_226, %dma_start3A_229] : memref<1000000x64xf32, #tpu.memory_space<hbm>> -> memref<1x64xf32, #tpu.memory_space<hbm>>
    %dma_start3A_231 = arith.constant 0 : i32
    %dma_start3A_232 = tpu.memref_slice %arg12[%add3A_224, %dma_start3A_231] : memref<64x64xf32, #tpu.memory_space<vmem>> -> memref<1x64xf32, #tpu.memory_space<vmem>>
    %dma_start3A_233 = arith.constant 0 : i32
    %dma_start3A_234 = tpu.memref_slice %arg5[%squeeze3A_226, %dma_start3A_233] : memref<1000000x64xf32, #tpu.memory_space<hbm>> -> memref<1x64xf32, #tpu.memory_space<hbm>>
    tpu.enqueue_dma source(%dma_start3A_234 : memref<1x64xf32, #tpu.memory_space<hbm>>) target(%dma_start3A_232 : memref<1x64xf32, #tpu.memory_space<vmem>>) target_semaphore(%arg16 : memref<!tpu.dma_semaphore, #tpu.memory_space<semaphore_mem>>)
    %slice3A_235 = vector.extract_strided_slice %get3A_7 {offsets = [9], sizes = [1], strides = [1]} : vector<16xi32> to vector<1xi32>
    %squeeze3A_236 = vector.extract %slice3A_235[0] : i32 from vector<1xi32>
    %dma_start3A_237 = arith.constant 0 : i32
    %dma_start3A_238 = tpu.memref_slice %arg13[%add3A_224, %dma_start3A_237] : memref<64x64xf32, #tpu.memory_space<vmem>> -> memref<1x64xf32, #tpu.memory_space<vmem>>
    %dma_start3A_239 = arith.constant 0 : i32
    %dma_start3A_240 = tpu.memref_slice %arg6[%squeeze3A_236, %dma_start3A_239] : memref<1000000x64xf32, #tpu.memory_space<hbm>> -> memref<1x64xf32, #tpu.memory_space<hbm>>
    %dma_start3A_241 = arith.constant 0 : i32
    %dma_start3A_242 = tpu.memref_slice %arg13[%add3A_224, %dma_start3A_241] : memref<64x64xf32, #tpu.memory_space<vmem>> -> memref<1x64xf32, #tpu.memory_space<vmem>>
    %dma_start3A_243 = arith.constant 0 : i32
    %dma_start3A_244 = tpu.memref_slice %arg6[%squeeze3A_236, %dma_start3A_243] : memref<1000000x64xf32, #tpu.memory_space<hbm>> -> memref<1x64xf32, #tpu.memory_space<hbm>>
    tpu.enqueue_dma source(%dma_start3A_244 : memref<1x64xf32, #tpu.memory_space<hbm>>) target(%dma_start3A_242 : memref<1x64xf32, #tpu.memory_space<vmem>>) target_semaphore(%arg16 : memref<!tpu.dma_semaphore, #tpu.memory_space<semaphore_mem>>)
    %mul3A_245 = arith.constant 16 : i32
    %mul3A_246 = arith.muli %and3A_4, %mul3A_245 : i32
    %add3A_247 = arith.constant 10 : i32
    %add3A_248 = arith.addi %mul3A_246, %add3A_247 : i32
    %slice3A_249 = vector.extract_strided_slice %get3A_5 {offsets = [10], sizes = [1], strides = [1]} : vector<16xi32> to vector<1xi32>
    %squeeze3A_250 = vector.extract %slice3A_249[0] : i32 from vector<1xi32>
    %dma_start3A_251 = arith.constant 0 : i32
    %dma_start3A_252 = tpu.memref_slice %arg12[%add3A_248, %dma_start3A_251] : memref<64x64xf32, #tpu.memory_space<vmem>> -> memref<1x64xf32, #tpu.memory_space<vmem>>
    %dma_start3A_253 = arith.constant 0 : i32
    %dma_start3A_254 = tpu.memref_slice %arg5[%squeeze3A_250, %dma_start3A_253] : memref<1000000x64xf32, #tpu.memory_space<hbm>> -> memref<1x64xf32, #tpu.memory_space<hbm>>
    %dma_start3A_255 = arith.constant 0 : i32
    %dma_start3A_256 = tpu.memref_slice %arg12[%add3A_248, %dma_start3A_255] : memref<64x64xf32, #tpu.memory_space<vmem>> -> memref<1x64xf32, #tpu.memory_space<vmem>>
    %dma_start3A_257 = arith.constant 0 : i32
    %dma_start3A_258 = tpu.memref_slice %arg5[%squeeze3A_250, %dma_start3A_257] : memref<1000000x64xf32, #tpu.memory_space<hbm>> -> memref<1x64xf32, #tpu.memory_space<hbm>>
    tpu.enqueue_dma source(%dma_start3A_258 : memref<1x64xf32, #tpu.memory_space<hbm>>) target(%dma_start3A_256 : memref<1x64xf32, #tpu.memory_space<vmem>>) target_semaphore(%arg16 : memref<!tpu.dma_semaphore, #tpu.memory_space<semaphore_mem>>)
    %slice3A_259 = vector.extract_strided_slice %get3A_7 {offsets = [10], sizes = [1], strides = [1]} : vector<16xi32> to vector<1xi32>
    %squeeze3A_260 = vector.extract %slice3A_259[0] : i32 from vector<1xi32>
    %dma_start3A_261 = arith.constant 0 : i32
    %dma_start3A_262 = tpu.memref_slice %arg13[%add3A_248, %dma_start3A_261] : memref<64x64xf32, #tpu.memory_space<vmem>> -> memref<1x64xf32, #tpu.memory_space<vmem>>
    %dma_start3A_263 = arith.constant 0 : i32
    %dma_start3A_264 = tpu.memref_slice %arg6[%squeeze3A_260, %dma_start3A_263] : memref<1000000x64xf32, #tpu.memory_space<hbm>> -> memref<1x64xf32, #tpu.memory_space<hbm>>
    %dma_start3A_265 = arith.constant 0 : i32
    %dma_start3A_266 = tpu.memref_slice %arg13[%add3A_248, %dma_start3A_265] : memref<64x64xf32, #tpu.memory_space<vmem>> -> memref<1x64xf32, #tpu.memory_space<vmem>>
    %dma_start3A_267 = arith.constant 0 : i32
    %dma_start3A_268 = tpu.memref_slice %arg6[%squeeze3A_260, %dma_start3A_267] : memref<1000000x64xf32, #tpu.memory_space<hbm>> -> memref<1x64xf32, #tpu.memory_space<hbm>>
    tpu.enqueue_dma source(%dma_start3A_268 : memref<1x64xf32, #tpu.memory_space<hbm>>) target(%dma_start3A_266 : memref<1x64xf32, #tpu.memory_space<vmem>>) target_semaphore(%arg16 : memref<!tpu.dma_semaphore, #tpu.memory_space<semaphore_mem>>)
    %mul3A_269 = arith.constant 16 : i32
    %mul3A_270 = arith.muli %and3A_4, %mul3A_269 : i32
    %add3A_271 = arith.constant 11 : i32
    %add3A_272 = arith.addi %mul3A_270, %add3A_271 : i32
    %slice3A_273 = vector.extract_strided_slice %get3A_5 {offsets = [11], sizes = [1], strides = [1]} : vector<16xi32> to vector<1xi32>
    %squeeze3A_274 = vector.extract %slice3A_273[0] : i32 from vector<1xi32>
    %dma_start3A_275 = arith.constant 0 : i32
    %dma_start3A_276 = tpu.memref_slice %arg12[%add3A_272, %dma_start3A_275] : memref<64x64xf32, #tpu.memory_space<vmem>> -> memref<1x64xf32, #tpu.memory_space<vmem>>
    %dma_start3A_277 = arith.constant 0 : i32
    %dma_start3A_278 = tpu.memref_slice %arg5[%squeeze3A_274, %dma_start3A_277] : memref<1000000x64xf32, #tpu.memory_space<hbm>> -> memref<1x64xf32, #tpu.memory_space<hbm>>
    %dma_start3A_279 = arith.constant 0 : i32
    %dma_start3A_280 = tpu.memref_slice %arg12[%add3A_272, %dma_start3A_279] : memref<64x64xf32, #tpu.memory_space<vmem>> -> memref<1x64xf32, #tpu.memory_space<vmem>>
    %dma_start3A_281 = arith.constant 0 : i32
    %dma_start3A_282 = tpu.memref_slice %arg5[%squeeze3A_274, %dma_start3A_281] : memref<1000000x64xf32, #tpu.memory_space<hbm>> -> memref<1x64xf32, #tpu.memory_space<hbm>>
    tpu.enqueue_dma source(%dma_start3A_282 : memref<1x64xf32, #tpu.memory_space<hbm>>) target(%dma_start3A_280 : memref<1x64xf32, #tpu.memory_space<vmem>>) target_semaphore(%arg16 : memref<!tpu.dma_semaphore, #tpu.memory_space<semaphore_mem>>)
    %slice3A_283 = vector.extract_strided_slice %get3A_7 {offsets = [11], sizes = [1], strides = [1]} : vector<16xi32> to vector<1xi32>
    %squeeze3A_284 = vector.extract %slice3A_283[0] : i32 from vector<1xi32>
    %dma_start3A_285 = arith.constant 0 : i32
    %dma_start3A_286 = tpu.memref_slice %arg13[%add3A_272, %dma_start3A_285] : memref<64x64xf32, #tpu.memory_space<vmem>> -> memref<1x64xf32, #tpu.memory_space<vmem>>
    %dma_start3A_287 = arith.constant 0 : i32
    %dma_start3A_288 = tpu.memref_slice %arg6[%squeeze3A_284, %dma_start3A_287] : memref<1000000x64xf32, #tpu.memory_space<hbm>> -> memref<1x64xf32, #tpu.memory_space<hbm>>
    %dma_start3A_289 = arith.constant 0 : i32
    %dma_start3A_290 = tpu.memref_slice %arg13[%add3A_272, %dma_start3A_289] : memref<64x64xf32, #tpu.memory_space<vmem>> -> memref<1x64xf32, #tpu.memory_space<vmem>>
    %dma_start3A_291 = arith.constant 0 : i32
    %dma_start3A_292 = tpu.memref_slice %arg6[%squeeze3A_284, %dma_start3A_291] : memref<1000000x64xf32, #tpu.memory_space<hbm>> -> memref<1x64xf32, #tpu.memory_space<hbm>>
    tpu.enqueue_dma source(%dma_start3A_292 : memref<1x64xf32, #tpu.memory_space<hbm>>) target(%dma_start3A_290 : memref<1x64xf32, #tpu.memory_space<vmem>>) target_semaphore(%arg16 : memref<!tpu.dma_semaphore, #tpu.memory_space<semaphore_mem>>)
    %mul3A_293 = arith.constant 16 : i32
    %mul3A_294 = arith.muli %and3A_4, %mul3A_293 : i32
    %add3A_295 = arith.constant 12 : i32
    %add3A_296 = arith.addi %mul3A_294, %add3A_295 : i32
    %slice3A_297 = vector.extract_strided_slice %get3A_5 {offsets = [12], sizes = [1], strides = [1]} : vector<16xi32> to vector<1xi32>
    %squeeze3A_298 = vector.extract %slice3A_297[0] : i32 from vector<1xi32>
    %dma_start3A_299 = arith.constant 0 : i32
    %dma_start3A_300 = tpu.memref_slice %arg12[%add3A_296, %dma_start3A_299] : memref<64x64xf32, #tpu.memory_space<vmem>> -> memref<1x64xf32, #tpu.memory_space<vmem>>
    %dma_start3A_301 = arith.constant 0 : i32
    %dma_start3A_302 = tpu.memref_slice %arg5[%squeeze3A_298, %dma_start3A_301] : memref<1000000x64xf32, #tpu.memory_space<hbm>> -> memref<1x64xf32, #tpu.memory_space<hbm>>
    %dma_start3A_303 = arith.constant 0 : i32
    %dma_start3A_304 = tpu.memref_slice %arg12[%add3A_296, %dma_start3A_303] : memref<64x64xf32, #tpu.memory_space<vmem>> -> memref<1x64xf32, #tpu.memory_space<vmem>>
    %dma_start3A_305 = arith.constant 0 : i32
    %dma_start3A_306 = tpu.memref_slice %arg5[%squeeze3A_298, %dma_start3A_305] : memref<1000000x64xf32, #tpu.memory_space<hbm>> -> memref<1x64xf32, #tpu.memory_space<hbm>>
    tpu.enqueue_dma source(%dma_start3A_306 : memref<1x64xf32, #tpu.memory_space<hbm>>) target(%dma_start3A_304 : memref<1x64xf32, #tpu.memory_space<vmem>>) target_semaphore(%arg16 : memref<!tpu.dma_semaphore, #tpu.memory_space<semaphore_mem>>)
    %slice3A_307 = vector.extract_strided_slice %get3A_7 {offsets = [12], sizes = [1], strides = [1]} : vector<16xi32> to vector<1xi32>
    %squeeze3A_308 = vector.extract %slice3A_307[0] : i32 from vector<1xi32>
    %dma_start3A_309 = arith.constant 0 : i32
    %dma_start3A_310 = tpu.memref_slice %arg13[%add3A_296, %dma_start3A_309] : memref<64x64xf32, #tpu.memory_space<vmem>> -> memref<1x64xf32, #tpu.memory_space<vmem>>
    %dma_start3A_311 = arith.constant 0 : i32
    %dma_start3A_312 = tpu.memref_slice %arg6[%squeeze3A_308, %dma_start3A_311] : memref<1000000x64xf32, #tpu.memory_space<hbm>> -> memref<1x64xf32, #tpu.memory_space<hbm>>
    %dma_start3A_313 = arith.constant 0 : i32
    %dma_start3A_314 = tpu.memref_slice %arg13[%add3A_296, %dma_start3A_313] : memref<64x64xf32, #tpu.memory_space<vmem>> -> memref<1x64xf32, #tpu.memory_space<vmem>>
    %dma_start3A_315 = arith.constant 0 : i32
    %dma_start3A_316 = tpu.memref_slice %arg6[%squeeze3A_308, %dma_start3A_315] : memref<1000000x64xf32, #tpu.memory_space<hbm>> -> memref<1x64xf32, #tpu.memory_space<hbm>>
    tpu.enqueue_dma source(%dma_start3A_316 : memref<1x64xf32, #tpu.memory_space<hbm>>) target(%dma_start3A_314 : memref<1x64xf32, #tpu.memory_space<vmem>>) target_semaphore(%arg16 : memref<!tpu.dma_semaphore, #tpu.memory_space<semaphore_mem>>)
    %mul3A_317 = arith.constant 16 : i32
    %mul3A_318 = arith.muli %and3A_4, %mul3A_317 : i32
    %add3A_319 = arith.constant 13 : i32
    %add3A_320 = arith.addi %mul3A_318, %add3A_319 : i32
    %slice3A_321 = vector.extract_strided_slice %get3A_5 {offsets = [13], sizes = [1], strides = [1]} : vector<16xi32> to vector<1xi32>
    %squeeze3A_322 = vector.extract %slice3A_321[0] : i32 from vector<1xi32>
    %dma_start3A_323 = arith.constant 0 : i32
    %dma_start3A_324 = tpu.memref_slice %arg12[%add3A_320, %dma_start3A_323] : memref<64x64xf32, #tpu.memory_space<vmem>> -> memref<1x64xf32, #tpu.memory_space<vmem>>
    %dma_start3A_325 = arith.constant 0 : i32
    %dma_start3A_326 = tpu.memref_slice %arg5[%squeeze3A_322, %dma_start3A_325] : memref<1000000x64xf32, #tpu.memory_space<hbm>> -> memref<1x64xf32, #tpu.memory_space<hbm>>
    %dma_start3A_327 = arith.constant 0 : i32
    %dma_start3A_328 = tpu.memref_slice %arg12[%add3A_320, %dma_start3A_327] : memref<64x64xf32, #tpu.memory_space<vmem>> -> memref<1x64xf32, #tpu.memory_space<vmem>>
    %dma_start3A_329 = arith.constant 0 : i32
    %dma_start3A_330 = tpu.memref_slice %arg5[%squeeze3A_322, %dma_start3A_329] : memref<1000000x64xf32, #tpu.memory_space<hbm>> -> memref<1x64xf32, #tpu.memory_space<hbm>>
    tpu.enqueue_dma source(%dma_start3A_330 : memref<1x64xf32, #tpu.memory_space<hbm>>) target(%dma_start3A_328 : memref<1x64xf32, #tpu.memory_space<vmem>>) target_semaphore(%arg16 : memref<!tpu.dma_semaphore, #tpu.memory_space<semaphore_mem>>)
    %slice3A_331 = vector.extract_strided_slice %get3A_7 {offsets = [13], sizes = [1], strides = [1]} : vector<16xi32> to vector<1xi32>
    %squeeze3A_332 = vector.extract %slice3A_331[0] : i32 from vector<1xi32>
    %dma_start3A_333 = arith.constant 0 : i32
    %dma_start3A_334 = tpu.memref_slice %arg13[%add3A_320, %dma_start3A_333] : memref<64x64xf32, #tpu.memory_space<vmem>> -> memref<1x64xf32, #tpu.memory_space<vmem>>
    %dma_start3A_335 = arith.constant 0 : i32
    %dma_start3A_336 = tpu.memref_slice %arg6[%squeeze3A_332, %dma_start3A_335] : memref<1000000x64xf32, #tpu.memory_space<hbm>> -> memref<1x64xf32, #tpu.memory_space<hbm>>
    %dma_start3A_337 = arith.constant 0 : i32
    %dma_start3A_338 = tpu.memref_slice %arg13[%add3A_320, %dma_start3A_337] : memref<64x64xf32, #tpu.memory_space<vmem>> -> memref<1x64xf32, #tpu.memory_space<vmem>>
    %dma_start3A_339 = arith.constant 0 : i32
    %dma_start3A_340 = tpu.memref_slice %arg6[%squeeze3A_332, %dma_start3A_339] : memref<1000000x64xf32, #tpu.memory_space<hbm>> -> memref<1x64xf32, #tpu.memory_space<hbm>>
    tpu.enqueue_dma source(%dma_start3A_340 : memref<1x64xf32, #tpu.memory_space<hbm>>) target(%dma_start3A_338 : memref<1x64xf32, #tpu.memory_space<vmem>>) target_semaphore(%arg16 : memref<!tpu.dma_semaphore, #tpu.memory_space<semaphore_mem>>)
    %mul3A_341 = arith.constant 16 : i32
    %mul3A_342 = arith.muli %and3A_4, %mul3A_341 : i32
    %add3A_343 = arith.constant 14 : i32
    %add3A_344 = arith.addi %mul3A_342, %add3A_343 : i32
    %slice3A_345 = vector.extract_strided_slice %get3A_5 {offsets = [14], sizes = [1], strides = [1]} : vector<16xi32> to vector<1xi32>
    %squeeze3A_346 = vector.extract %slice3A_345[0] : i32 from vector<1xi32>
    %dma_start3A_347 = arith.constant 0 : i32
    %dma_start3A_348 = tpu.memref_slice %arg12[%add3A_344, %dma_start3A_347] : memref<64x64xf32, #tpu.memory_space<vmem>> -> memref<1x64xf32, #tpu.memory_space<vmem>>
    %dma_start3A_349 = arith.constant 0 : i32
    %dma_start3A_350 = tpu.memref_slice %arg5[%squeeze3A_346, %dma_start3A_349] : memref<1000000x64xf32, #tpu.memory_space<hbm>> -> memref<1x64xf32, #tpu.memory_space<hbm>>
    %dma_start3A_351 = arith.constant 0 : i32
    %dma_start3A_352 = tpu.memref_slice %arg12[%add3A_344, %dma_start3A_351] : memref<64x64xf32, #tpu.memory_space<vmem>> -> memref<1x64xf32, #tpu.memory_space<vmem>>
    %dma_start3A_353 = arith.constant 0 : i32
    %dma_start3A_354 = tpu.memref_slice %arg5[%squeeze3A_346, %dma_start3A_353] : memref<1000000x64xf32, #tpu.memory_space<hbm>> -> memref<1x64xf32, #tpu.memory_space<hbm>>
    tpu.enqueue_dma source(%dma_start3A_354 : memref<1x64xf32, #tpu.memory_space<hbm>>) target(%dma_start3A_352 : memref<1x64xf32, #tpu.memory_space<vmem>>) target_semaphore(%arg16 : memref<!tpu.dma_semaphore, #tpu.memory_space<semaphore_mem>>)
    %slice3A_355 = vector.extract_strided_slice %get3A_7 {offsets = [14], sizes = [1], strides = [1]} : vector<16xi32> to vector<1xi32>
    %squeeze3A_356 = vector.extract %slice3A_355[0] : i32 from vector<1xi32>
    %dma_start3A_357 = arith.constant 0 : i32
    %dma_start3A_358 = tpu.memref_slice %arg13[%add3A_344, %dma_start3A_357] : memref<64x64xf32, #tpu.memory_space<vmem>> -> memref<1x64xf32, #tpu.memory_space<vmem>>
    %dma_start3A_359 = arith.constant 0 : i32
    %dma_start3A_360 = tpu.memref_slice %arg6[%squeeze3A_356, %dma_start3A_359] : memref<1000000x64xf32, #tpu.memory_space<hbm>> -> memref<1x64xf32, #tpu.memory_space<hbm>>
    %dma_start3A_361 = arith.constant 0 : i32
    %dma_start3A_362 = tpu.memref_slice %arg13[%add3A_344, %dma_start3A_361] : memref<64x64xf32, #tpu.memory_space<vmem>> -> memref<1x64xf32, #tpu.memory_space<vmem>>
    %dma_start3A_363 = arith.constant 0 : i32
    %dma_start3A_364 = tpu.memref_slice %arg6[%squeeze3A_356, %dma_start3A_363] : memref<1000000x64xf32, #tpu.memory_space<hbm>> -> memref<1x64xf32, #tpu.memory_space<hbm>>
    tpu.enqueue_dma source(%dma_start3A_364 : memref<1x64xf32, #tpu.memory_space<hbm>>) target(%dma_start3A_362 : memref<1x64xf32, #tpu.memory_space<vmem>>) target_semaphore(%arg16 : memref<!tpu.dma_semaphore, #tpu.memory_space<semaphore_mem>>)
    %mul3A_365 = arith.constant 16 : i32
    %mul3A_366 = arith.muli %and3A_4, %mul3A_365 : i32
    %add3A_367 = arith.constant 15 : i32
    %add3A_368 = arith.addi %mul3A_366, %add3A_367 : i32
    %slice3A_369 = vector.extract_strided_slice %get3A_5 {offsets = [15], sizes = [1], strides = [1]} : vector<16xi32> to vector<1xi32>
    %squeeze3A_370 = vector.extract %slice3A_369[0] : i32 from vector<1xi32>
    %dma_start3A_371 = arith.constant 0 : i32
    %dma_start3A_372 = tpu.memref_slice %arg12[%add3A_368, %dma_start3A_371] : memref<64x64xf32, #tpu.memory_space<vmem>> -> memref<1x64xf32, #tpu.memory_space<vmem>>
    %dma_start3A_373 = arith.constant 0 : i32
    %dma_start3A_374 = tpu.memref_slice %arg5[%squeeze3A_370, %dma_start3A_373] : memref<1000000x64xf32, #tpu.memory_space<hbm>> -> memref<1x64xf32, #tpu.memory_space<hbm>>
    %dma_start3A_375 = arith.constant 0 : i32
    %dma_start3A_376 = tpu.memref_slice %arg12[%add3A_368, %dma_start3A_375] : memref<64x64xf32, #tpu.memory_space<vmem>> -> memref<1x64xf32, #tpu.memory_space<vmem>>
    %dma_start3A_377 = arith.constant 0 : i32
    %dma_start3A_378 = tpu.memref_slice %arg5[%squeeze3A_370, %dma_start3A_377] : memref<1000000x64xf32, #tpu.memory_space<hbm>> -> memref<1x64xf32, #tpu.memory_space<hbm>>
    tpu.enqueue_dma source(%dma_start3A_378 : memref<1x64xf32, #tpu.memory_space<hbm>>) target(%dma_start3A_376 : memref<1x64xf32, #tpu.memory_space<vmem>>) target_semaphore(%arg16 : memref<!tpu.dma_semaphore, #tpu.memory_space<semaphore_mem>>)
    %slice3A_379 = vector.extract_strided_slice %get3A_7 {offsets = [15], sizes = [1], strides = [1]} : vector<16xi32> to vector<1xi32>
    %squeeze3A_380 = vector.extract %slice3A_379[0] : i32 from vector<1xi32>
    %dma_start3A_381 = arith.constant 0 : i32
    %dma_start3A_382 = tpu.memref_slice %arg13[%add3A_368, %dma_start3A_381] : memref<64x64xf32, #tpu.memory_space<vmem>> -> memref<1x64xf32, #tpu.memory_space<vmem>>
    %dma_start3A_383 = arith.constant 0 : i32
    %dma_start3A_384 = tpu.memref_slice %arg6[%squeeze3A_380, %dma_start3A_383] : memref<1000000x64xf32, #tpu.memory_space<hbm>> -> memref<1x64xf32, #tpu.memory_space<hbm>>
    %dma_start3A_385 = arith.constant 0 : i32
    %dma_start3A_386 = tpu.memref_slice %arg13[%add3A_368, %dma_start3A_385] : memref<64x64xf32, #tpu.memory_space<vmem>> -> memref<1x64xf32, #tpu.memory_space<vmem>>
    %dma_start3A_387 = arith.constant 0 : i32
    %dma_start3A_388 = tpu.memref_slice %arg6[%squeeze3A_380, %dma_start3A_387] : memref<1000000x64xf32, #tpu.memory_space<hbm>> -> memref<1x64xf32, #tpu.memory_space<hbm>>
    tpu.enqueue_dma source(%dma_start3A_388 : memref<1x64xf32, #tpu.memory_space<hbm>>) target(%dma_start3A_386 : memref<1x64xf32, #tpu.memory_space<vmem>>) target_semaphore(%arg16 : memref<!tpu.dma_semaphore, #tpu.memory_space<semaphore_mem>>)
    %scan3A = arith.constant 0 : i32
    %scan3A_389 = arith.constant 0 : i32
    %scan3A_390 = arith.constant 16 : i32
    %scan3A_391 = arith.addi %scan3A_389, %scan3A_390 : i32
    %scan3A_392 = arith.constant 1 : i32
    scf.for %scan3A_394 = %scan3A_389 to %scan3A_391 step %scan3A_392  : i32 {
      %mul3A_395 = arith.constant 2 : i32
      %mul3A_396 = arith.muli %scan3A_394, %mul3A_395 : i32
      %add3A_397 = arith.constant 1 : i32
      %add3A_398 = arith.addi %mul3A_396, %add3A_397 : i32
      %and3A_399 = arith.constant 3 : i32
      %and3A_400 = arith.andi %add3A_398, %and3A_399 : i32
      %mul3A_401 = arith.constant 16 : i32
      %mul3A_402 = arith.muli %add3A_398, %mul3A_401 : i32
      %get3A_403 = arith.index_cast %mul3A_402 : i32 to index
      %get3A_404 = tpu.vector_load %arg9[%get3A_403] {strides = array<i32>} : memref<512xi32, #tpu.memory_space<vmem>>, vector<16xi32>,
      %mul3A_405 = arith.constant 16 : i32
      %mul3A_406 = arith.muli %add3A_398, %mul3A_405 : i32
      %get3A_407 = arith.index_cast %mul3A_406 : i32 to index
      %get3A_408 = tpu.vector_load %arg10[%get3A_407] {strides = array<i32>} : memref<512xi32, #tpu.memory_space<vmem>>, vector<16xi32>,
      %mul3A_409 = arith.constant 16 : i32
      %mul3A_410 = arith.muli %and3A_400, %mul3A_409 : i32
      %add3A_411 = arith.constant 0 : i32
      %add3A_412 = arith.addi %mul3A_410, %add3A_411 : i32
      %slice3A_413 = vector.extract_strided_slice %get3A_404 {offsets = [0], sizes = [1], strides = [1]} : vector<16xi32> to vector<1xi32>
      %squeeze3A_414 = vector.extract %slice3A_413[0] : i32 from vector<1xi32>
      %dma_start3A_415 = arith.constant 0 : i32
      %dma_start3A_416 = tpu.memref_slice %arg12[%add3A_412, %dma_start3A_415] : memref<64x64xf32, #tpu.memory_space<vmem>> -> memref<1x64xf32, #tpu.memory_space<vmem>>
      %dma_start3A_417 = arith.constant 0 : i32
      %dma_start3A_418 = tpu.memref_slice %arg5[%squeeze3A_414, %dma_start3A_417] : memref<1000000x64xf32, #tpu.memory_space<hbm>> -> memref<1x64xf32, #tpu.memory_space<hbm>>
      %dma_start3A_419 = arith.constant 0 : i32
      %dma_start3A_420 = tpu.memref_slice %arg12[%add3A_412, %dma_start3A_419] : memref<64x64xf32, #tpu.memory_space<vmem>> -> memref<1x64xf32, #tpu.memory_space<vmem>>
      %dma_start3A_421 = arith.constant 0 : i32
      %dma_start3A_422 = tpu.memref_slice %arg5[%squeeze3A_414, %dma_start3A_421] : memref<1000000x64xf32, #tpu.memory_space<hbm>> -> memref<1x64xf32, #tpu.memory_space<hbm>>
      tpu.enqueue_dma source(%dma_start3A_422 : memref<1x64xf32, #tpu.memory_space<hbm>>) target(%dma_start3A_420 : memref<1x64xf32, #tpu.memory_space<vmem>>) target_semaphore(%arg17 : memref<!tpu.dma_semaphore, #tpu.memory_space<semaphore_mem>>)
      %slice3A_423 = vector.extract_strided_slice %get3A_408 {offsets = [0], sizes = [1], strides = [1]} : vector<16xi32> to vector<1xi32>
      %squeeze3A_424 = vector.extract %slice3A_423[0] : i32 from vector<1xi32>
      %dma_start3A_425 = arith.constant 0 : i32
      %dma_start3A_426 = tpu.memref_slice %arg13[%add3A_412, %dma_start3A_425] : memref<64x64xf32, #tpu.memory_space<vmem>> -> memref<1x64xf32, #tpu.memory_space<vmem>>
      %dma_start3A_427 = arith.constant 0 : i32
      %dma_start3A_428 = tpu.memref_slice %arg6[%squeeze3A_424, %dma_start3A_427] : memref<1000000x64xf32, #tpu.memory_space<hbm>> -> memref<1x64xf32, #tpu.memory_space<hbm>>
      %dma_start3A_429 = arith.constant 0 : i32
      %dma_start3A_430 = tpu.memref_slice %arg13[%add3A_412, %dma_start3A_429] : memref<64x64xf32, #tpu.memory_space<vmem>> -> memref<1x64xf32, #tpu.memory_space<vmem>>
      %dma_start3A_431 = arith.constant 0 : i32
      %dma_start3A_432 = tpu.memref_slice %arg6[%squeeze3A_424, %dma_start3A_431] : memref<1000000x64xf32, #tpu.memory_space<hbm>> -> memref<1x64xf32, #tpu.memory_space<hbm>>
      tpu.enqueue_dma source(%dma_start3A_432 : memref<1x64xf32, #tpu.memory_space<hbm>>) target(%dma_start3A_430 : memref<1x64xf32, #tpu.memory_space<vmem>>) target_semaphore(%arg17 : memref<!tpu.dma_semaphore, #tpu.memory_space<semaphore_mem>>)
      %mul3A_433 = arith.constant 16 : i32
      %mul3A_434 = arith.muli %and3A_400, %mul3A_433 : i32
      %add3A_435 = arith.constant 1 : i32
      %add3A_436 = arith.addi %mul3A_434, %add3A_435 : i32
      %slice3A_437 = vector.extract_strided_slice %get3A_404 {offsets = [1], sizes = [1], strides = [1]} : vector<16xi32> to vector<1xi32>
      %squeeze3A_438 = vector.extract %slice3A_437[0] : i32 from vector<1xi32>
      %dma_start3A_439 = arith.constant 0 : i32
      %dma_start3A_440 = tpu.memref_slice %arg12[%add3A_436, %dma_start3A_439] : memref<64x64xf32, #tpu.memory_space<vmem>> -> memref<1x64xf32, #tpu.memory_space<vmem>>
      %dma_start3A_441 = arith.constant 0 : i32
      %dma_start3A_442 = tpu.memref_slice %arg5[%squeeze3A_438, %dma_start3A_441] : memref<1000000x64xf32, #tpu.memory_space<hbm>> -> memref<1x64xf32, #tpu.memory_space<hbm>>
      %dma_start3A_443 = arith.constant 0 : i32
      %dma_start3A_444 = tpu.memref_slice %arg12[%add3A_436, %dma_start3A_443] : memref<64x64xf32, #tpu.memory_space<vmem>> -> memref<1x64xf32, #tpu.memory_space<vmem>>
      %dma_start3A_445 = arith.constant 0 : i32
      %dma_start3A_446 = tpu.memref_slice %arg5[%squeeze3A_438, %dma_start3A_445] : memref<1000000x64xf32, #tpu.memory_space<hbm>> -> memref<1x64xf32, #tpu.memory_space<hbm>>
      tpu.enqueue_dma source(%dma_start3A_446 : memref<1x64xf32, #tpu.memory_space<hbm>>) target(%dma_start3A_444 : memref<1x64xf32, #tpu.memory_space<vmem>>) target_semaphore(%arg17 : memref<!tpu.dma_semaphore, #tpu.memory_space<semaphore_mem>>)
      %slice3A_447 = vector.extract_strided_slice %get3A_408 {offsets = [1], sizes = [1], strides = [1]} : vector<16xi32> to vector<1xi32>
      %squeeze3A_448 = vector.extract %slice3A_447[0] : i32 from vector<1xi32>
      %dma_start3A_449 = arith.constant 0 : i32
      %dma_start3A_450 = tpu.memref_slice %arg13[%add3A_436, %dma_start3A_449] : memref<64x64xf32, #tpu.memory_space<vmem>> -> memref<1x64xf32, #tpu.memory_space<vmem>>
      %dma_start3A_451 = arith.constant 0 : i32
      %dma_start3A_452 = tpu.memref_slice %arg6[%squeeze3A_448, %dma_start3A_451] : memref<1000000x64xf32, #tpu.memory_space<hbm>> -> memref<1x64xf32, #tpu.memory_space<hbm>>
      %dma_start3A_453 = arith.constant 0 : i32
      %dma_start3A_454 = tpu.memref_slice %arg13[%add3A_436, %dma_start3A_453] : memref<64x64xf32, #tpu.memory_space<vmem>> -> memref<1x64xf32, #tpu.memory_space<vmem>>
      %dma_start3A_455 = arith.constant 0 : i32
      %dma_start3A_456 = tpu.memref_slice %arg6[%squeeze3A_448, %dma_start3A_455] : memref<1000000x64xf32, #tpu.memory_space<hbm>> -> memref<1x64xf32, #tpu.memory_space<hbm>>
      tpu.enqueue_dma source(%dma_start3A_456 : memref<1x64xf32, #tpu.memory_space<hbm>>) target(%dma_start3A_454 : memref<1x64xf32, #tpu.memory_space<vmem>>) target_semaphore(%arg17 : memref<!tpu.dma_semaphore, #tpu.memory_space<semaphore_mem>>)
      %mul3A_457 = arith.constant 16 : i32
      %mul3A_458 = arith.muli %and3A_400, %mul3A_457 : i32
      %add3A_459 = arith.constant 2 : i32
      %add3A_460 = arith.addi %mul3A_458, %add3A_459 : i32
      %slice3A_461 = vector.extract_strided_slice %get3A_404 {offsets = [2], sizes = [1], strides = [1]} : vector<16xi32> to vector<1xi32>
      %squeeze3A_462 = vector.extract %slice3A_461[0] : i32 from vector<1xi32>
      %dma_start3A_463 = arith.constant 0 : i32
      %dma_start3A_464 = tpu.memref_slice %arg12[%add3A_460, %dma_start3A_463] : memref<64x64xf32, #tpu.memory_space<vmem>> -> memref<1x64xf32, #tpu.memory_space<vmem>>
      %dma_start3A_465 = arith.constant 0 : i32
      %dma_start3A_466 = tpu.memref_slice %arg5[%squeeze3A_462, %dma_start3A_465] : memref<1000000x64xf32, #tpu.memory_space<hbm>> -> memref<1x64xf32, #tpu.memory_space<hbm>>
      %dma_start3A_467 = arith.constant 0 : i32
      %dma_start3A_468 = tpu.memref_slice %arg12[%add3A_460, %dma_start3A_467] : memref<64x64xf32, #tpu.memory_space<vmem>> -> memref<1x64xf32, #tpu.memory_space<vmem>>
      %dma_start3A_469 = arith.constant 0 : i32
      %dma_start3A_470 = tpu.memref_slice %arg5[%squeeze3A_462, %dma_start3A_469] : memref<1000000x64xf32, #tpu.memory_space<hbm>> -> memref<1x64xf32, #tpu.memory_space<hbm>>
      tpu.enqueue_dma source(%dma_start3A_470 : memref<1x64xf32, #tpu.memory_space<hbm>>) target(%dma_start3A_468 : memref<1x64xf32, #tpu.memory_space<vmem>>) target_semaphore(%arg17 : memref<!tpu.dma_semaphore, #tpu.memory_space<semaphore_mem>>)
      %slice3A_471 = vector.extract_strided_slice %get3A_408 {offsets = [2], sizes = [1], strides = [1]} : vector<16xi32> to vector<1xi32>
      %squeeze3A_472 = vector.extract %slice3A_471[0] : i32 from vector<1xi32>
      %dma_start3A_473 = arith.constant 0 : i32
      %dma_start3A_474 = tpu.memref_slice %arg13[%add3A_460, %dma_start3A_473] : memref<64x64xf32, #tpu.memory_space<vmem>> -> memref<1x64xf32, #tpu.memory_space<vmem>>
      %dma_start3A_475 = arith.constant 0 : i32
      %dma_start3A_476 = tpu.memref_slice %arg6[%squeeze3A_472, %dma_start3A_475] : memref<1000000x64xf32, #tpu.memory_space<hbm>> -> memref<1x64xf32, #tpu.memory_space<hbm>>
      %dma_start3A_477 = arith.constant 0 : i32
      %dma_start3A_478 = tpu.memref_slice %arg13[%add3A_460, %dma_start3A_477] : memref<64x64xf32, #tpu.memory_space<vmem>> -> memref<1x64xf32, #tpu.memory_space<vmem>>
      %dma_start3A_479 = arith.constant 0 : i32
      %dma_start3A_480 = tpu.memref_slice %arg6[%squeeze3A_472, %dma_start3A_479] : memref<1000000x64xf32, #tpu.memory_space<hbm>> -> memref<1x64xf32, #tpu.memory_space<hbm>>
      tpu.enqueue_dma source(%dma_start3A_480 : memref<1x64xf32, #tpu.memory_space<hbm>>) target(%dma_start3A_478 : memref<1x64xf32, #tpu.memory_space<vmem>>) target_semaphore(%arg17 : memref<!tpu.dma_semaphore, #tpu.memory_space<semaphore_mem>>)
      %mul3A_481 = arith.constant 16 : i32
      %mul3A_482 = arith.muli %and3A_400, %mul3A_481 : i32
      %add3A_483 = arith.constant 3 : i32
      %add3A_484 = arith.addi %mul3A_482, %add3A_483 : i32
      %slice3A_485 = vector.extract_strided_slice %get3A_404 {offsets = [3], sizes = [1], strides = [1]} : vector<16xi32> to vector<1xi32>
      %squeeze3A_486 = vector.extract %slice3A_485[0] : i32 from vector<1xi32>
      %dma_start3A_487 = arith.constant 0 : i32
      %dma_start3A_488 = tpu.memref_slice %arg12[%add3A_484, %dma_start3A_487] : memref<64x64xf32, #tpu.memory_space<vmem>> -> memref<1x64xf32, #tpu.memory_space<vmem>>
      %dma_start3A_489 = arith.constant 0 : i32
      %dma_start3A_490 = tpu.memref_slice %arg5[%squeeze3A_486, %dma_start3A_489] : memref<1000000x64xf32, #tpu.memory_space<hbm>> -> memref<1x64xf32, #tpu.memory_space<hbm>>
      %dma_start3A_491 = arith.constant 0 : i32
      %dma_start3A_492 = tpu.memref_slice %arg12[%add3A_484, %dma_start3A_491] : memref<64x64xf32, #tpu.memory_space<vmem>> -> memref<1x64xf32, #tpu.memory_space<vmem>>
      %dma_start3A_493 = arith.constant 0 : i32
      %dma_start3A_494 = tpu.memref_slice %arg5[%squeeze3A_486, %dma_start3A_493] : memref<1000000x64xf32, #tpu.memory_space<hbm>> -> memref<1x64xf32, #tpu.memory_space<hbm>>
      tpu.enqueue_dma source(%dma_start3A_494 : memref<1x64xf32, #tpu.memory_space<hbm>>) target(%dma_start3A_492 : memref<1x64xf32, #tpu.memory_space<vmem>>) target_semaphore(%arg17 : memref<!tpu.dma_semaphore, #tpu.memory_space<semaphore_mem>>)
      %slice3A_495 = vector.extract_strided_slice %get3A_408 {offsets = [3], sizes = [1], strides = [1]} : vector<16xi32> to vector<1xi32>
      %squeeze3A_496 = vector.extract %slice3A_495[0] : i32 from vector<1xi32>
      %dma_start3A_497 = arith.constant 0 : i32
      %dma_start3A_498 = tpu.memref_slice %arg13[%add3A_484, %dma_start3A_497] : memref<64x64xf32, #tpu.memory_space<vmem>> -> memref<1x64xf32, #tpu.memory_space<vmem>>
      %dma_start3A_499 = arith.constant 0 : i32
      %dma_start3A_500 = tpu.memref_slice %arg6[%squeeze3A_496, %dma_start3A_499] : memref<1000000x64xf32, #tpu.memory_space<hbm>> -> memref<1x64xf32, #tpu.memory_space<hbm>>
      %dma_start3A_501 = arith.constant 0 : i32
      %dma_start3A_502 = tpu.memref_slice %arg13[%add3A_484, %dma_start3A_501] : memref<64x64xf32, #tpu.memory_space<vmem>> -> memref<1x64xf32, #tpu.memory_space<vmem>>
      %dma_start3A_503 = arith.constant 0 : i32
      %dma_start3A_504 = tpu.memref_slice %arg6[%squeeze3A_496, %dma_start3A_503] : memref<1000000x64xf32, #tpu.memory_space<hbm>> -> memref<1x64xf32, #tpu.memory_space<hbm>>
      tpu.enqueue_dma source(%dma_start3A_504 : memref<1x64xf32, #tpu.memory_space<hbm>>) target(%dma_start3A_502 : memref<1x64xf32, #tpu.memory_space<vmem>>) target_semaphore(%arg17 : memref<!tpu.dma_semaphore, #tpu.memory_space<semaphore_mem>>)
      %mul3A_505 = arith.constant 16 : i32
      %mul3A_506 = arith.muli %and3A_400, %mul3A_505 : i32
      %add3A_507 = arith.constant 4 : i32
      %add3A_508 = arith.addi %mul3A_506, %add3A_507 : i32
      %slice3A_509 = vector.extract_strided_slice %get3A_404 {offsets = [4], sizes = [1], strides = [1]} : vector<16xi32> to vector<1xi32>
      %squeeze3A_510 = vector.extract %slice3A_509[0] : i32 from vector<1xi32>
      %dma_start3A_511 = arith.constant 0 : i32
      %dma_start3A_512 = tpu.memref_slice %arg12[%add3A_508, %dma_start3A_511] : memref<64x64xf32, #tpu.memory_space<vmem>> -> memref<1x64xf32, #tpu.memory_space<vmem>>
      %dma_start3A_513 = arith.constant 0 : i32
      %dma_start3A_514 = tpu.memref_slice %arg5[%squeeze3A_510, %dma_start3A_513] : memref<1000000x64xf32, #tpu.memory_space<hbm>> -> memref<1x64xf32, #tpu.memory_space<hbm>>
      %dma_start3A_515 = arith.constant 0 : i32
      %dma_start3A_516 = tpu.memref_slice %arg12[%add3A_508, %dma_start3A_515] : memref<64x64xf32, #tpu.memory_space<vmem>> -> memref<1x64xf32, #tpu.memory_space<vmem>>
      %dma_start3A_517 = arith.constant 0 : i32
      %dma_start3A_518 = tpu.memref_slice %arg5[%squeeze3A_510, %dma_start3A_517] : memref<1000000x64xf32, #tpu.memory_space<hbm>> -> memref<1x64xf32, #tpu.memory_space<hbm>>
      tpu.enqueue_dma source(%dma_start3A_518 : memref<1x64xf32, #tpu.memory_space<hbm>>) target(%dma_start3A_516 : memref<1x64xf32, #tpu.memory_space<vmem>>) target_semaphore(%arg17 : memref<!tpu.dma_semaphore, #tpu.memory_space<semaphore_mem>>)
      %slice3A_519 = vector.extract_strided_slice %get3A_408 {offsets = [4], sizes = [1], strides = [1]} : vector<16xi32> to vector<1xi32>
      %squeeze3A_520 = vector.extract %slice3A_519[0] : i32 from vector<1xi32>
      %dma_start3A_521 = arith.constant 0 : i32
      %dma_start3A_522 = tpu.memref_slice %arg13[%add3A_508, %dma_start3A_521] : memref<64x64xf32, #tpu.memory_space<vmem>> -> memref<1x64xf32, #tpu.memory_space<vmem>>
      %dma_start3A_523 = arith.constant 0 : i32
      %dma_start3A_524 = tpu.memref_slice %arg6[%squeeze3A_520, %dma_start3A_523] : memref<1000000x64xf32, #tpu.memory_space<hbm>> -> memref<1x64xf32, #tpu.memory_space<hbm>>
      %dma_start3A_525 = arith.constant 0 : i32
      %dma_start3A_526 = tpu.memref_slice %arg13[%add3A_508, %dma_start3A_525] : memref<64x64xf32, #tpu.memory_space<vmem>> -> memref<1x64xf32, #tpu.memory_space<vmem>>
      %dma_start3A_527 = arith.constant 0 : i32
      %dma_start3A_528 = tpu.memref_slice %arg6[%squeeze3A_520, %dma_start3A_527] : memref<1000000x64xf32, #tpu.memory_space<hbm>> -> memref<1x64xf32, #tpu.memory_space<hbm>>
      tpu.enqueue_dma source(%dma_start3A_528 : memref<1x64xf32, #tpu.memory_space<hbm>>) target(%dma_start3A_526 : memref<1x64xf32, #tpu.memory_space<vmem>>) target_semaphore(%arg17 : memref<!tpu.dma_semaphore, #tpu.memory_space<semaphore_mem>>)
      %mul3A_529 = arith.constant 16 : i32
      %mul3A_530 = arith.muli %and3A_400, %mul3A_529 : i32
      %add3A_531 = arith.constant 5 : i32
      %add3A_532 = arith.addi %mul3A_530, %add3A_531 : i32
      %slice3A_533 = vector.extract_strided_slice %get3A_404 {offsets = [5], sizes = [1], strides = [1]} : vector<16xi32> to vector<1xi32>
      %squeeze3A_534 = vector.extract %slice3A_533[0] : i32 from vector<1xi32>
      %dma_start3A_535 = arith.constant 0 : i32
      %dma_start3A_536 = tpu.memref_slice %arg12[%add3A_532, %dma_start3A_535] : memref<64x64xf32, #tpu.memory_space<vmem>> -> memref<1x64xf32, #tpu.memory_space<vmem>>
      %dma_start3A_537 = arith.constant 0 : i32
      %dma_start3A_538 = tpu.memref_slice %arg5[%squeeze3A_534, %dma_start3A_537] : memref<1000000x64xf32, #tpu.memory_space<hbm>> -> memref<1x64xf32, #tpu.memory_space<hbm>>
      %dma_start3A_539 = arith.constant 0 : i32
      %dma_start3A_540 = tpu.memref_slice %arg12[%add3A_532, %dma_start3A_539] : memref<64x64xf32, #tpu.memory_space<vmem>> -> memref<1x64xf32, #tpu.memory_space<vmem>>
      %dma_start3A_541 = arith.constant 0 : i32
      %dma_start3A_542 = tpu.memref_slice %arg5[%squeeze3A_534, %dma_start3A_541] : memref<1000000x64xf32, #tpu.memory_space<hbm>> -> memref<1x64xf32, #tpu.memory_space<hbm>>
      tpu.enqueue_dma source(%dma_start3A_542 : memref<1x64xf32, #tpu.memory_space<hbm>>) target(%dma_start3A_540 : memref<1x64xf32, #tpu.memory_space<vmem>>) target_semaphore(%arg17 : memref<!tpu.dma_semaphore, #tpu.memory_space<semaphore_mem>>)
      %slice3A_543 = vector.extract_strided_slice %get3A_408 {offsets = [5], sizes = [1], strides = [1]} : vector<16xi32> to vector<1xi32>
      %squeeze3A_544 = vector.extract %slice3A_543[0] : i32 from vector<1xi32>
      %dma_start3A_545 = arith.constant 0 : i32
      %dma_start3A_546 = tpu.memref_slice %arg13[%add3A_532, %dma_start3A_545] : memref<64x64xf32, #tpu.memory_space<vmem>> -> memref<1x64xf32, #tpu.memory_space<vmem>>
      %dma_start3A_547 = arith.constant 0 : i32
      %dma_start3A_548 = tpu.memref_slice %arg6[%squeeze3A_544, %dma_start3A_547] : memref<1000000x64xf32, #tpu.memory_space<hbm>> -> memref<1x64xf32, #tpu.memory_space<hbm>>
      %dma_start3A_549 = arith.constant 0 : i32
      %dma_start3A_550 = tpu.memref_slice %arg13[%add3A_532, %dma_start3A_549] : memref<64x64xf32, #tpu.memory_space<vmem>> -> memref<1x64xf32, #tpu.memory_space<vmem>>
      %dma_start3A_551 = arith.constant 0 : i32
      %dma_start3A_552 = tpu.memref_slice %arg6[%squeeze3A_544, %dma_start3A_551] : memref<1000000x64xf32, #tpu.memory_space<hbm>> -> memref<1x64xf32, #tpu.memory_space<hbm>>
      tpu.enqueue_dma source(%dma_start3A_552 : memref<1x64xf32, #tpu.memory_space<hbm>>) target(%dma_start3A_550 : memref<1x64xf32, #tpu.memory_space<vmem>>) target_semaphore(%arg17 : memref<!tpu.dma_semaphore, #tpu.memory_space<semaphore_mem>>)
      %mul3A_553 = arith.constant 16 : i32
      %mul3A_554 = arith.muli %and3A_400, %mul3A_553 : i32
      %add3A_555 = arith.constant 6 : i32
      %add3A_556 = arith.addi %mul3A_554, %add3A_555 : i32
      %slice3A_557 = vector.extract_strided_slice %get3A_404 {offsets = [6], sizes = [1], strides = [1]} : vector<16xi32> to vector<1xi32>
      %squeeze3A_558 = vector.extract %slice3A_557[0] : i32 from vector<1xi32>
      %dma_start3A_559 = arith.constant 0 : i32
      %dma_start3A_560 = tpu.memref_slice %arg12[%add3A_556, %dma_start3A_559] : memref<64x64xf32, #tpu.memory_space<vmem>> -> memref<1x64xf32, #tpu.memory_space<vmem>>
      %dma_start3A_561 = arith.constant 0 : i32
      %dma_start3A_562 = tpu.memref_slice %arg5[%squeeze3A_558, %dma_start3A_561] : memref<1000000x64xf32, #tpu.memory_space<hbm>> -> memref<1x64xf32, #tpu.memory_space<hbm>>
      %dma_start3A_563 = arith.constant 0 : i32
      %dma_start3A_564 = tpu.memref_slice %arg12[%add3A_556, %dma_start3A_563] : memref<64x64xf32, #tpu.memory_space<vmem>> -> memref<1x64xf32, #tpu.memory_space<vmem>>
      %dma_start3A_565 = arith.constant 0 : i32
      %dma_start3A_566 = tpu.memref_slice %arg5[%squeeze3A_558, %dma_start3A_565] : memref<1000000x64xf32, #tpu.memory_space<hbm>> -> memref<1x64xf32, #tpu.memory_space<hbm>>
      tpu.enqueue_dma source(%dma_start3A_566 : memref<1x64xf32, #tpu.memory_space<hbm>>) target(%dma_start3A_564 : memref<1x64xf32, #tpu.memory_space<vmem>>) target_semaphore(%arg17 : memref<!tpu.dma_semaphore, #tpu.memory_space<semaphore_mem>>)
      %slice3A_567 = vector.extract_strided_slice %get3A_408 {offsets = [6], sizes = [1], strides = [1]} : vector<16xi32> to vector<1xi32>
      %squeeze3A_568 = vector.extract %slice3A_567[0] : i32 from vector<1xi32>
      %dma_start3A_569 = arith.constant 0 : i32
      %dma_start3A_570 = tpu.memref_slice %arg13[%add3A_556, %dma_start3A_569] : memref<64x64xf32, #tpu.memory_space<vmem>> -> memref<1x64xf32, #tpu.memory_space<vmem>>
      %dma_start3A_571 = arith.constant 0 : i32
      %dma_start3A_572 = tpu.memref_slice %arg6[%squeeze3A_568, %dma_start3A_571] : memref<1000000x64xf32, #tpu.memory_space<hbm>> -> memref<1x64xf32, #tpu.memory_space<hbm>>
      %dma_start3A_573 = arith.constant 0 : i32
      %dma_start3A_574 = tpu.memref_slice %arg13[%add3A_556, %dma_start3A_573] : memref<64x64xf32, #tpu.memory_space<vmem>> -> memref<1x64xf32, #tpu.memory_space<vmem>>
      %dma_start3A_575 = arith.constant 0 : i32
      %dma_start3A_576 = tpu.memref_slice %arg6[%squeeze3A_568, %dma_start3A_575] : memref<1000000x64xf32, #tpu.memory_space<hbm>> -> memref<1x64xf32, #tpu.memory_space<hbm>>
      tpu.enqueue_dma source(%dma_start3A_576 : memref<1x64xf32, #tpu.memory_space<hbm>>) target(%dma_start3A_574 : memref<1x64xf32, #tpu.memory_space<vmem>>) target_semaphore(%arg17 : memref<!tpu.dma_semaphore, #tpu.memory_space<semaphore_mem>>)
      %mul3A_577 = arith.constant 16 : i32
      %mul3A_578 = arith.muli %and3A_400, %mul3A_577 : i32
      %add3A_579 = arith.constant 7 : i32
      %add3A_580 = arith.addi %mul3A_578, %add3A_579 : i32
      %slice3A_581 = vector.extract_strided_slice %get3A_404 {offsets = [7], sizes = [1], strides = [1]} : vector<16xi32> to vector<1xi32>
      %squeeze3A_582 = vector.extract %slice3A_581[0] : i32 from vector<1xi32>
      %dma_start3A_583 = arith.constant 0 : i32
      %dma_start3A_584 = tpu.memref_slice %arg12[%add3A_580, %dma_start3A_583] : memref<64x64xf32, #tpu.memory_space<vmem>> -> memref<1x64xf32, #tpu.memory_space<vmem>>
      %dma_start3A_585 = arith.constant 0 : i32
      %dma_start3A_586 = tpu.memref_slice %arg5[%squeeze3A_582, %dma_start3A_585] : memref<1000000x64xf32, #tpu.memory_space<hbm>> -> memref<1x64xf32, #tpu.memory_space<hbm>>
      %dma_start3A_587 = arith.constant 0 : i32
      %dma_start3A_588 = tpu.memref_slice %arg12[%add3A_580, %dma_start3A_587] : memref<64x64xf32, #tpu.memory_space<vmem>> -> memref<1x64xf32, #tpu.memory_space<vmem>>
      %dma_start3A_589 = arith.constant 0 : i32
      %dma_start3A_590 = tpu.memref_slice %arg5[%squeeze3A_582, %dma_start3A_589] : memref<1000000x64xf32, #tpu.memory_space<hbm>> -> memref<1x64xf32, #tpu.memory_space<hbm>>
      tpu.enqueue_dma source(%dma_start3A_590 : memref<1x64xf32, #tpu.memory_space<hbm>>) target(%dma_start3A_588 : memref<1x64xf32, #tpu.memory_space<vmem>>) target_semaphore(%arg17 : memref<!tpu.dma_semaphore, #tpu.memory_space<semaphore_mem>>)
      %slice3A_591 = vector.extract_strided_slice %get3A_408 {offsets = [7], sizes = [1], strides = [1]} : vector<16xi32> to vector<1xi32>
      %squeeze3A_592 = vector.extract %slice3A_591[0] : i32 from vector<1xi32>
      %dma_start3A_593 = arith.constant 0 : i32
      %dma_start3A_594 = tpu.memref_slice %arg13[%add3A_580, %dma_start3A_593] : memref<64x64xf32, #tpu.memory_space<vmem>> -> memref<1x64xf32, #tpu.memory_space<vmem>>
      %dma_start3A_595 = arith.constant 0 : i32
      %dma_start3A_596 = tpu.memref_slice %arg6[%squeeze3A_592, %dma_start3A_595] : memref<1000000x64xf32, #tpu.memory_space<hbm>> -> memref<1x64xf32, #tpu.memory_space<hbm>>
      %dma_start3A_597 = arith.constant 0 : i32
      %dma_start3A_598 = tpu.memref_slice %arg13[%add3A_580, %dma_start3A_597] : memref<64x64xf32, #tpu.memory_space<vmem>> -> memref<1x64xf32, #tpu.memory_space<vmem>>
      %dma_start3A_599 = arith.constant 0 : i32
      %dma_start3A_600 = tpu.memref_slice %arg6[%squeeze3A_592, %dma_start3A_599] : memref<1000000x64xf32, #tpu.memory_space<hbm>> -> memref<1x64xf32, #tpu.memory_space<hbm>>
      tpu.enqueue_dma source(%dma_start3A_600 : memref<1x64xf32, #tpu.memory_space<hbm>>) target(%dma_start3A_598 : memref<1x64xf32, #tpu.memory_space<vmem>>) target_semaphore(%arg17 : memref<!tpu.dma_semaphore, #tpu.memory_space<semaphore_mem>>)
      %mul3A_601 = arith.constant 16 : i32
      %mul3A_602 = arith.muli %and3A_400, %mul3A_601 : i32
      %add3A_603 = arith.constant 8 : i32
      %add3A_604 = arith.addi %mul3A_602, %add3A_603 : i32
      %slice3A_605 = vector.extract_strided_slice %get3A_404 {offsets = [8], sizes = [1], strides = [1]} : vector<16xi32> to vector<1xi32>
      %squeeze3A_606 = vector.extract %slice3A_605[0] : i32 from vector<1xi32>
      %dma_start3A_607 = arith.constant 0 : i32
      %dma_start3A_608 = tpu.memref_slice %arg12[%add3A_604, %dma_start3A_607] : memref<64x64xf32, #tpu.memory_space<vmem>> -> memref<1x64xf32, #tpu.memory_space<vmem>>
      %dma_start3A_609 = arith.constant 0 : i32
      %dma_start3A_610 = tpu.memref_slice %arg5[%squeeze3A_606, %dma_start3A_609] : memref<1000000x64xf32, #tpu.memory_space<hbm>> -> memref<1x64xf32, #tpu.memory_space<hbm>>
      %dma_start3A_611 = arith.constant 0 : i32
      %dma_start3A_612 = tpu.memref_slice %arg12[%add3A_604, %dma_start3A_611] : memref<64x64xf32, #tpu.memory_space<vmem>> -> memref<1x64xf32, #tpu.memory_space<vmem>>
      %dma_start3A_613 = arith.constant 0 : i32
      %dma_start3A_614 = tpu.memref_slice %arg5[%squeeze3A_606, %dma_start3A_613] : memref<1000000x64xf32, #tpu.memory_space<hbm>> -> memref<1x64xf32, #tpu.memory_space<hbm>>
      tpu.enqueue_dma source(%dma_start3A_614 : memref<1x64xf32, #tpu.memory_space<hbm>>) target(%dma_start3A_612 : memref<1x64xf32, #tpu.memory_space<vmem>>) target_semaphore(%arg17 : memref<!tpu.dma_semaphore, #tpu.memory_space<semaphore_mem>>)
      %slice3A_615 = vector.extract_strided_slice %get3A_408 {offsets = [8], sizes = [1], strides = [1]} : vector<16xi32> to vector<1xi32>
      %squeeze3A_616 = vector.extract %slice3A_615[0] : i32 from vector<1xi32>
      %dma_start3A_617 = arith.constant 0 : i32
      %dma_start3A_618 = tpu.memref_slice %arg13[%add3A_604, %dma_start3A_617] : memref<64x64xf32, #tpu.memory_space<vmem>> -> memref<1x64xf32, #tpu.memory_space<vmem>>
      %dma_start3A_619 = arith.constant 0 : i32
      %dma_start3A_620 = tpu.memref_slice %arg6[%squeeze3A_616, %dma_start3A_619] : memref<1000000x64xf32, #tpu.memory_space<hbm>> -> memref<1x64xf32, #tpu.memory_space<hbm>>
      %dma_start3A_621 = arith.constant 0 : i32
      %dma_start3A_622 = tpu.memref_slice %arg13[%add3A_604, %dma_start3A_621] : memref<64x64xf32, #tpu.memory_space<vmem>> -> memref<1x64xf32, #tpu.memory_space<vmem>>
      %dma_start3A_623 = arith.constant 0 : i32
      %dma_start3A_624 = tpu.memref_slice %arg6[%squeeze3A_616, %dma_start3A_623] : memref<1000000x64xf32, #tpu.memory_space<hbm>> -> memref<1x64xf32, #tpu.memory_space<hbm>>
      tpu.enqueue_dma source(%dma_start3A_624 : memref<1x64xf32, #tpu.memory_space<hbm>>) target(%dma_start3A_622 : memref<1x64xf32, #tpu.memory_space<vmem>>) target_semaphore(%arg17 : memref<!tpu.dma_semaphore, #tpu.memory_space<semaphore_mem>>)
      %mul3A_625 = arith.constant 16 : i32
      %mul3A_626 = arith.muli %and3A_400, %mul3A_625 : i32
      %add3A_627 = arith.constant 9 : i32
      %add3A_628 = arith.addi %mul3A_626, %add3A_627 : i32
      %slice3A_629 = vector.extract_strided_slice %get3A_404 {offsets = [9], sizes = [1], strides = [1]} : vector<16xi32> to vector<1xi32>
      %squeeze3A_630 = vector.extract %slice3A_629[0] : i32 from vector<1xi32>
      %dma_start3A_631 = arith.constant 0 : i32
      %dma_start3A_632 = tpu.memref_slice %arg12[%add3A_628, %dma_start3A_631] : memref<64x64xf32, #tpu.memory_space<vmem>> -> memref<1x64xf32, #tpu.memory_space<vmem>>
      %dma_start3A_633 = arith.constant 0 : i32
      %dma_start3A_634 = tpu.memref_slice %arg5[%squeeze3A_630, %dma_start3A_633] : memref<1000000x64xf32, #tpu.memory_space<hbm>> -> memref<1x64xf32, #tpu.memory_space<hbm>>
      %dma_start3A_635 = arith.constant 0 : i32
      %dma_start3A_636 = tpu.memref_slice %arg12[%add3A_628, %dma_start3A_635] : memref<64x64xf32, #tpu.memory_space<vmem>> -> memref<1x64xf32, #tpu.memory_space<vmem>>
      %dma_start3A_637 = arith.constant 0 : i32
      %dma_start3A_638 = tpu.memref_slice %arg5[%squeeze3A_630, %dma_start3A_637] : memref<1000000x64xf32, #tpu.memory_space<hbm>> -> memref<1x64xf32, #tpu.memory_space<hbm>>
      tpu.enqueue_dma source(%dma_start3A_638 : memref<1x64xf32, #tpu.memory_space<hbm>>) target(%dma_start3A_636 : memref<1x64xf32, #tpu.memory_space<vmem>>) target_semaphore(%arg17 : memref<!tpu.dma_semaphore, #tpu.memory_space<semaphore_mem>>)
      %slice3A_639 = vector.extract_strided_slice %get3A_408 {offsets = [9], sizes = [1], strides = [1]} : vector<16xi32> to vector<1xi32>
      %squeeze3A_640 = vector.extract %slice3A_639[0] : i32 from vector<1xi32>
      %dma_start3A_641 = arith.constant 0 : i32
      %dma_start3A_642 = tpu.memref_slice %arg13[%add3A_628, %dma_start3A_641] : memref<64x64xf32, #tpu.memory_space<vmem>> -> memref<1x64xf32, #tpu.memory_space<vmem>>
      %dma_start3A_643 = arith.constant 0 : i32
      %dma_start3A_644 = tpu.memref_slice %arg6[%squeeze3A_640, %dma_start3A_643] : memref<1000000x64xf32, #tpu.memory_space<hbm>> -> memref<1x64xf32, #tpu.memory_space<hbm>>
      %dma_start3A_645 = arith.constant 0 : i32
      %dma_start3A_646 = tpu.memref_slice %arg13[%add3A_628, %dma_start3A_645] : memref<64x64xf32, #tpu.memory_space<vmem>> -> memref<1x64xf32, #tpu.memory_space<vmem>>
      %dma_start3A_647 = arith.constant 0 : i32
      %dma_start3A_648 = tpu.memref_slice %arg6[%squeeze3A_640, %dma_start3A_647] : memref<1000000x64xf32, #tpu.memory_space<hbm>> -> memref<1x64xf32, #tpu.memory_space<hbm>>
      tpu.enqueue_dma source(%dma_start3A_648 : memref<1x64xf32, #tpu.memory_space<hbm>>) target(%dma_start3A_646 : memref<1x64xf32, #tpu.memory_space<vmem>>) target_semaphore(%arg17 : memref<!tpu.dma_semaphore, #tpu.memory_space<semaphore_mem>>)
      %mul3A_649 = arith.constant 16 : i32
      %mul3A_650 = arith.muli %and3A_400, %mul3A_649 : i32
      %add3A_651 = arith.constant 10 : i32
      %add3A_652 = arith.addi %mul3A_650, %add3A_651 : i32
      %slice3A_653 = vector.extract_strided_slice %get3A_404 {offsets = [10], sizes = [1], strides = [1]} : vector<16xi32> to vector<1xi32>
      %squeeze3A_654 = vector.extract %slice3A_653[0] : i32 from vector<1xi32>
      %dma_start3A_655 = arith.constant 0 : i32
      %dma_start3A_656 = tpu.memref_slice %arg12[%add3A_652, %dma_start3A_655] : memref<64x64xf32, #tpu.memory_space<vmem>> -> memref<1x64xf32, #tpu.memory_space<vmem>>
      %dma_start3A_657 = arith.constant 0 : i32
      %dma_start3A_658 = tpu.memref_slice %arg5[%squeeze3A_654, %dma_start3A_657] : memref<1000000x64xf32, #tpu.memory_space<hbm>> -> memref<1x64xf32, #tpu.memory_space<hbm>>
      %dma_start3A_659 = arith.constant 0 : i32
      %dma_start3A_660 = tpu.memref_slice %arg12[%add3A_652, %dma_start3A_659] : memref<64x64xf32, #tpu.memory_space<vmem>> -> memref<1x64xf32, #tpu.memory_space<vmem>>
      %dma_start3A_661 = arith.constant 0 : i32
      %dma_start3A_662 = tpu.memref_slice %arg5[%squeeze3A_654, %dma_start3A_661] : memref<1000000x64xf32, #tpu.memory_space<hbm>> -> memref<1x64xf32, #tpu.memory_space<hbm>>
      tpu.enqueue_dma source(%dma_start3A_662 : memref<1x64xf32, #tpu.memory_space<hbm>>) target(%dma_start3A_660 : memref<1x64xf32, #tpu.memory_space<vmem>>) target_semaphore(%arg17 : memref<!tpu.dma_semaphore, #tpu.memory_space<semaphore_mem>>)
      %slice3A_663 = vector.extract_strided_slice %get3A_408 {offsets = [10], sizes = [1], strides = [1]} : vector<16xi32> to vector<1xi32>
      %squeeze3A_664 = vector.extract %slice3A_663[0] : i32 from vector<1xi32>
      %dma_start3A_665 = arith.constant 0 : i32
      %dma_start3A_666 = tpu.memref_slice %arg13[%add3A_652, %dma_start3A_665] : memref<64x64xf32, #tpu.memory_space<vmem>> -> memref<1x64xf32, #tpu.memory_space<vmem>>
      %dma_start3A_667 = arith.constant 0 : i32
      %dma_start3A_668 = tpu.memref_slice %arg6[%squeeze3A_664, %dma_start3A_667] : memref<1000000x64xf32, #tpu.memory_space<hbm>> -> memref<1x64xf32, #tpu.memory_space<hbm>>
      %dma_start3A_669 = arith.constant 0 : i32
      %dma_start3A_670 = tpu.memref_slice %arg13[%add3A_652, %dma_start3A_669] : memref<64x64xf32, #tpu.memory_space<vmem>> -> memref<1x64xf32, #tpu.memory_space<vmem>>
      %dma_start3A_671 = arith.constant 0 : i32
      %dma_start3A_672 = tpu.memref_slice %arg6[%squeeze3A_664, %dma_start3A_671] : memref<1000000x64xf32, #tpu.memory_space<hbm>> -> memref<1x64xf32, #tpu.memory_space<hbm>>
      tpu.enqueue_dma source(%dma_start3A_672 : memref<1x64xf32, #tpu.memory_space<hbm>>) target(%dma_start3A_670 : memref<1x64xf32, #tpu.memory_space<vmem>>) target_semaphore(%arg17 : memref<!tpu.dma_semaphore, #tpu.memory_space<semaphore_mem>>)
      %mul3A_673 = arith.constant 16 : i32
      %mul3A_674 = arith.muli %and3A_400, %mul3A_673 : i32
      %add3A_675 = arith.constant 11 : i32
      %add3A_676 = arith.addi %mul3A_674, %add3A_675 : i32
      %slice3A_677 = vector.extract_strided_slice %get3A_404 {offsets = [11], sizes = [1], strides = [1]} : vector<16xi32> to vector<1xi32>
      %squeeze3A_678 = vector.extract %slice3A_677[0] : i32 from vector<1xi32>
      %dma_start3A_679 = arith.constant 0 : i32
      %dma_start3A_680 = tpu.memref_slice %arg12[%add3A_676, %dma_start3A_679] : memref<64x64xf32, #tpu.memory_space<vmem>> -> memref<1x64xf32, #tpu.memory_space<vmem>>
      %dma_start3A_681 = arith.constant 0 : i32
      %dma_start3A_682 = tpu.memref_slice %arg5[%squeeze3A_678, %dma_start3A_681] : memref<1000000x64xf32, #tpu.memory_space<hbm>> -> memref<1x64xf32, #tpu.memory_space<hbm>>
      %dma_start3A_683 = arith.constant 0 : i32
      %dma_start3A_684 = tpu.memref_slice %arg12[%add3A_676, %dma_start3A_683] : memref<64x64xf32, #tpu.memory_space<vmem>> -> memref<1x64xf32, #tpu.memory_space<vmem>>
      %dma_start3A_685 = arith.constant 0 : i32
      %dma_start3A_686 = tpu.memref_slice %arg5[%squeeze3A_678, %dma_start3A_685] : memref<1000000x64xf32, #tpu.memory_space<hbm>> -> memref<1x64xf32, #tpu.memory_space<hbm>>
      tpu.enqueue_dma source(%dma_start3A_686 : memref<1x64xf32, #tpu.memory_space<hbm>>) target(%dma_start3A_684 : memref<1x64xf32, #tpu.memory_space<vmem>>) target_semaphore(%arg17 : memref<!tpu.dma_semaphore, #tpu.memory_space<semaphore_mem>>)
      %slice3A_687 = vector.extract_strided_slice %get3A_408 {offsets = [11], sizes = [1], strides = [1]} : vector<16xi32> to vector<1xi32>
      %squeeze3A_688 = vector.extract %slice3A_687[0] : i32 from vector<1xi32>
      %dma_start3A_689 = arith.constant 0 : i32
      %dma_start3A_690 = tpu.memref_slice %arg13[%add3A_676, %dma_start3A_689] : memref<64x64xf32, #tpu.memory_space<vmem>> -> memref<1x64xf32, #tpu.memory_space<vmem>>
      %dma_start3A_691 = arith.constant 0 : i32
      %dma_start3A_692 = tpu.memref_slice %arg6[%squeeze3A_688, %dma_start3A_691] : memref<1000000x64xf32, #tpu.memory_space<hbm>> -> memref<1x64xf32, #tpu.memory_space<hbm>>
      %dma_start3A_693 = arith.constant 0 : i32
      %dma_start3A_694 = tpu.memref_slice %arg13[%add3A_676, %dma_start3A_693] : memref<64x64xf32, #tpu.memory_space<vmem>> -> memref<1x64xf32, #tpu.memory_space<vmem>>
      %dma_start3A_695 = arith.constant 0 : i32
      %dma_start3A_696 = tpu.memref_slice %arg6[%squeeze3A_688, %dma_start3A_695] : memref<1000000x64xf32, #tpu.memory_space<hbm>> -> memref<1x64xf32, #tpu.memory_space<hbm>>
      tpu.enqueue_dma source(%dma_start3A_696 : memref<1x64xf32, #tpu.memory_space<hbm>>) target(%dma_start3A_694 : memref<1x64xf32, #tpu.memory_space<vmem>>) target_semaphore(%arg17 : memref<!tpu.dma_semaphore, #tpu.memory_space<semaphore_mem>>)
      %mul3A_697 = arith.constant 16 : i32
      %mul3A_698 = arith.muli %and3A_400, %mul3A_697 : i32
      %add3A_699 = arith.constant 12 : i32
      %add3A_700 = arith.addi %mul3A_698, %add3A_699 : i32
      %slice3A_701 = vector.extract_strided_slice %get3A_404 {offsets = [12], sizes = [1], strides = [1]} : vector<16xi32> to vector<1xi32>
      %squeeze3A_702 = vector.extract %slice3A_701[0] : i32 from vector<1xi32>
      %dma_start3A_703 = arith.constant 0 : i32
      %dma_start3A_704 = tpu.memref_slice %arg12[%add3A_700, %dma_start3A_703] : memref<64x64xf32, #tpu.memory_space<vmem>> -> memref<1x64xf32, #tpu.memory_space<vmem>>
      %dma_start3A_705 = arith.constant 0 : i32
      %dma_start3A_706 = tpu.memref_slice %arg5[%squeeze3A_702, %dma_start3A_705] : memref<1000000x64xf32, #tpu.memory_space<hbm>> -> memref<1x64xf32, #tpu.memory_space<hbm>>
      %dma_start3A_707 = arith.constant 0 : i32
      %dma_start3A_708 = tpu.memref_slice %arg12[%add3A_700, %dma_start3A_707] : memref<64x64xf32, #tpu.memory_space<vmem>> -> memref<1x64xf32, #tpu.memory_space<vmem>>
      %dma_start3A_709 = arith.constant 0 : i32
      %dma_start3A_710 = tpu.memref_slice %arg5[%squeeze3A_702, %dma_start3A_709] : memref<1000000x64xf32, #tpu.memory_space<hbm>> -> memref<1x64xf32, #tpu.memory_space<hbm>>
      tpu.enqueue_dma source(%dma_start3A_710 : memref<1x64xf32, #tpu.memory_space<hbm>>) target(%dma_start3A_708 : memref<1x64xf32, #tpu.memory_space<vmem>>) target_semaphore(%arg17 : memref<!tpu.dma_semaphore, #tpu.memory_space<semaphore_mem>>)
      %slice3A_711 = vector.extract_strided_slice %get3A_408 {offsets = [12], sizes = [1], strides = [1]} : vector<16xi32> to vector<1xi32>
      %squeeze3A_712 = vector.extract %slice3A_711[0] : i32 from vector<1xi32>
      %dma_start3A_713 = arith.constant 0 : i32
      %dma_start3A_714 = tpu.memref_slice %arg13[%add3A_700, %dma_start3A_713] : memref<64x64xf32, #tpu.memory_space<vmem>> -> memref<1x64xf32, #tpu.memory_space<vmem>>
      %dma_start3A_715 = arith.constant 0 : i32
      %dma_start3A_716 = tpu.memref_slice %arg6[%squeeze3A_712, %dma_start3A_715] : memref<1000000x64xf32, #tpu.memory_space<hbm>> -> memref<1x64xf32, #tpu.memory_space<hbm>>
      %dma_start3A_717 = arith.constant 0 : i32
      %dma_start3A_718 = tpu.memref_slice %arg13[%add3A_700, %dma_start3A_717] : memref<64x64xf32, #tpu.memory_space<vmem>> -> memref<1x64xf32, #tpu.memory_space<vmem>>
      %dma_start3A_719 = arith.constant 0 : i32
      %dma_start3A_720 = tpu.memref_slice %arg6[%squeeze3A_712, %dma_start3A_719] : memref<1000000x64xf32, #tpu.memory_space<hbm>> -> memref<1x64xf32, #tpu.memory_space<hbm>>
      tpu.enqueue_dma source(%dma_start3A_720 : memref<1x64xf32, #tpu.memory_space<hbm>>) target(%dma_start3A_718 : memref<1x64xf32, #tpu.memory_space<vmem>>) target_semaphore(%arg17 : memref<!tpu.dma_semaphore, #tpu.memory_space<semaphore_mem>>)
      %mul3A_721 = arith.constant 16 : i32
      %mul3A_722 = arith.muli %and3A_400, %mul3A_721 : i32
      %add3A_723 = arith.constant 13 : i32
      %add3A_724 = arith.addi %mul3A_722, %add3A_723 : i32
      %slice3A_725 = vector.extract_strided_slice %get3A_404 {offsets = [13], sizes = [1], strides = [1]} : vector<16xi32> to vector<1xi32>
      %squeeze3A_726 = vector.extract %slice3A_725[0] : i32 from vector<1xi32>
      %dma_start3A_727 = arith.constant 0 : i32
      %dma_start3A_728 = tpu.memref_slice %arg12[%add3A_724, %dma_start3A_727] : memref<64x64xf32, #tpu.memory_space<vmem>> -> memref<1x64xf32, #tpu.memory_space<vmem>>
      %dma_start3A_729 = arith.constant 0 : i32
      %dma_start3A_730 = tpu.memref_slice %arg5[%squeeze3A_726, %dma_start3A_729] : memref<1000000x64xf32, #tpu.memory_space<hbm>> -> memref<1x64xf32, #tpu.memory_space<hbm>>
      %dma_start3A_731 = arith.constant 0 : i32
      %dma_start3A_732 = tpu.memref_slice %arg12[%add3A_724, %dma_start3A_731] : memref<64x64xf32, #tpu.memory_space<vmem>> -> memref<1x64xf32, #tpu.memory_space<vmem>>
      %dma_start3A_733 = arith.constant 0 : i32
      %dma_start3A_734 = tpu.memref_slice %arg5[%squeeze3A_726, %dma_start3A_733] : memref<1000000x64xf32, #tpu.memory_space<hbm>> -> memref<1x64xf32, #tpu.memory_space<hbm>>
      tpu.enqueue_dma source(%dma_start3A_734 : memref<1x64xf32, #tpu.memory_space<hbm>>) target(%dma_start3A_732 : memref<1x64xf32, #tpu.memory_space<vmem>>) target_semaphore(%arg17 : memref<!tpu.dma_semaphore, #tpu.memory_space<semaphore_mem>>)
      %slice3A_735 = vector.extract_strided_slice %get3A_408 {offsets = [13], sizes = [1], strides = [1]} : vector<16xi32> to vector<1xi32>
      %squeeze3A_736 = vector.extract %slice3A_735[0] : i32 from vector<1xi32>
      %dma_start3A_737 = arith.constant 0 : i32
      %dma_start3A_738 = tpu.memref_slice %arg13[%add3A_724, %dma_start3A_737] : memref<64x64xf32, #tpu.memory_space<vmem>> -> memref<1x64xf32, #tpu.memory_space<vmem>>
      %dma_start3A_739 = arith.constant 0 : i32
      %dma_start3A_740 = tpu.memref_slice %arg6[%squeeze3A_736, %dma_start3A_739] : memref<1000000x64xf32, #tpu.memory_space<hbm>> -> memref<1x64xf32, #tpu.memory_space<hbm>>
      %dma_start3A_741 = arith.constant 0 : i32
      %dma_start3A_742 = tpu.memref_slice %arg13[%add3A_724, %dma_start3A_741] : memref<64x64xf32, #tpu.memory_space<vmem>> -> memref<1x64xf32, #tpu.memory_space<vmem>>
      %dma_start3A_743 = arith.constant 0 : i32
      %dma_start3A_744 = tpu.memref_slice %arg6[%squeeze3A_736, %dma_start3A_743] : memref<1000000x64xf32, #tpu.memory_space<hbm>> -> memref<1x64xf32, #tpu.memory_space<hbm>>
      tpu.enqueue_dma source(%dma_start3A_744 : memref<1x64xf32, #tpu.memory_space<hbm>>) target(%dma_start3A_742 : memref<1x64xf32, #tpu.memory_space<vmem>>) target_semaphore(%arg17 : memref<!tpu.dma_semaphore, #tpu.memory_space<semaphore_mem>>)
      %mul3A_745 = arith.constant 16 : i32
      %mul3A_746 = arith.muli %and3A_400, %mul3A_745 : i32
      %add3A_747 = arith.constant 14 : i32
      %add3A_748 = arith.addi %mul3A_746, %add3A_747 : i32
      %slice3A_749 = vector.extract_strided_slice %get3A_404 {offsets = [14], sizes = [1], strides = [1]} : vector<16xi32> to vector<1xi32>
      %squeeze3A_750 = vector.extract %slice3A_749[0] : i32 from vector<1xi32>
      %dma_start3A_751 = arith.constant 0 : i32
      %dma_start3A_752 = tpu.memref_slice %arg12[%add3A_748, %dma_start3A_751] : memref<64x64xf32, #tpu.memory_space<vmem>> -> memref<1x64xf32, #tpu.memory_space<vmem>>
      %dma_start3A_753 = arith.constant 0 : i32
      %dma_start3A_754 = tpu.memref_slice %arg5[%squeeze3A_750, %dma_start3A_753] : memref<1000000x64xf32, #tpu.memory_space<hbm>> -> memref<1x64xf32, #tpu.memory_space<hbm>>
      %dma_start3A_755 = arith.constant 0 : i32
      %dma_start3A_756 = tpu.memref_slice %arg12[%add3A_748, %dma_start3A_755] : memref<64x64xf32, #tpu.memory_space<vmem>> -> memref<1x64xf32, #tpu.memory_space<vmem>>
      %dma_start3A_757 = arith.constant 0 : i32
      %dma_start3A_758 = tpu.memref_slice %arg5[%squeeze3A_750, %dma_start3A_757] : memref<1000000x64xf32, #tpu.memory_space<hbm>> -> memref<1x64xf32, #tpu.memory_space<hbm>>
      tpu.enqueue_dma source(%dma_start3A_758 : memref<1x64xf32, #tpu.memory_space<hbm>>) target(%dma_start3A_756 : memref<1x64xf32, #tpu.memory_space<vmem>>) target_semaphore(%arg17 : memref<!tpu.dma_semaphore, #tpu.memory_space<semaphore_mem>>)
      %slice3A_759 = vector.extract_strided_slice %get3A_408 {offsets = [14], sizes = [1], strides = [1]} : vector<16xi32> to vector<1xi32>
      %squeeze3A_760 = vector.extract %slice3A_759[0] : i32 from vector<1xi32>
      %dma_start3A_761 = arith.constant 0 : i32
      %dma_start3A_762 = tpu.memref_slice %arg13[%add3A_748, %dma_start3A_761] : memref<64x64xf32, #tpu.memory_space<vmem>> -> memref<1x64xf32, #tpu.memory_space<vmem>>
      %dma_start3A_763 = arith.constant 0 : i32
      %dma_start3A_764 = tpu.memref_slice %arg6[%squeeze3A_760, %dma_start3A_763] : memref<1000000x64xf32, #tpu.memory_space<hbm>> -> memref<1x64xf32, #tpu.memory_space<hbm>>
      %dma_start3A_765 = arith.constant 0 : i32
      %dma_start3A_766 = tpu.memref_slice %arg13[%add3A_748, %dma_start3A_765] : memref<64x64xf32, #tpu.memory_space<vmem>> -> memref<1x64xf32, #tpu.memory_space<vmem>>
      %dma_start3A_767 = arith.constant 0 : i32
      %dma_start3A_768 = tpu.memref_slice %arg6[%squeeze3A_760, %dma_start3A_767] : memref<1000000x64xf32, #tpu.memory_space<hbm>> -> memref<1x64xf32, #tpu.memory_space<hbm>>
      tpu.enqueue_dma source(%dma_start3A_768 : memref<1x64xf32, #tpu.memory_space<hbm>>) target(%dma_start3A_766 : memref<1x64xf32, #tpu.memory_space<vmem>>) target_semaphore(%arg17 : memref<!tpu.dma_semaphore, #tpu.memory_space<semaphore_mem>>)
      %mul3A_769 = arith.constant 16 : i32
      %mul3A_770 = arith.muli %and3A_400, %mul3A_769 : i32
      %add3A_771 = arith.constant 15 : i32
      %add3A_772 = arith.addi %mul3A_770, %add3A_771 : i32
      %slice3A_773 = vector.extract_strided_slice %get3A_404 {offsets = [15], sizes = [1], strides = [1]} : vector<16xi32> to vector<1xi32>
      %squeeze3A_774 = vector.extract %slice3A_773[0] : i32 from vector<1xi32>
      %dma_start3A_775 = arith.constant 0 : i32
      %dma_start3A_776 = tpu.memref_slice %arg12[%add3A_772, %dma_start3A_775] : memref<64x64xf32, #tpu.memory_space<vmem>> -> memref<1x64xf32, #tpu.memory_space<vmem>>
      %dma_start3A_777 = arith.constant 0 : i32
      %dma_start3A_778 = tpu.memref_slice %arg5[%squeeze3A_774, %dma_start3A_777] : memref<1000000x64xf32, #tpu.memory_space<hbm>> -> memref<1x64xf32, #tpu.memory_space<hbm>>
      %dma_start3A_779 = arith.constant 0 : i32
      %dma_start3A_780 = tpu.memref_slice %arg12[%add3A_772, %dma_start3A_779] : memref<64x64xf32, #tpu.memory_space<vmem>> -> memref<1x64xf32, #tpu.memory_space<vmem>>
      %dma_start3A_781 = arith.constant 0 : i32
      %dma_start3A_782 = tpu.memref_slice %arg5[%squeeze3A_774, %dma_start3A_781] : memref<1000000x64xf32, #tpu.memory_space<hbm>> -> memref<1x64xf32, #tpu.memory_space<hbm>>
      tpu.enqueue_dma source(%dma_start3A_782 : memref<1x64xf32, #tpu.memory_space<hbm>>) target(%dma_start3A_780 : memref<1x64xf32, #tpu.memory_space<vmem>>) target_semaphore(%arg17 : memref<!tpu.dma_semaphore, #tpu.memory_space<semaphore_mem>>)
      %slice3A_783 = vector.extract_strided_slice %get3A_408 {offsets = [15], sizes = [1], strides = [1]} : vector<16xi32> to vector<1xi32>
      %squeeze3A_784 = vector.extract %slice3A_783[0] : i32 from vector<1xi32>
      %dma_start3A_785 = arith.constant 0 : i32
      %dma_start3A_786 = tpu.memref_slice %arg13[%add3A_772, %dma_start3A_785] : memref<64x64xf32, #tpu.memory_space<vmem>> -> memref<1x64xf32, #tpu.memory_space<vmem>>
      %dma_start3A_787 = arith.constant 0 : i32
      %dma_start3A_788 = tpu.memref_slice %arg6[%squeeze3A_784, %dma_start3A_787] : memref<1000000x64xf32, #tpu.memory_space<hbm>> -> memref<1x64xf32, #tpu.memory_space<hbm>>
      %dma_start3A_789 = arith.constant 0 : i32
      %dma_start3A_790 = tpu.memref_slice %arg13[%add3A_772, %dma_start3A_789] : memref<64x64xf32, #tpu.memory_space<vmem>> -> memref<1x64xf32, #tpu.memory_space<vmem>>
      %dma_start3A_791 = arith.constant 0 : i32
      %dma_start3A_792 = tpu.memref_slice %arg6[%squeeze3A_784, %dma_start3A_791] : memref<1000000x64xf32, #tpu.memory_space<hbm>> -> memref<1x64xf32, #tpu.memory_space<hbm>>
      tpu.enqueue_dma source(%dma_start3A_792 : memref<1x64xf32, #tpu.memory_space<hbm>>) target(%dma_start3A_790 : memref<1x64xf32, #tpu.memory_space<vmem>>) target_semaphore(%arg17 : memref<!tpu.dma_semaphore, #tpu.memory_space<semaphore_mem>>)
      %and3A_793 = arith.constant 3 : i32
      %and3A_794 = arith.andi %mul3A_396, %and3A_793 : i32
      %mul3A_795 = arith.constant 16 : i32
      %mul3A_796 = arith.muli %and3A_794, %mul3A_795 : i32
      %dma_wait3A = arith.constant 0 : i32
      %dma_wait3A_797 = tpu.memref_slice %arg12[%mul3A_796, %dma_wait3A] : memref<64x64xf32, #tpu.memory_space<vmem>> -> memref<16x64xf32, #tpu.memory_space<vmem>>
      %dma_wait3A_798 = arith.constant 0 : i32
      %dma_wait3A_799 = arith.constant 0 : i32
      %dma_wait3A_800 = tpu.memref_slice %arg5[%dma_wait3A_798, %dma_wait3A_799] : memref<1000000x64xf32, #tpu.memory_space<hbm>> -> memref<16x64xf32, #tpu.memory_space<hbm>>
      %dma_wait3A_801 = arith.constant 0 : i32
      %dma_wait3A_802 = tpu.memref_slice %arg12[%mul3A_796, %dma_wait3A_801] : memref<64x64xf32, #tpu.memory_space<vmem>> -> memref<16x64xf32, #tpu.memory_space<vmem>>
      %dma_wait3A_803 = arith.constant 0 : i32
      %dma_wait3A_804 = arith.constant 0 : i32
      %dma_wait3A_805 = tpu.memref_slice %arg5[%dma_wait3A_803, %dma_wait3A_804] : memref<1000000x64xf32, #tpu.memory_space<hbm>> -> memref<16x64xf32, #tpu.memory_space<hbm>>
      tpu.wait_dma2 semaphore(%arg16 : memref<!tpu.dma_semaphore, #tpu.memory_space<semaphore_mem>>) src(%dma_wait3A_805 : memref<16x64xf32, #tpu.memory_space<hbm>>) dst(%dma_wait3A_802 : memref<16x64xf32, #tpu.memory_space<vmem>>)
      %mul3A_806 = arith.constant 16 : i32
      %mul3A_807 = arith.muli %and3A_794, %mul3A_806 : i32
      %dma_wait3A_808 = arith.constant 0 : i32
      %dma_wait3A_809 = tpu.memref_slice %arg13[%mul3A_807, %dma_wait3A_808] : memref<64x64xf32, #tpu.memory_space<vmem>> -> memref<16x64xf32, #tpu.memory_space<vmem>>
      %dma_wait3A_810 = arith.constant 0 : i32
      %dma_wait3A_811 = arith.constant 0 : i32
      %dma_wait3A_812 = tpu.memref_slice %arg6[%dma_wait3A_810, %dma_wait3A_811] : memref<1000000x64xf32, #tpu.memory_space<hbm>> -> memref<16x64xf32, #tpu.memory_space<hbm>>
      %dma_wait3A_813 = arith.constant 0 : i32
      %dma_wait3A_814 = tpu.memref_slice %arg13[%mul3A_807, %dma_wait3A_813] : memref<64x64xf32, #tpu.memory_space<vmem>> -> memref<16x64xf32, #tpu.memory_space<vmem>>
      %dma_wait3A_815 = arith.constant 0 : i32
      %dma_wait3A_816 = arith.constant 0 : i32
      %dma_wait3A_817 = tpu.memref_slice %arg6[%dma_wait3A_815, %dma_wait3A_816] : memref<1000000x64xf32, #tpu.memory_space<hbm>> -> memref<16x64xf32, #tpu.memory_space<hbm>>
      tpu.wait_dma2 semaphore(%arg16 : memref<!tpu.dma_semaphore, #tpu.memory_space<semaphore_mem>>) src(%dma_wait3A_817 : memref<16x64xf32, #tpu.memory_space<hbm>>) dst(%dma_wait3A_814 : memref<16x64xf32, #tpu.memory_space<vmem>>)
      %and3A_818 = arith.constant 3 : i32
      %and3A_819 = arith.andi %mul3A_396, %and3A_818 : i32
      %mul3A_820 = arith.constant 16 : i32
      %mul3A_821 = arith.muli %and3A_819, %mul3A_820 : i32
      %add3A_822 = vector.broadcast %mul3A_821 : i32 to vector<16xi32>
      %add3A_823 = arith.addi %add3A_822, %iota3A : vector<16xi32>
      %mul3A_824 = arith.constant 16 : i32
      %mul3A_825 = arith.muli %mul3A_396, %mul3A_824 : i32
      %get3A_826 = arith.index_cast %mul3A_825 : i32 to index
      %get3A_827 = tpu.vector_load %arg11[%get3A_826] {strides = array<i32>} : memref<512xi32, #tpu.memory_space<vmem>>, vector<16xi32>,
      %broadcast_in_dim3A = arith.constant 0.000000e+00 : f32
      %broadcast_in_dim3A_828 = vector.broadcast %broadcast_in_dim3A : f32 to vector<16xf32>
      %broadcast_in_dim3A_829 = arith.constant 0 : i32
      %broadcast_in_dim3A_830 = vector.broadcast %broadcast_in_dim3A_829 : i32 to vector<16xi32>
      %gather3A = tpu.vector_load_idx %arg12[%add3A_823, %broadcast_in_dim3A_830] : memref<64x64xf32, #tpu.memory_space<vmem>>[vector<16xi32>, vector<16xi32>], vector<16xf32>,
      %gather3A_831 = tpu.vector_load_idx %arg13[%add3A_823, %broadcast_in_dim3A_830] : memref<64x64xf32, #tpu.memory_space<vmem>>[vector<16xi32>, vector<16xi32>], vector<16xf32>,
      %gather3A_832 = tpu.vector_load_idx %arg14[%get3A_827, %broadcast_in_dim3A_830] : memref<3x64xf32, #tpu.memory_space<vmem>>[vector<16xi32>, vector<16xi32>], vector<16xf32>,
      %mul3A_833 = arith.mulf %gather3A, %gather3A_831 : vector<16xf32>
      %add3A_834 = arith.addf %broadcast_in_dim3A_828, %mul3A_833 : vector<16xf32>
      %add3A_835 = arith.addf %gather3A, %gather3A_831 : vector<16xf32>
      %mul3A_836 = arith.mulf %gather3A_832, %add3A_835 : vector<16xf32>
      %add3A_837 = arith.addf %add3A_834, %mul3A_836 : vector<16xf32>
      %broadcast_in_dim3A_838 = arith.constant 1 : i32
      %broadcast_in_dim3A_839 = vector.broadcast %broadcast_in_dim3A_838 : i32 to vector<16xi32>
      %gather3A_840 = tpu.vector_load_idx %arg12[%add3A_823, %broadcast_in_dim3A_839] : memref<64x64xf32, #tpu.memory_space<vmem>>[vector<16xi32>, vector<16xi32>], vector<16xf32>,
      %gather3A_841 = tpu.vector_load_idx %arg13[%add3A_823, %broadcast_in_dim3A_839] : memref<64x64xf32, #tpu.memory_space<vmem>>[vector<16xi32>, vector<16xi32>], vector<16xf32>,
      %gather3A_842 = tpu.vector_load_idx %arg14[%get3A_827, %broadcast_in_dim3A_839] : memref<3x64xf32, #tpu.memory_space<vmem>>[vector<16xi32>, vector<16xi32>], vector<16xf32>,
      %mul3A_843 = arith.mulf %gather3A_840, %gather3A_841 : vector<16xf32>
      %add3A_844 = arith.addf %add3A_837, %mul3A_843 : vector<16xf32>
      %add3A_845 = arith.addf %gather3A_840, %gather3A_841 : vector<16xf32>
      %mul3A_846 = arith.mulf %gather3A_842, %add3A_845 : vector<16xf32>
      %add3A_847 = arith.addf %add3A_844, %mul3A_846 : vector<16xf32>
      %broadcast_in_dim3A_848 = arith.constant 2 : i32
      %broadcast_in_dim3A_849 = vector.broadcast %broadcast_in_dim3A_848 : i32 to vector<16xi32>
      %gather3A_850 = tpu.vector_load_idx %arg12[%add3A_823, %broadcast_in_dim3A_849] : memref<64x64xf32, #tpu.memory_space<vmem>>[vector<16xi32>, vector<16xi32>], vector<16xf32>,
      %gather3A_851 = tpu.vector_load_idx %arg13[%add3A_823, %broadcast_in_dim3A_849] : memref<64x64xf32, #tpu.memory_space<vmem>>[vector<16xi32>, vector<16xi32>], vector<16xf32>,
      %gather3A_852 = tpu.vector_load_idx %arg14[%get3A_827, %broadcast_in_dim3A_849] : memref<3x64xf32, #tpu.memory_space<vmem>>[vector<16xi32>, vector<16xi32>], vector<16xf32>,
      %mul3A_853 = arith.mulf %gather3A_850, %gather3A_851 : vector<16xf32>
      %add3A_854 = arith.addf %add3A_847, %mul3A_853 : vector<16xf32>
      %add3A_855 = arith.addf %gather3A_850, %gather3A_851 : vector<16xf32>
      %mul3A_856 = arith.mulf %gather3A_852, %add3A_855 : vector<16xf32>
      %add3A_857 = arith.addf %add3A_854, %mul3A_856 : vector<16xf32>
      %broadcast_in_dim3A_858 = arith.constant 3 : i32
      %broadcast_in_dim3A_859 = vector.broadcast %broadcast_in_dim3A_858 : i32 to vector<16xi32>
      %gather3A_860 = tpu.vector_load_idx %arg12[%add3A_823, %broadcast_in_dim3A_859] : memref<64x64xf32, #tpu.memory_space<vmem>>[vector<16xi32>, vector<16xi32>], vector<16xf32>,
      %gather3A_861 = tpu.vector_load_idx %arg13[%add3A_823, %broadcast_in_dim3A_859] : memref<64x64xf32, #tpu.memory_space<vmem>>[vector<16xi32>, vector<16xi32>], vector<16xf32>,
      %gather3A_862 = tpu.vector_load_idx %arg14[%get3A_827, %broadcast_in_dim3A_859] : memref<3x64xf32, #tpu.memory_space<vmem>>[vector<16xi32>, vector<16xi32>], vector<16xf32>,
      %mul3A_863 = arith.mulf %gather3A_860, %gather3A_861 : vector<16xf32>
      %add3A_864 = arith.addf %add3A_857, %mul3A_863 : vector<16xf32>
      %add3A_865 = arith.addf %gather3A_860, %gather3A_861 : vector<16xf32>
      %mul3A_866 = arith.mulf %gather3A_862, %add3A_865 : vector<16xf32>
      %add3A_867 = arith.addf %add3A_864, %mul3A_866 : vector<16xf32>
      %broadcast_in_dim3A_868 = arith.constant 4 : i32
      %broadcast_in_dim3A_869 = vector.broadcast %broadcast_in_dim3A_868 : i32 to vector<16xi32>
      %gather3A_870 = tpu.vector_load_idx %arg12[%add3A_823, %broadcast_in_dim3A_869] : memref<64x64xf32, #tpu.memory_space<vmem>>[vector<16xi32>, vector<16xi32>], vector<16xf32>,
      %gather3A_871 = tpu.vector_load_idx %arg13[%add3A_823, %broadcast_in_dim3A_869] : memref<64x64xf32, #tpu.memory_space<vmem>>[vector<16xi32>, vector<16xi32>], vector<16xf32>,
      %gather3A_872 = tpu.vector_load_idx %arg14[%get3A_827, %broadcast_in_dim3A_869] : memref<3x64xf32, #tpu.memory_space<vmem>>[vector<16xi32>, vector<16xi32>], vector<16xf32>,
      %mul3A_873 = arith.mulf %gather3A_870, %gather3A_871 : vector<16xf32>
      %add3A_874 = arith.addf %add3A_867, %mul3A_873 : vector<16xf32>
      %add3A_875 = arith.addf %gather3A_870, %gather3A_871 : vector<16xf32>
      %mul3A_876 = arith.mulf %gather3A_872, %add3A_875 : vector<16xf32>
      %add3A_877 = arith.addf %add3A_874, %mul3A_876 : vector<16xf32>
      %broadcast_in_dim3A_878 = arith.constant 5 : i32
      %broadcast_in_dim3A_879 = vector.broadcast %broadcast_in_dim3A_878 : i32 to vector<16xi32>
      %gather3A_880 = tpu.vector_load_idx %arg12[%add3A_823, %broadcast_in_dim3A_879] : memref<64x64xf32, #tpu.memory_space<vmem>>[vector<16xi32>, vector<16xi32>], vector<16xf32>,
      %gather3A_881 = tpu.vector_load_idx %arg13[%add3A_823, %broadcast_in_dim3A_879] : memref<64x64xf32, #tpu.memory_space<vmem>>[vector<16xi32>, vector<16xi32>], vector<16xf32>,
      %gather3A_882 = tpu.vector_load_idx %arg14[%get3A_827, %broadcast_in_dim3A_879] : memref<3x64xf32, #tpu.memory_space<vmem>>[vector<16xi32>, vector<16xi32>], vector<16xf32>,
      %mul3A_883 = arith.mulf %gather3A_880, %gather3A_881 : vector<16xf32>
      %add3A_884 = arith.addf %add3A_877, %mul3A_883 : vector<16xf32>
      %add3A_885 = arith.addf %gather3A_880, %gather3A_881 : vector<16xf32>
      %mul3A_886 = arith.mulf %gather3A_882, %add3A_885 : vector<16xf32>
      %add3A_887 = arith.addf %add3A_884, %mul3A_886 : vector<16xf32>
      %broadcast_in_dim3A_888 = arith.constant 6 : i32
      %broadcast_in_dim3A_889 = vector.broadcast %broadcast_in_dim3A_888 : i32 to vector<16xi32>
      %gather3A_890 = tpu.vector_load_idx %arg12[%add3A_823, %broadcast_in_dim3A_889] : memref<64x64xf32, #tpu.memory_space<vmem>>[vector<16xi32>, vector<16xi32>], vector<16xf32>,
      %gather3A_891 = tpu.vector_load_idx %arg13[%add3A_823, %broadcast_in_dim3A_889] : memref<64x64xf32, #tpu.memory_space<vmem>>[vector<16xi32>, vector<16xi32>], vector<16xf32>,
      %gather3A_892 = tpu.vector_load_idx %arg14[%get3A_827, %broadcast_in_dim3A_889] : memref<3x64xf32, #tpu.memory_space<vmem>>[vector<16xi32>, vector<16xi32>], vector<16xf32>,
      %mul3A_893 = arith.mulf %gather3A_890, %gather3A_891 : vector<16xf32>
      %add3A_894 = arith.addf %add3A_887, %mul3A_893 : vector<16xf32>
      %add3A_895 = arith.addf %gather3A_890, %gather3A_891 : vector<16xf32>
      %mul3A_896 = arith.mulf %gather3A_892, %add3A_895 : vector<16xf32>
      %add3A_897 = arith.addf %add3A_894, %mul3A_896 : vector<16xf32>
      %broadcast_in_dim3A_898 = arith.constant 7 : i32
      %broadcast_in_dim3A_899 = vector.broadcast %broadcast_in_dim3A_898 : i32 to vector<16xi32>
      %gather3A_900 = tpu.vector_load_idx %arg12[%add3A_823, %broadcast_in_dim3A_899] : memref<64x64xf32, #tpu.memory_space<vmem>>[vector<16xi32>, vector<16xi32>], vector<16xf32>,
      %gather3A_901 = tpu.vector_load_idx %arg13[%add3A_823, %broadcast_in_dim3A_899] : memref<64x64xf32, #tpu.memory_space<vmem>>[vector<16xi32>, vector<16xi32>], vector<16xf32>,
      %gather3A_902 = tpu.vector_load_idx %arg14[%get3A_827, %broadcast_in_dim3A_899] : memref<3x64xf32, #tpu.memory_space<vmem>>[vector<16xi32>, vector<16xi32>], vector<16xf32>,
      %mul3A_903 = arith.mulf %gather3A_900, %gather3A_901 : vector<16xf32>
      %add3A_904 = arith.addf %add3A_897, %mul3A_903 : vector<16xf32>
      %add3A_905 = arith.addf %gather3A_900, %gather3A_901 : vector<16xf32>
      %mul3A_906 = arith.mulf %gather3A_902, %add3A_905 : vector<16xf32>
      %add3A_907 = arith.addf %add3A_904, %mul3A_906 : vector<16xf32>
      %broadcast_in_dim3A_908 = arith.constant 8 : i32
      %broadcast_in_dim3A_909 = vector.broadcast %broadcast_in_dim3A_908 : i32 to vector<16xi32>
      %gather3A_910 = tpu.vector_load_idx %arg12[%add3A_823, %broadcast_in_dim3A_909] : memref<64x64xf32, #tpu.memory_space<vmem>>[vector<16xi32>, vector<16xi32>], vector<16xf32>,
      %gather3A_911 = tpu.vector_load_idx %arg13[%add3A_823, %broadcast_in_dim3A_909] : memref<64x64xf32, #tpu.memory_space<vmem>>[vector<16xi32>, vector<16xi32>], vector<16xf32>,
      %gather3A_912 = tpu.vector_load_idx %arg14[%get3A_827, %broadcast_in_dim3A_909] : memref<3x64xf32, #tpu.memory_space<vmem>>[vector<16xi32>, vector<16xi32>], vector<16xf32>,
      %mul3A_913 = arith.mulf %gather3A_910, %gather3A_911 : vector<16xf32>
      %add3A_914 = arith.addf %add3A_907, %mul3A_913 : vector<16xf32>
      %add3A_915 = arith.addf %gather3A_910, %gather3A_911 : vector<16xf32>
      %mul3A_916 = arith.mulf %gather3A_912, %add3A_915 : vector<16xf32>
      %add3A_917 = arith.addf %add3A_914, %mul3A_916 : vector<16xf32>
      %broadcast_in_dim3A_918 = arith.constant 9 : i32
      %broadcast_in_dim3A_919 = vector.broadcast %broadcast_in_dim3A_918 : i32 to vector<16xi32>
      %gather3A_920 = tpu.vector_load_idx %arg12[%add3A_823, %broadcast_in_dim3A_919] : memref<64x64xf32, #tpu.memory_space<vmem>>[vector<16xi32>, vector<16xi32>], vector<16xf32>,
      %gather3A_921 = tpu.vector_load_idx %arg13[%add3A_823, %broadcast_in_dim3A_919] : memref<64x64xf32, #tpu.memory_space<vmem>>[vector<16xi32>, vector<16xi32>], vector<16xf32>,
      %gather3A_922 = tpu.vector_load_idx %arg14[%get3A_827, %broadcast_in_dim3A_919] : memref<3x64xf32, #tpu.memory_space<vmem>>[vector<16xi32>, vector<16xi32>], vector<16xf32>,
      %mul3A_923 = arith.mulf %gather3A_920, %gather3A_921 : vector<16xf32>
      %add3A_924 = arith.addf %add3A_917, %mul3A_923 : vector<16xf32>
      %add3A_925 = arith.addf %gather3A_920, %gather3A_921 : vector<16xf32>
      %mul3A_926 = arith.mulf %gather3A_922, %add3A_925 : vector<16xf32>
      %add3A_927 = arith.addf %add3A_924, %mul3A_926 : vector<16xf32>
      %broadcast_in_dim3A_928 = arith.constant 10 : i32
      %broadcast_in_dim3A_929 = vector.broadcast %broadcast_in_dim3A_928 : i32 to vector<16xi32>
      %gather3A_930 = tpu.vector_load_idx %arg12[%add3A_823, %broadcast_in_dim3A_929] : memref<64x64xf32, #tpu.memory_space<vmem>>[vector<16xi32>, vector<16xi32>], vector<16xf32>,
      %gather3A_931 = tpu.vector_load_idx %arg13[%add3A_823, %broadcast_in_dim3A_929] : memref<64x64xf32, #tpu.memory_space<vmem>>[vector<16xi32>, vector<16xi32>], vector<16xf32>,
      %gather3A_932 = tpu.vector_load_idx %arg14[%get3A_827, %broadcast_in_dim3A_929] : memref<3x64xf32, #tpu.memory_space<vmem>>[vector<16xi32>, vector<16xi32>], vector<16xf32>,
      %mul3A_933 = arith.mulf %gather3A_930, %gather3A_931 : vector<16xf32>
      %add3A_934 = arith.addf %add3A_927, %mul3A_933 : vector<16xf32>
      %add3A_935 = arith.addf %gather3A_930, %gather3A_931 : vector<16xf32>
      %mul3A_936 = arith.mulf %gather3A_932, %add3A_935 : vector<16xf32>
      %add3A_937 = arith.addf %add3A_934, %mul3A_936 : vector<16xf32>
      %broadcast_in_dim3A_938 = arith.constant 11 : i32
      %broadcast_in_dim3A_939 = vector.broadcast %broadcast_in_dim3A_938 : i32 to vector<16xi32>
      %gather3A_940 = tpu.vector_load_idx %arg12[%add3A_823, %broadcast_in_dim3A_939] : memref<64x64xf32, #tpu.memory_space<vmem>>[vector<16xi32>, vector<16xi32>], vector<16xf32>,
      %gather3A_941 = tpu.vector_load_idx %arg13[%add3A_823, %broadcast_in_dim3A_939] : memref<64x64xf32, #tpu.memory_space<vmem>>[vector<16xi32>, vector<16xi32>], vector<16xf32>,
      %gather3A_942 = tpu.vector_load_idx %arg14[%get3A_827, %broadcast_in_dim3A_939] : memref<3x64xf32, #tpu.memory_space<vmem>>[vector<16xi32>, vector<16xi32>], vector<16xf32>,
      %mul3A_943 = arith.mulf %gather3A_940, %gather3A_941 : vector<16xf32>
      %add3A_944 = arith.addf %add3A_937, %mul3A_943 : vector<16xf32>
      %add3A_945 = arith.addf %gather3A_940, %gather3A_941 : vector<16xf32>
      %mul3A_946 = arith.mulf %gather3A_942, %add3A_945 : vector<16xf32>
      %add3A_947 = arith.addf %add3A_944, %mul3A_946 : vector<16xf32>
      %broadcast_in_dim3A_948 = arith.constant 12 : i32
      %broadcast_in_dim3A_949 = vector.broadcast %broadcast_in_dim3A_948 : i32 to vector<16xi32>
      %gather3A_950 = tpu.vector_load_idx %arg12[%add3A_823, %broadcast_in_dim3A_949] : memref<64x64xf32, #tpu.memory_space<vmem>>[vector<16xi32>, vector<16xi32>], vector<16xf32>,
      %gather3A_951 = tpu.vector_load_idx %arg13[%add3A_823, %broadcast_in_dim3A_949] : memref<64x64xf32, #tpu.memory_space<vmem>>[vector<16xi32>, vector<16xi32>], vector<16xf32>,
      %gather3A_952 = tpu.vector_load_idx %arg14[%get3A_827, %broadcast_in_dim3A_949] : memref<3x64xf32, #tpu.memory_space<vmem>>[vector<16xi32>, vector<16xi32>], vector<16xf32>,
      %mul3A_953 = arith.mulf %gather3A_950, %gather3A_951 : vector<16xf32>
      %add3A_954 = arith.addf %add3A_947, %mul3A_953 : vector<16xf32>
      %add3A_955 = arith.addf %gather3A_950, %gather3A_951 : vector<16xf32>
      %mul3A_956 = arith.mulf %gather3A_952, %add3A_955 : vector<16xf32>
      %add3A_957 = arith.addf %add3A_954, %mul3A_956 : vector<16xf32>
      %broadcast_in_dim3A_958 = arith.constant 13 : i32
      %broadcast_in_dim3A_959 = vector.broadcast %broadcast_in_dim3A_958 : i32 to vector<16xi32>
      %gather3A_960 = tpu.vector_load_idx %arg12[%add3A_823, %broadcast_in_dim3A_959] : memref<64x64xf32, #tpu.memory_space<vmem>>[vector<16xi32>, vector<16xi32>], vector<16xf32>,
      %gather3A_961 = tpu.vector_load_idx %arg13[%add3A_823, %broadcast_in_dim3A_959] : memref<64x64xf32, #tpu.memory_space<vmem>>[vector<16xi32>, vector<16xi32>], vector<16xf32>,
      %gather3A_962 = tpu.vector_load_idx %arg14[%get3A_827, %broadcast_in_dim3A_959] : memref<3x64xf32, #tpu.memory_space<vmem>>[vector<16xi32>, vector<16xi32>], vector<16xf32>,
      %mul3A_963 = arith.mulf %gather3A_960, %gather3A_961 : vector<16xf32>
      %add3A_964 = arith.addf %add3A_957, %mul3A_963 : vector<16xf32>
      %add3A_965 = arith.addf %gather3A_960, %gather3A_961 : vector<16xf32>
      %mul3A_966 = arith.mulf %gather3A_962, %add3A_965 : vector<16xf32>
      %add3A_967 = arith.addf %add3A_964, %mul3A_966 : vector<16xf32>
      %broadcast_in_dim3A_968 = arith.constant 14 : i32
      %broadcast_in_dim3A_969 = vector.broadcast %broadcast_in_dim3A_968 : i32 to vector<16xi32>
      %gather3A_970 = tpu.vector_load_idx %arg12[%add3A_823, %broadcast_in_dim3A_969] : memref<64x64xf32, #tpu.memory_space<vmem>>[vector<16xi32>, vector<16xi32>], vector<16xf32>,
      %gather3A_971 = tpu.vector_load_idx %arg13[%add3A_823, %broadcast_in_dim3A_969] : memref<64x64xf32, #tpu.memory_space<vmem>>[vector<16xi32>, vector<16xi32>], vector<16xf32>,
      %gather3A_972 = tpu.vector_load_idx %arg14[%get3A_827, %broadcast_in_dim3A_969] : memref<3x64xf32, #tpu.memory_space<vmem>>[vector<16xi32>, vector<16xi32>], vector<16xf32>,
      %mul3A_973 = arith.mulf %gather3A_970, %gather3A_971 : vector<16xf32>
      %add3A_974 = arith.addf %add3A_967, %mul3A_973 : vector<16xf32>
      %add3A_975 = arith.addf %gather3A_970, %gather3A_971 : vector<16xf32>
      %mul3A_976 = arith.mulf %gather3A_972, %add3A_975 : vector<16xf32>
      %add3A_977 = arith.addf %add3A_974, %mul3A_976 : vector<16xf32>
      %broadcast_in_dim3A_978 = arith.constant 15 : i32
      %broadcast_in_dim3A_979 = vector.broadcast %broadcast_in_dim3A_978 : i32 to vector<16xi32>
      %gather3A_980 = tpu.vector_load_idx %arg12[%add3A_823, %broadcast_in_dim3A_979] : memref<64x64xf32, #tpu.memory_space<vmem>>[vector<16xi32>, vector<16xi32>], vector<16xf32>,
      %gather3A_981 = tpu.vector_load_idx %arg13[%add3A_823, %broadcast_in_dim3A_979] : memref<64x64xf32, #tpu.memory_space<vmem>>[vector<16xi32>, vector<16xi32>], vector<16xf32>,
      %gather3A_982 = tpu.vector_load_idx %arg14[%get3A_827, %broadcast_in_dim3A_979] : memref<3x64xf32, #tpu.memory_space<vmem>>[vector<16xi32>, vector<16xi32>], vector<16xf32>,
      %mul3A_983 = arith.mulf %gather3A_980, %gather3A_981 : vector<16xf32>
      %add3A_984 = arith.addf %add3A_977, %mul3A_983 : vector<16xf32>
      %add3A_985 = arith.addf %gather3A_980, %gather3A_981 : vector<16xf32>
      %mul3A_986 = arith.mulf %gather3A_982, %add3A_985 : vector<16xf32>
      %add3A_987 = arith.addf %add3A_984, %mul3A_986 : vector<16xf32>
      %broadcast_in_dim3A_988 = arith.constant 16 : i32
      %broadcast_in_dim3A_989 = vector.broadcast %broadcast_in_dim3A_988 : i32 to vector<16xi32>
      %gather3A_990 = tpu.vector_load_idx %arg12[%add3A_823, %broadcast_in_dim3A_989] : memref<64x64xf32, #tpu.memory_space<vmem>>[vector<16xi32>, vector<16xi32>], vector<16xf32>,
      %gather3A_991 = tpu.vector_load_idx %arg13[%add3A_823, %broadcast_in_dim3A_989] : memref<64x64xf32, #tpu.memory_space<vmem>>[vector<16xi32>, vector<16xi32>], vector<16xf32>,
      %gather3A_992 = tpu.vector_load_idx %arg14[%get3A_827, %broadcast_in_dim3A_989] : memref<3x64xf32, #tpu.memory_space<vmem>>[vector<16xi32>, vector<16xi32>], vector<16xf32>,
      %mul3A_993 = arith.mulf %gather3A_990, %gather3A_991 : vector<16xf32>
      %add3A_994 = arith.addf %add3A_987, %mul3A_993 : vector<16xf32>
      %add3A_995 = arith.addf %gather3A_990, %gather3A_991 : vector<16xf32>
      %mul3A_996 = arith.mulf %gather3A_992, %add3A_995 : vector<16xf32>
      %add3A_997 = arith.addf %add3A_994, %mul3A_996 : vector<16xf32>
      %broadcast_in_dim3A_998 = arith.constant 17 : i32
      %broadcast_in_dim3A_999 = vector.broadcast %broadcast_in_dim3A_998 : i32 to vector<16xi32>
      %gather3A_1000 = tpu.vector_load_idx %arg12[%add3A_823, %broadcast_in_dim3A_999] : memref<64x64xf32, #tpu.memory_space<vmem>>[vector<16xi32>, vector<16xi32>], vector<16xf32>,
      %gather3A_1001 = tpu.vector_load_idx %arg13[%add3A_823, %broadcast_in_dim3A_999] : memref<64x64xf32, #tpu.memory_space<vmem>>[vector<16xi32>, vector<16xi32>], vector<16xf32>,
      %gather3A_1002 = tpu.vector_load_idx %arg14[%get3A_827, %broadcast_in_dim3A_999] : memref<3x64xf32, #tpu.memory_space<vmem>>[vector<16xi32>, vector<16xi32>], vector<16xf32>,
      %mul3A_1003 = arith.mulf %gather3A_1000, %gather3A_1001 : vector<16xf32>
      %add3A_1004 = arith.addf %add3A_997, %mul3A_1003 : vector<16xf32>
      %add3A_1005 = arith.addf %gather3A_1000, %gather3A_1001 : vector<16xf32>
      %mul3A_1006 = arith.mulf %gather3A_1002, %add3A_1005 : vector<16xf32>
      %add3A_1007 = arith.addf %add3A_1004, %mul3A_1006 : vector<16xf32>
      %broadcast_in_dim3A_1008 = arith.constant 18 : i32
      %broadcast_in_dim3A_1009 = vector.broadcast %broadcast_in_dim3A_1008 : i32 to vector<16xi32>
      %gather3A_1010 = tpu.vector_load_idx %arg12[%add3A_823, %broadcast_in_dim3A_1009] : memref<64x64xf32, #tpu.memory_space<vmem>>[vector<16xi32>, vector<16xi32>], vector<16xf32>,
      %gather3A_1011 = tpu.vector_load_idx %arg13[%add3A_823, %broadcast_in_dim3A_1009] : memref<64x64xf32, #tpu.memory_space<vmem>>[vector<16xi32>, vector<16xi32>], vector<16xf32>,
      %gather3A_1012 = tpu.vector_load_idx %arg14[%get3A_827, %broadcast_in_dim3A_1009] : memref<3x64xf32, #tpu.memory_space<vmem>>[vector<16xi32>, vector<16xi32>], vector<16xf32>,
      %mul3A_1013 = arith.mulf %gather3A_1010, %gather3A_1011 : vector<16xf32>
      %add3A_1014 = arith.addf %add3A_1007, %mul3A_1013 : vector<16xf32>
      %add3A_1015 = arith.addf %gather3A_1010, %gather3A_1011 : vector<16xf32>
      %mul3A_1016 = arith.mulf %gather3A_1012, %add3A_1015 : vector<16xf32>
      %add3A_1017 = arith.addf %add3A_1014, %mul3A_1016 : vector<16xf32>
      %broadcast_in_dim3A_1018 = arith.constant 19 : i32
      %broadcast_in_dim3A_1019 = vector.broadcast %broadcast_in_dim3A_1018 : i32 to vector<16xi32>
      %gather3A_1020 = tpu.vector_load_idx %arg12[%add3A_823, %broadcast_in_dim3A_1019] : memref<64x64xf32, #tpu.memory_space<vmem>>[vector<16xi32>, vector<16xi32>], vector<16xf32>,
      %gather3A_1021 = tpu.vector_load_idx %arg13[%add3A_823, %broadcast_in_dim3A_1019] : memref<64x64xf32, #tpu.memory_space<vmem>>[vector<16xi32>, vector<16xi32>], vector<16xf32>,
      %gather3A_1022 = tpu.vector_load_idx %arg14[%get3A_827, %broadcast_in_dim3A_1019] : memref<3x64xf32, #tpu.memory_space<vmem>>[vector<16xi32>, vector<16xi32>], vector<16xf32>,
      %mul3A_1023 = arith.mulf %gather3A_1020, %gather3A_1021 : vector<16xf32>
      %add3A_1024 = arith.addf %add3A_1017, %mul3A_1023 : vector<16xf32>
      %add3A_1025 = arith.addf %gather3A_1020, %gather3A_1021 : vector<16xf32>
      %mul3A_1026 = arith.mulf %gather3A_1022, %add3A_1025 : vector<16xf32>
      %add3A_1027 = arith.addf %add3A_1024, %mul3A_1026 : vector<16xf32>
      %broadcast_in_dim3A_1028 = arith.constant 20 : i32
      %broadcast_in_dim3A_1029 = vector.broadcast %broadcast_in_dim3A_1028 : i32 to vector<16xi32>
      %gather3A_1030 = tpu.vector_load_idx %arg12[%add3A_823, %broadcast_in_dim3A_1029] : memref<64x64xf32, #tpu.memory_space<vmem>>[vector<16xi32>, vector<16xi32>], vector<16xf32>,
      %gather3A_1031 = tpu.vector_load_idx %arg13[%add3A_823, %broadcast_in_dim3A_1029] : memref<64x64xf32, #tpu.memory_space<vmem>>[vector<16xi32>, vector<16xi32>], vector<16xf32>,
      %gather3A_1032 = tpu.vector_load_idx %arg14[%get3A_827, %broadcast_in_dim3A_1029] : memref<3x64xf32, #tpu.memory_space<vmem>>[vector<16xi32>, vector<16xi32>], vector<16xf32>,
      %mul3A_1033 = arith.mulf %gather3A_1030, %gather3A_1031 : vector<16xf32>
      %add3A_1034 = arith.addf %add3A_1027, %mul3A_1033 : vector<16xf32>
      %add3A_1035 = arith.addf %gather3A_1030, %gather3A_1031 : vector<16xf32>
      %mul3A_1036 = arith.mulf %gather3A_1032, %add3A_1035 : vector<16xf32>
      %add3A_1037 = arith.addf %add3A_1034, %mul3A_1036 : vector<16xf32>
      %broadcast_in_dim3A_1038 = arith.constant 21 : i32
      %broadcast_in_dim3A_1039 = vector.broadcast %broadcast_in_dim3A_1038 : i32 to vector<16xi32>
      %gather3A_1040 = tpu.vector_load_idx %arg12[%add3A_823, %broadcast_in_dim3A_1039] : memref<64x64xf32, #tpu.memory_space<vmem>>[vector<16xi32>, vector<16xi32>], vector<16xf32>,
      %gather3A_1041 = tpu.vector_load_idx %arg13[%add3A_823, %broadcast_in_dim3A_1039] : memref<64x64xf32, #tpu.memory_space<vmem>>[vector<16xi32>, vector<16xi32>], vector<16xf32>,
      %gather3A_1042 = tpu.vector_load_idx %arg14[%get3A_827, %broadcast_in_dim3A_1039] : memref<3x64xf32, #tpu.memory_space<vmem>>[vector<16xi32>, vector<16xi32>], vector<16xf32>,
      %mul3A_1043 = arith.mulf %gather3A_1040, %gather3A_1041 : vector<16xf32>
      %add3A_1044 = arith.addf %add3A_1037, %mul3A_1043 : vector<16xf32>
      %add3A_1045 = arith.addf %gather3A_1040, %gather3A_1041 : vector<16xf32>
      %mul3A_1046 = arith.mulf %gather3A_1042, %add3A_1045 : vector<16xf32>
      %add3A_1047 = arith.addf %add3A_1044, %mul3A_1046 : vector<16xf32>
      %broadcast_in_dim3A_1048 = arith.constant 22 : i32
      %broadcast_in_dim3A_1049 = vector.broadcast %broadcast_in_dim3A_1048 : i32 to vector<16xi32>
      %gather3A_1050 = tpu.vector_load_idx %arg12[%add3A_823, %broadcast_in_dim3A_1049] : memref<64x64xf32, #tpu.memory_space<vmem>>[vector<16xi32>, vector<16xi32>], vector<16xf32>,
      %gather3A_1051 = tpu.vector_load_idx %arg13[%add3A_823, %broadcast_in_dim3A_1049] : memref<64x64xf32, #tpu.memory_space<vmem>>[vector<16xi32>, vector<16xi32>], vector<16xf32>,
      %gather3A_1052 = tpu.vector_load_idx %arg14[%get3A_827, %broadcast_in_dim3A_1049] : memref<3x64xf32, #tpu.memory_space<vmem>>[vector<16xi32>, vector<16xi32>], vector<16xf32>,
      %mul3A_1053 = arith.mulf %gather3A_1050, %gather3A_1051 : vector<16xf32>
      %add3A_1054 = arith.addf %add3A_1047, %mul3A_1053 : vector<16xf32>
      %add3A_1055 = arith.addf %gather3A_1050, %gather3A_1051 : vector<16xf32>
      %mul3A_1056 = arith.mulf %gather3A_1052, %add3A_1055 : vector<16xf32>
      %add3A_1057 = arith.addf %add3A_1054, %mul3A_1056 : vector<16xf32>
      %broadcast_in_dim3A_1058 = arith.constant 23 : i32
      %broadcast_in_dim3A_1059 = vector.broadcast %broadcast_in_dim3A_1058 : i32 to vector<16xi32>
      %gather3A_1060 = tpu.vector_load_idx %arg12[%add3A_823, %broadcast_in_dim3A_1059] : memref<64x64xf32, #tpu.memory_space<vmem>>[vector<16xi32>, vector<16xi32>], vector<16xf32>,
      %gather3A_1061 = tpu.vector_load_idx %arg13[%add3A_823, %broadcast_in_dim3A_1059] : memref<64x64xf32, #tpu.memory_space<vmem>>[vector<16xi32>, vector<16xi32>], vector<16xf32>,
      %gather3A_1062 = tpu.vector_load_idx %arg14[%get3A_827, %broadcast_in_dim3A_1059] : memref<3x64xf32, #tpu.memory_space<vmem>>[vector<16xi32>, vector<16xi32>], vector<16xf32>,
      %mul3A_1063 = arith.mulf %gather3A_1060, %gather3A_1061 : vector<16xf32>
      %add3A_1064 = arith.addf %add3A_1057, %mul3A_1063 : vector<16xf32>
      %add3A_1065 = arith.addf %gather3A_1060, %gather3A_1061 : vector<16xf32>
      %mul3A_1066 = arith.mulf %gather3A_1062, %add3A_1065 : vector<16xf32>
      %add3A_1067 = arith.addf %add3A_1064, %mul3A_1066 : vector<16xf32>
      %broadcast_in_dim3A_1068 = arith.constant 24 : i32
      %broadcast_in_dim3A_1069 = vector.broadcast %broadcast_in_dim3A_1068 : i32 to vector<16xi32>
      %gather3A_1070 = tpu.vector_load_idx %arg12[%add3A_823, %broadcast_in_dim3A_1069] : memref<64x64xf32, #tpu.memory_space<vmem>>[vector<16xi32>, vector<16xi32>], vector<16xf32>,
      %gather3A_1071 = tpu.vector_load_idx %arg13[%add3A_823, %broadcast_in_dim3A_1069] : memref<64x64xf32, #tpu.memory_space<vmem>>[vector<16xi32>, vector<16xi32>], vector<16xf32>,
      %gather3A_1072 = tpu.vector_load_idx %arg14[%get3A_827, %broadcast_in_dim3A_1069] : memref<3x64xf32, #tpu.memory_space<vmem>>[vector<16xi32>, vector<16xi32>], vector<16xf32>,
      %mul3A_1073 = arith.mulf %gather3A_1070, %gather3A_1071 : vector<16xf32>
      %add3A_1074 = arith.addf %add3A_1067, %mul3A_1073 : vector<16xf32>
      %add3A_1075 = arith.addf %gather3A_1070, %gather3A_1071 : vector<16xf32>
      %mul3A_1076 = arith.mulf %gather3A_1072, %add3A_1075 : vector<16xf32>
      %add3A_1077 = arith.addf %add3A_1074, %mul3A_1076 : vector<16xf32>
      %broadcast_in_dim3A_1078 = arith.constant 25 : i32
      %broadcast_in_dim3A_1079 = vector.broadcast %broadcast_in_dim3A_1078 : i32 to vector<16xi32>
      %gather3A_1080 = tpu.vector_load_idx %arg12[%add3A_823, %broadcast_in_dim3A_1079] : memref<64x64xf32, #tpu.memory_space<vmem>>[vector<16xi32>, vector<16xi32>], vector<16xf32>,
      %gather3A_1081 = tpu.vector_load_idx %arg13[%add3A_823, %broadcast_in_dim3A_1079] : memref<64x64xf32, #tpu.memory_space<vmem>>[vector<16xi32>, vector<16xi32>], vector<16xf32>,
      %gather3A_1082 = tpu.vector_load_idx %arg14[%get3A_827, %broadcast_in_dim3A_1079] : memref<3x64xf32, #tpu.memory_space<vmem>>[vector<16xi32>, vector<16xi32>], vector<16xf32>,
      %mul3A_1083 = arith.mulf %gather3A_1080, %gather3A_1081 : vector<16xf32>
      %add3A_1084 = arith.addf %add3A_1077, %mul3A_1083 : vector<16xf32>
      %add3A_1085 = arith.addf %gather3A_1080, %gather3A_1081 : vector<16xf32>
      %mul3A_1086 = arith.mulf %gather3A_1082, %add3A_1085 : vector<16xf32>
      %add3A_1087 = arith.addf %add3A_1084, %mul3A_1086 : vector<16xf32>
      %broadcast_in_dim3A_1088 = arith.constant 26 : i32
      %broadcast_in_dim3A_1089 = vector.broadcast %broadcast_in_dim3A_1088 : i32 to vector<16xi32>
      %gather3A_1090 = tpu.vector_load_idx %arg12[%add3A_823, %broadcast_in_dim3A_1089] : memref<64x64xf32, #tpu.memory_space<vmem>>[vector<16xi32>, vector<16xi32>], vector<16xf32>,
      %gather3A_1091 = tpu.vector_load_idx %arg13[%add3A_823, %broadcast_in_dim3A_1089] : memref<64x64xf32, #tpu.memory_space<vmem>>[vector<16xi32>, vector<16xi32>], vector<16xf32>,
      %gather3A_1092 = tpu.vector_load_idx %arg14[%get3A_827, %broadcast_in_dim3A_1089] : memref<3x64xf32, #tpu.memory_space<vmem>>[vector<16xi32>, vector<16xi32>], vector<16xf32>,
      %mul3A_1093 = arith.mulf %gather3A_1090, %gather3A_1091 : vector<16xf32>
      %add3A_1094 = arith.addf %add3A_1087, %mul3A_1093 : vector<16xf32>
      %add3A_1095 = arith.addf %gather3A_1090, %gather3A_1091 : vector<16xf32>
      %mul3A_1096 = arith.mulf %gather3A_1092, %add3A_1095 : vector<16xf32>
      %add3A_1097 = arith.addf %add3A_1094, %mul3A_1096 : vector<16xf32>
      %broadcast_in_dim3A_1098 = arith.constant 27 : i32
      %broadcast_in_dim3A_1099 = vector.broadcast %broadcast_in_dim3A_1098 : i32 to vector<16xi32>
      %gather3A_1100 = tpu.vector_load_idx %arg12[%add3A_823, %broadcast_in_dim3A_1099] : memref<64x64xf32, #tpu.memory_space<vmem>>[vector<16xi32>, vector<16xi32>], vector<16xf32>,
      %gather3A_1101 = tpu.vector_load_idx %arg13[%add3A_823, %broadcast_in_dim3A_1099] : memref<64x64xf32, #tpu.memory_space<vmem>>[vector<16xi32>, vector<16xi32>], vector<16xf32>,
      %gather3A_1102 = tpu.vector_load_idx %arg14[%get3A_827, %broadcast_in_dim3A_1099] : memref<3x64xf32, #tpu.memory_space<vmem>>[vector<16xi32>, vector<16xi32>], vector<16xf32>,
      %mul3A_1103 = arith.mulf %gather3A_1100, %gather3A_1101 : vector<16xf32>
      %add3A_1104 = arith.addf %add3A_1097, %mul3A_1103 : vector<16xf32>
      %add3A_1105 = arith.addf %gather3A_1100, %gather3A_1101 : vector<16xf32>
      %mul3A_1106 = arith.mulf %gather3A_1102, %add3A_1105 : vector<16xf32>
      %add3A_1107 = arith.addf %add3A_1104, %mul3A_1106 : vector<16xf32>
      %broadcast_in_dim3A_1108 = arith.constant 28 : i32
      %broadcast_in_dim3A_1109 = vector.broadcast %broadcast_in_dim3A_1108 : i32 to vector<16xi32>
      %gather3A_1110 = tpu.vector_load_idx %arg12[%add3A_823, %broadcast_in_dim3A_1109] : memref<64x64xf32, #tpu.memory_space<vmem>>[vector<16xi32>, vector<16xi32>], vector<16xf32>,
      %gather3A_1111 = tpu.vector_load_idx %arg13[%add3A_823, %broadcast_in_dim3A_1109] : memref<64x64xf32, #tpu.memory_space<vmem>>[vector<16xi32>, vector<16xi32>], vector<16xf32>,
      %gather3A_1112 = tpu.vector_load_idx %arg14[%get3A_827, %broadcast_in_dim3A_1109] : memref<3x64xf32, #tpu.memory_space<vmem>>[vector<16xi32>, vector<16xi32>], vector<16xf32>,
      %mul3A_1113 = arith.mulf %gather3A_1110, %gather3A_1111 : vector<16xf32>
      %add3A_1114 = arith.addf %add3A_1107, %mul3A_1113 : vector<16xf32>
      %add3A_1115 = arith.addf %gather3A_1110, %gather3A_1111 : vector<16xf32>
      %mul3A_1116 = arith.mulf %gather3A_1112, %add3A_1115 : vector<16xf32>
      %add3A_1117 = arith.addf %add3A_1114, %mul3A_1116 : vector<16xf32>
      %broadcast_in_dim3A_1118 = arith.constant 29 : i32
      %broadcast_in_dim3A_1119 = vector.broadcast %broadcast_in_dim3A_1118 : i32 to vector<16xi32>
      %gather3A_1120 = tpu.vector_load_idx %arg12[%add3A_823, %broadcast_in_dim3A_1119] : memref<64x64xf32, #tpu.memory_space<vmem>>[vector<16xi32>, vector<16xi32>], vector<16xf32>,
      %gather3A_1121 = tpu.vector_load_idx %arg13[%add3A_823, %broadcast_in_dim3A_1119] : memref<64x64xf32, #tpu.memory_space<vmem>>[vector<16xi32>, vector<16xi32>], vector<16xf32>,
      %gather3A_1122 = tpu.vector_load_idx %arg14[%get3A_827, %broadcast_in_dim3A_1119] : memref<3x64xf32, #tpu.memory_space<vmem>>[vector<16xi32>, vector<16xi32>], vector<16xf32>,
      %mul3A_1123 = arith.mulf %gather3A_1120, %gather3A_1121 : vector<16xf32>
      %add3A_1124 = arith.addf %add3A_1117, %mul3A_1123 : vector<16xf32>
      %add3A_1125 = arith.addf %gather3A_1120, %gather3A_1121 : vector<16xf32>
      %mul3A_1126 = arith.mulf %gather3A_1122, %add3A_1125 : vector<16xf32>
      %add3A_1127 = arith.addf %add3A_1124, %mul3A_1126 : vector<16xf32>
      %broadcast_in_dim3A_1128 = arith.constant 30 : i32
      %broadcast_in_dim3A_1129 = vector.broadcast %broadcast_in_dim3A_1128 : i32 to vector<16xi32>
      %gather3A_1130 = tpu.vector_load_idx %arg12[%add3A_823, %broadcast_in_dim3A_1129] : memref<64x64xf32, #tpu.memory_space<vmem>>[vector<16xi32>, vector<16xi32>], vector<16xf32>,
      %gather3A_1131 = tpu.vector_load_idx %arg13[%add3A_823, %broadcast_in_dim3A_1129] : memref<64x64xf32, #tpu.memory_space<vmem>>[vector<16xi32>, vector<16xi32>], vector<16xf32>,
      %gather3A_1132 = tpu.vector_load_idx %arg14[%get3A_827, %broadcast_in_dim3A_1129] : memref<3x64xf32, #tpu.memory_space<vmem>>[vector<16xi32>, vector<16xi32>], vector<16xf32>,
      %mul3A_1133 = arith.mulf %gather3A_1130, %gather3A_1131 : vector<16xf32>
      %add3A_1134 = arith.addf %add3A_1127, %mul3A_1133 : vector<16xf32>
      %add3A_1135 = arith.addf %gather3A_1130, %gather3A_1131 : vector<16xf32>
      %mul3A_1136 = arith.mulf %gather3A_1132, %add3A_1135 : vector<16xf32>
      %add3A_1137 = arith.addf %add3A_1134, %mul3A_1136 : vector<16xf32>
      %broadcast_in_dim3A_1138 = arith.constant 31 : i32
      %broadcast_in_dim3A_1139 = vector.broadcast %broadcast_in_dim3A_1138 : i32 to vector<16xi32>
      %gather3A_1140 = tpu.vector_load_idx %arg12[%add3A_823, %broadcast_in_dim3A_1139] : memref<64x64xf32, #tpu.memory_space<vmem>>[vector<16xi32>, vector<16xi32>], vector<16xf32>,
      %gather3A_1141 = tpu.vector_load_idx %arg13[%add3A_823, %broadcast_in_dim3A_1139] : memref<64x64xf32, #tpu.memory_space<vmem>>[vector<16xi32>, vector<16xi32>], vector<16xf32>,
      %gather3A_1142 = tpu.vector_load_idx %arg14[%get3A_827, %broadcast_in_dim3A_1139] : memref<3x64xf32, #tpu.memory_space<vmem>>[vector<16xi32>, vector<16xi32>], vector<16xf32>,
      %mul3A_1143 = arith.mulf %gather3A_1140, %gather3A_1141 : vector<16xf32>
      %add3A_1144 = arith.addf %add3A_1137, %mul3A_1143 : vector<16xf32>
      %add3A_1145 = arith.addf %gather3A_1140, %gather3A_1141 : vector<16xf32>
      %mul3A_1146 = arith.mulf %gather3A_1142, %add3A_1145 : vector<16xf32>
      %add3A_1147 = arith.addf %add3A_1144, %mul3A_1146 : vector<16xf32>
      %broadcast_in_dim3A_1148 = arith.constant 32 : i32
      %broadcast_in_dim3A_1149 = vector.broadcast %broadcast_in_dim3A_1148 : i32 to vector<16xi32>
      %gather3A_1150 = tpu.vector_load_idx %arg12[%add3A_823, %broadcast_in_dim3A_1149] : memref<64x64xf32, #tpu.memory_space<vmem>>[vector<16xi32>, vector<16xi32>], vector<16xf32>,
      %gather3A_1151 = tpu.vector_load_idx %arg13[%add3A_823, %broadcast_in_dim3A_1149] : memref<64x64xf32, #tpu.memory_space<vmem>>[vector<16xi32>, vector<16xi32>], vector<16xf32>,
      %gather3A_1152 = tpu.vector_load_idx %arg14[%get3A_827, %broadcast_in_dim3A_1149] : memref<3x64xf32, #tpu.memory_space<vmem>>[vector<16xi32>, vector<16xi32>], vector<16xf32>,
      %mul3A_1153 = arith.mulf %gather3A_1150, %gather3A_1151 : vector<16xf32>
      %add3A_1154 = arith.addf %add3A_1147, %mul3A_1153 : vector<16xf32>
      %add3A_1155 = arith.addf %gather3A_1150, %gather3A_1151 : vector<16xf32>
      %mul3A_1156 = arith.mulf %gather3A_1152, %add3A_1155 : vector<16xf32>
      %add3A_1157 = arith.addf %add3A_1154, %mul3A_1156 : vector<16xf32>
      %broadcast_in_dim3A_1158 = arith.constant 33 : i32
      %broadcast_in_dim3A_1159 = vector.broadcast %broadcast_in_dim3A_1158 : i32 to vector<16xi32>
      %gather3A_1160 = tpu.vector_load_idx %arg12[%add3A_823, %broadcast_in_dim3A_1159] : memref<64x64xf32, #tpu.memory_space<vmem>>[vector<16xi32>, vector<16xi32>], vector<16xf32>,
      %gather3A_1161 = tpu.vector_load_idx %arg13[%add3A_823, %broadcast_in_dim3A_1159] : memref<64x64xf32, #tpu.memory_space<vmem>>[vector<16xi32>, vector<16xi32>], vector<16xf32>,
      %gather3A_1162 = tpu.vector_load_idx %arg14[%get3A_827, %broadcast_in_dim3A_1159] : memref<3x64xf32, #tpu.memory_space<vmem>>[vector<16xi32>, vector<16xi32>], vector<16xf32>,
      %mul3A_1163 = arith.mulf %gather3A_1160, %gather3A_1161 : vector<16xf32>
      %add3A_1164 = arith.addf %add3A_1157, %mul3A_1163 : vector<16xf32>
      %add3A_1165 = arith.addf %gather3A_1160, %gather3A_1161 : vector<16xf32>
      %mul3A_1166 = arith.mulf %gather3A_1162, %add3A_1165 : vector<16xf32>
      %add3A_1167 = arith.addf %add3A_1164, %mul3A_1166 : vector<16xf32>
      %broadcast_in_dim3A_1168 = arith.constant 34 : i32
      %broadcast_in_dim3A_1169 = vector.broadcast %broadcast_in_dim3A_1168 : i32 to vector<16xi32>
      %gather3A_1170 = tpu.vector_load_idx %arg12[%add3A_823, %broadcast_in_dim3A_1169] : memref<64x64xf32, #tpu.memory_space<vmem>>[vector<16xi32>, vector<16xi32>], vector<16xf32>,
      %gather3A_1171 = tpu.vector_load_idx %arg13[%add3A_823, %broadcast_in_dim3A_1169] : memref<64x64xf32, #tpu.memory_space<vmem>>[vector<16xi32>, vector<16xi32>], vector<16xf32>,
      %gather3A_1172 = tpu.vector_load_idx %arg14[%get3A_827, %broadcast_in_dim3A_1169] : memref<3x64xf32, #tpu.memory_space<vmem>>[vector<16xi32>, vector<16xi32>], vector<16xf32>,
      %mul3A_1173 = arith.mulf %gather3A_1170, %gather3A_1171 : vector<16xf32>
      %add3A_1174 = arith.addf %add3A_1167, %mul3A_1173 : vector<16xf32>
      %add3A_1175 = arith.addf %gather3A_1170, %gather3A_1171 : vector<16xf32>
      %mul3A_1176 = arith.mulf %gather3A_1172, %add3A_1175 : vector<16xf32>
      %add3A_1177 = arith.addf %add3A_1174, %mul3A_1176 : vector<16xf32>
      %broadcast_in_dim3A_1178 = arith.constant 35 : i32
      %broadcast_in_dim3A_1179 = vector.broadcast %broadcast_in_dim3A_1178 : i32 to vector<16xi32>
      %gather3A_1180 = tpu.vector_load_idx %arg12[%add3A_823, %broadcast_in_dim3A_1179] : memref<64x64xf32, #tpu.memory_space<vmem>>[vector<16xi32>, vector<16xi32>], vector<16xf32>,
      %gather3A_1181 = tpu.vector_load_idx %arg13[%add3A_823, %broadcast_in_dim3A_1179] : memref<64x64xf32, #tpu.memory_space<vmem>>[vector<16xi32>, vector<16xi32>], vector<16xf32>,
      %gather3A_1182 = tpu.vector_load_idx %arg14[%get3A_827, %broadcast_in_dim3A_1179] : memref<3x64xf32, #tpu.memory_space<vmem>>[vector<16xi32>, vector<16xi32>], vector<16xf32>,
      %mul3A_1183 = arith.mulf %gather3A_1180, %gather3A_1181 : vector<16xf32>
      %add3A_1184 = arith.addf %add3A_1177, %mul3A_1183 : vector<16xf32>
      %add3A_1185 = arith.addf %gather3A_1180, %gather3A_1181 : vector<16xf32>
      %mul3A_1186 = arith.mulf %gather3A_1182, %add3A_1185 : vector<16xf32>
      %add3A_1187 = arith.addf %add3A_1184, %mul3A_1186 : vector<16xf32>
      %broadcast_in_dim3A_1188 = arith.constant 36 : i32
      %broadcast_in_dim3A_1189 = vector.broadcast %broadcast_in_dim3A_1188 : i32 to vector<16xi32>
      %gather3A_1190 = tpu.vector_load_idx %arg12[%add3A_823, %broadcast_in_dim3A_1189] : memref<64x64xf32, #tpu.memory_space<vmem>>[vector<16xi32>, vector<16xi32>], vector<16xf32>,
      %gather3A_1191 = tpu.vector_load_idx %arg13[%add3A_823, %broadcast_in_dim3A_1189] : memref<64x64xf32, #tpu.memory_space<vmem>>[vector<16xi32>, vector<16xi32>], vector<16xf32>,
      %gather3A_1192 = tpu.vector_load_idx %arg14[%get3A_827, %broadcast_in_dim3A_1189] : memref<3x64xf32, #tpu.memory_space<vmem>>[vector<16xi32>, vector<16xi32>], vector<16xf32>,
      %mul3A_1193 = arith.mulf %gather3A_1190, %gather3A_1191 : vector<16xf32>
      %add3A_1194 = arith.addf %add3A_1187, %mul3A_1193 : vector<16xf32>
      %add3A_1195 = arith.addf %gather3A_1190, %gather3A_1191 : vector<16xf32>
      %mul3A_1196 = arith.mulf %gather3A_1192, %add3A_1195 : vector<16xf32>
      %add3A_1197 = arith.addf %add3A_1194, %mul3A_1196 : vector<16xf32>
      %broadcast_in_dim3A_1198 = arith.constant 37 : i32
      %broadcast_in_dim3A_1199 = vector.broadcast %broadcast_in_dim3A_1198 : i32 to vector<16xi32>
      %gather3A_1200 = tpu.vector_load_idx %arg12[%add3A_823, %broadcast_in_dim3A_1199] : memref<64x64xf32, #tpu.memory_space<vmem>>[vector<16xi32>, vector<16xi32>], vector<16xf32>,
      %gather3A_1201 = tpu.vector_load_idx %arg13[%add3A_823, %broadcast_in_dim3A_1199] : memref<64x64xf32, #tpu.memory_space<vmem>>[vector<16xi32>, vector<16xi32>], vector<16xf32>,
      %gather3A_1202 = tpu.vector_load_idx %arg14[%get3A_827, %broadcast_in_dim3A_1199] : memref<3x64xf32, #tpu.memory_space<vmem>>[vector<16xi32>, vector<16xi32>], vector<16xf32>,
      %mul3A_1203 = arith.mulf %gather3A_1200, %gather3A_1201 : vector<16xf32>
      %add3A_1204 = arith.addf %add3A_1197, %mul3A_1203 : vector<16xf32>
      %add3A_1205 = arith.addf %gather3A_1200, %gather3A_1201 : vector<16xf32>
      %mul3A_1206 = arith.mulf %gather3A_1202, %add3A_1205 : vector<16xf32>
      %add3A_1207 = arith.addf %add3A_1204, %mul3A_1206 : vector<16xf32>
      %broadcast_in_dim3A_1208 = arith.constant 38 : i32
      %broadcast_in_dim3A_1209 = vector.broadcast %broadcast_in_dim3A_1208 : i32 to vector<16xi32>
      %gather3A_1210 = tpu.vector_load_idx %arg12[%add3A_823, %broadcast_in_dim3A_1209] : memref<64x64xf32, #tpu.memory_space<vmem>>[vector<16xi32>, vector<16xi32>], vector<16xf32>,
      %gather3A_1211 = tpu.vector_load_idx %arg13[%add3A_823, %broadcast_in_dim3A_1209] : memref<64x64xf32, #tpu.memory_space<vmem>>[vector<16xi32>, vector<16xi32>], vector<16xf32>,
      %gather3A_1212 = tpu.vector_load_idx %arg14[%get3A_827, %broadcast_in_dim3A_1209] : memref<3x64xf32, #tpu.memory_space<vmem>>[vector<16xi32>, vector<16xi32>], vector<16xf32>,
      %mul3A_1213 = arith.mulf %gather3A_1210, %gather3A_1211 : vector<16xf32>
      %add3A_1214 = arith.addf %add3A_1207, %mul3A_1213 : vector<16xf32>
      %add3A_1215 = arith.addf %gather3A_1210, %gather3A_1211 : vector<16xf32>
      %mul3A_1216 = arith.mulf %gather3A_1212, %add3A_1215 : vector<16xf32>
      %add3A_1217 = arith.addf %add3A_1214, %mul3A_1216 : vector<16xf32>
      %broadcast_in_dim3A_1218 = arith.constant 39 : i32
      %broadcast_in_dim3A_1219 = vector.broadcast %broadcast_in_dim3A_1218 : i32 to vector<16xi32>
      %gather3A_1220 = tpu.vector_load_idx %arg12[%add3A_823, %broadcast_in_dim3A_1219] : memref<64x64xf32, #tpu.memory_space<vmem>>[vector<16xi32>, vector<16xi32>], vector<16xf32>,
      %gather3A_1221 = tpu.vector_load_idx %arg13[%add3A_823, %broadcast_in_dim3A_1219] : memref<64x64xf32, #tpu.memory_space<vmem>>[vector<16xi32>, vector<16xi32>], vector<16xf32>,
      %gather3A_1222 = tpu.vector_load_idx %arg14[%get3A_827, %broadcast_in_dim3A_1219] : memref<3x64xf32, #tpu.memory_space<vmem>>[vector<16xi32>, vector<16xi32>], vector<16xf32>,
      %mul3A_1223 = arith.mulf %gather3A_1220, %gather3A_1221 : vector<16xf32>
      %add3A_1224 = arith.addf %add3A_1217, %mul3A_1223 : vector<16xf32>
      %add3A_1225 = arith.addf %gather3A_1220, %gather3A_1221 : vector<16xf32>
      %mul3A_1226 = arith.mulf %gather3A_1222, %add3A_1225 : vector<16xf32>
      %add3A_1227 = arith.addf %add3A_1224, %mul3A_1226 : vector<16xf32>
      %broadcast_in_dim3A_1228 = arith.constant 40 : i32
      %broadcast_in_dim3A_1229 = vector.broadcast %broadcast_in_dim3A_1228 : i32 to vector<16xi32>
      %gather3A_1230 = tpu.vector_load_idx %arg12[%add3A_823, %broadcast_in_dim3A_1229] : memref<64x64xf32, #tpu.memory_space<vmem>>[vector<16xi32>, vector<16xi32>], vector<16xf32>,
      %gather3A_1231 = tpu.vector_load_idx %arg13[%add3A_823, %broadcast_in_dim3A_1229] : memref<64x64xf32, #tpu.memory_space<vmem>>[vector<16xi32>, vector<16xi32>], vector<16xf32>,
      %gather3A_1232 = tpu.vector_load_idx %arg14[%get3A_827, %broadcast_in_dim3A_1229] : memref<3x64xf32, #tpu.memory_space<vmem>>[vector<16xi32>, vector<16xi32>], vector<16xf32>,
      %mul3A_1233 = arith.mulf %gather3A_1230, %gather3A_1231 : vector<16xf32>
      %add3A_1234 = arith.addf %add3A_1227, %mul3A_1233 : vector<16xf32>
      %add3A_1235 = arith.addf %gather3A_1230, %gather3A_1231 : vector<16xf32>
      %mul3A_1236 = arith.mulf %gather3A_1232, %add3A_1235 : vector<16xf32>
      %add3A_1237 = arith.addf %add3A_1234, %mul3A_1236 : vector<16xf32>
      %broadcast_in_dim3A_1238 = arith.constant 41 : i32
      %broadcast_in_dim3A_1239 = vector.broadcast %broadcast_in_dim3A_1238 : i32 to vector<16xi32>
      %gather3A_1240 = tpu.vector_load_idx %arg12[%add3A_823, %broadcast_in_dim3A_1239] : memref<64x64xf32, #tpu.memory_space<vmem>>[vector<16xi32>, vector<16xi32>], vector<16xf32>,
      %gather3A_1241 = tpu.vector_load_idx %arg13[%add3A_823, %broadcast_in_dim3A_1239] : memref<64x64xf32, #tpu.memory_space<vmem>>[vector<16xi32>, vector<16xi32>], vector<16xf32>,
      %gather3A_1242 = tpu.vector_load_idx %arg14[%get3A_827, %broadcast_in_dim3A_1239] : memref<3x64xf32, #tpu.memory_space<vmem>>[vector<16xi32>, vector<16xi32>], vector<16xf32>,
      %mul3A_1243 = arith.mulf %gather3A_1240, %gather3A_1241 : vector<16xf32>
      %add3A_1244 = arith.addf %add3A_1237, %mul3A_1243 : vector<16xf32>
      %add3A_1245 = arith.addf %gather3A_1240, %gather3A_1241 : vector<16xf32>
      %mul3A_1246 = arith.mulf %gather3A_1242, %add3A_1245 : vector<16xf32>
      %add3A_1247 = arith.addf %add3A_1244, %mul3A_1246 : vector<16xf32>
      %broadcast_in_dim3A_1248 = arith.constant 42 : i32
      %broadcast_in_dim3A_1249 = vector.broadcast %broadcast_in_dim3A_1248 : i32 to vector<16xi32>
      %gather3A_1250 = tpu.vector_load_idx %arg12[%add3A_823, %broadcast_in_dim3A_1249] : memref<64x64xf32, #tpu.memory_space<vmem>>[vector<16xi32>, vector<16xi32>], vector<16xf32>,
      %gather3A_1251 = tpu.vector_load_idx %arg13[%add3A_823, %broadcast_in_dim3A_1249] : memref<64x64xf32, #tpu.memory_space<vmem>>[vector<16xi32>, vector<16xi32>], vector<16xf32>,
      %gather3A_1252 = tpu.vector_load_idx %arg14[%get3A_827, %broadcast_in_dim3A_1249] : memref<3x64xf32, #tpu.memory_space<vmem>>[vector<16xi32>, vector<16xi32>], vector<16xf32>,
      %mul3A_1253 = arith.mulf %gather3A_1250, %gather3A_1251 : vector<16xf32>
      %add3A_1254 = arith.addf %add3A_1247, %mul3A_1253 : vector<16xf32>
      %add3A_1255 = arith.addf %gather3A_1250, %gather3A_1251 : vector<16xf32>
      %mul3A_1256 = arith.mulf %gather3A_1252, %add3A_1255 : vector<16xf32>
      %add3A_1257 = arith.addf %add3A_1254, %mul3A_1256 : vector<16xf32>
      %broadcast_in_dim3A_1258 = arith.constant 43 : i32
      %broadcast_in_dim3A_1259 = vector.broadcast %broadcast_in_dim3A_1258 : i32 to vector<16xi32>
      %gather3A_1260 = tpu.vector_load_idx %arg12[%add3A_823, %broadcast_in_dim3A_1259] : memref<64x64xf32, #tpu.memory_space<vmem>>[vector<16xi32>, vector<16xi32>], vector<16xf32>,
      %gather3A_1261 = tpu.vector_load_idx %arg13[%add3A_823, %broadcast_in_dim3A_1259] : memref<64x64xf32, #tpu.memory_space<vmem>>[vector<16xi32>, vector<16xi32>], vector<16xf32>,
      %gather3A_1262 = tpu.vector_load_idx %arg14[%get3A_827, %broadcast_in_dim3A_1259] : memref<3x64xf32, #tpu.memory_space<vmem>>[vector<16xi32>, vector<16xi32>], vector<16xf32>,
      %mul3A_1263 = arith.mulf %gather3A_1260, %gather3A_1261 : vector<16xf32>
      %add3A_1264 = arith.addf %add3A_1257, %mul3A_1263 : vector<16xf32>
      %add3A_1265 = arith.addf %gather3A_1260, %gather3A_1261 : vector<16xf32>
      %mul3A_1266 = arith.mulf %gather3A_1262, %add3A_1265 : vector<16xf32>
      %add3A_1267 = arith.addf %add3A_1264, %mul3A_1266 : vector<16xf32>
      %broadcast_in_dim3A_1268 = arith.constant 44 : i32
      %broadcast_in_dim3A_1269 = vector.broadcast %broadcast_in_dim3A_1268 : i32 to vector<16xi32>
      %gather3A_1270 = tpu.vector_load_idx %arg12[%add3A_823, %broadcast_in_dim3A_1269] : memref<64x64xf32, #tpu.memory_space<vmem>>[vector<16xi32>, vector<16xi32>], vector<16xf32>,
      %gather3A_1271 = tpu.vector_load_idx %arg13[%add3A_823, %broadcast_in_dim3A_1269] : memref<64x64xf32, #tpu.memory_space<vmem>>[vector<16xi32>, vector<16xi32>], vector<16xf32>,
      %gather3A_1272 = tpu.vector_load_idx %arg14[%get3A_827, %broadcast_in_dim3A_1269] : memref<3x64xf32, #tpu.memory_space<vmem>>[vector<16xi32>, vector<16xi32>], vector<16xf32>,
      %mul3A_1273 = arith.mulf %gather3A_1270, %gather3A_1271 : vector<16xf32>
      %add3A_1274 = arith.addf %add3A_1267, %mul3A_1273 : vector<16xf32>
      %add3A_1275 = arith.addf %gather3A_1270, %gather3A_1271 : vector<16xf32>
      %mul3A_1276 = arith.mulf %gather3A_1272, %add3A_1275 : vector<16xf32>
      %add3A_1277 = arith.addf %add3A_1274, %mul3A_1276 : vector<16xf32>
      %broadcast_in_dim3A_1278 = arith.constant 45 : i32
      %broadcast_in_dim3A_1279 = vector.broadcast %broadcast_in_dim3A_1278 : i32 to vector<16xi32>
      %gather3A_1280 = tpu.vector_load_idx %arg12[%add3A_823, %broadcast_in_dim3A_1279] : memref<64x64xf32, #tpu.memory_space<vmem>>[vector<16xi32>, vector<16xi32>], vector<16xf32>,
      %gather3A_1281 = tpu.vector_load_idx %arg13[%add3A_823, %broadcast_in_dim3A_1279] : memref<64x64xf32, #tpu.memory_space<vmem>>[vector<16xi32>, vector<16xi32>], vector<16xf32>,
      %gather3A_1282 = tpu.vector_load_idx %arg14[%get3A_827, %broadcast_in_dim3A_1279] : memref<3x64xf32, #tpu.memory_space<vmem>>[vector<16xi32>, vector<16xi32>], vector<16xf32>,
      %mul3A_1283 = arith.mulf %gather3A_1280, %gather3A_1281 : vector<16xf32>
      %add3A_1284 = arith.addf %add3A_1277, %mul3A_1283 : vector<16xf32>
      %add3A_1285 = arith.addf %gather3A_1280, %gather3A_1281 : vector<16xf32>
      %mul3A_1286 = arith.mulf %gather3A_1282, %add3A_1285 : vector<16xf32>
      %add3A_1287 = arith.addf %add3A_1284, %mul3A_1286 : vector<16xf32>
      %broadcast_in_dim3A_1288 = arith.constant 46 : i32
      %broadcast_in_dim3A_1289 = vector.broadcast %broadcast_in_dim3A_1288 : i32 to vector<16xi32>
      %gather3A_1290 = tpu.vector_load_idx %arg12[%add3A_823, %broadcast_in_dim3A_1289] : memref<64x64xf32, #tpu.memory_space<vmem>>[vector<16xi32>, vector<16xi32>], vector<16xf32>,
      %gather3A_1291 = tpu.vector_load_idx %arg13[%add3A_823, %broadcast_in_dim3A_1289] : memref<64x64xf32, #tpu.memory_space<vmem>>[vector<16xi32>, vector<16xi32>], vector<16xf32>,
      %gather3A_1292 = tpu.vector_load_idx %arg14[%get3A_827, %broadcast_in_dim3A_1289] : memref<3x64xf32, #tpu.memory_space<vmem>>[vector<16xi32>, vector<16xi32>], vector<16xf32>,
      %mul3A_1293 = arith.mulf %gather3A_1290, %gather3A_1291 : vector<16xf32>
      %add3A_1294 = arith.addf %add3A_1287, %mul3A_1293 : vector<16xf32>
      %add3A_1295 = arith.addf %gather3A_1290, %gather3A_1291 : vector<16xf32>
      %mul3A_1296 = arith.mulf %gather3A_1292, %add3A_1295 : vector<16xf32>
      %add3A_1297 = arith.addf %add3A_1294, %mul3A_1296 : vector<16xf32>
      %broadcast_in_dim3A_1298 = arith.constant 47 : i32
      %broadcast_in_dim3A_1299 = vector.broadcast %broadcast_in_dim3A_1298 : i32 to vector<16xi32>
      %gather3A_1300 = tpu.vector_load_idx %arg12[%add3A_823, %broadcast_in_dim3A_1299] : memref<64x64xf32, #tpu.memory_space<vmem>>[vector<16xi32>, vector<16xi32>], vector<16xf32>,
      %gather3A_1301 = tpu.vector_load_idx %arg13[%add3A_823, %broadcast_in_dim3A_1299] : memref<64x64xf32, #tpu.memory_space<vmem>>[vector<16xi32>, vector<16xi32>], vector<16xf32>,
      %gather3A_1302 = tpu.vector_load_idx %arg14[%get3A_827, %broadcast_in_dim3A_1299] : memref<3x64xf32, #tpu.memory_space<vmem>>[vector<16xi32>, vector<16xi32>], vector<16xf32>,
      %mul3A_1303 = arith.mulf %gather3A_1300, %gather3A_1301 : vector<16xf32>
      %add3A_1304 = arith.addf %add3A_1297, %mul3A_1303 : vector<16xf32>
      %add3A_1305 = arith.addf %gather3A_1300, %gather3A_1301 : vector<16xf32>
      %mul3A_1306 = arith.mulf %gather3A_1302, %add3A_1305 : vector<16xf32>
      %add3A_1307 = arith.addf %add3A_1304, %mul3A_1306 : vector<16xf32>
      %broadcast_in_dim3A_1308 = arith.constant 48 : i32
      %broadcast_in_dim3A_1309 = vector.broadcast %broadcast_in_dim3A_1308 : i32 to vector<16xi32>
      %gather3A_1310 = tpu.vector_load_idx %arg12[%add3A_823, %broadcast_in_dim3A_1309] : memref<64x64xf32, #tpu.memory_space<vmem>>[vector<16xi32>, vector<16xi32>], vector<16xf32>,
      %gather3A_1311 = tpu.vector_load_idx %arg13[%add3A_823, %broadcast_in_dim3A_1309] : memref<64x64xf32, #tpu.memory_space<vmem>>[vector<16xi32>, vector<16xi32>], vector<16xf32>,
      %gather3A_1312 = tpu.vector_load_idx %arg14[%get3A_827, %broadcast_in_dim3A_1309] : memref<3x64xf32, #tpu.memory_space<vmem>>[vector<16xi32>, vector<16xi32>], vector<16xf32>,
      %mul3A_1313 = arith.mulf %gather3A_1310, %gather3A_1311 : vector<16xf32>
      %add3A_1314 = arith.addf %add3A_1307, %mul3A_1313 : vector<16xf32>
      %add3A_1315 = arith.addf %gather3A_1310, %gather3A_1311 : vector<16xf32>
      %mul3A_1316 = arith.mulf %gather3A_1312, %add3A_1315 : vector<16xf32>
      %add3A_1317 = arith.addf %add3A_1314, %mul3A_1316 : vector<16xf32>
      %broadcast_in_dim3A_1318 = arith.constant 49 : i32
      %broadcast_in_dim3A_1319 = vector.broadcast %broadcast_in_dim3A_1318 : i32 to vector<16xi32>
      %gather3A_1320 = tpu.vector_load_idx %arg12[%add3A_823, %broadcast_in_dim3A_1319] : memref<64x64xf32, #tpu.memory_space<vmem>>[vector<16xi32>, vector<16xi32>], vector<16xf32>,
      %gather3A_1321 = tpu.vector_load_idx %arg13[%add3A_823, %broadcast_in_dim3A_1319] : memref<64x64xf32, #tpu.memory_space<vmem>>[vector<16xi32>, vector<16xi32>], vector<16xf32>,
      %gather3A_1322 = tpu.vector_load_idx %arg14[%get3A_827, %broadcast_in_dim3A_1319] : memref<3x64xf32, #tpu.memory_space<vmem>>[vector<16xi32>, vector<16xi32>], vector<16xf32>,
      %mul3A_1323 = arith.mulf %gather3A_1320, %gather3A_1321 : vector<16xf32>
      %add3A_1324 = arith.addf %add3A_1317, %mul3A_1323 : vector<16xf32>
      %add3A_1325 = arith.addf %gather3A_1320, %gather3A_1321 : vector<16xf32>
      %mul3A_1326 = arith.mulf %gather3A_1322, %add3A_1325 : vector<16xf32>
      %add3A_1327 = arith.addf %add3A_1324, %mul3A_1326 : vector<16xf32>
      %broadcast_in_dim3A_1328 = arith.constant 50 : i32
      %broadcast_in_dim3A_1329 = vector.broadcast %broadcast_in_dim3A_1328 : i32 to vector<16xi32>
      %gather3A_1330 = tpu.vector_load_idx %arg12[%add3A_823, %broadcast_in_dim3A_1329] : memref<64x64xf32, #tpu.memory_space<vmem>>[vector<16xi32>, vector<16xi32>], vector<16xf32>,
      %gather3A_1331 = tpu.vector_load_idx %arg13[%add3A_823, %broadcast_in_dim3A_1329] : memref<64x64xf32, #tpu.memory_space<vmem>>[vector<16xi32>, vector<16xi32>], vector<16xf32>,
      %gather3A_1332 = tpu.vector_load_idx %arg14[%get3A_827, %broadcast_in_dim3A_1329] : memref<3x64xf32, #tpu.memory_space<vmem>>[vector<16xi32>, vector<16xi32>], vector<16xf32>,
      %mul3A_1333 = arith.mulf %gather3A_1330, %gather3A_1331 : vector<16xf32>
      %add3A_1334 = arith.addf %add3A_1327, %mul3A_1333 : vector<16xf32>
      %add3A_1335 = arith.addf %gather3A_1330, %gather3A_1331 : vector<16xf32>
      %mul3A_1336 = arith.mulf %gather3A_1332, %add3A_1335 : vector<16xf32>
      %add3A_1337 = arith.addf %add3A_1334, %mul3A_1336 : vector<16xf32>
      %broadcast_in_dim3A_1338 = arith.constant 51 : i32
      %broadcast_in_dim3A_1339 = vector.broadcast %broadcast_in_dim3A_1338 : i32 to vector<16xi32>
      %gather3A_1340 = tpu.vector_load_idx %arg12[%add3A_823, %broadcast_in_dim3A_1339] : memref<64x64xf32, #tpu.memory_space<vmem>>[vector<16xi32>, vector<16xi32>], vector<16xf32>,
      %gather3A_1341 = tpu.vector_load_idx %arg13[%add3A_823, %broadcast_in_dim3A_1339] : memref<64x64xf32, #tpu.memory_space<vmem>>[vector<16xi32>, vector<16xi32>], vector<16xf32>,
      %gather3A_1342 = tpu.vector_load_idx %arg14[%get3A_827, %broadcast_in_dim3A_1339] : memref<3x64xf32, #tpu.memory_space<vmem>>[vector<16xi32>, vector<16xi32>], vector<16xf32>,
      %mul3A_1343 = arith.mulf %gather3A_1340, %gather3A_1341 : vector<16xf32>
      %add3A_1344 = arith.addf %add3A_1337, %mul3A_1343 : vector<16xf32>
      %add3A_1345 = arith.addf %gather3A_1340, %gather3A_1341 : vector<16xf32>
      %mul3A_1346 = arith.mulf %gather3A_1342, %add3A_1345 : vector<16xf32>
      %add3A_1347 = arith.addf %add3A_1344, %mul3A_1346 : vector<16xf32>
      %broadcast_in_dim3A_1348 = arith.constant 52 : i32
      %broadcast_in_dim3A_1349 = vector.broadcast %broadcast_in_dim3A_1348 : i32 to vector<16xi32>
      %gather3A_1350 = tpu.vector_load_idx %arg12[%add3A_823, %broadcast_in_dim3A_1349] : memref<64x64xf32, #tpu.memory_space<vmem>>[vector<16xi32>, vector<16xi32>], vector<16xf32>,
      %gather3A_1351 = tpu.vector_load_idx %arg13[%add3A_823, %broadcast_in_dim3A_1349] : memref<64x64xf32, #tpu.memory_space<vmem>>[vector<16xi32>, vector<16xi32>], vector<16xf32>,
      %gather3A_1352 = tpu.vector_load_idx %arg14[%get3A_827, %broadcast_in_dim3A_1349] : memref<3x64xf32, #tpu.memory_space<vmem>>[vector<16xi32>, vector<16xi32>], vector<16xf32>,
      %mul3A_1353 = arith.mulf %gather3A_1350, %gather3A_1351 : vector<16xf32>
      %add3A_1354 = arith.addf %add3A_1347, %mul3A_1353 : vector<16xf32>
      %add3A_1355 = arith.addf %gather3A_1350, %gather3A_1351 : vector<16xf32>
      %mul3A_1356 = arith.mulf %gather3A_1352, %add3A_1355 : vector<16xf32>
      %add3A_1357 = arith.addf %add3A_1354, %mul3A_1356 : vector<16xf32>
      %broadcast_in_dim3A_1358 = arith.constant 53 : i32
      %broadcast_in_dim3A_1359 = vector.broadcast %broadcast_in_dim3A_1358 : i32 to vector<16xi32>
      %gather3A_1360 = tpu.vector_load_idx %arg12[%add3A_823, %broadcast_in_dim3A_1359] : memref<64x64xf32, #tpu.memory_space<vmem>>[vector<16xi32>, vector<16xi32>], vector<16xf32>,
      %gather3A_1361 = tpu.vector_load_idx %arg13[%add3A_823, %broadcast_in_dim3A_1359] : memref<64x64xf32, #tpu.memory_space<vmem>>[vector<16xi32>, vector<16xi32>], vector<16xf32>,
      %gather3A_1362 = tpu.vector_load_idx %arg14[%get3A_827, %broadcast_in_dim3A_1359] : memref<3x64xf32, #tpu.memory_space<vmem>>[vector<16xi32>, vector<16xi32>], vector<16xf32>,
      %mul3A_1363 = arith.mulf %gather3A_1360, %gather3A_1361 : vector<16xf32>
      %add3A_1364 = arith.addf %add3A_1357, %mul3A_1363 : vector<16xf32>
      %add3A_1365 = arith.addf %gather3A_1360, %gather3A_1361 : vector<16xf32>
      %mul3A_1366 = arith.mulf %gather3A_1362, %add3A_1365 : vector<16xf32>
      %add3A_1367 = arith.addf %add3A_1364, %mul3A_1366 : vector<16xf32>
      %broadcast_in_dim3A_1368 = arith.constant 54 : i32
      %broadcast_in_dim3A_1369 = vector.broadcast %broadcast_in_dim3A_1368 : i32 to vector<16xi32>
      %gather3A_1370 = tpu.vector_load_idx %arg12[%add3A_823, %broadcast_in_dim3A_1369] : memref<64x64xf32, #tpu.memory_space<vmem>>[vector<16xi32>, vector<16xi32>], vector<16xf32>,
      %gather3A_1371 = tpu.vector_load_idx %arg13[%add3A_823, %broadcast_in_dim3A_1369] : memref<64x64xf32, #tpu.memory_space<vmem>>[vector<16xi32>, vector<16xi32>], vector<16xf32>,
      %gather3A_1372 = tpu.vector_load_idx %arg14[%get3A_827, %broadcast_in_dim3A_1369] : memref<3x64xf32, #tpu.memory_space<vmem>>[vector<16xi32>, vector<16xi32>], vector<16xf32>,
      %mul3A_1373 = arith.mulf %gather3A_1370, %gather3A_1371 : vector<16xf32>
      %add3A_1374 = arith.addf %add3A_1367, %mul3A_1373 : vector<16xf32>
      %add3A_1375 = arith.addf %gather3A_1370, %gather3A_1371 : vector<16xf32>
      %mul3A_1376 = arith.mulf %gather3A_1372, %add3A_1375 : vector<16xf32>
      %add3A_1377 = arith.addf %add3A_1374, %mul3A_1376 : vector<16xf32>
      %broadcast_in_dim3A_1378 = arith.constant 55 : i32
      %broadcast_in_dim3A_1379 = vector.broadcast %broadcast_in_dim3A_1378 : i32 to vector<16xi32>
      %gather3A_1380 = tpu.vector_load_idx %arg12[%add3A_823, %broadcast_in_dim3A_1379] : memref<64x64xf32, #tpu.memory_space<vmem>>[vector<16xi32>, vector<16xi32>], vector<16xf32>,
      %gather3A_1381 = tpu.vector_load_idx %arg13[%add3A_823, %broadcast_in_dim3A_1379] : memref<64x64xf32, #tpu.memory_space<vmem>>[vector<16xi32>, vector<16xi32>], vector<16xf32>,
      %gather3A_1382 = tpu.vector_load_idx %arg14[%get3A_827, %broadcast_in_dim3A_1379] : memref<3x64xf32, #tpu.memory_space<vmem>>[vector<16xi32>, vector<16xi32>], vector<16xf32>,
      %mul3A_1383 = arith.mulf %gather3A_1380, %gather3A_1381 : vector<16xf32>
      %add3A_1384 = arith.addf %add3A_1377, %mul3A_1383 : vector<16xf32>
      %add3A_1385 = arith.addf %gather3A_1380, %gather3A_1381 : vector<16xf32>
      %mul3A_1386 = arith.mulf %gather3A_1382, %add3A_1385 : vector<16xf32>
      %add3A_1387 = arith.addf %add3A_1384, %mul3A_1386 : vector<16xf32>
      %broadcast_in_dim3A_1388 = arith.constant 56 : i32
      %broadcast_in_dim3A_1389 = vector.broadcast %broadcast_in_dim3A_1388 : i32 to vector<16xi32>
      %gather3A_1390 = tpu.vector_load_idx %arg12[%add3A_823, %broadcast_in_dim3A_1389] : memref<64x64xf32, #tpu.memory_space<vmem>>[vector<16xi32>, vector<16xi32>], vector<16xf32>,
      %gather3A_1391 = tpu.vector_load_idx %arg13[%add3A_823, %broadcast_in_dim3A_1389] : memref<64x64xf32, #tpu.memory_space<vmem>>[vector<16xi32>, vector<16xi32>], vector<16xf32>,
      %gather3A_1392 = tpu.vector_load_idx %arg14[%get3A_827, %broadcast_in_dim3A_1389] : memref<3x64xf32, #tpu.memory_space<vmem>>[vector<16xi32>, vector<16xi32>], vector<16xf32>,
      %mul3A_1393 = arith.mulf %gather3A_1390, %gather3A_1391 : vector<16xf32>
      %add3A_1394 = arith.addf %add3A_1387, %mul3A_1393 : vector<16xf32>
      %add3A_1395 = arith.addf %gather3A_1390, %gather3A_1391 : vector<16xf32>
      %mul3A_1396 = arith.mulf %gather3A_1392, %add3A_1395 : vector<16xf32>
      %add3A_1397 = arith.addf %add3A_1394, %mul3A_1396 : vector<16xf32>
      %broadcast_in_dim3A_1398 = arith.constant 57 : i32
      %broadcast_in_dim3A_1399 = vector.broadcast %broadcast_in_dim3A_1398 : i32 to vector<16xi32>
      %gather3A_1400 = tpu.vector_load_idx %arg12[%add3A_823, %broadcast_in_dim3A_1399] : memref<64x64xf32, #tpu.memory_space<vmem>>[vector<16xi32>, vector<16xi32>], vector<16xf32>,
      %gather3A_1401 = tpu.vector_load_idx %arg13[%add3A_823, %broadcast_in_dim3A_1399] : memref<64x64xf32, #tpu.memory_space<vmem>>[vector<16xi32>, vector<16xi32>], vector<16xf32>,
      %gather3A_1402 = tpu.vector_load_idx %arg14[%get3A_827, %broadcast_in_dim3A_1399] : memref<3x64xf32, #tpu.memory_space<vmem>>[vector<16xi32>, vector<16xi32>], vector<16xf32>,
      %mul3A_1403 = arith.mulf %gather3A_1400, %gather3A_1401 : vector<16xf32>
      %add3A_1404 = arith.addf %add3A_1397, %mul3A_1403 : vector<16xf32>
      %add3A_1405 = arith.addf %gather3A_1400, %gather3A_1401 : vector<16xf32>
      %mul3A_1406 = arith.mulf %gather3A_1402, %add3A_1405 : vector<16xf32>
      %add3A_1407 = arith.addf %add3A_1404, %mul3A_1406 : vector<16xf32>
      %broadcast_in_dim3A_1408 = arith.constant 58 : i32
      %broadcast_in_dim3A_1409 = vector.broadcast %broadcast_in_dim3A_1408 : i32 to vector<16xi32>
      %gather3A_1410 = tpu.vector_load_idx %arg12[%add3A_823, %broadcast_in_dim3A_1409] : memref<64x64xf32, #tpu.memory_space<vmem>>[vector<16xi32>, vector<16xi32>], vector<16xf32>,
      %gather3A_1411 = tpu.vector_load_idx %arg13[%add3A_823, %broadcast_in_dim3A_1409] : memref<64x64xf32, #tpu.memory_space<vmem>>[vector<16xi32>, vector<16xi32>], vector<16xf32>,
      %gather3A_1412 = tpu.vector_load_idx %arg14[%get3A_827, %broadcast_in_dim3A_1409] : memref<3x64xf32, #tpu.memory_space<vmem>>[vector<16xi32>, vector<16xi32>], vector<16xf32>,
      %mul3A_1413 = arith.mulf %gather3A_1410, %gather3A_1411 : vector<16xf32>
      %add3A_1414 = arith.addf %add3A_1407, %mul3A_1413 : vector<16xf32>
      %add3A_1415 = arith.addf %gather3A_1410, %gather3A_1411 : vector<16xf32>
      %mul3A_1416 = arith.mulf %gather3A_1412, %add3A_1415 : vector<16xf32>
      %add3A_1417 = arith.addf %add3A_1414, %mul3A_1416 : vector<16xf32>
      %broadcast_in_dim3A_1418 = arith.constant 59 : i32
      %broadcast_in_dim3A_1419 = vector.broadcast %broadcast_in_dim3A_1418 : i32 to vector<16xi32>
      %gather3A_1420 = tpu.vector_load_idx %arg12[%add3A_823, %broadcast_in_dim3A_1419] : memref<64x64xf32, #tpu.memory_space<vmem>>[vector<16xi32>, vector<16xi32>], vector<16xf32>,
      %gather3A_1421 = tpu.vector_load_idx %arg13[%add3A_823, %broadcast_in_dim3A_1419] : memref<64x64xf32, #tpu.memory_space<vmem>>[vector<16xi32>, vector<16xi32>], vector<16xf32>,
      %gather3A_1422 = tpu.vector_load_idx %arg14[%get3A_827, %broadcast_in_dim3A_1419] : memref<3x64xf32, #tpu.memory_space<vmem>>[vector<16xi32>, vector<16xi32>], vector<16xf32>,
      %mul3A_1423 = arith.mulf %gather3A_1420, %gather3A_1421 : vector<16xf32>
      %add3A_1424 = arith.addf %add3A_1417, %mul3A_1423 : vector<16xf32>
      %add3A_1425 = arith.addf %gather3A_1420, %gather3A_1421 : vector<16xf32>
      %mul3A_1426 = arith.mulf %gather3A_1422, %add3A_1425 : vector<16xf32>
      %add3A_1427 = arith.addf %add3A_1424, %mul3A_1426 : vector<16xf32>
      %broadcast_in_dim3A_1428 = arith.constant 60 : i32
      %broadcast_in_dim3A_1429 = vector.broadcast %broadcast_in_dim3A_1428 : i32 to vector<16xi32>
      %gather3A_1430 = tpu.vector_load_idx %arg12[%add3A_823, %broadcast_in_dim3A_1429] : memref<64x64xf32, #tpu.memory_space<vmem>>[vector<16xi32>, vector<16xi32>], vector<16xf32>,
      %gather3A_1431 = tpu.vector_load_idx %arg13[%add3A_823, %broadcast_in_dim3A_1429] : memref<64x64xf32, #tpu.memory_space<vmem>>[vector<16xi32>, vector<16xi32>], vector<16xf32>,
      %gather3A_1432 = tpu.vector_load_idx %arg14[%get3A_827, %broadcast_in_dim3A_1429] : memref<3x64xf32, #tpu.memory_space<vmem>>[vector<16xi32>, vector<16xi32>], vector<16xf32>,
      %mul3A_1433 = arith.mulf %gather3A_1430, %gather3A_1431 : vector<16xf32>
      %add3A_1434 = arith.addf %add3A_1427, %mul3A_1433 : vector<16xf32>
      %add3A_1435 = arith.addf %gather3A_1430, %gather3A_1431 : vector<16xf32>
      %mul3A_1436 = arith.mulf %gather3A_1432, %add3A_1435 : vector<16xf32>
      %add3A_1437 = arith.addf %add3A_1434, %mul3A_1436 : vector<16xf32>
      %broadcast_in_dim3A_1438 = arith.constant 61 : i32
      %broadcast_in_dim3A_1439 = vector.broadcast %broadcast_in_dim3A_1438 : i32 to vector<16xi32>
      %gather3A_1440 = tpu.vector_load_idx %arg12[%add3A_823, %broadcast_in_dim3A_1439] : memref<64x64xf32, #tpu.memory_space<vmem>>[vector<16xi32>, vector<16xi32>], vector<16xf32>,
      %gather3A_1441 = tpu.vector_load_idx %arg13[%add3A_823, %broadcast_in_dim3A_1439] : memref<64x64xf32, #tpu.memory_space<vmem>>[vector<16xi32>, vector<16xi32>], vector<16xf32>,
      %gather3A_1442 = tpu.vector_load_idx %arg14[%get3A_827, %broadcast_in_dim3A_1439] : memref<3x64xf32, #tpu.memory_space<vmem>>[vector<16xi32>, vector<16xi32>], vector<16xf32>,
      %mul3A_1443 = arith.mulf %gather3A_1440, %gather3A_1441 : vector<16xf32>
      %add3A_1444 = arith.addf %add3A_1437, %mul3A_1443 : vector<16xf32>
      %add3A_1445 = arith.addf %gather3A_1440, %gather3A_1441 : vector<16xf32>
      %mul3A_1446 = arith.mulf %gather3A_1442, %add3A_1445 : vector<16xf32>
      %add3A_1447 = arith.addf %add3A_1444, %mul3A_1446 : vector<16xf32>
      %broadcast_in_dim3A_1448 = arith.constant 62 : i32
      %broadcast_in_dim3A_1449 = vector.broadcast %broadcast_in_dim3A_1448 : i32 to vector<16xi32>
      %gather3A_1450 = tpu.vector_load_idx %arg12[%add3A_823, %broadcast_in_dim3A_1449] : memref<64x64xf32, #tpu.memory_space<vmem>>[vector<16xi32>, vector<16xi32>], vector<16xf32>,
      %gather3A_1451 = tpu.vector_load_idx %arg13[%add3A_823, %broadcast_in_dim3A_1449] : memref<64x64xf32, #tpu.memory_space<vmem>>[vector<16xi32>, vector<16xi32>], vector<16xf32>,
      %gather3A_1452 = tpu.vector_load_idx %arg14[%get3A_827, %broadcast_in_dim3A_1449] : memref<3x64xf32, #tpu.memory_space<vmem>>[vector<16xi32>, vector<16xi32>], vector<16xf32>,
      %mul3A_1453 = arith.mulf %gather3A_1450, %gather3A_1451 : vector<16xf32>
      %add3A_1454 = arith.addf %add3A_1447, %mul3A_1453 : vector<16xf32>
      %add3A_1455 = arith.addf %gather3A_1450, %gather3A_1451 : vector<16xf32>
      %mul3A_1456 = arith.mulf %gather3A_1452, %add3A_1455 : vector<16xf32>
      %add3A_1457 = arith.addf %add3A_1454, %mul3A_1456 : vector<16xf32>
      %broadcast_in_dim3A_1458 = arith.constant 63 : i32
      %broadcast_in_dim3A_1459 = vector.broadcast %broadcast_in_dim3A_1458 : i32 to vector<16xi32>
      %gather3A_1460 = tpu.vector_load_idx %arg12[%add3A_823, %broadcast_in_dim3A_1459] : memref<64x64xf32, #tpu.memory_space<vmem>>[vector<16xi32>, vector<16xi32>], vector<16xf32>,
      %gather3A_1461 = tpu.vector_load_idx %arg13[%add3A_823, %broadcast_in_dim3A_1459] : memref<64x64xf32, #tpu.memory_space<vmem>>[vector<16xi32>, vector<16xi32>], vector<16xf32>,
      %gather3A_1462 = tpu.vector_load_idx %arg14[%get3A_827, %broadcast_in_dim3A_1459] : memref<3x64xf32, #tpu.memory_space<vmem>>[vector<16xi32>, vector<16xi32>], vector<16xf32>,
      %mul3A_1463 = arith.mulf %gather3A_1460, %gather3A_1461 : vector<16xf32>
      %add3A_1464 = arith.addf %add3A_1457, %mul3A_1463 : vector<16xf32>
      %add3A_1465 = arith.addf %gather3A_1460, %gather3A_1461 : vector<16xf32>
      %mul3A_1466 = arith.mulf %gather3A_1462, %add3A_1465 : vector<16xf32>
      %add3A_1467 = arith.addf %add3A_1464, %mul3A_1466 : vector<16xf32>
      %mul3A_1468 = arith.constant 16 : i32
      %mul3A_1469 = arith.muli %mul3A_396, %mul3A_1468 : i32
      %swap3A = arith.index_cast %mul3A_1469 : i32 to index
      %swap3A_1470 = tpu.vector_load %arg15[%swap3A] {strides = array<i32>} : memref<512xf32, #tpu.memory_space<vmem>>, vector<16xf32>,
      tpu.vector_store %arg15[%swap3A], %add3A_1467 {strides = array<i32>} : memref<512xf32, #tpu.memory_space<vmem>>, vector<16xf32>,
      %add3A_1471 = arith.constant 2 : i32
      %add3A_1472 = arith.addi %mul3A_396, %add3A_1471 : i32
      %lt3A = arith.constant 32 : i32
      %lt3A_1473 = arith.cmpi slt, %add3A_1472, %lt3A : i32
      %convert_element_type3A = arith.extui %lt3A_1473 : i1 to i32
      %cond3A = arith.constant 0 : i32
      %cond3A_1474 = arith.cmpi ne, %convert_element_type3A, %cond3A : i32
      scf.if %cond3A_1474 {
        %add3A_2161 = arith.constant 2 : i32
        %add3A_2162 = arith.addi %mul3A_396, %add3A_2161 : i32
        %and3A_2163 = arith.constant 3 : i32
        %and3A_2164 = arith.andi %add3A_2162, %and3A_2163 : i32
        %mul3A_2165 = arith.constant 16 : i32
        %mul3A_2166 = arith.muli %add3A_2162, %mul3A_2165 : i32
        %get3A_2167 = arith.index_cast %mul3A_2166 : i32 to index
        %get3A_2168 = tpu.vector_load %arg9[%get3A_2167] {strides = array<i32>} : memref<512xi32, #tpu.memory_space<vmem>>, vector<16xi32>,
        %mul3A_2169 = arith.constant 16 : i32
        %mul3A_2170 = arith.muli %add3A_2162, %mul3A_2169 : i32
        %get3A_2171 = arith.index_cast %mul3A_2170 : i32 to index
        %get3A_2172 = tpu.vector_load %arg10[%get3A_2171] {strides = array<i32>} : memref<512xi32, #tpu.memory_space<vmem>>, vector<16xi32>,
        %mul3A_2173 = arith.constant 16 : i32
        %mul3A_2174 = arith.muli %and3A_2164, %mul3A_2173 : i32
        %add3A_2175 = arith.constant 0 : i32
        %add3A_2176 = arith.addi %mul3A_2174, %add3A_2175 : i32
        %slice3A_2177 = vector.extract_strided_slice %get3A_2168 {offsets = [0], sizes = [1], strides = [1]} : vector<16xi32> to vector<1xi32>
        %squeeze3A_2178 = vector.extract %slice3A_2177[0] : i32 from vector<1xi32>
        %dma_start3A_2179 = arith.constant 0 : i32
        %dma_start3A_2180 = tpu.memref_slice %arg12[%add3A_2176, %dma_start3A_2179] : memref<64x64xf32, #tpu.memory_space<vmem>> -> memref<1x64xf32, #tpu.memory_space<vmem>>
        %dma_start3A_2181 = arith.constant 0 : i32
        %dma_start3A_2182 = tpu.memref_slice %arg5[%squeeze3A_2178, %dma_start3A_2181] : memref<1000000x64xf32, #tpu.memory_space<hbm>> -> memref<1x64xf32, #tpu.memory_space<hbm>>
        %dma_start3A_2183 = arith.constant 0 : i32
        %dma_start3A_2184 = tpu.memref_slice %arg12[%add3A_2176, %dma_start3A_2183] : memref<64x64xf32, #tpu.memory_space<vmem>> -> memref<1x64xf32, #tpu.memory_space<vmem>>
        %dma_start3A_2185 = arith.constant 0 : i32
        %dma_start3A_2186 = tpu.memref_slice %arg5[%squeeze3A_2178, %dma_start3A_2185] : memref<1000000x64xf32, #tpu.memory_space<hbm>> -> memref<1x64xf32, #tpu.memory_space<hbm>>
        tpu.enqueue_dma source(%dma_start3A_2186 : memref<1x64xf32, #tpu.memory_space<hbm>>) target(%dma_start3A_2184 : memref<1x64xf32, #tpu.memory_space<vmem>>) target_semaphore(%arg16 : memref<!tpu.dma_semaphore, #tpu.memory_space<semaphore_mem>>)
        %slice3A_2187 = vector.extract_strided_slice %get3A_2172 {offsets = [0], sizes = [1], strides = [1]} : vector<16xi32> to vector<1xi32>
        %squeeze3A_2188 = vector.extract %slice3A_2187[0] : i32 from vector<1xi32>
        %dma_start3A_2189 = arith.constant 0 : i32
        %dma_start3A_2190 = tpu.memref_slice %arg13[%add3A_2176, %dma_start3A_2189] : memref<64x64xf32, #tpu.memory_space<vmem>> -> memref<1x64xf32, #tpu.memory_space<vmem>>
        %dma_start3A_2191 = arith.constant 0 : i32
        %dma_start3A_2192 = tpu.memref_slice %arg6[%squeeze3A_2188, %dma_start3A_2191] : memref<1000000x64xf32, #tpu.memory_space<hbm>> -> memref<1x64xf32, #tpu.memory_space<hbm>>
        %dma_start3A_2193 = arith.constant 0 : i32
        %dma_start3A_2194 = tpu.memref_slice %arg13[%add3A_2176, %dma_start3A_2193] : memref<64x64xf32, #tpu.memory_space<vmem>> -> memref<1x64xf32, #tpu.memory_space<vmem>>
        %dma_start3A_2195 = arith.constant 0 : i32
        %dma_start3A_2196 = tpu.memref_slice %arg6[%squeeze3A_2188, %dma_start3A_2195] : memref<1000000x64xf32, #tpu.memory_space<hbm>> -> memref<1x64xf32, #tpu.memory_space<hbm>>
        tpu.enqueue_dma source(%dma_start3A_2196 : memref<1x64xf32, #tpu.memory_space<hbm>>) target(%dma_start3A_2194 : memref<1x64xf32, #tpu.memory_space<vmem>>) target_semaphore(%arg16 : memref<!tpu.dma_semaphore, #tpu.memory_space<semaphore_mem>>)
        %mul3A_2197 = arith.constant 16 : i32
        %mul3A_2198 = arith.muli %and3A_2164, %mul3A_2197 : i32
        %add3A_2199 = arith.constant 1 : i32
        %add3A_2200 = arith.addi %mul3A_2198, %add3A_2199 : i32
        %slice3A_2201 = vector.extract_strided_slice %get3A_2168 {offsets = [1], sizes = [1], strides = [1]} : vector<16xi32> to vector<1xi32>
        %squeeze3A_2202 = vector.extract %slice3A_2201[0] : i32 from vector<1xi32>
        %dma_start3A_2203 = arith.constant 0 : i32
        %dma_start3A_2204 = tpu.memref_slice %arg12[%add3A_2200, %dma_start3A_2203] : memref<64x64xf32, #tpu.memory_space<vmem>> -> memref<1x64xf32, #tpu.memory_space<vmem>>
        %dma_start3A_2205 = arith.constant 0 : i32
        %dma_start3A_2206 = tpu.memref_slice %arg5[%squeeze3A_2202, %dma_start3A_2205] : memref<1000000x64xf32, #tpu.memory_space<hbm>> -> memref<1x64xf32, #tpu.memory_space<hbm>>
        %dma_start3A_2207 = arith.constant 0 : i32
        %dma_start3A_2208 = tpu.memref_slice %arg12[%add3A_2200, %dma_start3A_2207] : memref<64x64xf32, #tpu.memory_space<vmem>> -> memref<1x64xf32, #tpu.memory_space<vmem>>
        %dma_start3A_2209 = arith.constant 0 : i32
        %dma_start3A_2210 = tpu.memref_slice %arg5[%squeeze3A_2202, %dma_start3A_2209] : memref<1000000x64xf32, #tpu.memory_space<hbm>> -> memref<1x64xf32, #tpu.memory_space<hbm>>
        tpu.enqueue_dma source(%dma_start3A_2210 : memref<1x64xf32, #tpu.memory_space<hbm>>) target(%dma_start3A_2208 : memref<1x64xf32, #tpu.memory_space<vmem>>) target_semaphore(%arg16 : memref<!tpu.dma_semaphore, #tpu.memory_space<semaphore_mem>>)
        %slice3A_2211 = vector.extract_strided_slice %get3A_2172 {offsets = [1], sizes = [1], strides = [1]} : vector<16xi32> to vector<1xi32>
        %squeeze3A_2212 = vector.extract %slice3A_2211[0] : i32 from vector<1xi32>
        %dma_start3A_2213 = arith.constant 0 : i32
        %dma_start3A_2214 = tpu.memref_slice %arg13[%add3A_2200, %dma_start3A_2213] : memref<64x64xf32, #tpu.memory_space<vmem>> -> memref<1x64xf32, #tpu.memory_space<vmem>>
        %dma_start3A_2215 = arith.constant 0 : i32
        %dma_start3A_2216 = tpu.memref_slice %arg6[%squeeze3A_2212, %dma_start3A_2215] : memref<1000000x64xf32, #tpu.memory_space<hbm>> -> memref<1x64xf32, #tpu.memory_space<hbm>>
        %dma_start3A_2217 = arith.constant 0 : i32
        %dma_start3A_2218 = tpu.memref_slice %arg13[%add3A_2200, %dma_start3A_2217] : memref<64x64xf32, #tpu.memory_space<vmem>> -> memref<1x64xf32, #tpu.memory_space<vmem>>
        %dma_start3A_2219 = arith.constant 0 : i32
        %dma_start3A_2220 = tpu.memref_slice %arg6[%squeeze3A_2212, %dma_start3A_2219] : memref<1000000x64xf32, #tpu.memory_space<hbm>> -> memref<1x64xf32, #tpu.memory_space<hbm>>
        tpu.enqueue_dma source(%dma_start3A_2220 : memref<1x64xf32, #tpu.memory_space<hbm>>) target(%dma_start3A_2218 : memref<1x64xf32, #tpu.memory_space<vmem>>) target_semaphore(%arg16 : memref<!tpu.dma_semaphore, #tpu.memory_space<semaphore_mem>>)
        %mul3A_2221 = arith.constant 16 : i32
        %mul3A_2222 = arith.muli %and3A_2164, %mul3A_2221 : i32
        %add3A_2223 = arith.constant 2 : i32
        %add3A_2224 = arith.addi %mul3A_2222, %add3A_2223 : i32
        %slice3A_2225 = vector.extract_strided_slice %get3A_2168 {offsets = [2], sizes = [1], strides = [1]} : vector<16xi32> to vector<1xi32>
        %squeeze3A_2226 = vector.extract %slice3A_2225[0] : i32 from vector<1xi32>
        %dma_start3A_2227 = arith.constant 0 : i32
        %dma_start3A_2228 = tpu.memref_slice %arg12[%add3A_2224, %dma_start3A_2227] : memref<64x64xf32, #tpu.memory_space<vmem>> -> memref<1x64xf32, #tpu.memory_space<vmem>>
        %dma_start3A_2229 = arith.constant 0 : i32
        %dma_start3A_2230 = tpu.memref_slice %arg5[%squeeze3A_2226, %dma_start3A_2229] : memref<1000000x64xf32, #tpu.memory_space<hbm>> -> memref<1x64xf32, #tpu.memory_space<hbm>>
        %dma_start3A_2231 = arith.constant 0 : i32
        %dma_start3A_2232 = tpu.memref_slice %arg12[%add3A_2224, %dma_start3A_2231] : memref<64x64xf32, #tpu.memory_space<vmem>> -> memref<1x64xf32, #tpu.memory_space<vmem>>
        %dma_start3A_2233 = arith.constant 0 : i32
        %dma_start3A_2234 = tpu.memref_slice %arg5[%squeeze3A_2226, %dma_start3A_2233] : memref<1000000x64xf32, #tpu.memory_space<hbm>> -> memref<1x64xf32, #tpu.memory_space<hbm>>
        tpu.enqueue_dma source(%dma_start3A_2234 : memref<1x64xf32, #tpu.memory_space<hbm>>) target(%dma_start3A_2232 : memref<1x64xf32, #tpu.memory_space<vmem>>) target_semaphore(%arg16 : memref<!tpu.dma_semaphore, #tpu.memory_space<semaphore_mem>>)
        %slice3A_2235 = vector.extract_strided_slice %get3A_2172 {offsets = [2], sizes = [1], strides = [1]} : vector<16xi32> to vector<1xi32>
        %squeeze3A_2236 = vector.extract %slice3A_2235[0] : i32 from vector<1xi32>
        %dma_start3A_2237 = arith.constant 0 : i32
        %dma_start3A_2238 = tpu.memref_slice %arg13[%add3A_2224, %dma_start3A_2237] : memref<64x64xf32, #tpu.memory_space<vmem>> -> memref<1x64xf32, #tpu.memory_space<vmem>>
        %dma_start3A_2239 = arith.constant 0 : i32
        %dma_start3A_2240 = tpu.memref_slice %arg6[%squeeze3A_2236, %dma_start3A_2239] : memref<1000000x64xf32, #tpu.memory_space<hbm>> -> memref<1x64xf32, #tpu.memory_space<hbm>>
        %dma_start3A_2241 = arith.constant 0 : i32
        %dma_start3A_2242 = tpu.memref_slice %arg13[%add3A_2224, %dma_start3A_2241] : memref<64x64xf32, #tpu.memory_space<vmem>> -> memref<1x64xf32, #tpu.memory_space<vmem>>
        %dma_start3A_2243 = arith.constant 0 : i32
        %dma_start3A_2244 = tpu.memref_slice %arg6[%squeeze3A_2236, %dma_start3A_2243] : memref<1000000x64xf32, #tpu.memory_space<hbm>> -> memref<1x64xf32, #tpu.memory_space<hbm>>
        tpu.enqueue_dma source(%dma_start3A_2244 : memref<1x64xf32, #tpu.memory_space<hbm>>) target(%dma_start3A_2242 : memref<1x64xf32, #tpu.memory_space<vmem>>) target_semaphore(%arg16 : memref<!tpu.dma_semaphore, #tpu.memory_space<semaphore_mem>>)
        %mul3A_2245 = arith.constant 16 : i32
        %mul3A_2246 = arith.muli %and3A_2164, %mul3A_2245 : i32
        %add3A_2247 = arith.constant 3 : i32
        %add3A_2248 = arith.addi %mul3A_2246, %add3A_2247 : i32
        %slice3A_2249 = vector.extract_strided_slice %get3A_2168 {offsets = [3], sizes = [1], strides = [1]} : vector<16xi32> to vector<1xi32>
        %squeeze3A_2250 = vector.extract %slice3A_2249[0] : i32 from vector<1xi32>
        %dma_start3A_2251 = arith.constant 0 : i32
        %dma_start3A_2252 = tpu.memref_slice %arg12[%add3A_2248, %dma_start3A_2251] : memref<64x64xf32, #tpu.memory_space<vmem>> -> memref<1x64xf32, #tpu.memory_space<vmem>>
        %dma_start3A_2253 = arith.constant 0 : i32
        %dma_start3A_2254 = tpu.memref_slice %arg5[%squeeze3A_2250, %dma_start3A_2253] : memref<1000000x64xf32, #tpu.memory_space<hbm>> -> memref<1x64xf32, #tpu.memory_space<hbm>>
        %dma_start3A_2255 = arith.constant 0 : i32
        %dma_start3A_2256 = tpu.memref_slice %arg12[%add3A_2248, %dma_start3A_2255] : memref<64x64xf32, #tpu.memory_space<vmem>> -> memref<1x64xf32, #tpu.memory_space<vmem>>
        %dma_start3A_2257 = arith.constant 0 : i32
        %dma_start3A_2258 = tpu.memref_slice %arg5[%squeeze3A_2250, %dma_start3A_2257] : memref<1000000x64xf32, #tpu.memory_space<hbm>> -> memref<1x64xf32, #tpu.memory_space<hbm>>
        tpu.enqueue_dma source(%dma_start3A_2258 : memref<1x64xf32, #tpu.memory_space<hbm>>) target(%dma_start3A_2256 : memref<1x64xf32, #tpu.memory_space<vmem>>) target_semaphore(%arg16 : memref<!tpu.dma_semaphore, #tpu.memory_space<semaphore_mem>>)
        %slice3A_2259 = vector.extract_strided_slice %get3A_2172 {offsets = [3], sizes = [1], strides = [1]} : vector<16xi32> to vector<1xi32>
        %squeeze3A_2260 = vector.extract %slice3A_2259[0] : i32 from vector<1xi32>
        %dma_start3A_2261 = arith.constant 0 : i32
        %dma_start3A_2262 = tpu.memref_slice %arg13[%add3A_2248, %dma_start3A_2261] : memref<64x64xf32, #tpu.memory_space<vmem>> -> memref<1x64xf32, #tpu.memory_space<vmem>>
        %dma_start3A_2263 = arith.constant 0 : i32
        %dma_start3A_2264 = tpu.memref_slice %arg6[%squeeze3A_2260, %dma_start3A_2263] : memref<1000000x64xf32, #tpu.memory_space<hbm>> -> memref<1x64xf32, #tpu.memory_space<hbm>>
        %dma_start3A_2265 = arith.constant 0 : i32
        %dma_start3A_2266 = tpu.memref_slice %arg13[%add3A_2248, %dma_start3A_2265] : memref<64x64xf32, #tpu.memory_space<vmem>> -> memref<1x64xf32, #tpu.memory_space<vmem>>
        %dma_start3A_2267 = arith.constant 0 : i32
        %dma_start3A_2268 = tpu.memref_slice %arg6[%squeeze3A_2260, %dma_start3A_2267] : memref<1000000x64xf32, #tpu.memory_space<hbm>> -> memref<1x64xf32, #tpu.memory_space<hbm>>
        tpu.enqueue_dma source(%dma_start3A_2268 : memref<1x64xf32, #tpu.memory_space<hbm>>) target(%dma_start3A_2266 : memref<1x64xf32, #tpu.memory_space<vmem>>) target_semaphore(%arg16 : memref<!tpu.dma_semaphore, #tpu.memory_space<semaphore_mem>>)
        %mul3A_2269 = arith.constant 16 : i32
        %mul3A_2270 = arith.muli %and3A_2164, %mul3A_2269 : i32
        %add3A_2271 = arith.constant 4 : i32
        %add3A_2272 = arith.addi %mul3A_2270, %add3A_2271 : i32
        %slice3A_2273 = vector.extract_strided_slice %get3A_2168 {offsets = [4], sizes = [1], strides = [1]} : vector<16xi32> to vector<1xi32>
        %squeeze3A_2274 = vector.extract %slice3A_2273[0] : i32 from vector<1xi32>
        %dma_start3A_2275 = arith.constant 0 : i32
        %dma_start3A_2276 = tpu.memref_slice %arg12[%add3A_2272, %dma_start3A_2275] : memref<64x64xf32, #tpu.memory_space<vmem>> -> memref<1x64xf32, #tpu.memory_space<vmem>>
        %dma_start3A_2277 = arith.constant 0 : i32
        %dma_start3A_2278 = tpu.memref_slice %arg5[%squeeze3A_2274, %dma_start3A_2277] : memref<1000000x64xf32, #tpu.memory_space<hbm>> -> memref<1x64xf32, #tpu.memory_space<hbm>>
        %dma_start3A_2279 = arith.constant 0 : i32
        %dma_start3A_2280 = tpu.memref_slice %arg12[%add3A_2272, %dma_start3A_2279] : memref<64x64xf32, #tpu.memory_space<vmem>> -> memref<1x64xf32, #tpu.memory_space<vmem>>
        %dma_start3A_2281 = arith.constant 0 : i32
        %dma_start3A_2282 = tpu.memref_slice %arg5[%squeeze3A_2274, %dma_start3A_2281] : memref<1000000x64xf32, #tpu.memory_space<hbm>> -> memref<1x64xf32, #tpu.memory_space<hbm>>
        tpu.enqueue_dma source(%dma_start3A_2282 : memref<1x64xf32, #tpu.memory_space<hbm>>) target(%dma_start3A_2280 : memref<1x64xf32, #tpu.memory_space<vmem>>) target_semaphore(%arg16 : memref<!tpu.dma_semaphore, #tpu.memory_space<semaphore_mem>>)
        %slice3A_2283 = vector.extract_strided_slice %get3A_2172 {offsets = [4], sizes = [1], strides = [1]} : vector<16xi32> to vector<1xi32>
        %squeeze3A_2284 = vector.extract %slice3A_2283[0] : i32 from vector<1xi32>
        %dma_start3A_2285 = arith.constant 0 : i32
        %dma_start3A_2286 = tpu.memref_slice %arg13[%add3A_2272, %dma_start3A_2285] : memref<64x64xf32, #tpu.memory_space<vmem>> -> memref<1x64xf32, #tpu.memory_space<vmem>>
        %dma_start3A_2287 = arith.constant 0 : i32
        %dma_start3A_2288 = tpu.memref_slice %arg6[%squeeze3A_2284, %dma_start3A_2287] : memref<1000000x64xf32, #tpu.memory_space<hbm>> -> memref<1x64xf32, #tpu.memory_space<hbm>>
        %dma_start3A_2289 = arith.constant 0 : i32
        %dma_start3A_2290 = tpu.memref_slice %arg13[%add3A_2272, %dma_start3A_2289] : memref<64x64xf32, #tpu.memory_space<vmem>> -> memref<1x64xf32, #tpu.memory_space<vmem>>
        %dma_start3A_2291 = arith.constant 0 : i32
        %dma_start3A_2292 = tpu.memref_slice %arg6[%squeeze3A_2284, %dma_start3A_2291] : memref<1000000x64xf32, #tpu.memory_space<hbm>> -> memref<1x64xf32, #tpu.memory_space<hbm>>
        tpu.enqueue_dma source(%dma_start3A_2292 : memref<1x64xf32, #tpu.memory_space<hbm>>) target(%dma_start3A_2290 : memref<1x64xf32, #tpu.memory_space<vmem>>) target_semaphore(%arg16 : memref<!tpu.dma_semaphore, #tpu.memory_space<semaphore_mem>>)
        %mul3A_2293 = arith.constant 16 : i32
        %mul3A_2294 = arith.muli %and3A_2164, %mul3A_2293 : i32
        %add3A_2295 = arith.constant 5 : i32
        %add3A_2296 = arith.addi %mul3A_2294, %add3A_2295 : i32
        %slice3A_2297 = vector.extract_strided_slice %get3A_2168 {offsets = [5], sizes = [1], strides = [1]} : vector<16xi32> to vector<1xi32>
        %squeeze3A_2298 = vector.extract %slice3A_2297[0] : i32 from vector<1xi32>
        %dma_start3A_2299 = arith.constant 0 : i32
        %dma_start3A_2300 = tpu.memref_slice %arg12[%add3A_2296, %dma_start3A_2299] : memref<64x64xf32, #tpu.memory_space<vmem>> -> memref<1x64xf32, #tpu.memory_space<vmem>>
        %dma_start3A_2301 = arith.constant 0 : i32
        %dma_start3A_2302 = tpu.memref_slice %arg5[%squeeze3A_2298, %dma_start3A_2301] : memref<1000000x64xf32, #tpu.memory_space<hbm>> -> memref<1x64xf32, #tpu.memory_space<hbm>>
        %dma_start3A_2303 = arith.constant 0 : i32
        %dma_start3A_2304 = tpu.memref_slice %arg12[%add3A_2296, %dma_start3A_2303] : memref<64x64xf32, #tpu.memory_space<vmem>> -> memref<1x64xf32, #tpu.memory_space<vmem>>
        %dma_start3A_2305 = arith.constant 0 : i32
        %dma_start3A_2306 = tpu.memref_slice %arg5[%squeeze3A_2298, %dma_start3A_2305] : memref<1000000x64xf32, #tpu.memory_space<hbm>> -> memref<1x64xf32, #tpu.memory_space<hbm>>
        tpu.enqueue_dma source(%dma_start3A_2306 : memref<1x64xf32, #tpu.memory_space<hbm>>) target(%dma_start3A_2304 : memref<1x64xf32, #tpu.memory_space<vmem>>) target_semaphore(%arg16 : memref<!tpu.dma_semaphore, #tpu.memory_space<semaphore_mem>>)
        %slice3A_2307 = vector.extract_strided_slice %get3A_2172 {offsets = [5], sizes = [1], strides = [1]} : vector<16xi32> to vector<1xi32>
        %squeeze3A_2308 = vector.extract %slice3A_2307[0] : i32 from vector<1xi32>
        %dma_start3A_2309 = arith.constant 0 : i32
        %dma_start3A_2310 = tpu.memref_slice %arg13[%add3A_2296, %dma_start3A_2309] : memref<64x64xf32, #tpu.memory_space<vmem>> -> memref<1x64xf32, #tpu.memory_space<vmem>>
        %dma_start3A_2311 = arith.constant 0 : i32
        %dma_start3A_2312 = tpu.memref_slice %arg6[%squeeze3A_2308, %dma_start3A_2311] : memref<1000000x64xf32, #tpu.memory_space<hbm>> -> memref<1x64xf32, #tpu.memory_space<hbm>>
        %dma_start3A_2313 = arith.constant 0 : i32
        %dma_start3A_2314 = tpu.memref_slice %arg13[%add3A_2296, %dma_start3A_2313] : memref<64x64xf32, #tpu.memory_space<vmem>> -> memref<1x64xf32, #tpu.memory_space<vmem>>
        %dma_start3A_2315 = arith.constant 0 : i32
        %dma_start3A_2316 = tpu.memref_slice %arg6[%squeeze3A_2308, %dma_start3A_2315] : memref<1000000x64xf32, #tpu.memory_space<hbm>> -> memref<1x64xf32, #tpu.memory_space<hbm>>
        tpu.enqueue_dma source(%dma_start3A_2316 : memref<1x64xf32, #tpu.memory_space<hbm>>) target(%dma_start3A_2314 : memref<1x64xf32, #tpu.memory_space<vmem>>) target_semaphore(%arg16 : memref<!tpu.dma_semaphore, #tpu.memory_space<semaphore_mem>>)
        %mul3A_2317 = arith.constant 16 : i32
        %mul3A_2318 = arith.muli %and3A_2164, %mul3A_2317 : i32
        %add3A_2319 = arith.constant 6 : i32
        %add3A_2320 = arith.addi %mul3A_2318, %add3A_2319 : i32
        %slice3A_2321 = vector.extract_strided_slice %get3A_2168 {offsets = [6], sizes = [1], strides = [1]} : vector<16xi32> to vector<1xi32>
        %squeeze3A_2322 = vector.extract %slice3A_2321[0] : i32 from vector<1xi32>
        %dma_start3A_2323 = arith.constant 0 : i32
        %dma_start3A_2324 = tpu.memref_slice %arg12[%add3A_2320, %dma_start3A_2323] : memref<64x64xf32, #tpu.memory_space<vmem>> -> memref<1x64xf32, #tpu.memory_space<vmem>>
        %dma_start3A_2325 = arith.constant 0 : i32
        %dma_start3A_2326 = tpu.memref_slice %arg5[%squeeze3A_2322, %dma_start3A_2325] : memref<1000000x64xf32, #tpu.memory_space<hbm>> -> memref<1x64xf32, #tpu.memory_space<hbm>>
        %dma_start3A_2327 = arith.constant 0 : i32
        %dma_start3A_2328 = tpu.memref_slice %arg12[%add3A_2320, %dma_start3A_2327] : memref<64x64xf32, #tpu.memory_space<vmem>> -> memref<1x64xf32, #tpu.memory_space<vmem>>
        %dma_start3A_2329 = arith.constant 0 : i32
        %dma_start3A_2330 = tpu.memref_slice %arg5[%squeeze3A_2322, %dma_start3A_2329] : memref<1000000x64xf32, #tpu.memory_space<hbm>> -> memref<1x64xf32, #tpu.memory_space<hbm>>
        tpu.enqueue_dma source(%dma_start3A_2330 : memref<1x64xf32, #tpu.memory_space<hbm>>) target(%dma_start3A_2328 : memref<1x64xf32, #tpu.memory_space<vmem>>) target_semaphore(%arg16 : memref<!tpu.dma_semaphore, #tpu.memory_space<semaphore_mem>>)
        %slice3A_2331 = vector.extract_strided_slice %get3A_2172 {offsets = [6], sizes = [1], strides = [1]} : vector<16xi32> to vector<1xi32>
        %squeeze3A_2332 = vector.extract %slice3A_2331[0] : i32 from vector<1xi32>
        %dma_start3A_2333 = arith.constant 0 : i32
        %dma_start3A_2334 = tpu.memref_slice %arg13[%add3A_2320, %dma_start3A_2333] : memref<64x64xf32, #tpu.memory_space<vmem>> -> memref<1x64xf32, #tpu.memory_space<vmem>>
        %dma_start3A_2335 = arith.constant 0 : i32
        %dma_start3A_2336 = tpu.memref_slice %arg6[%squeeze3A_2332, %dma_start3A_2335] : memref<1000000x64xf32, #tpu.memory_space<hbm>> -> memref<1x64xf32, #tpu.memory_space<hbm>>
        %dma_start3A_2337 = arith.constant 0 : i32
        %dma_start3A_2338 = tpu.memref_slice %arg13[%add3A_2320, %dma_start3A_2337] : memref<64x64xf32, #tpu.memory_space<vmem>> -> memref<1x64xf32, #tpu.memory_space<vmem>>
        %dma_start3A_2339 = arith.constant 0 : i32
        %dma_start3A_2340 = tpu.memref_slice %arg6[%squeeze3A_2332, %dma_start3A_2339] : memref<1000000x64xf32, #tpu.memory_space<hbm>> -> memref<1x64xf32, #tpu.memory_space<hbm>>
        tpu.enqueue_dma source(%dma_start3A_2340 : memref<1x64xf32, #tpu.memory_space<hbm>>) target(%dma_start3A_2338 : memref<1x64xf32, #tpu.memory_space<vmem>>) target_semaphore(%arg16 : memref<!tpu.dma_semaphore, #tpu.memory_space<semaphore_mem>>)
        %mul3A_2341 = arith.constant 16 : i32
        %mul3A_2342 = arith.muli %and3A_2164, %mul3A_2341 : i32
        %add3A_2343 = arith.constant 7 : i32
        %add3A_2344 = arith.addi %mul3A_2342, %add3A_2343 : i32
        %slice3A_2345 = vector.extract_strided_slice %get3A_2168 {offsets = [7], sizes = [1], strides = [1]} : vector<16xi32> to vector<1xi32>
        %squeeze3A_2346 = vector.extract %slice3A_2345[0] : i32 from vector<1xi32>
        %dma_start3A_2347 = arith.constant 0 : i32
        %dma_start3A_2348 = tpu.memref_slice %arg12[%add3A_2344, %dma_start3A_2347] : memref<64x64xf32, #tpu.memory_space<vmem>> -> memref<1x64xf32, #tpu.memory_space<vmem>>
        %dma_start3A_2349 = arith.constant 0 : i32
        %dma_start3A_2350 = tpu.memref_slice %arg5[%squeeze3A_2346, %dma_start3A_2349] : memref<1000000x64xf32, #tpu.memory_space<hbm>> -> memref<1x64xf32, #tpu.memory_space<hbm>>
        %dma_start3A_2351 = arith.constant 0 : i32
        %dma_start3A_2352 = tpu.memref_slice %arg12[%add3A_2344, %dma_start3A_2351] : memref<64x64xf32, #tpu.memory_space<vmem>> -> memref<1x64xf32, #tpu.memory_space<vmem>>
        %dma_start3A_2353 = arith.constant 0 : i32
        %dma_start3A_2354 = tpu.memref_slice %arg5[%squeeze3A_2346, %dma_start3A_2353] : memref<1000000x64xf32, #tpu.memory_space<hbm>> -> memref<1x64xf32, #tpu.memory_space<hbm>>
        tpu.enqueue_dma source(%dma_start3A_2354 : memref<1x64xf32, #tpu.memory_space<hbm>>) target(%dma_start3A_2352 : memref<1x64xf32, #tpu.memory_space<vmem>>) target_semaphore(%arg16 : memref<!tpu.dma_semaphore, #tpu.memory_space<semaphore_mem>>)
        %slice3A_2355 = vector.extract_strided_slice %get3A_2172 {offsets = [7], sizes = [1], strides = [1]} : vector<16xi32> to vector<1xi32>
        %squeeze3A_2356 = vector.extract %slice3A_2355[0] : i32 from vector<1xi32>
        %dma_start3A_2357 = arith.constant 0 : i32
        %dma_start3A_2358 = tpu.memref_slice %arg13[%add3A_2344, %dma_start3A_2357] : memref<64x64xf32, #tpu.memory_space<vmem>> -> memref<1x64xf32, #tpu.memory_space<vmem>>
        %dma_start3A_2359 = arith.constant 0 : i32
        %dma_start3A_2360 = tpu.memref_slice %arg6[%squeeze3A_2356, %dma_start3A_2359] : memref<1000000x64xf32, #tpu.memory_space<hbm>> -> memref<1x64xf32, #tpu.memory_space<hbm>>
        %dma_start3A_2361 = arith.constant 0 : i32
        %dma_start3A_2362 = tpu.memref_slice %arg13[%add3A_2344, %dma_start3A_2361] : memref<64x64xf32, #tpu.memory_space<vmem>> -> memref<1x64xf32, #tpu.memory_space<vmem>>
        %dma_start3A_2363 = arith.constant 0 : i32
        %dma_start3A_2364 = tpu.memref_slice %arg6[%squeeze3A_2356, %dma_start3A_2363] : memref<1000000x64xf32, #tpu.memory_space<hbm>> -> memref<1x64xf32, #tpu.memory_space<hbm>>
        tpu.enqueue_dma source(%dma_start3A_2364 : memref<1x64xf32, #tpu.memory_space<hbm>>) target(%dma_start3A_2362 : memref<1x64xf32, #tpu.memory_space<vmem>>) target_semaphore(%arg16 : memref<!tpu.dma_semaphore, #tpu.memory_space<semaphore_mem>>)
        %mul3A_2365 = arith.constant 16 : i32
        %mul3A_2366 = arith.muli %and3A_2164, %mul3A_2365 : i32
        %add3A_2367 = arith.constant 8 : i32
        %add3A_2368 = arith.addi %mul3A_2366, %add3A_2367 : i32
        %slice3A_2369 = vector.extract_strided_slice %get3A_2168 {offsets = [8], sizes = [1], strides = [1]} : vector<16xi32> to vector<1xi32>
        %squeeze3A_2370 = vector.extract %slice3A_2369[0] : i32 from vector<1xi32>
        %dma_start3A_2371 = arith.constant 0 : i32
        %dma_start3A_2372 = tpu.memref_slice %arg12[%add3A_2368, %dma_start3A_2371] : memref<64x64xf32, #tpu.memory_space<vmem>> -> memref<1x64xf32, #tpu.memory_space<vmem>>
        %dma_start3A_2373 = arith.constant 0 : i32
        %dma_start3A_2374 = tpu.memref_slice %arg5[%squeeze3A_2370, %dma_start3A_2373] : memref<1000000x64xf32, #tpu.memory_space<hbm>> -> memref<1x64xf32, #tpu.memory_space<hbm>>
        %dma_start3A_2375 = arith.constant 0 : i32
        %dma_start3A_2376 = tpu.memref_slice %arg12[%add3A_2368, %dma_start3A_2375] : memref<64x64xf32, #tpu.memory_space<vmem>> -> memref<1x64xf32, #tpu.memory_space<vmem>>
        %dma_start3A_2377 = arith.constant 0 : i32
        %dma_start3A_2378 = tpu.memref_slice %arg5[%squeeze3A_2370, %dma_start3A_2377] : memref<1000000x64xf32, #tpu.memory_space<hbm>> -> memref<1x64xf32, #tpu.memory_space<hbm>>
        tpu.enqueue_dma source(%dma_start3A_2378 : memref<1x64xf32, #tpu.memory_space<hbm>>) target(%dma_start3A_2376 : memref<1x64xf32, #tpu.memory_space<vmem>>) target_semaphore(%arg16 : memref<!tpu.dma_semaphore, #tpu.memory_space<semaphore_mem>>)
        %slice3A_2379 = vector.extract_strided_slice %get3A_2172 {offsets = [8], sizes = [1], strides = [1]} : vector<16xi32> to vector<1xi32>
        %squeeze3A_2380 = vector.extract %slice3A_2379[0] : i32 from vector<1xi32>
        %dma_start3A_2381 = arith.constant 0 : i32
        %dma_start3A_2382 = tpu.memref_slice %arg13[%add3A_2368, %dma_start3A_2381] : memref<64x64xf32, #tpu.memory_space<vmem>> -> memref<1x64xf32, #tpu.memory_space<vmem>>
        %dma_start3A_2383 = arith.constant 0 : i32
        %dma_start3A_2384 = tpu.memref_slice %arg6[%squeeze3A_2380, %dma_start3A_2383] : memref<1000000x64xf32, #tpu.memory_space<hbm>> -> memref<1x64xf32, #tpu.memory_space<hbm>>
        %dma_start3A_2385 = arith.constant 0 : i32
        %dma_start3A_2386 = tpu.memref_slice %arg13[%add3A_2368, %dma_start3A_2385] : memref<64x64xf32, #tpu.memory_space<vmem>> -> memref<1x64xf32, #tpu.memory_space<vmem>>
        %dma_start3A_2387 = arith.constant 0 : i32
        %dma_start3A_2388 = tpu.memref_slice %arg6[%squeeze3A_2380, %dma_start3A_2387] : memref<1000000x64xf32, #tpu.memory_space<hbm>> -> memref<1x64xf32, #tpu.memory_space<hbm>>
        tpu.enqueue_dma source(%dma_start3A_2388 : memref<1x64xf32, #tpu.memory_space<hbm>>) target(%dma_start3A_2386 : memref<1x64xf32, #tpu.memory_space<vmem>>) target_semaphore(%arg16 : memref<!tpu.dma_semaphore, #tpu.memory_space<semaphore_mem>>)
        %mul3A_2389 = arith.constant 16 : i32
        %mul3A_2390 = arith.muli %and3A_2164, %mul3A_2389 : i32
        %add3A_2391 = arith.constant 9 : i32
        %add3A_2392 = arith.addi %mul3A_2390, %add3A_2391 : i32
        %slice3A_2393 = vector.extract_strided_slice %get3A_2168 {offsets = [9], sizes = [1], strides = [1]} : vector<16xi32> to vector<1xi32>
        %squeeze3A_2394 = vector.extract %slice3A_2393[0] : i32 from vector<1xi32>
        %dma_start3A_2395 = arith.constant 0 : i32
        %dma_start3A_2396 = tpu.memref_slice %arg12[%add3A_2392, %dma_start3A_2395] : memref<64x64xf32, #tpu.memory_space<vmem>> -> memref<1x64xf32, #tpu.memory_space<vmem>>
        %dma_start3A_2397 = arith.constant 0 : i32
        %dma_start3A_2398 = tpu.memref_slice %arg5[%squeeze3A_2394, %dma_start3A_2397] : memref<1000000x64xf32, #tpu.memory_space<hbm>> -> memref<1x64xf32, #tpu.memory_space<hbm>>
        %dma_start3A_2399 = arith.constant 0 : i32
        %dma_start3A_2400 = tpu.memref_slice %arg12[%add3A_2392, %dma_start3A_2399] : memref<64x64xf32, #tpu.memory_space<vmem>> -> memref<1x64xf32, #tpu.memory_space<vmem>>
        %dma_start3A_2401 = arith.constant 0 : i32
        %dma_start3A_2402 = tpu.memref_slice %arg5[%squeeze3A_2394, %dma_start3A_2401] : memref<1000000x64xf32, #tpu.memory_space<hbm>> -> memref<1x64xf32, #tpu.memory_space<hbm>>
        tpu.enqueue_dma source(%dma_start3A_2402 : memref<1x64xf32, #tpu.memory_space<hbm>>) target(%dma_start3A_2400 : memref<1x64xf32, #tpu.memory_space<vmem>>) target_semaphore(%arg16 : memref<!tpu.dma_semaphore, #tpu.memory_space<semaphore_mem>>)
        %slice3A_2403 = vector.extract_strided_slice %get3A_2172 {offsets = [9], sizes = [1], strides = [1]} : vector<16xi32> to vector<1xi32>
        %squeeze3A_2404 = vector.extract %slice3A_2403[0] : i32 from vector<1xi32>
        %dma_start3A_2405 = arith.constant 0 : i32
        %dma_start3A_2406 = tpu.memref_slice %arg13[%add3A_2392, %dma_start3A_2405] : memref<64x64xf32, #tpu.memory_space<vmem>> -> memref<1x64xf32, #tpu.memory_space<vmem>>
        %dma_start3A_2407 = arith.constant 0 : i32
        %dma_start3A_2408 = tpu.memref_slice %arg6[%squeeze3A_2404, %dma_start3A_2407] : memref<1000000x64xf32, #tpu.memory_space<hbm>> -> memref<1x64xf32, #tpu.memory_space<hbm>>
        %dma_start3A_2409 = arith.constant 0 : i32
        %dma_start3A_2410 = tpu.memref_slice %arg13[%add3A_2392, %dma_start3A_2409] : memref<64x64xf32, #tpu.memory_space<vmem>> -> memref<1x64xf32, #tpu.memory_space<vmem>>
        %dma_start3A_2411 = arith.constant 0 : i32
        %dma_start3A_2412 = tpu.memref_slice %arg6[%squeeze3A_2404, %dma_start3A_2411] : memref<1000000x64xf32, #tpu.memory_space<hbm>> -> memref<1x64xf32, #tpu.memory_space<hbm>>
        tpu.enqueue_dma source(%dma_start3A_2412 : memref<1x64xf32, #tpu.memory_space<hbm>>) target(%dma_start3A_2410 : memref<1x64xf32, #tpu.memory_space<vmem>>) target_semaphore(%arg16 : memref<!tpu.dma_semaphore, #tpu.memory_space<semaphore_mem>>)
        %mul3A_2413 = arith.constant 16 : i32
        %mul3A_2414 = arith.muli %and3A_2164, %mul3A_2413 : i32
        %add3A_2415 = arith.constant 10 : i32
        %add3A_2416 = arith.addi %mul3A_2414, %add3A_2415 : i32
        %slice3A_2417 = vector.extract_strided_slice %get3A_2168 {offsets = [10], sizes = [1], strides = [1]} : vector<16xi32> to vector<1xi32>
        %squeeze3A_2418 = vector.extract %slice3A_2417[0] : i32 from vector<1xi32>
        %dma_start3A_2419 = arith.constant 0 : i32
        %dma_start3A_2420 = tpu.memref_slice %arg12[%add3A_2416, %dma_start3A_2419] : memref<64x64xf32, #tpu.memory_space<vmem>> -> memref<1x64xf32, #tpu.memory_space<vmem>>
        %dma_start3A_2421 = arith.constant 0 : i32
        %dma_start3A_2422 = tpu.memref_slice %arg5[%squeeze3A_2418, %dma_start3A_2421] : memref<1000000x64xf32, #tpu.memory_space<hbm>> -> memref<1x64xf32, #tpu.memory_space<hbm>>
        %dma_start3A_2423 = arith.constant 0 : i32
        %dma_start3A_2424 = tpu.memref_slice %arg12[%add3A_2416, %dma_start3A_2423] : memref<64x64xf32, #tpu.memory_space<vmem>> -> memref<1x64xf32, #tpu.memory_space<vmem>>
        %dma_start3A_2425 = arith.constant 0 : i32
        %dma_start3A_2426 = tpu.memref_slice %arg5[%squeeze3A_2418, %dma_start3A_2425] : memref<1000000x64xf32, #tpu.memory_space<hbm>> -> memref<1x64xf32, #tpu.memory_space<hbm>>
        tpu.enqueue_dma source(%dma_start3A_2426 : memref<1x64xf32, #tpu.memory_space<hbm>>) target(%dma_start3A_2424 : memref<1x64xf32, #tpu.memory_space<vmem>>) target_semaphore(%arg16 : memref<!tpu.dma_semaphore, #tpu.memory_space<semaphore_mem>>)
        %slice3A_2427 = vector.extract_strided_slice %get3A_2172 {offsets = [10], sizes = [1], strides = [1]} : vector<16xi32> to vector<1xi32>
        %squeeze3A_2428 = vector.extract %slice3A_2427[0] : i32 from vector<1xi32>
        %dma_start3A_2429 = arith.constant 0 : i32
        %dma_start3A_2430 = tpu.memref_slice %arg13[%add3A_2416, %dma_start3A_2429] : memref<64x64xf32, #tpu.memory_space<vmem>> -> memref<1x64xf32, #tpu.memory_space<vmem>>
        %dma_start3A_2431 = arith.constant 0 : i32
        %dma_start3A_2432 = tpu.memref_slice %arg6[%squeeze3A_2428, %dma_start3A_2431] : memref<1000000x64xf32, #tpu.memory_space<hbm>> -> memref<1x64xf32, #tpu.memory_space<hbm>>
        %dma_start3A_2433 = arith.constant 0 : i32
        %dma_start3A_2434 = tpu.memref_slice %arg13[%add3A_2416, %dma_start3A_2433] : memref<64x64xf32, #tpu.memory_space<vmem>> -> memref<1x64xf32, #tpu.memory_space<vmem>>
        %dma_start3A_2435 = arith.constant 0 : i32
        %dma_start3A_2436 = tpu.memref_slice %arg6[%squeeze3A_2428, %dma_start3A_2435] : memref<1000000x64xf32, #tpu.memory_space<hbm>> -> memref<1x64xf32, #tpu.memory_space<hbm>>
        tpu.enqueue_dma source(%dma_start3A_2436 : memref<1x64xf32, #tpu.memory_space<hbm>>) target(%dma_start3A_2434 : memref<1x64xf32, #tpu.memory_space<vmem>>) target_semaphore(%arg16 : memref<!tpu.dma_semaphore, #tpu.memory_space<semaphore_mem>>)
        %mul3A_2437 = arith.constant 16 : i32
        %mul3A_2438 = arith.muli %and3A_2164, %mul3A_2437 : i32
        %add3A_2439 = arith.constant 11 : i32
        %add3A_2440 = arith.addi %mul3A_2438, %add3A_2439 : i32
        %slice3A_2441 = vector.extract_strided_slice %get3A_2168 {offsets = [11], sizes = [1], strides = [1]} : vector<16xi32> to vector<1xi32>
        %squeeze3A_2442 = vector.extract %slice3A_2441[0] : i32 from vector<1xi32>
        %dma_start3A_2443 = arith.constant 0 : i32
        %dma_start3A_2444 = tpu.memref_slice %arg12[%add3A_2440, %dma_start3A_2443] : memref<64x64xf32, #tpu.memory_space<vmem>> -> memref<1x64xf32, #tpu.memory_space<vmem>>
        %dma_start3A_2445 = arith.constant 0 : i32
        %dma_start3A_2446 = tpu.memref_slice %arg5[%squeeze3A_2442, %dma_start3A_2445] : memref<1000000x64xf32, #tpu.memory_space<hbm>> -> memref<1x64xf32, #tpu.memory_space<hbm>>
        %dma_start3A_2447 = arith.constant 0 : i32
        %dma_start3A_2448 = tpu.memref_slice %arg12[%add3A_2440, %dma_start3A_2447] : memref<64x64xf32, #tpu.memory_space<vmem>> -> memref<1x64xf32, #tpu.memory_space<vmem>>
        %dma_start3A_2449 = arith.constant 0 : i32
        %dma_start3A_2450 = tpu.memref_slice %arg5[%squeeze3A_2442, %dma_start3A_2449] : memref<1000000x64xf32, #tpu.memory_space<hbm>> -> memref<1x64xf32, #tpu.memory_space<hbm>>
        tpu.enqueue_dma source(%dma_start3A_2450 : memref<1x64xf32, #tpu.memory_space<hbm>>) target(%dma_start3A_2448 : memref<1x64xf32, #tpu.memory_space<vmem>>) target_semaphore(%arg16 : memref<!tpu.dma_semaphore, #tpu.memory_space<semaphore_mem>>)
        %slice3A_2451 = vector.extract_strided_slice %get3A_2172 {offsets = [11], sizes = [1], strides = [1]} : vector<16xi32> to vector<1xi32>
        %squeeze3A_2452 = vector.extract %slice3A_2451[0] : i32 from vector<1xi32>
        %dma_start3A_2453 = arith.constant 0 : i32
        %dma_start3A_2454 = tpu.memref_slice %arg13[%add3A_2440, %dma_start3A_2453] : memref<64x64xf32, #tpu.memory_space<vmem>> -> memref<1x64xf32, #tpu.memory_space<vmem>>
        %dma_start3A_2455 = arith.constant 0 : i32
        %dma_start3A_2456 = tpu.memref_slice %arg6[%squeeze3A_2452, %dma_start3A_2455] : memref<1000000x64xf32, #tpu.memory_space<hbm>> -> memref<1x64xf32, #tpu.memory_space<hbm>>
        %dma_start3A_2457 = arith.constant 0 : i32
        %dma_start3A_2458 = tpu.memref_slice %arg13[%add3A_2440, %dma_start3A_2457] : memref<64x64xf32, #tpu.memory_space<vmem>> -> memref<1x64xf32, #tpu.memory_space<vmem>>
        %dma_start3A_2459 = arith.constant 0 : i32
        %dma_start3A_2460 = tpu.memref_slice %arg6[%squeeze3A_2452, %dma_start3A_2459] : memref<1000000x64xf32, #tpu.memory_space<hbm>> -> memref<1x64xf32, #tpu.memory_space<hbm>>
        tpu.enqueue_dma source(%dma_start3A_2460 : memref<1x64xf32, #tpu.memory_space<hbm>>) target(%dma_start3A_2458 : memref<1x64xf32, #tpu.memory_space<vmem>>) target_semaphore(%arg16 : memref<!tpu.dma_semaphore, #tpu.memory_space<semaphore_mem>>)
        %mul3A_2461 = arith.constant 16 : i32
        %mul3A_2462 = arith.muli %and3A_2164, %mul3A_2461 : i32
        %add3A_2463 = arith.constant 12 : i32
        %add3A_2464 = arith.addi %mul3A_2462, %add3A_2463 : i32
        %slice3A_2465 = vector.extract_strided_slice %get3A_2168 {offsets = [12], sizes = [1], strides = [1]} : vector<16xi32> to vector<1xi32>
        %squeeze3A_2466 = vector.extract %slice3A_2465[0] : i32 from vector<1xi32>
        %dma_start3A_2467 = arith.constant 0 : i32
        %dma_start3A_2468 = tpu.memref_slice %arg12[%add3A_2464, %dma_start3A_2467] : memref<64x64xf32, #tpu.memory_space<vmem>> -> memref<1x64xf32, #tpu.memory_space<vmem>>
        %dma_start3A_2469 = arith.constant 0 : i32
        %dma_start3A_2470 = tpu.memref_slice %arg5[%squeeze3A_2466, %dma_start3A_2469] : memref<1000000x64xf32, #tpu.memory_space<hbm>> -> memref<1x64xf32, #tpu.memory_space<hbm>>
        %dma_start3A_2471 = arith.constant 0 : i32
        %dma_start3A_2472 = tpu.memref_slice %arg12[%add3A_2464, %dma_start3A_2471] : memref<64x64xf32, #tpu.memory_space<vmem>> -> memref<1x64xf32, #tpu.memory_space<vmem>>
        %dma_start3A_2473 = arith.constant 0 : i32
        %dma_start3A_2474 = tpu.memref_slice %arg5[%squeeze3A_2466, %dma_start3A_2473] : memref<1000000x64xf32, #tpu.memory_space<hbm>> -> memref<1x64xf32, #tpu.memory_space<hbm>>
        tpu.enqueue_dma source(%dma_start3A_2474 : memref<1x64xf32, #tpu.memory_space<hbm>>) target(%dma_start3A_2472 : memref<1x64xf32, #tpu.memory_space<vmem>>) target_semaphore(%arg16 : memref<!tpu.dma_semaphore, #tpu.memory_space<semaphore_mem>>)
        %slice3A_2475 = vector.extract_strided_slice %get3A_2172 {offsets = [12], sizes = [1], strides = [1]} : vector<16xi32> to vector<1xi32>
        %squeeze3A_2476 = vector.extract %slice3A_2475[0] : i32 from vector<1xi32>
        %dma_start3A_2477 = arith.constant 0 : i32
        %dma_start3A_2478 = tpu.memref_slice %arg13[%add3A_2464, %dma_start3A_2477] : memref<64x64xf32, #tpu.memory_space<vmem>> -> memref<1x64xf32, #tpu.memory_space<vmem>>
        %dma_start3A_2479 = arith.constant 0 : i32
        %dma_start3A_2480 = tpu.memref_slice %arg6[%squeeze3A_2476, %dma_start3A_2479] : memref<1000000x64xf32, #tpu.memory_space<hbm>> -> memref<1x64xf32, #tpu.memory_space<hbm>>
        %dma_start3A_2481 = arith.constant 0 : i32
        %dma_start3A_2482 = tpu.memref_slice %arg13[%add3A_2464, %dma_start3A_2481] : memref<64x64xf32, #tpu.memory_space<vmem>> -> memref<1x64xf32, #tpu.memory_space<vmem>>
        %dma_start3A_2483 = arith.constant 0 : i32
        %dma_start3A_2484 = tpu.memref_slice %arg6[%squeeze3A_2476, %dma_start3A_2483] : memref<1000000x64xf32, #tpu.memory_space<hbm>> -> memref<1x64xf32, #tpu.memory_space<hbm>>
        tpu.enqueue_dma source(%dma_start3A_2484 : memref<1x64xf32, #tpu.memory_space<hbm>>) target(%dma_start3A_2482 : memref<1x64xf32, #tpu.memory_space<vmem>>) target_semaphore(%arg16 : memref<!tpu.dma_semaphore, #tpu.memory_space<semaphore_mem>>)
        %mul3A_2485 = arith.constant 16 : i32
        %mul3A_2486 = arith.muli %and3A_2164, %mul3A_2485 : i32
        %add3A_2487 = arith.constant 13 : i32
        %add3A_2488 = arith.addi %mul3A_2486, %add3A_2487 : i32
        %slice3A_2489 = vector.extract_strided_slice %get3A_2168 {offsets = [13], sizes = [1], strides = [1]} : vector<16xi32> to vector<1xi32>
        %squeeze3A_2490 = vector.extract %slice3A_2489[0] : i32 from vector<1xi32>
        %dma_start3A_2491 = arith.constant 0 : i32
        %dma_start3A_2492 = tpu.memref_slice %arg12[%add3A_2488, %dma_start3A_2491] : memref<64x64xf32, #tpu.memory_space<vmem>> -> memref<1x64xf32, #tpu.memory_space<vmem>>
        %dma_start3A_2493 = arith.constant 0 : i32
        %dma_start3A_2494 = tpu.memref_slice %arg5[%squeeze3A_2490, %dma_start3A_2493] : memref<1000000x64xf32, #tpu.memory_space<hbm>> -> memref<1x64xf32, #tpu.memory_space<hbm>>
        %dma_start3A_2495 = arith.constant 0 : i32
        %dma_start3A_2496 = tpu.memref_slice %arg12[%add3A_2488, %dma_start3A_2495] : memref<64x64xf32, #tpu.memory_space<vmem>> -> memref<1x64xf32, #tpu.memory_space<vmem>>
        %dma_start3A_2497 = arith.constant 0 : i32
        %dma_start3A_2498 = tpu.memref_slice %arg5[%squeeze3A_2490, %dma_start3A_2497] : memref<1000000x64xf32, #tpu.memory_space<hbm>> -> memref<1x64xf32, #tpu.memory_space<hbm>>
        tpu.enqueue_dma source(%dma_start3A_2498 : memref<1x64xf32, #tpu.memory_space<hbm>>) target(%dma_start3A_2496 : memref<1x64xf32, #tpu.memory_space<vmem>>) target_semaphore(%arg16 : memref<!tpu.dma_semaphore, #tpu.memory_space<semaphore_mem>>)
        %slice3A_2499 = vector.extract_strided_slice %get3A_2172 {offsets = [13], sizes = [1], strides = [1]} : vector<16xi32> to vector<1xi32>
        %squeeze3A_2500 = vector.extract %slice3A_2499[0] : i32 from vector<1xi32>
        %dma_start3A_2501 = arith.constant 0 : i32
        %dma_start3A_2502 = tpu.memref_slice %arg13[%add3A_2488, %dma_start3A_2501] : memref<64x64xf32, #tpu.memory_space<vmem>> -> memref<1x64xf32, #tpu.memory_space<vmem>>
        %dma_start3A_2503 = arith.constant 0 : i32
        %dma_start3A_2504 = tpu.memref_slice %arg6[%squeeze3A_2500, %dma_start3A_2503] : memref<1000000x64xf32, #tpu.memory_space<hbm>> -> memref<1x64xf32, #tpu.memory_space<hbm>>
        %dma_start3A_2505 = arith.constant 0 : i32
        %dma_start3A_2506 = tpu.memref_slice %arg13[%add3A_2488, %dma_start3A_2505] : memref<64x64xf32, #tpu.memory_space<vmem>> -> memref<1x64xf32, #tpu.memory_space<vmem>>
        %dma_start3A_2507 = arith.constant 0 : i32
        %dma_start3A_2508 = tpu.memref_slice %arg6[%squeeze3A_2500, %dma_start3A_2507] : memref<1000000x64xf32, #tpu.memory_space<hbm>> -> memref<1x64xf32, #tpu.memory_space<hbm>>
        tpu.enqueue_dma source(%dma_start3A_2508 : memref<1x64xf32, #tpu.memory_space<hbm>>) target(%dma_start3A_2506 : memref<1x64xf32, #tpu.memory_space<vmem>>) target_semaphore(%arg16 : memref<!tpu.dma_semaphore, #tpu.memory_space<semaphore_mem>>)
        %mul3A_2509 = arith.constant 16 : i32
        %mul3A_2510 = arith.muli %and3A_2164, %mul3A_2509 : i32
        %add3A_2511 = arith.constant 14 : i32
        %add3A_2512 = arith.addi %mul3A_2510, %add3A_2511 : i32
        %slice3A_2513 = vector.extract_strided_slice %get3A_2168 {offsets = [14], sizes = [1], strides = [1]} : vector<16xi32> to vector<1xi32>
        %squeeze3A_2514 = vector.extract %slice3A_2513[0] : i32 from vector<1xi32>
        %dma_start3A_2515 = arith.constant 0 : i32
        %dma_start3A_2516 = tpu.memref_slice %arg12[%add3A_2512, %dma_start3A_2515] : memref<64x64xf32, #tpu.memory_space<vmem>> -> memref<1x64xf32, #tpu.memory_space<vmem>>
        %dma_start3A_2517 = arith.constant 0 : i32
        %dma_start3A_2518 = tpu.memref_slice %arg5[%squeeze3A_2514, %dma_start3A_2517] : memref<1000000x64xf32, #tpu.memory_space<hbm>> -> memref<1x64xf32, #tpu.memory_space<hbm>>
        %dma_start3A_2519 = arith.constant 0 : i32
        %dma_start3A_2520 = tpu.memref_slice %arg12[%add3A_2512, %dma_start3A_2519] : memref<64x64xf32, #tpu.memory_space<vmem>> -> memref<1x64xf32, #tpu.memory_space<vmem>>
        %dma_start3A_2521 = arith.constant 0 : i32
        %dma_start3A_2522 = tpu.memref_slice %arg5[%squeeze3A_2514, %dma_start3A_2521] : memref<1000000x64xf32, #tpu.memory_space<hbm>> -> memref<1x64xf32, #tpu.memory_space<hbm>>
        tpu.enqueue_dma source(%dma_start3A_2522 : memref<1x64xf32, #tpu.memory_space<hbm>>) target(%dma_start3A_2520 : memref<1x64xf32, #tpu.memory_space<vmem>>) target_semaphore(%arg16 : memref<!tpu.dma_semaphore, #tpu.memory_space<semaphore_mem>>)
        %slice3A_2523 = vector.extract_strided_slice %get3A_2172 {offsets = [14], sizes = [1], strides = [1]} : vector<16xi32> to vector<1xi32>
        %squeeze3A_2524 = vector.extract %slice3A_2523[0] : i32 from vector<1xi32>
        %dma_start3A_2525 = arith.constant 0 : i32
        %dma_start3A_2526 = tpu.memref_slice %arg13[%add3A_2512, %dma_start3A_2525] : memref<64x64xf32, #tpu.memory_space<vmem>> -> memref<1x64xf32, #tpu.memory_space<vmem>>
        %dma_start3A_2527 = arith.constant 0 : i32
        %dma_start3A_2528 = tpu.memref_slice %arg6[%squeeze3A_2524, %dma_start3A_2527] : memref<1000000x64xf32, #tpu.memory_space<hbm>> -> memref<1x64xf32, #tpu.memory_space<hbm>>
        %dma_start3A_2529 = arith.constant 0 : i32
        %dma_start3A_2530 = tpu.memref_slice %arg13[%add3A_2512, %dma_start3A_2529] : memref<64x64xf32, #tpu.memory_space<vmem>> -> memref<1x64xf32, #tpu.memory_space<vmem>>
        %dma_start3A_2531 = arith.constant 0 : i32
        %dma_start3A_2532 = tpu.memref_slice %arg6[%squeeze3A_2524, %dma_start3A_2531] : memref<1000000x64xf32, #tpu.memory_space<hbm>> -> memref<1x64xf32, #tpu.memory_space<hbm>>
        tpu.enqueue_dma source(%dma_start3A_2532 : memref<1x64xf32, #tpu.memory_space<hbm>>) target(%dma_start3A_2530 : memref<1x64xf32, #tpu.memory_space<vmem>>) target_semaphore(%arg16 : memref<!tpu.dma_semaphore, #tpu.memory_space<semaphore_mem>>)
        %mul3A_2533 = arith.constant 16 : i32
        %mul3A_2534 = arith.muli %and3A_2164, %mul3A_2533 : i32
        %add3A_2535 = arith.constant 15 : i32
        %add3A_2536 = arith.addi %mul3A_2534, %add3A_2535 : i32
        %slice3A_2537 = vector.extract_strided_slice %get3A_2168 {offsets = [15], sizes = [1], strides = [1]} : vector<16xi32> to vector<1xi32>
        %squeeze3A_2538 = vector.extract %slice3A_2537[0] : i32 from vector<1xi32>
        %dma_start3A_2539 = arith.constant 0 : i32
        %dma_start3A_2540 = tpu.memref_slice %arg12[%add3A_2536, %dma_start3A_2539] : memref<64x64xf32, #tpu.memory_space<vmem>> -> memref<1x64xf32, #tpu.memory_space<vmem>>
        %dma_start3A_2541 = arith.constant 0 : i32
        %dma_start3A_2542 = tpu.memref_slice %arg5[%squeeze3A_2538, %dma_start3A_2541] : memref<1000000x64xf32, #tpu.memory_space<hbm>> -> memref<1x64xf32, #tpu.memory_space<hbm>>
        %dma_start3A_2543 = arith.constant 0 : i32
        %dma_start3A_2544 = tpu.memref_slice %arg12[%add3A_2536, %dma_start3A_2543] : memref<64x64xf32, #tpu.memory_space<vmem>> -> memref<1x64xf32, #tpu.memory_space<vmem>>
        %dma_start3A_2545 = arith.constant 0 : i32
        %dma_start3A_2546 = tpu.memref_slice %arg5[%squeeze3A_2538, %dma_start3A_2545] : memref<1000000x64xf32, #tpu.memory_space<hbm>> -> memref<1x64xf32, #tpu.memory_space<hbm>>
        tpu.enqueue_dma source(%dma_start3A_2546 : memref<1x64xf32, #tpu.memory_space<hbm>>) target(%dma_start3A_2544 : memref<1x64xf32, #tpu.memory_space<vmem>>) target_semaphore(%arg16 : memref<!tpu.dma_semaphore, #tpu.memory_space<semaphore_mem>>)
        %slice3A_2547 = vector.extract_strided_slice %get3A_2172 {offsets = [15], sizes = [1], strides = [1]} : vector<16xi32> to vector<1xi32>
        %squeeze3A_2548 = vector.extract %slice3A_2547[0] : i32 from vector<1xi32>
        %dma_start3A_2549 = arith.constant 0 : i32
        %dma_start3A_2550 = tpu.memref_slice %arg13[%add3A_2536, %dma_start3A_2549] : memref<64x64xf32, #tpu.memory_space<vmem>> -> memref<1x64xf32, #tpu.memory_space<vmem>>
        %dma_start3A_2551 = arith.constant 0 : i32
        %dma_start3A_2552 = tpu.memref_slice %arg6[%squeeze3A_2548, %dma_start3A_2551] : memref<1000000x64xf32, #tpu.memory_space<hbm>> -> memref<1x64xf32, #tpu.memory_space<hbm>>
        %dma_start3A_2553 = arith.constant 0 : i32
        %dma_start3A_2554 = tpu.memref_slice %arg13[%add3A_2536, %dma_start3A_2553] : memref<64x64xf32, #tpu.memory_space<vmem>> -> memref<1x64xf32, #tpu.memory_space<vmem>>
        %dma_start3A_2555 = arith.constant 0 : i32
        %dma_start3A_2556 = tpu.memref_slice %arg6[%squeeze3A_2548, %dma_start3A_2555] : memref<1000000x64xf32, #tpu.memory_space<hbm>> -> memref<1x64xf32, #tpu.memory_space<hbm>>
        tpu.enqueue_dma source(%dma_start3A_2556 : memref<1x64xf32, #tpu.memory_space<hbm>>) target(%dma_start3A_2554 : memref<1x64xf32, #tpu.memory_space<vmem>>) target_semaphore(%arg16 : memref<!tpu.dma_semaphore, #tpu.memory_space<semaphore_mem>>)
      } else {
      }
      %add3A_1475 = arith.constant 1 : i32
      %add3A_1476 = arith.addi %mul3A_396, %add3A_1475 : i32
      %and3A_1477 = arith.constant 3 : i32
      %and3A_1478 = arith.andi %add3A_1476, %and3A_1477 : i32
      %mul3A_1479 = arith.constant 16 : i32
      %mul3A_1480 = arith.muli %and3A_1478, %mul3A_1479 : i32
      %dma_wait3A_1481 = arith.constant 0 : i32
      %dma_wait3A_1482 = tpu.memref_slice %arg12[%mul3A_1480, %dma_wait3A_1481] : memref<64x64xf32, #tpu.memory_space<vmem>> -> memref<16x64xf32, #tpu.memory_space<vmem>>
      %dma_wait3A_1483 = arith.constant 0 : i32
      %dma_wait3A_1484 = arith.constant 0 : i32
      %dma_wait3A_1485 = tpu.memref_slice %arg5[%dma_wait3A_1483, %dma_wait3A_1484] : memref<1000000x64xf32, #tpu.memory_space<hbm>> -> memref<16x64xf32, #tpu.memory_space<hbm>>
      %dma_wait3A_1486 = arith.constant 0 : i32
      %dma_wait3A_1487 = tpu.memref_slice %arg12[%mul3A_1480, %dma_wait3A_1486] : memref<64x64xf32, #tpu.memory_space<vmem>> -> memref<16x64xf32, #tpu.memory_space<vmem>>
      %dma_wait3A_1488 = arith.constant 0 : i32
      %dma_wait3A_1489 = arith.constant 0 : i32
      %dma_wait3A_1490 = tpu.memref_slice %arg5[%dma_wait3A_1488, %dma_wait3A_1489] : memref<1000000x64xf32, #tpu.memory_space<hbm>> -> memref<16x64xf32, #tpu.memory_space<hbm>>
      tpu.wait_dma2 semaphore(%arg17 : memref<!tpu.dma_semaphore, #tpu.memory_space<semaphore_mem>>) src(%dma_wait3A_1490 : memref<16x64xf32, #tpu.memory_space<hbm>>) dst(%dma_wait3A_1487 : memref<16x64xf32, #tpu.memory_space<vmem>>)
      %mul3A_1491 = arith.constant 16 : i32
      %mul3A_1492 = arith.muli %and3A_1478, %mul3A_1491 : i32
      %dma_wait3A_1493 = arith.constant 0 : i32
      %dma_wait3A_1494 = tpu.memref_slice %arg13[%mul3A_1492, %dma_wait3A_1493] : memref<64x64xf32, #tpu.memory_space<vmem>> -> memref<16x64xf32, #tpu.memory_space<vmem>>
      %dma_wait3A_1495 = arith.constant 0 : i32
      %dma_wait3A_1496 = arith.constant 0 : i32
      %dma_wait3A_1497 = tpu.memref_slice %arg6[%dma_wait3A_1495, %dma_wait3A_1496] : memref<1000000x64xf32, #tpu.memory_space<hbm>> -> memref<16x64xf32, #tpu.memory_space<hbm>>
      %dma_wait3A_1498 = arith.constant 0 : i32
      %dma_wait3A_1499 = tpu.memref_slice %arg13[%mul3A_1492, %dma_wait3A_1498] : memref<64x64xf32, #tpu.memory_space<vmem>> -> memref<16x64xf32, #tpu.memory_space<vmem>>
      %dma_wait3A_1500 = arith.constant 0 : i32
      %dma_wait3A_1501 = arith.constant 0 : i32
      %dma_wait3A_1502 = tpu.memref_slice %arg6[%dma_wait3A_1500, %dma_wait3A_1501] : memref<1000000x64xf32, #tpu.memory_space<hbm>> -> memref<16x64xf32, #tpu.memory_space<hbm>>
      tpu.wait_dma2 semaphore(%arg17 : memref<!tpu.dma_semaphore, #tpu.memory_space<semaphore_mem>>) src(%dma_wait3A_1502 : memref<16x64xf32, #tpu.memory_space<hbm>>) dst(%dma_wait3A_1499 : memref<16x64xf32, #tpu.memory_space<vmem>>)
      %add3A_1503 = arith.constant 1 : i32
      %add3A_1504 = arith.addi %mul3A_396, %add3A_1503 : i32
      %and3A_1505 = arith.constant 3 : i32
      %and3A_1506 = arith.andi %add3A_1504, %and3A_1505 : i32
      %mul3A_1507 = arith.constant 16 : i32
      %mul3A_1508 = arith.muli %and3A_1506, %mul3A_1507 : i32
      %add3A_1509 = vector.broadcast %mul3A_1508 : i32 to vector<16xi32>
      %add3A_1510 = arith.addi %add3A_1509, %iota3A : vector<16xi32>
      %mul3A_1511 = arith.constant 16 : i32
      %mul3A_1512 = arith.muli %add3A_1504, %mul3A_1511 : i32
      %get3A_1513 = arith.index_cast %mul3A_1512 : i32 to index
      %get3A_1514 = tpu.vector_load %arg11[%get3A_1513] {strides = array<i32>} : memref<512xi32, #tpu.memory_space<vmem>>, vector<16xi32>,
      %broadcast_in_dim3A_1515 = arith.constant 0.000000e+00 : f32
      %broadcast_in_dim3A_1516 = vector.broadcast %broadcast_in_dim3A_1515 : f32 to vector<16xf32>
      %broadcast_in_dim3A_1517 = arith.constant 0 : i32
      %broadcast_in_dim3A_1518 = vector.broadcast %broadcast_in_dim3A_1517 : i32 to vector<16xi32>
      %gather3A_1519 = tpu.vector_load_idx %arg12[%add3A_1510, %broadcast_in_dim3A_1518] : memref<64x64xf32, #tpu.memory_space<vmem>>[vector<16xi32>, vector<16xi32>], vector<16xf32>,
      %gather3A_1520 = tpu.vector_load_idx %arg13[%add3A_1510, %broadcast_in_dim3A_1518] : memref<64x64xf32, #tpu.memory_space<vmem>>[vector<16xi32>, vector<16xi32>], vector<16xf32>,
      %gather3A_1521 = tpu.vector_load_idx %arg14[%get3A_1514, %broadcast_in_dim3A_1518] : memref<3x64xf32, #tpu.memory_space<vmem>>[vector<16xi32>, vector<16xi32>], vector<16xf32>,
      %mul3A_1522 = arith.mulf %gather3A_1519, %gather3A_1520 : vector<16xf32>
      %add3A_1523 = arith.addf %broadcast_in_dim3A_1516, %mul3A_1522 : vector<16xf32>
      %add3A_1524 = arith.addf %gather3A_1519, %gather3A_1520 : vector<16xf32>
      %mul3A_1525 = arith.mulf %gather3A_1521, %add3A_1524 : vector<16xf32>
      %add3A_1526 = arith.addf %add3A_1523, %mul3A_1525 : vector<16xf32>
      %broadcast_in_dim3A_1527 = arith.constant 1 : i32
      %broadcast_in_dim3A_1528 = vector.broadcast %broadcast_in_dim3A_1527 : i32 to vector<16xi32>
      %gather3A_1529 = tpu.vector_load_idx %arg12[%add3A_1510, %broadcast_in_dim3A_1528] : memref<64x64xf32, #tpu.memory_space<vmem>>[vector<16xi32>, vector<16xi32>], vector<16xf32>,
      %gather3A_1530 = tpu.vector_load_idx %arg13[%add3A_1510, %broadcast_in_dim3A_1528] : memref<64x64xf32, #tpu.memory_space<vmem>>[vector<16xi32>, vector<16xi32>], vector<16xf32>,
      %gather3A_1531 = tpu.vector_load_idx %arg14[%get3A_1514, %broadcast_in_dim3A_1528] : memref<3x64xf32, #tpu.memory_space<vmem>>[vector<16xi32>, vector<16xi32>], vector<16xf32>,
      %mul3A_1532 = arith.mulf %gather3A_1529, %gather3A_1530 : vector<16xf32>
      %add3A_1533 = arith.addf %add3A_1526, %mul3A_1532 : vector<16xf32>
      %add3A_1534 = arith.addf %gather3A_1529, %gather3A_1530 : vector<16xf32>
      %mul3A_1535 = arith.mulf %gather3A_1531, %add3A_1534 : vector<16xf32>
      %add3A_1536 = arith.addf %add3A_1533, %mul3A_1535 : vector<16xf32>
      %broadcast_in_dim3A_1537 = arith.constant 2 : i32
      %broadcast_in_dim3A_1538 = vector.broadcast %broadcast_in_dim3A_1537 : i32 to vector<16xi32>
      %gather3A_1539 = tpu.vector_load_idx %arg12[%add3A_1510, %broadcast_in_dim3A_1538] : memref<64x64xf32, #tpu.memory_space<vmem>>[vector<16xi32>, vector<16xi32>], vector<16xf32>,
      %gather3A_1540 = tpu.vector_load_idx %arg13[%add3A_1510, %broadcast_in_dim3A_1538] : memref<64x64xf32, #tpu.memory_space<vmem>>[vector<16xi32>, vector<16xi32>], vector<16xf32>,
      %gather3A_1541 = tpu.vector_load_idx %arg14[%get3A_1514, %broadcast_in_dim3A_1538] : memref<3x64xf32, #tpu.memory_space<vmem>>[vector<16xi32>, vector<16xi32>], vector<16xf32>,
      %mul3A_1542 = arith.mulf %gather3A_1539, %gather3A_1540 : vector<16xf32>
      %add3A_1543 = arith.addf %add3A_1536, %mul3A_1542 : vector<16xf32>
      %add3A_1544 = arith.addf %gather3A_1539, %gather3A_1540 : vector<16xf32>
      %mul3A_1545 = arith.mulf %gather3A_1541, %add3A_1544 : vector<16xf32>
      %add3A_1546 = arith.addf %add3A_1543, %mul3A_1545 : vector<16xf32>
      %broadcast_in_dim3A_1547 = arith.constant 3 : i32
      %broadcast_in_dim3A_1548 = vector.broadcast %broadcast_in_dim3A_1547 : i32 to vector<16xi32>
      %gather3A_1549 = tpu.vector_load_idx %arg12[%add3A_1510, %broadcast_in_dim3A_1548] : memref<64x64xf32, #tpu.memory_space<vmem>>[vector<16xi32>, vector<16xi32>], vector<16xf32>,
      %gather3A_1550 = tpu.vector_load_idx %arg13[%add3A_1510, %broadcast_in_dim3A_1548] : memref<64x64xf32, #tpu.memory_space<vmem>>[vector<16xi32>, vector<16xi32>], vector<16xf32>,
      %gather3A_1551 = tpu.vector_load_idx %arg14[%get3A_1514, %broadcast_in_dim3A_1548] : memref<3x64xf32, #tpu.memory_space<vmem>>[vector<16xi32>, vector<16xi32>], vector<16xf32>,
      %mul3A_1552 = arith.mulf %gather3A_1549, %gather3A_1550 : vector<16xf32>
      %add3A_1553 = arith.addf %add3A_1546, %mul3A_1552 : vector<16xf32>
      %add3A_1554 = arith.addf %gather3A_1549, %gather3A_1550 : vector<16xf32>
      %mul3A_1555 = arith.mulf %gather3A_1551, %add3A_1554 : vector<16xf32>
      %add3A_1556 = arith.addf %add3A_1553, %mul3A_1555 : vector<16xf32>
      %broadcast_in_dim3A_1557 = arith.constant 4 : i32
      %broadcast_in_dim3A_1558 = vector.broadcast %broadcast_in_dim3A_1557 : i32 to vector<16xi32>
      %gather3A_1559 = tpu.vector_load_idx %arg12[%add3A_1510, %broadcast_in_dim3A_1558] : memref<64x64xf32, #tpu.memory_space<vmem>>[vector<16xi32>, vector<16xi32>], vector<16xf32>,
      %gather3A_1560 = tpu.vector_load_idx %arg13[%add3A_1510, %broadcast_in_dim3A_1558] : memref<64x64xf32, #tpu.memory_space<vmem>>[vector<16xi32>, vector<16xi32>], vector<16xf32>,
      %gather3A_1561 = tpu.vector_load_idx %arg14[%get3A_1514, %broadcast_in_dim3A_1558] : memref<3x64xf32, #tpu.memory_space<vmem>>[vector<16xi32>, vector<16xi32>], vector<16xf32>,
      %mul3A_1562 = arith.mulf %gather3A_1559, %gather3A_1560 : vector<16xf32>
      %add3A_1563 = arith.addf %add3A_1556, %mul3A_1562 : vector<16xf32>
      %add3A_1564 = arith.addf %gather3A_1559, %gather3A_1560 : vector<16xf32>
      %mul3A_1565 = arith.mulf %gather3A_1561, %add3A_1564 : vector<16xf32>
      %add3A_1566 = arith.addf %add3A_1563, %mul3A_1565 : vector<16xf32>
      %broadcast_in_dim3A_1567 = arith.constant 5 : i32
      %broadcast_in_dim3A_1568 = vector.broadcast %broadcast_in_dim3A_1567 : i32 to vector<16xi32>
      %gather3A_1569 = tpu.vector_load_idx %arg12[%add3A_1510, %broadcast_in_dim3A_1568] : memref<64x64xf32, #tpu.memory_space<vmem>>[vector<16xi32>, vector<16xi32>], vector<16xf32>,
      %gather3A_1570 = tpu.vector_load_idx %arg13[%add3A_1510, %broadcast_in_dim3A_1568] : memref<64x64xf32, #tpu.memory_space<vmem>>[vector<16xi32>, vector<16xi32>], vector<16xf32>,
      %gather3A_1571 = tpu.vector_load_idx %arg14[%get3A_1514, %broadcast_in_dim3A_1568] : memref<3x64xf32, #tpu.memory_space<vmem>>[vector<16xi32>, vector<16xi32>], vector<16xf32>,
      %mul3A_1572 = arith.mulf %gather3A_1569, %gather3A_1570 : vector<16xf32>
      %add3A_1573 = arith.addf %add3A_1566, %mul3A_1572 : vector<16xf32>
      %add3A_1574 = arith.addf %gather3A_1569, %gather3A_1570 : vector<16xf32>
      %mul3A_1575 = arith.mulf %gather3A_1571, %add3A_1574 : vector<16xf32>
      %add3A_1576 = arith.addf %add3A_1573, %mul3A_1575 : vector<16xf32>
      %broadcast_in_dim3A_1577 = arith.constant 6 : i32
      %broadcast_in_dim3A_1578 = vector.broadcast %broadcast_in_dim3A_1577 : i32 to vector<16xi32>
      %gather3A_1579 = tpu.vector_load_idx %arg12[%add3A_1510, %broadcast_in_dim3A_1578] : memref<64x64xf32, #tpu.memory_space<vmem>>[vector<16xi32>, vector<16xi32>], vector<16xf32>,
      %gather3A_1580 = tpu.vector_load_idx %arg13[%add3A_1510, %broadcast_in_dim3A_1578] : memref<64x64xf32, #tpu.memory_space<vmem>>[vector<16xi32>, vector<16xi32>], vector<16xf32>,
      %gather3A_1581 = tpu.vector_load_idx %arg14[%get3A_1514, %broadcast_in_dim3A_1578] : memref<3x64xf32, #tpu.memory_space<vmem>>[vector<16xi32>, vector<16xi32>], vector<16xf32>,
      %mul3A_1582 = arith.mulf %gather3A_1579, %gather3A_1580 : vector<16xf32>
      %add3A_1583 = arith.addf %add3A_1576, %mul3A_1582 : vector<16xf32>
      %add3A_1584 = arith.addf %gather3A_1579, %gather3A_1580 : vector<16xf32>
      %mul3A_1585 = arith.mulf %gather3A_1581, %add3A_1584 : vector<16xf32>
      %add3A_1586 = arith.addf %add3A_1583, %mul3A_1585 : vector<16xf32>
      %broadcast_in_dim3A_1587 = arith.constant 7 : i32
      %broadcast_in_dim3A_1588 = vector.broadcast %broadcast_in_dim3A_1587 : i32 to vector<16xi32>
      %gather3A_1589 = tpu.vector_load_idx %arg12[%add3A_1510, %broadcast_in_dim3A_1588] : memref<64x64xf32, #tpu.memory_space<vmem>>[vector<16xi32>, vector<16xi32>], vector<16xf32>,
      %gather3A_1590 = tpu.vector_load_idx %arg13[%add3A_1510, %broadcast_in_dim3A_1588] : memref<64x64xf32, #tpu.memory_space<vmem>>[vector<16xi32>, vector<16xi32>], vector<16xf32>,
      %gather3A_1591 = tpu.vector_load_idx %arg14[%get3A_1514, %broadcast_in_dim3A_1588] : memref<3x64xf32, #tpu.memory_space<vmem>>[vector<16xi32>, vector<16xi32>], vector<16xf32>,
      %mul3A_1592 = arith.mulf %gather3A_1589, %gather3A_1590 : vector<16xf32>
      %add3A_1593 = arith.addf %add3A_1586, %mul3A_1592 : vector<16xf32>
      %add3A_1594 = arith.addf %gather3A_1589, %gather3A_1590 : vector<16xf32>
      %mul3A_1595 = arith.mulf %gather3A_1591, %add3A_1594 : vector<16xf32>
      %add3A_1596 = arith.addf %add3A_1593, %mul3A_1595 : vector<16xf32>
      %broadcast_in_dim3A_1597 = arith.constant 8 : i32
      %broadcast_in_dim3A_1598 = vector.broadcast %broadcast_in_dim3A_1597 : i32 to vector<16xi32>
      %gather3A_1599 = tpu.vector_load_idx %arg12[%add3A_1510, %broadcast_in_dim3A_1598] : memref<64x64xf32, #tpu.memory_space<vmem>>[vector<16xi32>, vector<16xi32>], vector<16xf32>,
      %gather3A_1600 = tpu.vector_load_idx %arg13[%add3A_1510, %broadcast_in_dim3A_1598] : memref<64x64xf32, #tpu.memory_space<vmem>>[vector<16xi32>, vector<16xi32>], vector<16xf32>,
      %gather3A_1601 = tpu.vector_load_idx %arg14[%get3A_1514, %broadcast_in_dim3A_1598] : memref<3x64xf32, #tpu.memory_space<vmem>>[vector<16xi32>, vector<16xi32>], vector<16xf32>,
      %mul3A_1602 = arith.mulf %gather3A_1599, %gather3A_1600 : vector<16xf32>
      %add3A_1603 = arith.addf %add3A_1596, %mul3A_1602 : vector<16xf32>
      %add3A_1604 = arith.addf %gather3A_1599, %gather3A_1600 : vector<16xf32>
      %mul3A_1605 = arith.mulf %gather3A_1601, %add3A_1604 : vector<16xf32>
      %add3A_1606 = arith.addf %add3A_1603, %mul3A_1605 : vector<16xf32>
      %broadcast_in_dim3A_1607 = arith.constant 9 : i32
      %broadcast_in_dim3A_1608 = vector.broadcast %broadcast_in_dim3A_1607 : i32 to vector<16xi32>
      %gather3A_1609 = tpu.vector_load_idx %arg12[%add3A_1510, %broadcast_in_dim3A_1608] : memref<64x64xf32, #tpu.memory_space<vmem>>[vector<16xi32>, vector<16xi32>], vector<16xf32>,
      %gather3A_1610 = tpu.vector_load_idx %arg13[%add3A_1510, %broadcast_in_dim3A_1608] : memref<64x64xf32, #tpu.memory_space<vmem>>[vector<16xi32>, vector<16xi32>], vector<16xf32>,
      %gather3A_1611 = tpu.vector_load_idx %arg14[%get3A_1514, %broadcast_in_dim3A_1608] : memref<3x64xf32, #tpu.memory_space<vmem>>[vector<16xi32>, vector<16xi32>], vector<16xf32>,
      %mul3A_1612 = arith.mulf %gather3A_1609, %gather3A_1610 : vector<16xf32>
      %add3A_1613 = arith.addf %add3A_1606, %mul3A_1612 : vector<16xf32>
      %add3A_1614 = arith.addf %gather3A_1609, %gather3A_1610 : vector<16xf32>
      %mul3A_1615 = arith.mulf %gather3A_1611, %add3A_1614 : vector<16xf32>
      %add3A_1616 = arith.addf %add3A_1613, %mul3A_1615 : vector<16xf32>
      %broadcast_in_dim3A_1617 = arith.constant 10 : i32
      %broadcast_in_dim3A_1618 = vector.broadcast %broadcast_in_dim3A_1617 : i32 to vector<16xi32>
      %gather3A_1619 = tpu.vector_load_idx %arg12[%add3A_1510, %broadcast_in_dim3A_1618] : memref<64x64xf32, #tpu.memory_space<vmem>>[vector<16xi32>, vector<16xi32>], vector<16xf32>,
      %gather3A_1620 = tpu.vector_load_idx %arg13[%add3A_1510, %broadcast_in_dim3A_1618] : memref<64x64xf32, #tpu.memory_space<vmem>>[vector<16xi32>, vector<16xi32>], vector<16xf32>,
      %gather3A_1621 = tpu.vector_load_idx %arg14[%get3A_1514, %broadcast_in_dim3A_1618] : memref<3x64xf32, #tpu.memory_space<vmem>>[vector<16xi32>, vector<16xi32>], vector<16xf32>,
      %mul3A_1622 = arith.mulf %gather3A_1619, %gather3A_1620 : vector<16xf32>
      %add3A_1623 = arith.addf %add3A_1616, %mul3A_1622 : vector<16xf32>
      %add3A_1624 = arith.addf %gather3A_1619, %gather3A_1620 : vector<16xf32>
      %mul3A_1625 = arith.mulf %gather3A_1621, %add3A_1624 : vector<16xf32>
      %add3A_1626 = arith.addf %add3A_1623, %mul3A_1625 : vector<16xf32>
      %broadcast_in_dim3A_1627 = arith.constant 11 : i32
      %broadcast_in_dim3A_1628 = vector.broadcast %broadcast_in_dim3A_1627 : i32 to vector<16xi32>
      %gather3A_1629 = tpu.vector_load_idx %arg12[%add3A_1510, %broadcast_in_dim3A_1628] : memref<64x64xf32, #tpu.memory_space<vmem>>[vector<16xi32>, vector<16xi32>], vector<16xf32>,
      %gather3A_1630 = tpu.vector_load_idx %arg13[%add3A_1510, %broadcast_in_dim3A_1628] : memref<64x64xf32, #tpu.memory_space<vmem>>[vector<16xi32>, vector<16xi32>], vector<16xf32>,
      %gather3A_1631 = tpu.vector_load_idx %arg14[%get3A_1514, %broadcast_in_dim3A_1628] : memref<3x64xf32, #tpu.memory_space<vmem>>[vector<16xi32>, vector<16xi32>], vector<16xf32>,
      %mul3A_1632 = arith.mulf %gather3A_1629, %gather3A_1630 : vector<16xf32>
      %add3A_1633 = arith.addf %add3A_1626, %mul3A_1632 : vector<16xf32>
      %add3A_1634 = arith.addf %gather3A_1629, %gather3A_1630 : vector<16xf32>
      %mul3A_1635 = arith.mulf %gather3A_1631, %add3A_1634 : vector<16xf32>
      %add3A_1636 = arith.addf %add3A_1633, %mul3A_1635 : vector<16xf32>
      %broadcast_in_dim3A_1637 = arith.constant 12 : i32
      %broadcast_in_dim3A_1638 = vector.broadcast %broadcast_in_dim3A_1637 : i32 to vector<16xi32>
      %gather3A_1639 = tpu.vector_load_idx %arg12[%add3A_1510, %broadcast_in_dim3A_1638] : memref<64x64xf32, #tpu.memory_space<vmem>>[vector<16xi32>, vector<16xi32>], vector<16xf32>,
      %gather3A_1640 = tpu.vector_load_idx %arg13[%add3A_1510, %broadcast_in_dim3A_1638] : memref<64x64xf32, #tpu.memory_space<vmem>>[vector<16xi32>, vector<16xi32>], vector<16xf32>,
      %gather3A_1641 = tpu.vector_load_idx %arg14[%get3A_1514, %broadcast_in_dim3A_1638] : memref<3x64xf32, #tpu.memory_space<vmem>>[vector<16xi32>, vector<16xi32>], vector<16xf32>,
      %mul3A_1642 = arith.mulf %gather3A_1639, %gather3A_1640 : vector<16xf32>
      %add3A_1643 = arith.addf %add3A_1636, %mul3A_1642 : vector<16xf32>
      %add3A_1644 = arith.addf %gather3A_1639, %gather3A_1640 : vector<16xf32>
      %mul3A_1645 = arith.mulf %gather3A_1641, %add3A_1644 : vector<16xf32>
      %add3A_1646 = arith.addf %add3A_1643, %mul3A_1645 : vector<16xf32>
      %broadcast_in_dim3A_1647 = arith.constant 13 : i32
      %broadcast_in_dim3A_1648 = vector.broadcast %broadcast_in_dim3A_1647 : i32 to vector<16xi32>
      %gather3A_1649 = tpu.vector_load_idx %arg12[%add3A_1510, %broadcast_in_dim3A_1648] : memref<64x64xf32, #tpu.memory_space<vmem>>[vector<16xi32>, vector<16xi32>], vector<16xf32>,
      %gather3A_1650 = tpu.vector_load_idx %arg13[%add3A_1510, %broadcast_in_dim3A_1648] : memref<64x64xf32, #tpu.memory_space<vmem>>[vector<16xi32>, vector<16xi32>], vector<16xf32>,
      %gather3A_1651 = tpu.vector_load_idx %arg14[%get3A_1514, %broadcast_in_dim3A_1648] : memref<3x64xf32, #tpu.memory_space<vmem>>[vector<16xi32>, vector<16xi32>], vector<16xf32>,
      %mul3A_1652 = arith.mulf %gather3A_1649, %gather3A_1650 : vector<16xf32>
      %add3A_1653 = arith.addf %add3A_1646, %mul3A_1652 : vector<16xf32>
      %add3A_1654 = arith.addf %gather3A_1649, %gather3A_1650 : vector<16xf32>
      %mul3A_1655 = arith.mulf %gather3A_1651, %add3A_1654 : vector<16xf32>
      %add3A_1656 = arith.addf %add3A_1653, %mul3A_1655 : vector<16xf32>
      %broadcast_in_dim3A_1657 = arith.constant 14 : i32
      %broadcast_in_dim3A_1658 = vector.broadcast %broadcast_in_dim3A_1657 : i32 to vector<16xi32>
      %gather3A_1659 = tpu.vector_load_idx %arg12[%add3A_1510, %broadcast_in_dim3A_1658] : memref<64x64xf32, #tpu.memory_space<vmem>>[vector<16xi32>, vector<16xi32>], vector<16xf32>,
      %gather3A_1660 = tpu.vector_load_idx %arg13[%add3A_1510, %broadcast_in_dim3A_1658] : memref<64x64xf32, #tpu.memory_space<vmem>>[vector<16xi32>, vector<16xi32>], vector<16xf32>,
      %gather3A_1661 = tpu.vector_load_idx %arg14[%get3A_1514, %broadcast_in_dim3A_1658] : memref<3x64xf32, #tpu.memory_space<vmem>>[vector<16xi32>, vector<16xi32>], vector<16xf32>,
      %mul3A_1662 = arith.mulf %gather3A_1659, %gather3A_1660 : vector<16xf32>
      %add3A_1663 = arith.addf %add3A_1656, %mul3A_1662 : vector<16xf32>
      %add3A_1664 = arith.addf %gather3A_1659, %gather3A_1660 : vector<16xf32>
      %mul3A_1665 = arith.mulf %gather3A_1661, %add3A_1664 : vector<16xf32>
      %add3A_1666 = arith.addf %add3A_1663, %mul3A_1665 : vector<16xf32>
      %broadcast_in_dim3A_1667 = arith.constant 15 : i32
      %broadcast_in_dim3A_1668 = vector.broadcast %broadcast_in_dim3A_1667 : i32 to vector<16xi32>
      %gather3A_1669 = tpu.vector_load_idx %arg12[%add3A_1510, %broadcast_in_dim3A_1668] : memref<64x64xf32, #tpu.memory_space<vmem>>[vector<16xi32>, vector<16xi32>], vector<16xf32>,
      %gather3A_1670 = tpu.vector_load_idx %arg13[%add3A_1510, %broadcast_in_dim3A_1668] : memref<64x64xf32, #tpu.memory_space<vmem>>[vector<16xi32>, vector<16xi32>], vector<16xf32>,
      %gather3A_1671 = tpu.vector_load_idx %arg14[%get3A_1514, %broadcast_in_dim3A_1668] : memref<3x64xf32, #tpu.memory_space<vmem>>[vector<16xi32>, vector<16xi32>], vector<16xf32>,
      %mul3A_1672 = arith.mulf %gather3A_1669, %gather3A_1670 : vector<16xf32>
      %add3A_1673 = arith.addf %add3A_1666, %mul3A_1672 : vector<16xf32>
      %add3A_1674 = arith.addf %gather3A_1669, %gather3A_1670 : vector<16xf32>
      %mul3A_1675 = arith.mulf %gather3A_1671, %add3A_1674 : vector<16xf32>
      %add3A_1676 = arith.addf %add3A_1673, %mul3A_1675 : vector<16xf32>
      %broadcast_in_dim3A_1677 = arith.constant 16 : i32
      %broadcast_in_dim3A_1678 = vector.broadcast %broadcast_in_dim3A_1677 : i32 to vector<16xi32>
      %gather3A_1679 = tpu.vector_load_idx %arg12[%add3A_1510, %broadcast_in_dim3A_1678] : memref<64x64xf32, #tpu.memory_space<vmem>>[vector<16xi32>, vector<16xi32>], vector<16xf32>,
      %gather3A_1680 = tpu.vector_load_idx %arg13[%add3A_1510, %broadcast_in_dim3A_1678] : memref<64x64xf32, #tpu.memory_space<vmem>>[vector<16xi32>, vector<16xi32>], vector<16xf32>,
      %gather3A_1681 = tpu.vector_load_idx %arg14[%get3A_1514, %broadcast_in_dim3A_1678] : memref<3x64xf32, #tpu.memory_space<vmem>>[vector<16xi32>, vector<16xi32>], vector<16xf32>,
      %mul3A_1682 = arith.mulf %gather3A_1679, %gather3A_1680 : vector<16xf32>
      %add3A_1683 = arith.addf %add3A_1676, %mul3A_1682 : vector<16xf32>
      %add3A_1684 = arith.addf %gather3A_1679, %gather3A_1680 : vector<16xf32>
      %mul3A_1685 = arith.mulf %gather3A_1681, %add3A_1684 : vector<16xf32>
      %add3A_1686 = arith.addf %add3A_1683, %mul3A_1685 : vector<16xf32>
      %broadcast_in_dim3A_1687 = arith.constant 17 : i32
      %broadcast_in_dim3A_1688 = vector.broadcast %broadcast_in_dim3A_1687 : i32 to vector<16xi32>
      %gather3A_1689 = tpu.vector_load_idx %arg12[%add3A_1510, %broadcast_in_dim3A_1688] : memref<64x64xf32, #tpu.memory_space<vmem>>[vector<16xi32>, vector<16xi32>], vector<16xf32>,
      %gather3A_1690 = tpu.vector_load_idx %arg13[%add3A_1510, %broadcast_in_dim3A_1688] : memref<64x64xf32, #tpu.memory_space<vmem>>[vector<16xi32>, vector<16xi32>], vector<16xf32>,
      %gather3A_1691 = tpu.vector_load_idx %arg14[%get3A_1514, %broadcast_in_dim3A_1688] : memref<3x64xf32, #tpu.memory_space<vmem>>[vector<16xi32>, vector<16xi32>], vector<16xf32>,
      %mul3A_1692 = arith.mulf %gather3A_1689, %gather3A_1690 : vector<16xf32>
      %add3A_1693 = arith.addf %add3A_1686, %mul3A_1692 : vector<16xf32>
      %add3A_1694 = arith.addf %gather3A_1689, %gather3A_1690 : vector<16xf32>
      %mul3A_1695 = arith.mulf %gather3A_1691, %add3A_1694 : vector<16xf32>
      %add3A_1696 = arith.addf %add3A_1693, %mul3A_1695 : vector<16xf32>
      %broadcast_in_dim3A_1697 = arith.constant 18 : i32
      %broadcast_in_dim3A_1698 = vector.broadcast %broadcast_in_dim3A_1697 : i32 to vector<16xi32>
      %gather3A_1699 = tpu.vector_load_idx %arg12[%add3A_1510, %broadcast_in_dim3A_1698] : memref<64x64xf32, #tpu.memory_space<vmem>>[vector<16xi32>, vector<16xi32>], vector<16xf32>,
      %gather3A_1700 = tpu.vector_load_idx %arg13[%add3A_1510, %broadcast_in_dim3A_1698] : memref<64x64xf32, #tpu.memory_space<vmem>>[vector<16xi32>, vector<16xi32>], vector<16xf32>,
      %gather3A_1701 = tpu.vector_load_idx %arg14[%get3A_1514, %broadcast_in_dim3A_1698] : memref<3x64xf32, #tpu.memory_space<vmem>>[vector<16xi32>, vector<16xi32>], vector<16xf32>,
      %mul3A_1702 = arith.mulf %gather3A_1699, %gather3A_1700 : vector<16xf32>
      %add3A_1703 = arith.addf %add3A_1696, %mul3A_1702 : vector<16xf32>
      %add3A_1704 = arith.addf %gather3A_1699, %gather3A_1700 : vector<16xf32>
      %mul3A_1705 = arith.mulf %gather3A_1701, %add3A_1704 : vector<16xf32>
      %add3A_1706 = arith.addf %add3A_1703, %mul3A_1705 : vector<16xf32>
      %broadcast_in_dim3A_1707 = arith.constant 19 : i32
      %broadcast_in_dim3A_1708 = vector.broadcast %broadcast_in_dim3A_1707 : i32 to vector<16xi32>
      %gather3A_1709 = tpu.vector_load_idx %arg12[%add3A_1510, %broadcast_in_dim3A_1708] : memref<64x64xf32, #tpu.memory_space<vmem>>[vector<16xi32>, vector<16xi32>], vector<16xf32>,
      %gather3A_1710 = tpu.vector_load_idx %arg13[%add3A_1510, %broadcast_in_dim3A_1708] : memref<64x64xf32, #tpu.memory_space<vmem>>[vector<16xi32>, vector<16xi32>], vector<16xf32>,
      %gather3A_1711 = tpu.vector_load_idx %arg14[%get3A_1514, %broadcast_in_dim3A_1708] : memref<3x64xf32, #tpu.memory_space<vmem>>[vector<16xi32>, vector<16xi32>], vector<16xf32>,
      %mul3A_1712 = arith.mulf %gather3A_1709, %gather3A_1710 : vector<16xf32>
      %add3A_1713 = arith.addf %add3A_1706, %mul3A_1712 : vector<16xf32>
      %add3A_1714 = arith.addf %gather3A_1709, %gather3A_1710 : vector<16xf32>
      %mul3A_1715 = arith.mulf %gather3A_1711, %add3A_1714 : vector<16xf32>
      %add3A_1716 = arith.addf %add3A_1713, %mul3A_1715 : vector<16xf32>
      %broadcast_in_dim3A_1717 = arith.constant 20 : i32
      %broadcast_in_dim3A_1718 = vector.broadcast %broadcast_in_dim3A_1717 : i32 to vector<16xi32>
      %gather3A_1719 = tpu.vector_load_idx %arg12[%add3A_1510, %broadcast_in_dim3A_1718] : memref<64x64xf32, #tpu.memory_space<vmem>>[vector<16xi32>, vector<16xi32>], vector<16xf32>,
      %gather3A_1720 = tpu.vector_load_idx %arg13[%add3A_1510, %broadcast_in_dim3A_1718] : memref<64x64xf32, #tpu.memory_space<vmem>>[vector<16xi32>, vector<16xi32>], vector<16xf32>,
      %gather3A_1721 = tpu.vector_load_idx %arg14[%get3A_1514, %broadcast_in_dim3A_1718] : memref<3x64xf32, #tpu.memory_space<vmem>>[vector<16xi32>, vector<16xi32>], vector<16xf32>,
      %mul3A_1722 = arith.mulf %gather3A_1719, %gather3A_1720 : vector<16xf32>
      %add3A_1723 = arith.addf %add3A_1716, %mul3A_1722 : vector<16xf32>
      %add3A_1724 = arith.addf %gather3A_1719, %gather3A_1720 : vector<16xf32>
      %mul3A_1725 = arith.mulf %gather3A_1721, %add3A_1724 : vector<16xf32>
      %add3A_1726 = arith.addf %add3A_1723, %mul3A_1725 : vector<16xf32>
      %broadcast_in_dim3A_1727 = arith.constant 21 : i32
      %broadcast_in_dim3A_1728 = vector.broadcast %broadcast_in_dim3A_1727 : i32 to vector<16xi32>
      %gather3A_1729 = tpu.vector_load_idx %arg12[%add3A_1510, %broadcast_in_dim3A_1728] : memref<64x64xf32, #tpu.memory_space<vmem>>[vector<16xi32>, vector<16xi32>], vector<16xf32>,
      %gather3A_1730 = tpu.vector_load_idx %arg13[%add3A_1510, %broadcast_in_dim3A_1728] : memref<64x64xf32, #tpu.memory_space<vmem>>[vector<16xi32>, vector<16xi32>], vector<16xf32>,
      %gather3A_1731 = tpu.vector_load_idx %arg14[%get3A_1514, %broadcast_in_dim3A_1728] : memref<3x64xf32, #tpu.memory_space<vmem>>[vector<16xi32>, vector<16xi32>], vector<16xf32>,
      %mul3A_1732 = arith.mulf %gather3A_1729, %gather3A_1730 : vector<16xf32>
      %add3A_1733 = arith.addf %add3A_1726, %mul3A_1732 : vector<16xf32>
      %add3A_1734 = arith.addf %gather3A_1729, %gather3A_1730 : vector<16xf32>
      %mul3A_1735 = arith.mulf %gather3A_1731, %add3A_1734 : vector<16xf32>
      %add3A_1736 = arith.addf %add3A_1733, %mul3A_1735 : vector<16xf32>
      %broadcast_in_dim3A_1737 = arith.constant 22 : i32
      %broadcast_in_dim3A_1738 = vector.broadcast %broadcast_in_dim3A_1737 : i32 to vector<16xi32>
      %gather3A_1739 = tpu.vector_load_idx %arg12[%add3A_1510, %broadcast_in_dim3A_1738] : memref<64x64xf32, #tpu.memory_space<vmem>>[vector<16xi32>, vector<16xi32>], vector<16xf32>,
      %gather3A_1740 = tpu.vector_load_idx %arg13[%add3A_1510, %broadcast_in_dim3A_1738] : memref<64x64xf32, #tpu.memory_space<vmem>>[vector<16xi32>, vector<16xi32>], vector<16xf32>,
      %gather3A_1741 = tpu.vector_load_idx %arg14[%get3A_1514, %broadcast_in_dim3A_1738] : memref<3x64xf32, #tpu.memory_space<vmem>>[vector<16xi32>, vector<16xi32>], vector<16xf32>,
      %mul3A_1742 = arith.mulf %gather3A_1739, %gather3A_1740 : vector<16xf32>
      %add3A_1743 = arith.addf %add3A_1736, %mul3A_1742 : vector<16xf32>
      %add3A_1744 = arith.addf %gather3A_1739, %gather3A_1740 : vector<16xf32>
      %mul3A_1745 = arith.mulf %gather3A_1741, %add3A_1744 : vector<16xf32>
      %add3A_1746 = arith.addf %add3A_1743, %mul3A_1745 : vector<16xf32>
      %broadcast_in_dim3A_1747 = arith.constant 23 : i32
      %broadcast_in_dim3A_1748 = vector.broadcast %broadcast_in_dim3A_1747 : i32 to vector<16xi32>
      %gather3A_1749 = tpu.vector_load_idx %arg12[%add3A_1510, %broadcast_in_dim3A_1748] : memref<64x64xf32, #tpu.memory_space<vmem>>[vector<16xi32>, vector<16xi32>], vector<16xf32>,
      %gather3A_1750 = tpu.vector_load_idx %arg13[%add3A_1510, %broadcast_in_dim3A_1748] : memref<64x64xf32, #tpu.memory_space<vmem>>[vector<16xi32>, vector<16xi32>], vector<16xf32>,
      %gather3A_1751 = tpu.vector_load_idx %arg14[%get3A_1514, %broadcast_in_dim3A_1748] : memref<3x64xf32, #tpu.memory_space<vmem>>[vector<16xi32>, vector<16xi32>], vector<16xf32>,
      %mul3A_1752 = arith.mulf %gather3A_1749, %gather3A_1750 : vector<16xf32>
      %add3A_1753 = arith.addf %add3A_1746, %mul3A_1752 : vector<16xf32>
      %add3A_1754 = arith.addf %gather3A_1749, %gather3A_1750 : vector<16xf32>
      %mul3A_1755 = arith.mulf %gather3A_1751, %add3A_1754 : vector<16xf32>
      %add3A_1756 = arith.addf %add3A_1753, %mul3A_1755 : vector<16xf32>
      %broadcast_in_dim3A_1757 = arith.constant 24 : i32
      %broadcast_in_dim3A_1758 = vector.broadcast %broadcast_in_dim3A_1757 : i32 to vector<16xi32>
      %gather3A_1759 = tpu.vector_load_idx %arg12[%add3A_1510, %broadcast_in_dim3A_1758] : memref<64x64xf32, #tpu.memory_space<vmem>>[vector<16xi32>, vector<16xi32>], vector<16xf32>,
      %gather3A_1760 = tpu.vector_load_idx %arg13[%add3A_1510, %broadcast_in_dim3A_1758] : memref<64x64xf32, #tpu.memory_space<vmem>>[vector<16xi32>, vector<16xi32>], vector<16xf32>,
      %gather3A_1761 = tpu.vector_load_idx %arg14[%get3A_1514, %broadcast_in_dim3A_1758] : memref<3x64xf32, #tpu.memory_space<vmem>>[vector<16xi32>, vector<16xi32>], vector<16xf32>,
      %mul3A_1762 = arith.mulf %gather3A_1759, %gather3A_1760 : vector<16xf32>
      %add3A_1763 = arith.addf %add3A_1756, %mul3A_1762 : vector<16xf32>
      %add3A_1764 = arith.addf %gather3A_1759, %gather3A_1760 : vector<16xf32>
      %mul3A_1765 = arith.mulf %gather3A_1761, %add3A_1764 : vector<16xf32>
      %add3A_1766 = arith.addf %add3A_1763, %mul3A_1765 : vector<16xf32>
      %broadcast_in_dim3A_1767 = arith.constant 25 : i32
      %broadcast_in_dim3A_1768 = vector.broadcast %broadcast_in_dim3A_1767 : i32 to vector<16xi32>
      %gather3A_1769 = tpu.vector_load_idx %arg12[%add3A_1510, %broadcast_in_dim3A_1768] : memref<64x64xf32, #tpu.memory_space<vmem>>[vector<16xi32>, vector<16xi32>], vector<16xf32>,
      %gather3A_1770 = tpu.vector_load_idx %arg13[%add3A_1510, %broadcast_in_dim3A_1768] : memref<64x64xf32, #tpu.memory_space<vmem>>[vector<16xi32>, vector<16xi32>], vector<16xf32>,
      %gather3A_1771 = tpu.vector_load_idx %arg14[%get3A_1514, %broadcast_in_dim3A_1768] : memref<3x64xf32, #tpu.memory_space<vmem>>[vector<16xi32>, vector<16xi32>], vector<16xf32>,
      %mul3A_1772 = arith.mulf %gather3A_1769, %gather3A_1770 : vector<16xf32>
      %add3A_1773 = arith.addf %add3A_1766, %mul3A_1772 : vector<16xf32>
      %add3A_1774 = arith.addf %gather3A_1769, %gather3A_1770 : vector<16xf32>
      %mul3A_1775 = arith.mulf %gather3A_1771, %add3A_1774 : vector<16xf32>
      %add3A_1776 = arith.addf %add3A_1773, %mul3A_1775 : vector<16xf32>
      %broadcast_in_dim3A_1777 = arith.constant 26 : i32
      %broadcast_in_dim3A_1778 = vector.broadcast %broadcast_in_dim3A_1777 : i32 to vector<16xi32>
      %gather3A_1779 = tpu.vector_load_idx %arg12[%add3A_1510, %broadcast_in_dim3A_1778] : memref<64x64xf32, #tpu.memory_space<vmem>>[vector<16xi32>, vector<16xi32>], vector<16xf32>,
      %gather3A_1780 = tpu.vector_load_idx %arg13[%add3A_1510, %broadcast_in_dim3A_1778] : memref<64x64xf32, #tpu.memory_space<vmem>>[vector<16xi32>, vector<16xi32>], vector<16xf32>,
      %gather3A_1781 = tpu.vector_load_idx %arg14[%get3A_1514, %broadcast_in_dim3A_1778] : memref<3x64xf32, #tpu.memory_space<vmem>>[vector<16xi32>, vector<16xi32>], vector<16xf32>,
      %mul3A_1782 = arith.mulf %gather3A_1779, %gather3A_1780 : vector<16xf32>
      %add3A_1783 = arith.addf %add3A_1776, %mul3A_1782 : vector<16xf32>
      %add3A_1784 = arith.addf %gather3A_1779, %gather3A_1780 : vector<16xf32>
      %mul3A_1785 = arith.mulf %gather3A_1781, %add3A_1784 : vector<16xf32>
      %add3A_1786 = arith.addf %add3A_1783, %mul3A_1785 : vector<16xf32>
      %broadcast_in_dim3A_1787 = arith.constant 27 : i32
      %broadcast_in_dim3A_1788 = vector.broadcast %broadcast_in_dim3A_1787 : i32 to vector<16xi32>
      %gather3A_1789 = tpu.vector_load_idx %arg12[%add3A_1510, %broadcast_in_dim3A_1788] : memref<64x64xf32, #tpu.memory_space<vmem>>[vector<16xi32>, vector<16xi32>], vector<16xf32>,
      %gather3A_1790 = tpu.vector_load_idx %arg13[%add3A_1510, %broadcast_in_dim3A_1788] : memref<64x64xf32, #tpu.memory_space<vmem>>[vector<16xi32>, vector<16xi32>], vector<16xf32>,
      %gather3A_1791 = tpu.vector_load_idx %arg14[%get3A_1514, %broadcast_in_dim3A_1788] : memref<3x64xf32, #tpu.memory_space<vmem>>[vector<16xi32>, vector<16xi32>], vector<16xf32>,
      %mul3A_1792 = arith.mulf %gather3A_1789, %gather3A_1790 : vector<16xf32>
      %add3A_1793 = arith.addf %add3A_1786, %mul3A_1792 : vector<16xf32>
      %add3A_1794 = arith.addf %gather3A_1789, %gather3A_1790 : vector<16xf32>
      %mul3A_1795 = arith.mulf %gather3A_1791, %add3A_1794 : vector<16xf32>
      %add3A_1796 = arith.addf %add3A_1793, %mul3A_1795 : vector<16xf32>
      %broadcast_in_dim3A_1797 = arith.constant 28 : i32
      %broadcast_in_dim3A_1798 = vector.broadcast %broadcast_in_dim3A_1797 : i32 to vector<16xi32>
      %gather3A_1799 = tpu.vector_load_idx %arg12[%add3A_1510, %broadcast_in_dim3A_1798] : memref<64x64xf32, #tpu.memory_space<vmem>>[vector<16xi32>, vector<16xi32>], vector<16xf32>,
      %gather3A_1800 = tpu.vector_load_idx %arg13[%add3A_1510, %broadcast_in_dim3A_1798] : memref<64x64xf32, #tpu.memory_space<vmem>>[vector<16xi32>, vector<16xi32>], vector<16xf32>,
      %gather3A_1801 = tpu.vector_load_idx %arg14[%get3A_1514, %broadcast_in_dim3A_1798] : memref<3x64xf32, #tpu.memory_space<vmem>>[vector<16xi32>, vector<16xi32>], vector<16xf32>,
      %mul3A_1802 = arith.mulf %gather3A_1799, %gather3A_1800 : vector<16xf32>
      %add3A_1803 = arith.addf %add3A_1796, %mul3A_1802 : vector<16xf32>
      %add3A_1804 = arith.addf %gather3A_1799, %gather3A_1800 : vector<16xf32>
      %mul3A_1805 = arith.mulf %gather3A_1801, %add3A_1804 : vector<16xf32>
      %add3A_1806 = arith.addf %add3A_1803, %mul3A_1805 : vector<16xf32>
      %broadcast_in_dim3A_1807 = arith.constant 29 : i32
      %broadcast_in_dim3A_1808 = vector.broadcast %broadcast_in_dim3A_1807 : i32 to vector<16xi32>
      %gather3A_1809 = tpu.vector_load_idx %arg12[%add3A_1510, %broadcast_in_dim3A_1808] : memref<64x64xf32, #tpu.memory_space<vmem>>[vector<16xi32>, vector<16xi32>], vector<16xf32>,
      %gather3A_1810 = tpu.vector_load_idx %arg13[%add3A_1510, %broadcast_in_dim3A_1808] : memref<64x64xf32, #tpu.memory_space<vmem>>[vector<16xi32>, vector<16xi32>], vector<16xf32>,
      %gather3A_1811 = tpu.vector_load_idx %arg14[%get3A_1514, %broadcast_in_dim3A_1808] : memref<3x64xf32, #tpu.memory_space<vmem>>[vector<16xi32>, vector<16xi32>], vector<16xf32>,
      %mul3A_1812 = arith.mulf %gather3A_1809, %gather3A_1810 : vector<16xf32>
      %add3A_1813 = arith.addf %add3A_1806, %mul3A_1812 : vector<16xf32>
      %add3A_1814 = arith.addf %gather3A_1809, %gather3A_1810 : vector<16xf32>
      %mul3A_1815 = arith.mulf %gather3A_1811, %add3A_1814 : vector<16xf32>
      %add3A_1816 = arith.addf %add3A_1813, %mul3A_1815 : vector<16xf32>
      %broadcast_in_dim3A_1817 = arith.constant 30 : i32
      %broadcast_in_dim3A_1818 = vector.broadcast %broadcast_in_dim3A_1817 : i32 to vector<16xi32>
      %gather3A_1819 = tpu.vector_load_idx %arg12[%add3A_1510, %broadcast_in_dim3A_1818] : memref<64x64xf32, #tpu.memory_space<vmem>>[vector<16xi32>, vector<16xi32>], vector<16xf32>,
      %gather3A_1820 = tpu.vector_load_idx %arg13[%add3A_1510, %broadcast_in_dim3A_1818] : memref<64x64xf32, #tpu.memory_space<vmem>>[vector<16xi32>, vector<16xi32>], vector<16xf32>,
      %gather3A_1821 = tpu.vector_load_idx %arg14[%get3A_1514, %broadcast_in_dim3A_1818] : memref<3x64xf32, #tpu.memory_space<vmem>>[vector<16xi32>, vector<16xi32>], vector<16xf32>,
      %mul3A_1822 = arith.mulf %gather3A_1819, %gather3A_1820 : vector<16xf32>
      %add3A_1823 = arith.addf %add3A_1816, %mul3A_1822 : vector<16xf32>
      %add3A_1824 = arith.addf %gather3A_1819, %gather3A_1820 : vector<16xf32>
      %mul3A_1825 = arith.mulf %gather3A_1821, %add3A_1824 : vector<16xf32>
      %add3A_1826 = arith.addf %add3A_1823, %mul3A_1825 : vector<16xf32>
      %broadcast_in_dim3A_1827 = arith.constant 31 : i32
      %broadcast_in_dim3A_1828 = vector.broadcast %broadcast_in_dim3A_1827 : i32 to vector<16xi32>
      %gather3A_1829 = tpu.vector_load_idx %arg12[%add3A_1510, %broadcast_in_dim3A_1828] : memref<64x64xf32, #tpu.memory_space<vmem>>[vector<16xi32>, vector<16xi32>], vector<16xf32>,
      %gather3A_1830 = tpu.vector_load_idx %arg13[%add3A_1510, %broadcast_in_dim3A_1828] : memref<64x64xf32, #tpu.memory_space<vmem>>[vector<16xi32>, vector<16xi32>], vector<16xf32>,
      %gather3A_1831 = tpu.vector_load_idx %arg14[%get3A_1514, %broadcast_in_dim3A_1828] : memref<3x64xf32, #tpu.memory_space<vmem>>[vector<16xi32>, vector<16xi32>], vector<16xf32>,
      %mul3A_1832 = arith.mulf %gather3A_1829, %gather3A_1830 : vector<16xf32>
      %add3A_1833 = arith.addf %add3A_1826, %mul3A_1832 : vector<16xf32>
      %add3A_1834 = arith.addf %gather3A_1829, %gather3A_1830 : vector<16xf32>
      %mul3A_1835 = arith.mulf %gather3A_1831, %add3A_1834 : vector<16xf32>
      %add3A_1836 = arith.addf %add3A_1833, %mul3A_1835 : vector<16xf32>
      %broadcast_in_dim3A_1837 = arith.constant 32 : i32
      %broadcast_in_dim3A_1838 = vector.broadcast %broadcast_in_dim3A_1837 : i32 to vector<16xi32>
      %gather3A_1839 = tpu.vector_load_idx %arg12[%add3A_1510, %broadcast_in_dim3A_1838] : memref<64x64xf32, #tpu.memory_space<vmem>>[vector<16xi32>, vector<16xi32>], vector<16xf32>,
      %gather3A_1840 = tpu.vector_load_idx %arg13[%add3A_1510, %broadcast_in_dim3A_1838] : memref<64x64xf32, #tpu.memory_space<vmem>>[vector<16xi32>, vector<16xi32>], vector<16xf32>,
      %gather3A_1841 = tpu.vector_load_idx %arg14[%get3A_1514, %broadcast_in_dim3A_1838] : memref<3x64xf32, #tpu.memory_space<vmem>>[vector<16xi32>, vector<16xi32>], vector<16xf32>,
      %mul3A_1842 = arith.mulf %gather3A_1839, %gather3A_1840 : vector<16xf32>
      %add3A_1843 = arith.addf %add3A_1836, %mul3A_1842 : vector<16xf32>
      %add3A_1844 = arith.addf %gather3A_1839, %gather3A_1840 : vector<16xf32>
      %mul3A_1845 = arith.mulf %gather3A_1841, %add3A_1844 : vector<16xf32>
      %add3A_1846 = arith.addf %add3A_1843, %mul3A_1845 : vector<16xf32>
      %broadcast_in_dim3A_1847 = arith.constant 33 : i32
      %broadcast_in_dim3A_1848 = vector.broadcast %broadcast_in_dim3A_1847 : i32 to vector<16xi32>
      %gather3A_1849 = tpu.vector_load_idx %arg12[%add3A_1510, %broadcast_in_dim3A_1848] : memref<64x64xf32, #tpu.memory_space<vmem>>[vector<16xi32>, vector<16xi32>], vector<16xf32>,
      %gather3A_1850 = tpu.vector_load_idx %arg13[%add3A_1510, %broadcast_in_dim3A_1848] : memref<64x64xf32, #tpu.memory_space<vmem>>[vector<16xi32>, vector<16xi32>], vector<16xf32>,
      %gather3A_1851 = tpu.vector_load_idx %arg14[%get3A_1514, %broadcast_in_dim3A_1848] : memref<3x64xf32, #tpu.memory_space<vmem>>[vector<16xi32>, vector<16xi32>], vector<16xf32>,
      %mul3A_1852 = arith.mulf %gather3A_1849, %gather3A_1850 : vector<16xf32>
      %add3A_1853 = arith.addf %add3A_1846, %mul3A_1852 : vector<16xf32>
      %add3A_1854 = arith.addf %gather3A_1849, %gather3A_1850 : vector<16xf32>
      %mul3A_1855 = arith.mulf %gather3A_1851, %add3A_1854 : vector<16xf32>
      %add3A_1856 = arith.addf %add3A_1853, %mul3A_1855 : vector<16xf32>
      %broadcast_in_dim3A_1857 = arith.constant 34 : i32
      %broadcast_in_dim3A_1858 = vector.broadcast %broadcast_in_dim3A_1857 : i32 to vector<16xi32>
      %gather3A_1859 = tpu.vector_load_idx %arg12[%add3A_1510, %broadcast_in_dim3A_1858] : memref<64x64xf32, #tpu.memory_space<vmem>>[vector<16xi32>, vector<16xi32>], vector<16xf32>,
      %gather3A_1860 = tpu.vector_load_idx %arg13[%add3A_1510, %broadcast_in_dim3A_1858] : memref<64x64xf32, #tpu.memory_space<vmem>>[vector<16xi32>, vector<16xi32>], vector<16xf32>,
      %gather3A_1861 = tpu.vector_load_idx %arg14[%get3A_1514, %broadcast_in_dim3A_1858] : memref<3x64xf32, #tpu.memory_space<vmem>>[vector<16xi32>, vector<16xi32>], vector<16xf32>,
      %mul3A_1862 = arith.mulf %gather3A_1859, %gather3A_1860 : vector<16xf32>
      %add3A_1863 = arith.addf %add3A_1856, %mul3A_1862 : vector<16xf32>
      %add3A_1864 = arith.addf %gather3A_1859, %gather3A_1860 : vector<16xf32>
      %mul3A_1865 = arith.mulf %gather3A_1861, %add3A_1864 : vector<16xf32>
      %add3A_1866 = arith.addf %add3A_1863, %mul3A_1865 : vector<16xf32>
      %broadcast_in_dim3A_1867 = arith.constant 35 : i32
      %broadcast_in_dim3A_1868 = vector.broadcast %broadcast_in_dim3A_1867 : i32 to vector<16xi32>
      %gather3A_1869 = tpu.vector_load_idx %arg12[%add3A_1510, %broadcast_in_dim3A_1868] : memref<64x64xf32, #tpu.memory_space<vmem>>[vector<16xi32>, vector<16xi32>], vector<16xf32>,
      %gather3A_1870 = tpu.vector_load_idx %arg13[%add3A_1510, %broadcast_in_dim3A_1868] : memref<64x64xf32, #tpu.memory_space<vmem>>[vector<16xi32>, vector<16xi32>], vector<16xf32>,
      %gather3A_1871 = tpu.vector_load_idx %arg14[%get3A_1514, %broadcast_in_dim3A_1868] : memref<3x64xf32, #tpu.memory_space<vmem>>[vector<16xi32>, vector<16xi32>], vector<16xf32>,
      %mul3A_1872 = arith.mulf %gather3A_1869, %gather3A_1870 : vector<16xf32>
      %add3A_1873 = arith.addf %add3A_1866, %mul3A_1872 : vector<16xf32>
      %add3A_1874 = arith.addf %gather3A_1869, %gather3A_1870 : vector<16xf32>
      %mul3A_1875 = arith.mulf %gather3A_1871, %add3A_1874 : vector<16xf32>
      %add3A_1876 = arith.addf %add3A_1873, %mul3A_1875 : vector<16xf32>
      %broadcast_in_dim3A_1877 = arith.constant 36 : i32
      %broadcast_in_dim3A_1878 = vector.broadcast %broadcast_in_dim3A_1877 : i32 to vector<16xi32>
      %gather3A_1879 = tpu.vector_load_idx %arg12[%add3A_1510, %broadcast_in_dim3A_1878] : memref<64x64xf32, #tpu.memory_space<vmem>>[vector<16xi32>, vector<16xi32>], vector<16xf32>,
      %gather3A_1880 = tpu.vector_load_idx %arg13[%add3A_1510, %broadcast_in_dim3A_1878] : memref<64x64xf32, #tpu.memory_space<vmem>>[vector<16xi32>, vector<16xi32>], vector<16xf32>,
      %gather3A_1881 = tpu.vector_load_idx %arg14[%get3A_1514, %broadcast_in_dim3A_1878] : memref<3x64xf32, #tpu.memory_space<vmem>>[vector<16xi32>, vector<16xi32>], vector<16xf32>,
      %mul3A_1882 = arith.mulf %gather3A_1879, %gather3A_1880 : vector<16xf32>
      %add3A_1883 = arith.addf %add3A_1876, %mul3A_1882 : vector<16xf32>
      %add3A_1884 = arith.addf %gather3A_1879, %gather3A_1880 : vector<16xf32>
      %mul3A_1885 = arith.mulf %gather3A_1881, %add3A_1884 : vector<16xf32>
      %add3A_1886 = arith.addf %add3A_1883, %mul3A_1885 : vector<16xf32>
      %broadcast_in_dim3A_1887 = arith.constant 37 : i32
      %broadcast_in_dim3A_1888 = vector.broadcast %broadcast_in_dim3A_1887 : i32 to vector<16xi32>
      %gather3A_1889 = tpu.vector_load_idx %arg12[%add3A_1510, %broadcast_in_dim3A_1888] : memref<64x64xf32, #tpu.memory_space<vmem>>[vector<16xi32>, vector<16xi32>], vector<16xf32>,
      %gather3A_1890 = tpu.vector_load_idx %arg13[%add3A_1510, %broadcast_in_dim3A_1888] : memref<64x64xf32, #tpu.memory_space<vmem>>[vector<16xi32>, vector<16xi32>], vector<16xf32>,
      %gather3A_1891 = tpu.vector_load_idx %arg14[%get3A_1514, %broadcast_in_dim3A_1888] : memref<3x64xf32, #tpu.memory_space<vmem>>[vector<16xi32>, vector<16xi32>], vector<16xf32>,
      %mul3A_1892 = arith.mulf %gather3A_1889, %gather3A_1890 : vector<16xf32>
      %add3A_1893 = arith.addf %add3A_1886, %mul3A_1892 : vector<16xf32>
      %add3A_1894 = arith.addf %gather3A_1889, %gather3A_1890 : vector<16xf32>
      %mul3A_1895 = arith.mulf %gather3A_1891, %add3A_1894 : vector<16xf32>
      %add3A_1896 = arith.addf %add3A_1893, %mul3A_1895 : vector<16xf32>
      %broadcast_in_dim3A_1897 = arith.constant 38 : i32
      %broadcast_in_dim3A_1898 = vector.broadcast %broadcast_in_dim3A_1897 : i32 to vector<16xi32>
      %gather3A_1899 = tpu.vector_load_idx %arg12[%add3A_1510, %broadcast_in_dim3A_1898] : memref<64x64xf32, #tpu.memory_space<vmem>>[vector<16xi32>, vector<16xi32>], vector<16xf32>,
      %gather3A_1900 = tpu.vector_load_idx %arg13[%add3A_1510, %broadcast_in_dim3A_1898] : memref<64x64xf32, #tpu.memory_space<vmem>>[vector<16xi32>, vector<16xi32>], vector<16xf32>,
      %gather3A_1901 = tpu.vector_load_idx %arg14[%get3A_1514, %broadcast_in_dim3A_1898] : memref<3x64xf32, #tpu.memory_space<vmem>>[vector<16xi32>, vector<16xi32>], vector<16xf32>,
      %mul3A_1902 = arith.mulf %gather3A_1899, %gather3A_1900 : vector<16xf32>
      %add3A_1903 = arith.addf %add3A_1896, %mul3A_1902 : vector<16xf32>
      %add3A_1904 = arith.addf %gather3A_1899, %gather3A_1900 : vector<16xf32>
      %mul3A_1905 = arith.mulf %gather3A_1901, %add3A_1904 : vector<16xf32>
      %add3A_1906 = arith.addf %add3A_1903, %mul3A_1905 : vector<16xf32>
      %broadcast_in_dim3A_1907 = arith.constant 39 : i32
      %broadcast_in_dim3A_1908 = vector.broadcast %broadcast_in_dim3A_1907 : i32 to vector<16xi32>
      %gather3A_1909 = tpu.vector_load_idx %arg12[%add3A_1510, %broadcast_in_dim3A_1908] : memref<64x64xf32, #tpu.memory_space<vmem>>[vector<16xi32>, vector<16xi32>], vector<16xf32>,
      %gather3A_1910 = tpu.vector_load_idx %arg13[%add3A_1510, %broadcast_in_dim3A_1908] : memref<64x64xf32, #tpu.memory_space<vmem>>[vector<16xi32>, vector<16xi32>], vector<16xf32>,
      %gather3A_1911 = tpu.vector_load_idx %arg14[%get3A_1514, %broadcast_in_dim3A_1908] : memref<3x64xf32, #tpu.memory_space<vmem>>[vector<16xi32>, vector<16xi32>], vector<16xf32>,
      %mul3A_1912 = arith.mulf %gather3A_1909, %gather3A_1910 : vector<16xf32>
      %add3A_1913 = arith.addf %add3A_1906, %mul3A_1912 : vector<16xf32>
      %add3A_1914 = arith.addf %gather3A_1909, %gather3A_1910 : vector<16xf32>
      %mul3A_1915 = arith.mulf %gather3A_1911, %add3A_1914 : vector<16xf32>
      %add3A_1916 = arith.addf %add3A_1913, %mul3A_1915 : vector<16xf32>
      %broadcast_in_dim3A_1917 = arith.constant 40 : i32
      %broadcast_in_dim3A_1918 = vector.broadcast %broadcast_in_dim3A_1917 : i32 to vector<16xi32>
      %gather3A_1919 = tpu.vector_load_idx %arg12[%add3A_1510, %broadcast_in_dim3A_1918] : memref<64x64xf32, #tpu.memory_space<vmem>>[vector<16xi32>, vector<16xi32>], vector<16xf32>,
      %gather3A_1920 = tpu.vector_load_idx %arg13[%add3A_1510, %broadcast_in_dim3A_1918] : memref<64x64xf32, #tpu.memory_space<vmem>>[vector<16xi32>, vector<16xi32>], vector<16xf32>,
      %gather3A_1921 = tpu.vector_load_idx %arg14[%get3A_1514, %broadcast_in_dim3A_1918] : memref<3x64xf32, #tpu.memory_space<vmem>>[vector<16xi32>, vector<16xi32>], vector<16xf32>,
      %mul3A_1922 = arith.mulf %gather3A_1919, %gather3A_1920 : vector<16xf32>
      %add3A_1923 = arith.addf %add3A_1916, %mul3A_1922 : vector<16xf32>
      %add3A_1924 = arith.addf %gather3A_1919, %gather3A_1920 : vector<16xf32>
      %mul3A_1925 = arith.mulf %gather3A_1921, %add3A_1924 : vector<16xf32>
      %add3A_1926 = arith.addf %add3A_1923, %mul3A_1925 : vector<16xf32>
      %broadcast_in_dim3A_1927 = arith.constant 41 : i32
      %broadcast_in_dim3A_1928 = vector.broadcast %broadcast_in_dim3A_1927 : i32 to vector<16xi32>
      %gather3A_1929 = tpu.vector_load_idx %arg12[%add3A_1510, %broadcast_in_dim3A_1928] : memref<64x64xf32, #tpu.memory_space<vmem>>[vector<16xi32>, vector<16xi32>], vector<16xf32>,
      %gather3A_1930 = tpu.vector_load_idx %arg13[%add3A_1510, %broadcast_in_dim3A_1928] : memref<64x64xf32, #tpu.memory_space<vmem>>[vector<16xi32>, vector<16xi32>], vector<16xf32>,
      %gather3A_1931 = tpu.vector_load_idx %arg14[%get3A_1514, %broadcast_in_dim3A_1928] : memref<3x64xf32, #tpu.memory_space<vmem>>[vector<16xi32>, vector<16xi32>], vector<16xf32>,
      %mul3A_1932 = arith.mulf %gather3A_1929, %gather3A_1930 : vector<16xf32>
      %add3A_1933 = arith.addf %add3A_1926, %mul3A_1932 : vector<16xf32>
      %add3A_1934 = arith.addf %gather3A_1929, %gather3A_1930 : vector<16xf32>
      %mul3A_1935 = arith.mulf %gather3A_1931, %add3A_1934 : vector<16xf32>
      %add3A_1936 = arith.addf %add3A_1933, %mul3A_1935 : vector<16xf32>
      %broadcast_in_dim3A_1937 = arith.constant 42 : i32
      %broadcast_in_dim3A_1938 = vector.broadcast %broadcast_in_dim3A_1937 : i32 to vector<16xi32>
      %gather3A_1939 = tpu.vector_load_idx %arg12[%add3A_1510, %broadcast_in_dim3A_1938] : memref<64x64xf32, #tpu.memory_space<vmem>>[vector<16xi32>, vector<16xi32>], vector<16xf32>,
      %gather3A_1940 = tpu.vector_load_idx %arg13[%add3A_1510, %broadcast_in_dim3A_1938] : memref<64x64xf32, #tpu.memory_space<vmem>>[vector<16xi32>, vector<16xi32>], vector<16xf32>,
      %gather3A_1941 = tpu.vector_load_idx %arg14[%get3A_1514, %broadcast_in_dim3A_1938] : memref<3x64xf32, #tpu.memory_space<vmem>>[vector<16xi32>, vector<16xi32>], vector<16xf32>,
      %mul3A_1942 = arith.mulf %gather3A_1939, %gather3A_1940 : vector<16xf32>
      %add3A_1943 = arith.addf %add3A_1936, %mul3A_1942 : vector<16xf32>
      %add3A_1944 = arith.addf %gather3A_1939, %gather3A_1940 : vector<16xf32>
      %mul3A_1945 = arith.mulf %gather3A_1941, %add3A_1944 : vector<16xf32>
      %add3A_1946 = arith.addf %add3A_1943, %mul3A_1945 : vector<16xf32>
      %broadcast_in_dim3A_1947 = arith.constant 43 : i32
      %broadcast_in_dim3A_1948 = vector.broadcast %broadcast_in_dim3A_1947 : i32 to vector<16xi32>
      %gather3A_1949 = tpu.vector_load_idx %arg12[%add3A_1510, %broadcast_in_dim3A_1948] : memref<64x64xf32, #tpu.memory_space<vmem>>[vector<16xi32>, vector<16xi32>], vector<16xf32>,
      %gather3A_1950 = tpu.vector_load_idx %arg13[%add3A_1510, %broadcast_in_dim3A_1948] : memref<64x64xf32, #tpu.memory_space<vmem>>[vector<16xi32>, vector<16xi32>], vector<16xf32>,
      %gather3A_1951 = tpu.vector_load_idx %arg14[%get3A_1514, %broadcast_in_dim3A_1948] : memref<3x64xf32, #tpu.memory_space<vmem>>[vector<16xi32>, vector<16xi32>], vector<16xf32>,
      %mul3A_1952 = arith.mulf %gather3A_1949, %gather3A_1950 : vector<16xf32>
      %add3A_1953 = arith.addf %add3A_1946, %mul3A_1952 : vector<16xf32>
      %add3A_1954 = arith.addf %gather3A_1949, %gather3A_1950 : vector<16xf32>
      %mul3A_1955 = arith.mulf %gather3A_1951, %add3A_1954 : vector<16xf32>
      %add3A_1956 = arith.addf %add3A_1953, %mul3A_1955 : vector<16xf32>
      %broadcast_in_dim3A_1957 = arith.constant 44 : i32
      %broadcast_in_dim3A_1958 = vector.broadcast %broadcast_in_dim3A_1957 : i32 to vector<16xi32>
      %gather3A_1959 = tpu.vector_load_idx %arg12[%add3A_1510, %broadcast_in_dim3A_1958] : memref<64x64xf32, #tpu.memory_space<vmem>>[vector<16xi32>, vector<16xi32>], vector<16xf32>,
      %gather3A_1960 = tpu.vector_load_idx %arg13[%add3A_1510, %broadcast_in_dim3A_1958] : memref<64x64xf32, #tpu.memory_space<vmem>>[vector<16xi32>, vector<16xi32>], vector<16xf32>,
      %gather3A_1961 = tpu.vector_load_idx %arg14[%get3A_1514, %broadcast_in_dim3A_1958] : memref<3x64xf32, #tpu.memory_space<vmem>>[vector<16xi32>, vector<16xi32>], vector<16xf32>,
      %mul3A_1962 = arith.mulf %gather3A_1959, %gather3A_1960 : vector<16xf32>
      %add3A_1963 = arith.addf %add3A_1956, %mul3A_1962 : vector<16xf32>
      %add3A_1964 = arith.addf %gather3A_1959, %gather3A_1960 : vector<16xf32>
      %mul3A_1965 = arith.mulf %gather3A_1961, %add3A_1964 : vector<16xf32>
      %add3A_1966 = arith.addf %add3A_1963, %mul3A_1965 : vector<16xf32>
      %broadcast_in_dim3A_1967 = arith.constant 45 : i32
      %broadcast_in_dim3A_1968 = vector.broadcast %broadcast_in_dim3A_1967 : i32 to vector<16xi32>
      %gather3A_1969 = tpu.vector_load_idx %arg12[%add3A_1510, %broadcast_in_dim3A_1968] : memref<64x64xf32, #tpu.memory_space<vmem>>[vector<16xi32>, vector<16xi32>], vector<16xf32>,
      %gather3A_1970 = tpu.vector_load_idx %arg13[%add3A_1510, %broadcast_in_dim3A_1968] : memref<64x64xf32, #tpu.memory_space<vmem>>[vector<16xi32>, vector<16xi32>], vector<16xf32>,
      %gather3A_1971 = tpu.vector_load_idx %arg14[%get3A_1514, %broadcast_in_dim3A_1968] : memref<3x64xf32, #tpu.memory_space<vmem>>[vector<16xi32>, vector<16xi32>], vector<16xf32>,
      %mul3A_1972 = arith.mulf %gather3A_1969, %gather3A_1970 : vector<16xf32>
      %add3A_1973 = arith.addf %add3A_1966, %mul3A_1972 : vector<16xf32>
      %add3A_1974 = arith.addf %gather3A_1969, %gather3A_1970 : vector<16xf32>
      %mul3A_1975 = arith.mulf %gather3A_1971, %add3A_1974 : vector<16xf32>
      %add3A_1976 = arith.addf %add3A_1973, %mul3A_1975 : vector<16xf32>
      %broadcast_in_dim3A_1977 = arith.constant 46 : i32
      %broadcast_in_dim3A_1978 = vector.broadcast %broadcast_in_dim3A_1977 : i32 to vector<16xi32>
      %gather3A_1979 = tpu.vector_load_idx %arg12[%add3A_1510, %broadcast_in_dim3A_1978] : memref<64x64xf32, #tpu.memory_space<vmem>>[vector<16xi32>, vector<16xi32>], vector<16xf32>,
      %gather3A_1980 = tpu.vector_load_idx %arg13[%add3A_1510, %broadcast_in_dim3A_1978] : memref<64x64xf32, #tpu.memory_space<vmem>>[vector<16xi32>, vector<16xi32>], vector<16xf32>,
      %gather3A_1981 = tpu.vector_load_idx %arg14[%get3A_1514, %broadcast_in_dim3A_1978] : memref<3x64xf32, #tpu.memory_space<vmem>>[vector<16xi32>, vector<16xi32>], vector<16xf32>,
      %mul3A_1982 = arith.mulf %gather3A_1979, %gather3A_1980 : vector<16xf32>
      %add3A_1983 = arith.addf %add3A_1976, %mul3A_1982 : vector<16xf32>
      %add3A_1984 = arith.addf %gather3A_1979, %gather3A_1980 : vector<16xf32>
      %mul3A_1985 = arith.mulf %gather3A_1981, %add3A_1984 : vector<16xf32>
      %add3A_1986 = arith.addf %add3A_1983, %mul3A_1985 : vector<16xf32>
      %broadcast_in_dim3A_1987 = arith.constant 47 : i32
      %broadcast_in_dim3A_1988 = vector.broadcast %broadcast_in_dim3A_1987 : i32 to vector<16xi32>
      %gather3A_1989 = tpu.vector_load_idx %arg12[%add3A_1510, %broadcast_in_dim3A_1988] : memref<64x64xf32, #tpu.memory_space<vmem>>[vector<16xi32>, vector<16xi32>], vector<16xf32>,
      %gather3A_1990 = tpu.vector_load_idx %arg13[%add3A_1510, %broadcast_in_dim3A_1988] : memref<64x64xf32, #tpu.memory_space<vmem>>[vector<16xi32>, vector<16xi32>], vector<16xf32>,
      %gather3A_1991 = tpu.vector_load_idx %arg14[%get3A_1514, %broadcast_in_dim3A_1988] : memref<3x64xf32, #tpu.memory_space<vmem>>[vector<16xi32>, vector<16xi32>], vector<16xf32>,
      %mul3A_1992 = arith.mulf %gather3A_1989, %gather3A_1990 : vector<16xf32>
      %add3A_1993 = arith.addf %add3A_1986, %mul3A_1992 : vector<16xf32>
      %add3A_1994 = arith.addf %gather3A_1989, %gather3A_1990 : vector<16xf32>
      %mul3A_1995 = arith.mulf %gather3A_1991, %add3A_1994 : vector<16xf32>
      %add3A_1996 = arith.addf %add3A_1993, %mul3A_1995 : vector<16xf32>
      %broadcast_in_dim3A_1997 = arith.constant 48 : i32
      %broadcast_in_dim3A_1998 = vector.broadcast %broadcast_in_dim3A_1997 : i32 to vector<16xi32>
      %gather3A_1999 = tpu.vector_load_idx %arg12[%add3A_1510, %broadcast_in_dim3A_1998] : memref<64x64xf32, #tpu.memory_space<vmem>>[vector<16xi32>, vector<16xi32>], vector<16xf32>,
      %gather3A_2000 = tpu.vector_load_idx %arg13[%add3A_1510, %broadcast_in_dim3A_1998] : memref<64x64xf32, #tpu.memory_space<vmem>>[vector<16xi32>, vector<16xi32>], vector<16xf32>,
      %gather3A_2001 = tpu.vector_load_idx %arg14[%get3A_1514, %broadcast_in_dim3A_1998] : memref<3x64xf32, #tpu.memory_space<vmem>>[vector<16xi32>, vector<16xi32>], vector<16xf32>,
      %mul3A_2002 = arith.mulf %gather3A_1999, %gather3A_2000 : vector<16xf32>
      %add3A_2003 = arith.addf %add3A_1996, %mul3A_2002 : vector<16xf32>
      %add3A_2004 = arith.addf %gather3A_1999, %gather3A_2000 : vector<16xf32>
      %mul3A_2005 = arith.mulf %gather3A_2001, %add3A_2004 : vector<16xf32>
      %add3A_2006 = arith.addf %add3A_2003, %mul3A_2005 : vector<16xf32>
      %broadcast_in_dim3A_2007 = arith.constant 49 : i32
      %broadcast_in_dim3A_2008 = vector.broadcast %broadcast_in_dim3A_2007 : i32 to vector<16xi32>
      %gather3A_2009 = tpu.vector_load_idx %arg12[%add3A_1510, %broadcast_in_dim3A_2008] : memref<64x64xf32, #tpu.memory_space<vmem>>[vector<16xi32>, vector<16xi32>], vector<16xf32>,
      %gather3A_2010 = tpu.vector_load_idx %arg13[%add3A_1510, %broadcast_in_dim3A_2008] : memref<64x64xf32, #tpu.memory_space<vmem>>[vector<16xi32>, vector<16xi32>], vector<16xf32>,
      %gather3A_2011 = tpu.vector_load_idx %arg14[%get3A_1514, %broadcast_in_dim3A_2008] : memref<3x64xf32, #tpu.memory_space<vmem>>[vector<16xi32>, vector<16xi32>], vector<16xf32>,
      %mul3A_2012 = arith.mulf %gather3A_2009, %gather3A_2010 : vector<16xf32>
      %add3A_2013 = arith.addf %add3A_2006, %mul3A_2012 : vector<16xf32>
      %add3A_2014 = arith.addf %gather3A_2009, %gather3A_2010 : vector<16xf32>
      %mul3A_2015 = arith.mulf %gather3A_2011, %add3A_2014 : vector<16xf32>
      %add3A_2016 = arith.addf %add3A_2013, %mul3A_2015 : vector<16xf32>
      %broadcast_in_dim3A_2017 = arith.constant 50 : i32
      %broadcast_in_dim3A_2018 = vector.broadcast %broadcast_in_dim3A_2017 : i32 to vector<16xi32>
      %gather3A_2019 = tpu.vector_load_idx %arg12[%add3A_1510, %broadcast_in_dim3A_2018] : memref<64x64xf32, #tpu.memory_space<vmem>>[vector<16xi32>, vector<16xi32>], vector<16xf32>,
      %gather3A_2020 = tpu.vector_load_idx %arg13[%add3A_1510, %broadcast_in_dim3A_2018] : memref<64x64xf32, #tpu.memory_space<vmem>>[vector<16xi32>, vector<16xi32>], vector<16xf32>,
      %gather3A_2021 = tpu.vector_load_idx %arg14[%get3A_1514, %broadcast_in_dim3A_2018] : memref<3x64xf32, #tpu.memory_space<vmem>>[vector<16xi32>, vector<16xi32>], vector<16xf32>,
      %mul3A_2022 = arith.mulf %gather3A_2019, %gather3A_2020 : vector<16xf32>
      %add3A_2023 = arith.addf %add3A_2016, %mul3A_2022 : vector<16xf32>
      %add3A_2024 = arith.addf %gather3A_2019, %gather3A_2020 : vector<16xf32>
      %mul3A_2025 = arith.mulf %gather3A_2021, %add3A_2024 : vector<16xf32>
      %add3A_2026 = arith.addf %add3A_2023, %mul3A_2025 : vector<16xf32>
      %broadcast_in_dim3A_2027 = arith.constant 51 : i32
      %broadcast_in_dim3A_2028 = vector.broadcast %broadcast_in_dim3A_2027 : i32 to vector<16xi32>
      %gather3A_2029 = tpu.vector_load_idx %arg12[%add3A_1510, %broadcast_in_dim3A_2028] : memref<64x64xf32, #tpu.memory_space<vmem>>[vector<16xi32>, vector<16xi32>], vector<16xf32>,
      %gather3A_2030 = tpu.vector_load_idx %arg13[%add3A_1510, %broadcast_in_dim3A_2028] : memref<64x64xf32, #tpu.memory_space<vmem>>[vector<16xi32>, vector<16xi32>], vector<16xf32>,
      %gather3A_2031 = tpu.vector_load_idx %arg14[%get3A_1514, %broadcast_in_dim3A_2028] : memref<3x64xf32, #tpu.memory_space<vmem>>[vector<16xi32>, vector<16xi32>], vector<16xf32>,
      %mul3A_2032 = arith.mulf %gather3A_2029, %gather3A_2030 : vector<16xf32>
      %add3A_2033 = arith.addf %add3A_2026, %mul3A_2032 : vector<16xf32>
      %add3A_2034 = arith.addf %gather3A_2029, %gather3A_2030 : vector<16xf32>
      %mul3A_2035 = arith.mulf %gather3A_2031, %add3A_2034 : vector<16xf32>
      %add3A_2036 = arith.addf %add3A_2033, %mul3A_2035 : vector<16xf32>
      %broadcast_in_dim3A_2037 = arith.constant 52 : i32
      %broadcast_in_dim3A_2038 = vector.broadcast %broadcast_in_dim3A_2037 : i32 to vector<16xi32>
      %gather3A_2039 = tpu.vector_load_idx %arg12[%add3A_1510, %broadcast_in_dim3A_2038] : memref<64x64xf32, #tpu.memory_space<vmem>>[vector<16xi32>, vector<16xi32>], vector<16xf32>,
      %gather3A_2040 = tpu.vector_load_idx %arg13[%add3A_1510, %broadcast_in_dim3A_2038] : memref<64x64xf32, #tpu.memory_space<vmem>>[vector<16xi32>, vector<16xi32>], vector<16xf32>,
      %gather3A_2041 = tpu.vector_load_idx %arg14[%get3A_1514, %broadcast_in_dim3A_2038] : memref<3x64xf32, #tpu.memory_space<vmem>>[vector<16xi32>, vector<16xi32>], vector<16xf32>,
      %mul3A_2042 = arith.mulf %gather3A_2039, %gather3A_2040 : vector<16xf32>
      %add3A_2043 = arith.addf %add3A_2036, %mul3A_2042 : vector<16xf32>
      %add3A_2044 = arith.addf %gather3A_2039, %gather3A_2040 : vector<16xf32>
      %mul3A_2045 = arith.mulf %gather3A_2041, %add3A_2044 : vector<16xf32>
      %add3A_2046 = arith.addf %add3A_2043, %mul3A_2045 : vector<16xf32>
      %broadcast_in_dim3A_2047 = arith.constant 53 : i32
      %broadcast_in_dim3A_2048 = vector.broadcast %broadcast_in_dim3A_2047 : i32 to vector<16xi32>
      %gather3A_2049 = tpu.vector_load_idx %arg12[%add3A_1510, %broadcast_in_dim3A_2048] : memref<64x64xf32, #tpu.memory_space<vmem>>[vector<16xi32>, vector<16xi32>], vector<16xf32>,
      %gather3A_2050 = tpu.vector_load_idx %arg13[%add3A_1510, %broadcast_in_dim3A_2048] : memref<64x64xf32, #tpu.memory_space<vmem>>[vector<16xi32>, vector<16xi32>], vector<16xf32>,
      %gather3A_2051 = tpu.vector_load_idx %arg14[%get3A_1514, %broadcast_in_dim3A_2048] : memref<3x64xf32, #tpu.memory_space<vmem>>[vector<16xi32>, vector<16xi32>], vector<16xf32>,
      %mul3A_2052 = arith.mulf %gather3A_2049, %gather3A_2050 : vector<16xf32>
      %add3A_2053 = arith.addf %add3A_2046, %mul3A_2052 : vector<16xf32>
      %add3A_2054 = arith.addf %gather3A_2049, %gather3A_2050 : vector<16xf32>
      %mul3A_2055 = arith.mulf %gather3A_2051, %add3A_2054 : vector<16xf32>
      %add3A_2056 = arith.addf %add3A_2053, %mul3A_2055 : vector<16xf32>
      %broadcast_in_dim3A_2057 = arith.constant 54 : i32
      %broadcast_in_dim3A_2058 = vector.broadcast %broadcast_in_dim3A_2057 : i32 to vector<16xi32>
      %gather3A_2059 = tpu.vector_load_idx %arg12[%add3A_1510, %broadcast_in_dim3A_2058] : memref<64x64xf32, #tpu.memory_space<vmem>>[vector<16xi32>, vector<16xi32>], vector<16xf32>,
      %gather3A_2060 = tpu.vector_load_idx %arg13[%add3A_1510, %broadcast_in_dim3A_2058] : memref<64x64xf32, #tpu.memory_space<vmem>>[vector<16xi32>, vector<16xi32>], vector<16xf32>,
      %gather3A_2061 = tpu.vector_load_idx %arg14[%get3A_1514, %broadcast_in_dim3A_2058] : memref<3x64xf32, #tpu.memory_space<vmem>>[vector<16xi32>, vector<16xi32>], vector<16xf32>,
      %mul3A_2062 = arith.mulf %gather3A_2059, %gather3A_2060 : vector<16xf32>
      %add3A_2063 = arith.addf %add3A_2056, %mul3A_2062 : vector<16xf32>
      %add3A_2064 = arith.addf %gather3A_2059, %gather3A_2060 : vector<16xf32>
      %mul3A_2065 = arith.mulf %gather3A_2061, %add3A_2064 : vector<16xf32>
      %add3A_2066 = arith.addf %add3A_2063, %mul3A_2065 : vector<16xf32>
      %broadcast_in_dim3A_2067 = arith.constant 55 : i32
      %broadcast_in_dim3A_2068 = vector.broadcast %broadcast_in_dim3A_2067 : i32 to vector<16xi32>
      %gather3A_2069 = tpu.vector_load_idx %arg12[%add3A_1510, %broadcast_in_dim3A_2068] : memref<64x64xf32, #tpu.memory_space<vmem>>[vector<16xi32>, vector<16xi32>], vector<16xf32>,
      %gather3A_2070 = tpu.vector_load_idx %arg13[%add3A_1510, %broadcast_in_dim3A_2068] : memref<64x64xf32, #tpu.memory_space<vmem>>[vector<16xi32>, vector<16xi32>], vector<16xf32>,
      %gather3A_2071 = tpu.vector_load_idx %arg14[%get3A_1514, %broadcast_in_dim3A_2068] : memref<3x64xf32, #tpu.memory_space<vmem>>[vector<16xi32>, vector<16xi32>], vector<16xf32>,
      %mul3A_2072 = arith.mulf %gather3A_2069, %gather3A_2070 : vector<16xf32>
      %add3A_2073 = arith.addf %add3A_2066, %mul3A_2072 : vector<16xf32>
      %add3A_2074 = arith.addf %gather3A_2069, %gather3A_2070 : vector<16xf32>
      %mul3A_2075 = arith.mulf %gather3A_2071, %add3A_2074 : vector<16xf32>
      %add3A_2076 = arith.addf %add3A_2073, %mul3A_2075 : vector<16xf32>
      %broadcast_in_dim3A_2077 = arith.constant 56 : i32
      %broadcast_in_dim3A_2078 = vector.broadcast %broadcast_in_dim3A_2077 : i32 to vector<16xi32>
      %gather3A_2079 = tpu.vector_load_idx %arg12[%add3A_1510, %broadcast_in_dim3A_2078] : memref<64x64xf32, #tpu.memory_space<vmem>>[vector<16xi32>, vector<16xi32>], vector<16xf32>,
      %gather3A_2080 = tpu.vector_load_idx %arg13[%add3A_1510, %broadcast_in_dim3A_2078] : memref<64x64xf32, #tpu.memory_space<vmem>>[vector<16xi32>, vector<16xi32>], vector<16xf32>,
      %gather3A_2081 = tpu.vector_load_idx %arg14[%get3A_1514, %broadcast_in_dim3A_2078] : memref<3x64xf32, #tpu.memory_space<vmem>>[vector<16xi32>, vector<16xi32>], vector<16xf32>,
      %mul3A_2082 = arith.mulf %gather3A_2079, %gather3A_2080 : vector<16xf32>
      %add3A_2083 = arith.addf %add3A_2076, %mul3A_2082 : vector<16xf32>
      %add3A_2084 = arith.addf %gather3A_2079, %gather3A_2080 : vector<16xf32>
      %mul3A_2085 = arith.mulf %gather3A_2081, %add3A_2084 : vector<16xf32>
      %add3A_2086 = arith.addf %add3A_2083, %mul3A_2085 : vector<16xf32>
      %broadcast_in_dim3A_2087 = arith.constant 57 : i32
      %broadcast_in_dim3A_2088 = vector.broadcast %broadcast_in_dim3A_2087 : i32 to vector<16xi32>
      %gather3A_2089 = tpu.vector_load_idx %arg12[%add3A_1510, %broadcast_in_dim3A_2088] : memref<64x64xf32, #tpu.memory_space<vmem>>[vector<16xi32>, vector<16xi32>], vector<16xf32>,
      %gather3A_2090 = tpu.vector_load_idx %arg13[%add3A_1510, %broadcast_in_dim3A_2088] : memref<64x64xf32, #tpu.memory_space<vmem>>[vector<16xi32>, vector<16xi32>], vector<16xf32>,
      %gather3A_2091 = tpu.vector_load_idx %arg14[%get3A_1514, %broadcast_in_dim3A_2088] : memref<3x64xf32, #tpu.memory_space<vmem>>[vector<16xi32>, vector<16xi32>], vector<16xf32>,
      %mul3A_2092 = arith.mulf %gather3A_2089, %gather3A_2090 : vector<16xf32>
      %add3A_2093 = arith.addf %add3A_2086, %mul3A_2092 : vector<16xf32>
      %add3A_2094 = arith.addf %gather3A_2089, %gather3A_2090 : vector<16xf32>
      %mul3A_2095 = arith.mulf %gather3A_2091, %add3A_2094 : vector<16xf32>
      %add3A_2096 = arith.addf %add3A_2093, %mul3A_2095 : vector<16xf32>
      %broadcast_in_dim3A_2097 = arith.constant 58 : i32
      %broadcast_in_dim3A_2098 = vector.broadcast %broadcast_in_dim3A_2097 : i32 to vector<16xi32>
      %gather3A_2099 = tpu.vector_load_idx %arg12[%add3A_1510, %broadcast_in_dim3A_2098] : memref<64x64xf32, #tpu.memory_space<vmem>>[vector<16xi32>, vector<16xi32>], vector<16xf32>,
      %gather3A_2100 = tpu.vector_load_idx %arg13[%add3A_1510, %broadcast_in_dim3A_2098] : memref<64x64xf32, #tpu.memory_space<vmem>>[vector<16xi32>, vector<16xi32>], vector<16xf32>,
      %gather3A_2101 = tpu.vector_load_idx %arg14[%get3A_1514, %broadcast_in_dim3A_2098] : memref<3x64xf32, #tpu.memory_space<vmem>>[vector<16xi32>, vector<16xi32>], vector<16xf32>,
      %mul3A_2102 = arith.mulf %gather3A_2099, %gather3A_2100 : vector<16xf32>
      %add3A_2103 = arith.addf %add3A_2096, %mul3A_2102 : vector<16xf32>
      %add3A_2104 = arith.addf %gather3A_2099, %gather3A_2100 : vector<16xf32>
      %mul3A_2105 = arith.mulf %gather3A_2101, %add3A_2104 : vector<16xf32>
      %add3A_2106 = arith.addf %add3A_2103, %mul3A_2105 : vector<16xf32>
      %broadcast_in_dim3A_2107 = arith.constant 59 : i32
      %broadcast_in_dim3A_2108 = vector.broadcast %broadcast_in_dim3A_2107 : i32 to vector<16xi32>
      %gather3A_2109 = tpu.vector_load_idx %arg12[%add3A_1510, %broadcast_in_dim3A_2108] : memref<64x64xf32, #tpu.memory_space<vmem>>[vector<16xi32>, vector<16xi32>], vector<16xf32>,
      %gather3A_2110 = tpu.vector_load_idx %arg13[%add3A_1510, %broadcast_in_dim3A_2108] : memref<64x64xf32, #tpu.memory_space<vmem>>[vector<16xi32>, vector<16xi32>], vector<16xf32>,
      %gather3A_2111 = tpu.vector_load_idx %arg14[%get3A_1514, %broadcast_in_dim3A_2108] : memref<3x64xf32, #tpu.memory_space<vmem>>[vector<16xi32>, vector<16xi32>], vector<16xf32>,
      %mul3A_2112 = arith.mulf %gather3A_2109, %gather3A_2110 : vector<16xf32>
      %add3A_2113 = arith.addf %add3A_2106, %mul3A_2112 : vector<16xf32>
      %add3A_2114 = arith.addf %gather3A_2109, %gather3A_2110 : vector<16xf32>
      %mul3A_2115 = arith.mulf %gather3A_2111, %add3A_2114 : vector<16xf32>
      %add3A_2116 = arith.addf %add3A_2113, %mul3A_2115 : vector<16xf32>
      %broadcast_in_dim3A_2117 = arith.constant 60 : i32
      %broadcast_in_dim3A_2118 = vector.broadcast %broadcast_in_dim3A_2117 : i32 to vector<16xi32>
      %gather3A_2119 = tpu.vector_load_idx %arg12[%add3A_1510, %broadcast_in_dim3A_2118] : memref<64x64xf32, #tpu.memory_space<vmem>>[vector<16xi32>, vector<16xi32>], vector<16xf32>,
      %gather3A_2120 = tpu.vector_load_idx %arg13[%add3A_1510, %broadcast_in_dim3A_2118] : memref<64x64xf32, #tpu.memory_space<vmem>>[vector<16xi32>, vector<16xi32>], vector<16xf32>,
      %gather3A_2121 = tpu.vector_load_idx %arg14[%get3A_1514, %broadcast_in_dim3A_2118] : memref<3x64xf32, #tpu.memory_space<vmem>>[vector<16xi32>, vector<16xi32>], vector<16xf32>,
      %mul3A_2122 = arith.mulf %gather3A_2119, %gather3A_2120 : vector<16xf32>
      %add3A_2123 = arith.addf %add3A_2116, %mul3A_2122 : vector<16xf32>
      %add3A_2124 = arith.addf %gather3A_2119, %gather3A_2120 : vector<16xf32>
      %mul3A_2125 = arith.mulf %gather3A_2121, %add3A_2124 : vector<16xf32>
      %add3A_2126 = arith.addf %add3A_2123, %mul3A_2125 : vector<16xf32>
      %broadcast_in_dim3A_2127 = arith.constant 61 : i32
      %broadcast_in_dim3A_2128 = vector.broadcast %broadcast_in_dim3A_2127 : i32 to vector<16xi32>
      %gather3A_2129 = tpu.vector_load_idx %arg12[%add3A_1510, %broadcast_in_dim3A_2128] : memref<64x64xf32, #tpu.memory_space<vmem>>[vector<16xi32>, vector<16xi32>], vector<16xf32>,
      %gather3A_2130 = tpu.vector_load_idx %arg13[%add3A_1510, %broadcast_in_dim3A_2128] : memref<64x64xf32, #tpu.memory_space<vmem>>[vector<16xi32>, vector<16xi32>], vector<16xf32>,
      %gather3A_2131 = tpu.vector_load_idx %arg14[%get3A_1514, %broadcast_in_dim3A_2128] : memref<3x64xf32, #tpu.memory_space<vmem>>[vector<16xi32>, vector<16xi32>], vector<16xf32>,
      %mul3A_2132 = arith.mulf %gather3A_2129, %gather3A_2130 : vector<16xf32>
      %add3A_2133 = arith.addf %add3A_2126, %mul3A_2132 : vector<16xf32>
      %add3A_2134 = arith.addf %gather3A_2129, %gather3A_2130 : vector<16xf32>
      %mul3A_2135 = arith.mulf %gather3A_2131, %add3A_2134 : vector<16xf32>
      %add3A_2136 = arith.addf %add3A_2133, %mul3A_2135 : vector<16xf32>
      %broadcast_in_dim3A_2137 = arith.constant 62 : i32
      %broadcast_in_dim3A_2138 = vector.broadcast %broadcast_in_dim3A_2137 : i32 to vector<16xi32>
      %gather3A_2139 = tpu.vector_load_idx %arg12[%add3A_1510, %broadcast_in_dim3A_2138] : memref<64x64xf32, #tpu.memory_space<vmem>>[vector<16xi32>, vector<16xi32>], vector<16xf32>,
      %gather3A_2140 = tpu.vector_load_idx %arg13[%add3A_1510, %broadcast_in_dim3A_2138] : memref<64x64xf32, #tpu.memory_space<vmem>>[vector<16xi32>, vector<16xi32>], vector<16xf32>,
      %gather3A_2141 = tpu.vector_load_idx %arg14[%get3A_1514, %broadcast_in_dim3A_2138] : memref<3x64xf32, #tpu.memory_space<vmem>>[vector<16xi32>, vector<16xi32>], vector<16xf32>,
      %mul3A_2142 = arith.mulf %gather3A_2139, %gather3A_2140 : vector<16xf32>
      %add3A_2143 = arith.addf %add3A_2136, %mul3A_2142 : vector<16xf32>
      %add3A_2144 = arith.addf %gather3A_2139, %gather3A_2140 : vector<16xf32>
      %mul3A_2145 = arith.mulf %gather3A_2141, %add3A_2144 : vector<16xf32>
      %add3A_2146 = arith.addf %add3A_2143, %mul3A_2145 : vector<16xf32>
      %broadcast_in_dim3A_2147 = arith.constant 63 : i32
      %broadcast_in_dim3A_2148 = vector.broadcast %broadcast_in_dim3A_2147 : i32 to vector<16xi32>
      %gather3A_2149 = tpu.vector_load_idx %arg12[%add3A_1510, %broadcast_in_dim3A_2148] : memref<64x64xf32, #tpu.memory_space<vmem>>[vector<16xi32>, vector<16xi32>], vector<16xf32>,
      %gather3A_2150 = tpu.vector_load_idx %arg13[%add3A_1510, %broadcast_in_dim3A_2148] : memref<64x64xf32, #tpu.memory_space<vmem>>[vector<16xi32>, vector<16xi32>], vector<16xf32>,
      %gather3A_2151 = tpu.vector_load_idx %arg14[%get3A_1514, %broadcast_in_dim3A_2148] : memref<3x64xf32, #tpu.memory_space<vmem>>[vector<16xi32>, vector<16xi32>], vector<16xf32>,
      %mul3A_2152 = arith.mulf %gather3A_2149, %gather3A_2150 : vector<16xf32>
      %add3A_2153 = arith.addf %add3A_2146, %mul3A_2152 : vector<16xf32>
      %add3A_2154 = arith.addf %gather3A_2149, %gather3A_2150 : vector<16xf32>
      %mul3A_2155 = arith.mulf %gather3A_2151, %add3A_2154 : vector<16xf32>
      %add3A_2156 = arith.addf %add3A_2153, %mul3A_2155 : vector<16xf32>
      %mul3A_2157 = arith.constant 16 : i32
      %mul3A_2158 = arith.muli %add3A_1504, %mul3A_2157 : i32
      %swap3A_2159 = arith.index_cast %mul3A_2158 : i32 to index
      %swap3A_2160 = tpu.vector_load %arg15[%swap3A_2159] {strides = array<i32>} : memref<512xf32, #tpu.memory_space<vmem>>, vector<16xf32>,
      tpu.vector_store %arg15[%swap3A_2159], %add3A_2156 {strides = array<i32>} : memref<512xf32, #tpu.memory_space<vmem>>, vector<16xf32>,
    }
    %scan3A_393 = arith.constant 16 : i32
    "tpu.region"() ({
      %run_scoped3A = tpu.sem_alloc : memref<!tpu.dma_semaphore, #tpu.memory_space<semaphore_mem>>
      %dma_start3A_394 = tpu.memref_slice %arg8[%mul3A_2] : memref<16384xf32, #tpu.memory_space<hbm>> -> memref<512xf32, #tpu.memory_space<hbm>>
      %dma_start3A_395 = tpu.memref_slice %arg8[%mul3A_2] : memref<16384xf32, #tpu.memory_space<hbm>> -> memref<512xf32, #tpu.memory_space<hbm>>
      tpu.enqueue_dma source(%arg15 : memref<512xf32, #tpu.memory_space<vmem>>) target(%dma_start3A_395 : memref<512xf32, #tpu.memory_space<hbm>>) target_semaphore(%run_scoped3A : memref<!tpu.dma_semaphore, #tpu.memory_space<semaphore_mem>>)
      %dma_wait3A = tpu.memref_slice %arg8[%mul3A_2] : memref<16384xf32, #tpu.memory_space<hbm>> -> memref<512xf32, #tpu.memory_space<hbm>>
      %dma_wait3A_396 = tpu.memref_slice %arg8[%mul3A_2] : memref<16384xf32, #tpu.memory_space<hbm>> -> memref<512xf32, #tpu.memory_space<hbm>>
      tpu.wait_dma2 semaphore(%run_scoped3A : memref<!tpu.dma_semaphore, #tpu.memory_space<semaphore_mem>>) src(%arg15 : memref<512xf32, #tpu.memory_space<vmem>>) dst(%dma_wait3A_396 : memref<512xf32, #tpu.memory_space<hbm>>)
      tpu.yield
    }) : () -> ()
    return
  }
}

</mosaic_0001>

<sc_bundles>
// kernel: kernel.3.cloned.1.call-start
scs
__scs_entry_jumppad:
0x0: {  	(pc) =	sbr.rel $0x88, $3  }
0x1: {  	(tag) =	ssettag $0x0;
	lr =	simm.s32 $0x1  }
0x2: {  	[smem:$0x3F9B] =	sst lr;
	_ =	strace $0xD0000000  }
0x3: {  	_ = 	snop  }
0x4: {  	_ = 	snop  }
0x5: {  	_ = 	snop  }
0x6: {  	_ = 	snop  }
0x7: {  	_ = 	snop  }
__scs_overlays_trampoline_lowered:
0x8: {  	[smem:$0x3FAA] =	sst s0  }
0x9: {  	[smem:$0x3FAB] =	sst s1  }
0xa: {  	[smem:$0x3FAC] =	sst s2  }
0xb: {  	[smem:$0x3FAD] =	sst s3  }
0xc: {  	[smem:$0x3FAE] =	sst s4  }
0xd: {  	[smem:$0x3FAF] =	sst s5  }
0xe: {  	[smem:$0x3FB0] =	sst s6  }
0xf: {  	[smem:$0x3FB1] =	sst s7  }
0x10: {  	[smem:$0x3FB2] =	sst s8  }
0x11: {  	[smem:$0x3FB3] =	sst s9;
	s0 =	simm.s32 @!p0 $0x0  }
0x12: {  	s1 =	sld [smem:$0x3F99];
	s0 =	simm.s32 @p0 $0x1  }
0x13: {  	[smem:$0x3FB4] =	sst s0;
	s0 =	simm.s32 @!p1 $0x0  }
0x14: {  	s2 =	sld [smem:$0x3F98];
	s0 =	simm.s32 @p1 $0x1  }
0x15: {  	[smem:$0x3FB5] =	sst s0;
	s0 =	simm.s32 @!p2 $0x0  }
0x16: {  	s3 =	sld [smem:$0x3FDB];
	s0 =	simm.s32 @p2 $0x1  }
0x17: {  	s4 =	simm.s32 $0x1BF5;
	[smem:$0x3FB7] =	sst s0  }
0x18: {  	s0 =	sld [smem:$0x3F9A];
	_ =	swait.ge [sflag:s4], $0x0  }
0x19: {  	s7 =	sld [smem:$0x3F9B]  }
0x1a: {  	s8 =	sadd.s32 $0xFFFFE003, lr  }
0x1b: {  	s9 =	sadd.s32 $0xFFFFFEF7, lr;
	s5 =	simm.s32 $0xFFFFFFFF;
	p2 =	slt.u32 s8, $0xFFFFF086  }
0x1c: {  	p1 =	slt.u32 s9, $0xF7A;
	s5 =	simm.s32 @!p2 $0x0  }
0x1d: {  	s5 =	simm.s32 @p1 $0x1;
	p0 =	seq.s32 s7, s2  }
0x1e: {  	s7 =	smul.u32 @!p0 $0xF7A, s2;
	p2 =	seq.s32 @!p0 s5, $0x0  }
0x1f: {  	s9 =	smul.u32 $0xF7A, s1;
	s8 =	simm.s32 @!p0 $0x1BF5;
	p2 =	por !p2, p0  }
0x20: {  	[sflag:s8] =	ssyncset.s32 @!p0 $0xFFFFF086;
	s6 =	sadd.s32 @!p0 s3, s7;
	s7 =	simm.s32 @!p0 $0x108  }
0x21: {  	s3 =	sadd.s32 s3, s9;
	s6 =	sadd.s32 @!p0 $0x88, s6;
	s7 =	simm.s32 @p2 $0x1082  }
0x22: {  	[simem:s7], [sflag:s8] =	dma.local @!p0 [hbm:s6], $0xF7A  }
0x23: {  	s9 =	sor.u32 $0xD0000000, s2;
	s6 =	simm.s32 $0x108;
	_ =	swait.ge @!p0 [sflag:s8], $0x0  }
0x24: {  	s3 =	sadd.s32 $0x88, s3;
	s6 =	simm.s32 @!p1 $0x1082;
	[sflag:s4] =	ssyncset.s32 $0xFFFFF086  }
0x25: {  	[simem:s6], [sflag:s4] =	dma.local [hbm:s3], $0xF7A  }
0x26: {  	[smem:$0x3F9B] =	sst s1;
	(tag) =	ssettag s2;
	_ =	strace s9  }
0x27: {  	s1 =	sld [smem:$0x3FAB]  }
0x28: {  	s2 =	sld [smem:$0x3FAC]  }
0x29: {  	s4 =	sld [smem:$0x3FAE]  }
0x2a: {  	p0 =	seq.s32 s5, $0x0;
	s5 =	sld [smem:$0x3FAF]  }
0x2b: {  	s6 =	sld [smem:$0x3FB0]  }
0x2c: {  	s7 =	sld [smem:$0x3FB1]  }
0x2d: {  	s3 =	simm.s32 $0x108;
	s8 =	sld [smem:$0x3FB2]  }
0x2e: {  	s3 =	simm.s32 @!p0 $0x1082;
	s9 =	sld [smem:$0x3FB3]  }
0x2f: {  	lr =	sadd.s32 s0, s3;
	s0 =	sld [smem:$0x3FAA]  }
0x30: {  	s3 =	sld [smem:$0x3FAD]  }
0x31: {  	[smem:$0x3FB6] =	sst s10  }
0x32: {  	s10 =	sld [smem:$0x3FB4];
	_ =	sdelay $0x3  }
0x33: {  	p0 =	seq.s32 s10, $0x1;
	s10 =	sld [smem:$0x3FB6];
	_ =	sdelay $0x3  }
0x34: {  	[smem:$0x3FB6] =	sst s10  }
0x35: {  	s10 =	sld [smem:$0x3FB5];
	_ =	sdelay $0x3  }
0x36: {  	p1 =	seq.s32 s10, $0x1;
	s10 =	sld [smem:$0x3FB6];
	_ =	sdelay $0x3  }
0x37: {  	[smem:$0x3FB6] =	sst s10  }
0x38: {  	s10 =	sld [smem:$0x3FB7]  }
0x39: {  	_ = 	snop;
	(pc) =	sbr.ind lr, $3  }
0x3a: {  	_ = 	snop  }
0x3b: {  	_ = 	snop  }
0x3c: {  	p2 =	seq.s32 s10, $0x1;
	s10 =	sld [smem:$0x3FB6]  }
0x3d: {  	_ =	shalt  }
0x3e: {  	_ =	shalt  }
0x3f: {  	_ =	shalt  }
0x40: {  	_ =	shalt  }
0x41: {  	_ =	shalt  }
0x42: {  	_ =	shalt  }
0x43: {  	_ =	shalt  }
0x44: {  	_ =	shalt  }
0x45: {  	_ =	shalt  }
0x46: {  	_ =	shalt  }
0x47: {  	_ =	shalt  }
0x48: {  	_ =	shalt  }
0x49: {  	_ =	shalt  }
0x4a: {  	_ =	shalt  }
0x4b: {  	_ =	shalt  }
0x4c: {  	_ =	shalt  }
0x4d: {  	_ =	shalt  }
0x4e: {  	_ =	shalt  }
0x4f: {  	_ =	shalt  }
0x50: {  	_ =	shalt  }
0x51: {  	_ =	shalt  }
0x52: {  	_ =	shalt  }
0x53: {  	_ =	shalt  }
0x54: {  	_ =	shalt  }
0x55: {  	_ =	shalt  }
0x56: {  	_ =	shalt  }
0x57: {  	_ =	shalt  }
0x58: {  	_ =	shalt  }
0x59: {  	_ =	shalt  }
0x5a: {  	_ =	shalt  }
0x5b: {  	_ =	shalt  }
0x5c: {  	_ =	shalt  }
0x5d: {  	_ =	shalt  }
0x5e: {  	_ =	shalt  }
0x5f: {  	_ =	shalt  }
0x60: {  	_ =	shalt  }
0x61: {  	_ =	shalt  }
0x62: {  	_ =	shalt  }
0x63: {  	_ =	shalt  }
0x64: {  	_ =	shalt  }
0x65: {  	_ =	shalt  }
0x66: {  	_ =	shalt  }
0x67: {  	_ =	shalt  }
0x68: {  	_ =	shalt  }
0x69: {  	_ =	shalt  }
0x6a: {  	_ =	shalt  }
0x6b: {  	_ =	shalt  }
0x6c: {  	_ =	shalt  }
0x6d: {  	_ =	shalt  }
0x6e: {  	_ =	shalt  }
0x6f: {  	_ =	shalt  }
0x70: {  	_ =	shalt  }
0x71: {  	_ =	shalt  }
0x72: {  	_ =	shalt  }
0x73: {  	_ =	shalt  }
0x74: {  	_ =	shalt  }
0x75: {  	_ =	shalt  }
0x76: {  	_ =	shalt  }
0x77: {  	_ =	shalt  }
0x78: {  	_ =	shalt  }
0x79: {  	_ =	shalt  }
0x7a: {  	_ =	shalt  }
0x7b: {  	_ =	shalt  }
0x7c: {  	_ =	shalt  }
0x7d: {  	_ =	shalt  }
0x7e: {  	_ =	shalt  }
0x7f: {  	_ =	shalt  }
0x80: {  	_ =	shalt  }
0x81: {  	_ =	shalt  }
0x82: {  	_ =	shalt  }
0x83: {  	_ =	shalt  }
0x84: {  	_ =	shalt  }
0x85: {  	_ =	shalt  }
0x86: {  	_ =	shalt  }
0x87: {  	_ =	shalt  }
.Lfunc_end0:
.L_simem_size_0:
called_computation_lowered:
.L_overlay_start_0:
0x88: {  	s2 =	sld [smem:$0x3FD9]  }
0x89: {  	s3 =	sld [smem:$0x3FFE];
	_ =	sdelay $0x1  }
0x8a: {  	s1 =	srdreg.scid  }
0x8b: {  	s0 =	sand.u32 $0x1, s1  }
0x8c: {  	s17 =	sshll.u32 s0, $0xA;
	s2 =	sadd.s32 s3, s2  }
0x8d: {  	s2 =	sadd.s32 s2, s17  }
0x8e: {  	[smem:$0x3FC2] =	sst s2  }
0x8f: {  	_ = 	snop  }
0x90: {  	s2 =	sld [smem:$0x3FC9]  }
0x91: {  	s18 =	sld [smem:$0x3FC8]  }
0x92: {  	s4 =	sld [smem:$0x3FC7]  }
0x93: {  	s5 =	sld [smem:$0x3FC4]  }
0x94: {  	s6 =	sld [smem:$0x3FD0];
	(tm) =	ssettm $0x1  }
0x95: {  	s7 =	sld [smem:$0x3FFB];
	_ =	sdelay $0x3  }
0x96: {  	_ =	strace s7  }
0x97: {  	s7 =	sld [smem:$0x3FFC];
	_ =	sdelay $0x3  }
0x98: {  	_ =	strace s7  }
0x99: {  	s7 =	sld [smem:$0x3FFD];
	_ =	sdelay $0x3  }
0x9a: {  	_ =	strace s7  }
0x9b: {  	_ =	strace $0x8FFFFFFF  }
0x9c: {  	s19 =	sld [smem:$0x3FDB];
	_ =	sdelay $0x1  }
0x9d: {  	s8 =	simm.s32 $_scs_section_size  }
0x9e: {  	s9 =	simm.s32 $_size__tile_overlayer_lowered;
	s10 =	simm.s32 $_tile_overlayer_lowered  }
0x9f: {  	s22 =	simm.s32 $0x1BFF;
	s21 =	sshll.u32 s10, $0x1;
	s7 =	sadd.s32 s8, s19  }
0xa0: {  	s11 =	simm.s32 $0x0;
	s20 =	sshll.u32 s9, $0x1;
	s9 =	sadd.s32 s21, s7  }
0xa1: {  	[timem:s11], [sflag:s22] =	dma.local [hbm:s9], s20  }
0xa2: {  	_ =	swait.ge [sflag:s22], s20  }
0xa3: {  	s8 =	ssub.s32 $0x0, s20;
	[sflag:s22] =	ssyncset.done $0x0  }
0xa4: {  	[sflag:s22] =	ssyncadd.s32 s8;
	_ =	sdelay $0x1  }
0xa5: {  	s23 =	simm.s32 $0x1B8B  }
0xa6: {  	_ =	swait.ge [sflag:s23], $0x1  }
0xa7: {  	[sflag:s23] =	ssyncset.done $0x0  }
0xa8: {  	s25 =	simm.s32 $0x1B8E;
	s24 =	sld [smem:$0x3FFE];
	[sflag:s23] =	ssyncadd.s32 $0xFFFFFFFF  }
0xa9: {  	s26 =	simm.s32 $execute0_lowered;
	[smem:$0x3FD2] =	sst s25  }
0xaa: {  	s9 =	sshll.u32 s26, $0x1;
	_ =	strace $0x80000046;
	[dreg:$0x1] =	wrdreg $0xFFFFFFFF  }
0xab: {  	s28 =	simm.s32 $_size_execute0_lowered;
	s7 =	sadd.s32 s7, s9;
	[dreg:$0x0] =	wrdreg $0x0  }
0xac: {  	s9 =	sshll.u32 s28, $0x1;
	[dreg:$0x2] =	wrdreg s7  }
0xad: {  	[dreg:$0x3] =	wrdreg s9  }
0xae: {  	[dreg:$0x4] =	wrdreg $0xC0  }
0xaf: {  	_ =	task [dreg:s11], $0x5FFFF  }
0xb0: {  	[dreg:$0x1] =	wrdreg $0xFFFFFFFF  }
0xb1: {  	[dreg:$0x0] =	wrdreg $0x60  }
0xb2: {  	[dreg:$0x2] =	wrdreg s2  }
0xb3: {  	[dreg:$0x3] =	wrdreg s18  }
0xb4: {  	[dreg:$0x4] =	wrdreg s4  }
0xb5: {  	[dreg:$0x5] =	wrdreg s24  }
0xb6: {  	[dreg:$0x6] =	wrdreg s5  }
0xb7: {  	[dreg:$0x7] =	wrdreg s6  }
0xb8: {  	[dreg:$0x8] =	wrdreg $0x9  }
0xb9: {  	_ =	task.clear_ibuf [dreg:s11], $0x9FFFF;
	_ =	strace $0x90000046  }
0xba: {  	s29 =	simm.s32 $0x9;
	_ =	strace $0x80000048  }
0xbb: {  	_ =	swait.ge [sflag:s29], $0x1  }
0xbc: {  	[sflag:s29] =	ssyncadd.s32 $0xFFFFFFFF  }
0xbd: {  	_ =	strace $0x90000048  }
0xbe: {  	_ =	sfence  }
0xbf: {  	s30 =	sld [smem:$0x0];
	_ =	sdelay $0x2  }
0xc0: {  	s31 =	sshll.u32 s1, $0xD;
	s1 =	sshrl.u32 s1, $0x2  }
0xc1: {  	s3 =	sand.u32 $0x4000, s31;
	s1 =	sadd.s32 s1, s30  }
0xc2: {  	s0 =	sor.u32 s3, s0;
	s1 =	sshll.u32 s1, $0x11  }
0xc3: {  	s0 =	sor.u32 s1, s0  }
0xc4: {  	s0 =	sadd.s32 $0x8F2B, s0  }
0xc5: {  	[sflag:s0] =	ssyncadd.remote.s32 $0x1  }
0xc6: {  	_ =	sfence.sel $0xFFFF  }
0xc7: {  	[dreg:$0x0] =	wrdreg $0xFFFFFFFF;
	(pc) =	sbr.abs _section_cstart, $3  }
0xc8: {  	[dreg:$0x1] =	wrdreg $0xFFFFFFFF  }
0xc9: {  	_ =	task.clear_ibuf [dreg:s11], $0x2FFFF;
	_ =	strace $0x9FFFFFFF  }
0xca: {  	(tm) =	ssettm $0x7FFFFFFF  }
0xcb: {  	_ =	shalt  }
tec
execute0_lowered:
.L_overlay_start_1:
0x0: {  	(tag) =	ssettag $0x1  }
0x1: {  	s0 =	rddreg [dreg:$0x0]  }
0x2: {  	s2 =	rddreg [dreg:$0x1]  }
0x3: {  	s8 =	rddreg [dreg:$0x2]  }
0x4: {  	s5 =	rddreg [dreg:$0x3]  }
0x5: {  	s1 =	rddreg [dreg:$0x4]  }
0x6: {  	s11 =	rddreg [dreg:$0x5]  }
0x7: {  	s3 =	simm.s32 $0x0;
	s4 =	srdreg.scid;
	s7 =	stileid.u32  }
0x8: {  	s16 =	simm.s32 $0x4600;
	s19 =	simm.s32 $0x600;
	s20 =	simm.s32 $0x2600  }
0x9: {  	s14 =	simm.s32 $0xD80;
	s15 =	simm.s32 $0x2D80;
	s17 =	simm.s32 $0x1  }
0xa: {  	s18 =	simm.s32 $0x2;
	s21 =	simm.s32 $0x4800;
	s22 =	simm.s32 $0x0  }
0xb: {  	[smem:$0x7FF] =	sst s3;
	s4 =	sand.u32 $0x1, s4;
	s7 =	sshll.u32 s7, $0x7  }
0xc: {  	_ =	strace $0x80000047;
	s6 =	ssub.s32 $0x2, s4;
	s9 =	sshll.u32 s4, $0x6  }
.Ltmp0:
0xd: {  	s4 =	sadd.s32 $0x400, s5;
	s5 =	sadd.s32 $0xF42800, s5;
	(pc) =	sbr.rel .LBB2_1-.Ltmp0, $4  }
0xe: {  	s10 =	sshrl.u32 s6, $0x1;
	s12 =	sor.u32 s9, s7;
	s9 =	sadd.s32 $0x10, s1  }
0xf: {  	s13 =	ssub.s32 s6, s10;
	s6 =	sadd.s32 s0, s12;
	s7 =	sadd.s32 s2, s12  }
0x10: {  	v0 =	vlaneseq.u32;
	s8 =	sadd.s32 s8, s12;
	s10 =	sadd.s32 $0x20, s1;
	s11 =	sadd.s32 s11, s12  }
0x11: {  	v0 =	vmul.u32 $0x80, v0;
	s2 =	simm.s32 $0x2D00;
	s12 =	smax.u32 s13, $0x1;
	s13 =	simm.s32 $0x3  }
.LBB2_5:
0x12: {  	s22 =	sadd.s32 $0x1, s22  }
0x13: {  	p0 =	sne.s32 s22, s12  }
.Ltmp1:
0x14: {  	_ = 	snop;
	(pc) =	sbr.rel @!p0 .LBB2_6-.Ltmp1, $4  }
0x15: {  	[hbm4b:s11+s3] =	stream.linear.scatter [tilespmem:s21], [sflag:$0x3], $0x200, $0x38;
	[tilespmem:$0x4A00] =	vst v63  }
0x16: {  	_ =	swait.ge [sflag:s13], $0x200  }
0x17: {  	[sflag:s13] =	ssyncset.done $0x0  }
0x18: {  	[sflag:s13] =	ssyncadd.s32 $0xFFFFFE00  }
.LBB2_1:
0x19: {  	[tilespmem:s3], [sflag:$0x3] =	stream.linear.gather [hbm4b:s6+s3], $0x200, $0x38;
	[tilespmem:$0x4A00] =	vst v63  }
0x1a: {  	_ =	swait.ge [sflag:s13], $0x200  }
0x1b: {  	[sflag:s13] =	ssyncset.done $0x0  }
0x1c: {  	s0 =	simm.s32 $0x200;
	[sflag:s13] =	ssyncadd.s32 $0xFFFFFE00  }
0x1d: {  	[tilespmem:s0], [sflag:$0x3] =	stream.linear.gather [hbm4b:s7+s3], $0x200, $0x38;
	[tilespmem:$0x4A00] =	vst v63  }
0x1e: {  	_ =	swait.ge [sflag:s13], $0x200  }
0x1f: {  	[sflag:s13] =	ssyncset.done $0x0  }
0x20: {  	s30 =	simm.s32 $0x400;
	[sflag:s13] =	ssyncadd.s32 $0xFFFFFE00  }
0x21: {  	[tilespmem:s30], [sflag:$0x3] =	stream.linear.gather [hbm4b:s8+s3], $0x200, $0x38;
	[tilespmem:$0x4A00] =	vst v63  }
0x22: {  	_ =	swait.ge [sflag:s13], $0x200  }
0x23: {  	[sflag:s13] =	ssyncset.done $0x0  }
0x24: {  	[sflag:s13] =	ssyncadd.s32 $0xFFFFFE00  }
0x25: {  	[tilespmem:s16], [sflag:$0x3] =	stream.linear.gather [hbm4b:s1+s3], $0x80, $0x38;
	[tilespmem:$0x4A00] =	vst v63  }
0x26: {  	_ =	swait.ge [sflag:s13], $0x80  }
0x27: {  	[sflag:s13] =	ssyncset.done $0x0  }
0x28: {  	s31 =	simm.s32 $0x4680;
	[sflag:s13] =	ssyncadd.s32 $0xFFFFFF80  }
0x29: {  	[tilespmem:s31], [sflag:$0x3] =	stream.linear.gather [hbm4b:s9+s3], $0x80, $0x38;
	[tilespmem:$0x4A00] =	vst v63  }
0x2a: {  	_ =	swait.ge [sflag:s13], $0x80  }
0x2b: {  	[sflag:s13] =	ssyncset.done $0x0  }
0x2c: {  	s23 =	simm.s32 $0x4700;
	[sflag:s13] =	ssyncadd.s32 $0xFFFFFF80  }
0x2d: {  	[tilespmem:s23], [sflag:$0x3] =	stream.linear.gather [hbm4b:s10+s3], $0x80, $0x38;
	[tilespmem:$0x4A00] =	vst v63  }
0x2e: {  	_ =	swait.ge [sflag:s13], $0x80  }
0x2f: {  	[sflag:s13] =	ssyncset.done $0x0  }
0x30: {  	[sflag:s13] =	ssyncadd.s32 $0xFFFFFF80  }
0x31: {  	v1 =	vld [tilespmem:$0x0]  }
0x32: {  	v3 =	vld [tilespmem:$0x200];
	_ =	sdelay $0x3  }
0x33: {  	v2 =	vshll.u32 v1, $0x4  }
0x34: {  	v1 =	vshll.u32 v3, $0x4;
	(v2sf) =	vpush v2, $0x0  }
0x35: {  	(v2sf) =	vpush v1, $0x0;
	_ =	sdelay $0x6  }
0x36: {  	(v2sf) =	vpush v2, $0x1  }
0x37: {  	(v2sf) =	vpush v1, $0x1;
	_ =	sdelay $0x5  }
0x38: {  	s23 =	spop (v2sf);
	(v2sf) =	vpush v2, $0x2  }
0x39: {  	s24 =	spop (v2sf);
	(v2sf) =	vpush v1, $0x2;
	_ =	sdelay $0x5  }
0x3a: {  	(v2sf) =	vpush v2, $0x3  }
0x3b: {  	s25 =	spop (v2sf)  }
0x3c: {  	s28 =	spop (v2sf);
	(v2sf) =	vpush v1, $0x3;
	_ =	sdelay $0x5  }
0x3d: {  	s23 =	sand.u32 $0x1FFFFFF0, s23;
	s30 =	spop (v2sf);
	(v2sf) =	vpush v2, $0x4  }
0x3e: {  	s23 =	sadd.s32 s4, s23;
	s0 =	spop (v2sf);
	(v2sf) =	vpush v1, $0x4  }
0x3f: {  	[tilespmem:s19], [sflag:$0x1] =	stream.linear.gather [hbm4b:s23+s3], $0x80, $0x38;
	[tilespmem:$0x4A00] =	vst v63  }
0x40: {  	s23 =	sand.u32 $0x1FFFFFF0, s24  }
0x41: {  	s23 =	sadd.s32 s5, s23  }
0x42: {  	[tilespmem:s20], [sflag:$0x1] =	stream.linear.gather [hbm4b:s23+s3], $0x80, $0x38;
	[tilespmem:$0x4A00] =	vst v63  }
0x43: {  	s23 =	sand.u32 $0x1FFFFFF0, s25  }
0x44: {  	s26 =	simm.s32 $0x680;
	s23 =	sadd.s32 s4, s23;
	s25 =	spop (v2sf);
	(v2sf) =	vpush v2, $0x5  }
0x45: {  	[tilespmem:s26], [sflag:$0x1] =	stream.linear.gather [hbm4b:s23+s3], $0x80, $0x38;
	[tilespmem:$0x4A00] =	vst v63  }
0x46: {  	s23 =	sand.u32 $0x1FFFFFF0, s28;
	s28 =	spop (v2sf);
	(v2sf) =	vpush v1, $0x5  }
0x47: {  	s29 =	simm.s32 $0x2680;
	s23 =	sadd.s32 s5, s23  }
0x48: {  	[tilespmem:s29], [sflag:$0x1] =	stream.linear.gather [hbm4b:s23+s3], $0x80, $0x38;
	[tilespmem:$0x4A00] =	vst v63  }
0x49: {  	s23 =	sand.u32 $0x1FFFFFF0, s30  }
0x4a: {  	s31 =	simm.s32 $0x700;
	s23 =	sadd.s32 s4, s23  }
0x4b: {  	[tilespmem:s31], [sflag:$0x1] =	stream.linear.gather [hbm4b:s23+s3], $0x80, $0x38;
	[tilespmem:$0x4A00] =	vst v63  }
0x4c: {  	s30 =	spop (v2sf);
	(v2sf) =	vpush v2, $0x6  }
0x4d: {  	s23 =	sand.u32 $0x1FFFFFF0, s0;
	s0 =	spop (v2sf);
	(v2sf) =	vpush v1, $0x6;
	_ =	sdelay $0x2  }
0x4e: {  	s24 =	simm.s32 $0x2700;
	s23 =	sadd.s32 s5, s23  }
0x4f: {  	[tilespmem:s24], [sflag:$0x1] =	stream.linear.gather [hbm4b:s23+s3], $0x80, $0x38;
	[tilespmem:$0x4A00] =	vst v63  }
0x50: {  	s23 =	sand.u32 $0x1FFFFFF0, s25  }
0x51: {  	s26 =	simm.s32 $0x780;
	s23 =	sadd.s32 s4, s23;
	s25 =	spop (v2sf);
	(v2sf) =	vpush v2, $0x7  }
0x52: {  	[tilespmem:s26], [sflag:$0x1] =	stream.linear.gather [hbm4b:s23+s3], $0x80, $0x38;
	[tilespmem:$0x4A00] =	vst v63  }
0x53: {  	s23 =	sand.u32 $0x1FFFFFF0, s28;
	s28 =	spop (v2sf);
	(v2sf) =	vpush v1, $0x7  }
0x54: {  	s29 =	simm.s32 $0x2780;
	s23 =	sadd.s32 s5, s23  }
0x55: {  	[tilespmem:s29], [sflag:$0x1] =	stream.linear.gather [hbm4b:s23+s3], $0x80, $0x38;
	[tilespmem:$0x4A00] =	vst v63  }
0x56: {  	s23 =	sand.u32 $0x1FFFFFF0, s30  }
0x57: {  	s31 =	simm.s32 $0x800;
	s23 =	sadd.s32 s4, s23  }
0x58: {  	[tilespmem:s31], [sflag:$0x1] =	stream.linear.gather [hbm4b:s23+s3], $0x80, $0x38;
	[tilespmem:$0x4A00] =	vst v63  }
0x59: {  	s23 =	sand.u32 $0x1FFFFFF0, s0;
	s30 =	spop (v2sf);
	(v2sf) =	vpush v2, $0x8  }
0x5a: {  	s24 =	simm.s32 $0x2800;
	s23 =	sadd.s32 s5, s23;
	s0 =	spop (v2sf);
	(v2sf) =	vpush v1, $0x8  }
0x5b: {  	[tilespmem:s24], [sflag:$0x1] =	stream.linear.gather [hbm4b:s23+s3], $0x80, $0x38;
	[tilespmem:$0x4A00] =	vst v63  }
0x5c: {  	s23 =	sand.u32 $0x1FFFFFF0, s25  }
0x5d: {  	s26 =	simm.s32 $0x880;
	s23 =	sadd.s32 s4, s23  }
0x5e: {  	[tilespmem:s26], [sflag:$0x1] =	stream.linear.gather [hbm4b:s23+s3], $0x80, $0x38;
	[tilespmem:$0x4A00] =	vst v63  }
0x5f: {  	s23 =	sand.u32 $0x1FFFFFF0, s28  }
0x60: {  	s29 =	simm.s32 $0x2880;
	s23 =	sadd.s32 s5, s23;
	s25 =	spop (v2sf);
	(v2sf) =	vpush v2, $0x9  }
0x61: {  	[tilespmem:s29], [sflag:$0x1] =	stream.linear.gather [hbm4b:s23+s3], $0x80, $0x38;
	[tilespmem:$0x4A00] =	vst v63  }
0x62: {  	s23 =	sand.u32 $0x1FFFFFF0, s30;
	s28 =	spop (v2sf);
	(v2sf) =	vpush v1, $0x9  }
0x63: {  	s31 =	simm.s32 $0x900;
	s23 =	sadd.s32 s4, s23  }
0x64: {  	[tilespmem:s31], [sflag:$0x1] =	stream.linear.gather [hbm4b:s23+s3], $0x80, $0x38;
	[tilespmem:$0x4A00] =	vst v63  }
0x65: {  	s23 =	sand.u32 $0x1FFFFFF0, s0  }
0x66: {  	s24 =	simm.s32 $0x2900;
	s23 =	sadd.s32 s5, s23  }
0x67: {  	[tilespmem:s24], [sflag:$0x1] =	stream.linear.gather [hbm4b:s23+s3], $0x80, $0x38;
	[tilespmem:$0x4A00] =	vst v63  }
0x68: {  	s23 =	sand.u32 $0x1FFFFFF0, s25;
	s30 =	spop (v2sf);
	(v2sf) =	vpush v2, $0xA  }
0x69: {  	s26 =	simm.s32 $0x980;
	s23 =	sadd.s32 s4, s23;
	s0 =	spop (v2sf);
	(v2sf) =	vpush v1, $0xA  }
0x6a: {  	[tilespmem:s26], [sflag:$0x1] =	stream.linear.gather [hbm4b:s23+s3], $0x80, $0x38;
	[tilespmem:$0x4A00] =	vst v63  }
0x6b: {  	s23 =	sand.u32 $0x1FFFFFF0, s28  }
0x6c: {  	s29 =	simm.s32 $0x2980;
	s23 =	sadd.s32 s5, s23  }
0x6d: {  	[tilespmem:s29], [sflag:$0x1] =	stream.linear.gather [hbm4b:s23+s3], $0x80, $0x38;
	[tilespmem:$0x4A00] =	vst v63  }
0x6e: {  	s23 =	sand.u32 $0x1FFFFFF0, s30  }
0x6f: {  	s31 =	simm.s32 $0xA00;
	s23 =	sadd.s32 s4, s23;
	s25 =	spop (v2sf);
	(v2sf) =	vpush v2, $0xB  }
0x70: {  	[tilespmem:s31], [sflag:$0x1] =	stream.linear.gather [hbm4b:s23+s3], $0x80, $0x38;
	[tilespmem:$0x4A00] =	vst v63  }
0x71: {  	s23 =	sand.u32 $0x1FFFFFF0, s0;
	s28 =	spop (v2sf);
	(v2sf) =	vpush v1, $0xB  }
0x72: {  	s24 =	simm.s32 $0x2A00;
	s23 =	sadd.s32 s5, s23  }
0x73: {  	[tilespmem:s24], [sflag:$0x1] =	stream.linear.gather [hbm4b:s23+s3], $0x80, $0x38;
	[tilespmem:$0x4A00] =	vst v63  }
0x74: {  	s23 =	sand.u32 $0x1FFFFFF0, s25  }
0x75: {  	s26 =	simm.s32 $0xA80;
	s23 =	sadd.s32 s4, s23  }
0x76: {  	[tilespmem:s26], [sflag:$0x1] =	stream.linear.gather [hbm4b:s23+s3], $0x80, $0x38;
	[tilespmem:$0x4A00] =	vst v63  }
0x77: {  	s23 =	sand.u32 $0x1FFFFFF0, s28;
	s30 =	spop (v2sf);
	(v2sf) =	vpush v2, $0xC  }
0x78: {  	s29 =	simm.s32 $0x2A80;
	s23 =	sadd.s32 s5, s23;
	s0 =	spop (v2sf);
	(v2sf) =	vpush v1, $0xC  }
0x79: {  	[tilespmem:s29], [sflag:$0x1] =	stream.linear.gather [hbm4b:s23+s3], $0x80, $0x38;
	[tilespmem:$0x4A00] =	vst v63  }
0x7a: {  	s23 =	sand.u32 $0x1FFFFFF0, s30  }
0x7b: {  	s31 =	simm.s32 $0xB00;
	s23 =	sadd.s32 s4, s23  }
0x7c: {  	[tilespmem:s31], [sflag:$0x1] =	stream.linear.gather [hbm4b:s23+s3], $0x80, $0x38;
	[tilespmem:$0x4A00] =	vst v63  }
0x7d: {  	(v2sf) =	vpush v2, $0xD;
	s23 =	sand.u32 $0x1FFFFFF0, s0  }
0x7e: {  	s24 =	simm.s32 $0x2B00;
	s25 =	spop (v2sf);
	s23 =	sadd.s32 s5, s23  }
0x7f: {  	(v2sf) =	vpush v1, $0xD;
	[tilespmem:s24], [sflag:$0x1] =	stream.linear.gather [hbm4b:s23+s3], $0x80, $0x38;
	[tilespmem:$0x4A00] =	vst v63  }
0x80: {  	s28 =	spop (v2sf);
	(v2sf) =	vpush v2, $0xE;
	s23 =	sand.u32 $0x1FFFFFF0, s25  }
0x81: {  	s26 =	simm.s32 $0xB80;
	s23 =	sadd.s32 s4, s23  }
0x82: {  	[tilespmem:s26], [sflag:$0x1] =	stream.linear.gather [hbm4b:s23+s3], $0x80, $0x38;
	[tilespmem:$0x4A00] =	vst v63  }
0x83: {  	s23 =	sand.u32 $0x1FFFFFF0, s28  }
0x84: {  	s29 =	simm.s32 $0x2B80;
	s23 =	sadd.s32 s5, s23  }
0x85: {  	[tilespmem:s29], [sflag:$0x1] =	stream.linear.gather [hbm4b:s23+s3], $0x80, $0x38;
	[tilespmem:$0x4A00] =	vst v63  }
0x86: {  	s30 =	spop (v2sf);
	(v2sf) =	vpush v1, $0xE  }
0x87: {  	s24 =	spop (v2sf);
	(v2sf) =	vpush v2, $0xF  }
0x88: {  	s23 =	sand.u32 $0x1FFFFFF0, s30  }
0x89: {  	s31 =	simm.s32 $0xC00;
	s23 =	sadd.s32 s4, s23  }
0x8a: {  	[tilespmem:s31], [sflag:$0x1] =	stream.linear.gather [hbm4b:s23+s3], $0x80, $0x38;
	[tilespmem:$0x4A00] =	vst v63  }
0x8b: {  	s23 =	sand.u32 $0x1FFFFFF0, s24  }
0x8c: {  	s25 =	simm.s32 $0x2C00;
	s26 =	spop (v2sf);
	(v2sf) =	vpush v1, $0xF;
	s23 =	sadd.s32 s5, s23  }
0x8d: {  	[tilespmem:s25], [sflag:$0x1] =	stream.linear.gather [hbm4b:s23+s3], $0x80, $0x38;
	[tilespmem:$0x4A00] =	vst v63  }
0x8e: {  	s28 =	simm.s32 $0xC80;
	s24 =	spop (v2sf);
	s23 =	sand.u32 $0x1FFFFFF0, s26  }
0x8f: {  	s29 =	sand.u32 $0x1FFFFFF0, s24;
	s30 =	spop (v2sf);
	s23 =	sadd.s32 s4, s23  }
0x90: {  	[tilespmem:s28], [sflag:$0x1] =	stream.linear.gather [hbm4b:s23+s3], $0x80, $0x38;
	[tilespmem:$0x4A00] =	vst v63  }
0x91: {  	s31 =	simm.s32 $0x2C80;
	s24 =	sand.u32 $0x1FFFFFF0, s30;
	s23 =	sadd.s32 s5, s29  }
0x92: {  	[tilespmem:s31], [sflag:$0x1] =	stream.linear.gather [hbm4b:s23+s3], $0x80, $0x38;
	[tilespmem:$0x4A00] =	vst v63  }
0x93: {  	s26 =	simm.s32 $0xD00;
	s23 =	sadd.s32 s4, s24  }
0x94: {  	[tilespmem:s26], [sflag:$0x1] =	stream.linear.gather [hbm4b:s23+s3], $0x80, $0x38;
	[tilespmem:$0x4A00] =	vst v63  }
0x95: {  	s25 =	spop (v2sf)  }
0x96: {  	s28 =	sand.u32 $0x1FFFFFF0, s25;
	s29 =	spop (v2sf)  }
0x97: {  	s23 =	sadd.s32 s5, s28;
	s30 =	sand.u32 $0x1FFFFFF0, s29  }
0x98: {  	[tilespmem:s2], [sflag:$0x1] =	stream.linear.gather [hbm4b:s23+s3], $0x80, $0x38;
	[tilespmem:$0x4A00] =	vst v63  }
0x99: {  	s23 =	sadd.s32 s4, s30  }
0x9a: {  	[tilespmem:s14], [sflag:$0x1] =	stream.linear.gather [hbm4b:s23+s3], $0x80, $0x38;
	[tilespmem:$0x4A00] =	vst v63  }
.Ltmp2:
0x9b: {  	s31 =	spop (v2sf);
	(pc) =	sbr.rel .LBB2_2-.Ltmp2, $4  }
0x9c: {  	s23 =	sand.u32 $0x1FFFFFF0, s31  }
0x9d: {  	s23 =	sadd.s32 s5, s23  }
0x9e: {  	[tilespmem:s15], [sflag:$0x1] =	stream.linear.gather [hbm4b:s23+s3], $0x80, $0x38;
	[tilespmem:$0x4A00] =	vst v63  }
0x9f: {  	s24 =	simm.s32 $0x10;
	s25 =	simm.s32 $0x0;
	s23 =	simm.s32 $0x1000  }
.LBB2_4:
0xa0: {  	_ =	swait.ge [sflag:s18], $0x800  }
0xa1: {  	[sflag:s18] =	ssyncset.done $0x0  }
0xa2: {  	[sflag:s18] =	ssyncadd.s32 $0xFFFFF800  }
0xa3: {  	_ =	swait.ge [sflag:s18], $0x800  }
0xa4: {  	[sflag:s18] =	ssyncset.done $0x0  }
0xa5: {  	[sflag:s18] =	ssyncadd.s32 $0xFFFFF800  }
0xa6: {  	v1 =	vmov s28;
	v3 =	vld [tilespmem:s26+$0x410]  }
0xa7: {  	v1 =	vshll.u32 v1, $0x7  }
0xa8: {  	v2 =	vor.u32 v0, v1;
	_ =	sdelay $0x2  }
0xa9: {  	v1 =	vshll.u32 v3, $0x7  }
0xaa: {  	v4 =	vor.u32 $0x1, v2  }
0xab: {  	v5 =	vld.idx.msk [tilespmem:v2+s20+$0x0], $0xffff  }
0xac: {  	v3 =	vld.idx.msk [tilespmem:v2+s19+$0x0], $0xffff  }
0xad: {  	v7 =	vor.u32 $0x1, v1  }
0xae: {  	v8 =	vor.u32 $0x2, v2;
	v6 =	vld.idx.msk [tilespmem:v1+s16+$0x0], $0xffff  }
0xaf: {  	v9 =	vld.idx.msk [tilespmem:v4+s19+$0x0], $0xffff  }
0xb0: {  	v4 =	vld.idx.msk [tilespmem:v4+s20+$0x0], $0xffff  }
0xb1: {  	v48 =	vor.u32 $0x2, v1;
	v10 =	vmul.f32 v5, v3;
	v3 =	vadd.f32 v5, v3  }
0xb2: {  	v50 =	vor.u32 $0x3, v2;
	v49 =	vld.idx.msk [tilespmem:v7+s16+$0x0], $0xffff  }
0xb3: {  	v11 =	vld.idx.msk [tilespmem:v8+s19+$0x0], $0xffff;
	v10 =	vadd.f32 $0.0e+00, v10;
	v3 =	vmul.f32 v3, v6  }
0xb4: {  	v8 =	vld.idx.msk [tilespmem:v8+s20+$0x0], $0xffff;
	v52 =	vor.u32 $0x3, v1  }
0xb5: {  	v51 =	vmul.f32 v4, v9;
	v4 =	vadd.f32 v4, v9;
	v3 =	vadd.f32 v3, v10  }
0xb6: {  	v54 =	vor.u32 $0x4, v2;
	v5 =	vld.idx.msk [tilespmem:v48+s16+$0x0], $0xffff  }
0xb7: {  	v53 =	vld.idx.msk [tilespmem:v50+s19+$0x0], $0xffff;
	v4 =	vmul.f32 v4, v49;
	v3 =	vadd.f32 v51, v3  }
0xb8: {  	v56 =	vor.u32 $0x4, v1;
	v7 =	vld.idx.msk [tilespmem:v50+s20+$0x0], $0xffff  }
0xb9: {  	v55 =	vmul.f32 v8, v11;
	v8 =	vadd.f32 v8, v11;
	v3 =	vadd.f32 v4, v3  }
0xba: {  	v58 =	vor.u32 $0x5, v2;
	v9 =	vld.idx.msk [tilespmem:v52+s16+$0x0], $0xffff  }
0xbb: {  	v59 =	vld.idx.msk [tilespmem:v54+s19+$0x0], $0xffff;
	v57 =	vmul.f32 v8, v5;
	v3 =	vadd.f32 v55, v3  }
0xbc: {  	v61 =	vld.idx.msk [tilespmem:v54+s20+$0x0], $0xffff;
	v62 =	vor.u32 $0x5, v1  }
0xbd: {  	v60 =	vmul.f32 v7, v53;
	v6 =	vadd.f32 v7, v53;
	v3 =	vadd.f32 v57, v3  }
0xbe: {  	v13 =	vor.u32 $0x6, v2;
	v12 =	vld.idx.msk [tilespmem:v56+s16+$0x0], $0xffff  }
0xbf: {  	v14 =	vld.idx.msk [tilespmem:v58+s19+$0x0], $0xffff;
	v63 =	vmul.f32 v6, v9;
	v3 =	vadd.f32 v60, v3  }
0xc0: {  	v15 =	vld.idx.msk [tilespmem:v58+s20+$0x0], $0xffff;
	v17 =	vor.u32 $0x6, v1  }
0xc1: {  	v16 =	vmul.f32 v61, v59;
	v7 =	vadd.f32 v61, v59;
	v3 =	vadd.f32 v63, v3  }
0xc2: {  	v20 =	vor.u32 $0x7, v2;
	v10 =	vld.idx.msk [tilespmem:v62+s16+$0x0], $0xffff  }
0xc3: {  	v19 =	vld.idx.msk [tilespmem:v13+s19+$0x0], $0xffff;
	v18 =	vmul.f32 v7, v12;
	v3 =	vadd.f32 v16, v3  }
0xc4: {  	v22 =	vor.u32 $0x7, v1;
	v9 =	vld.idx.msk [tilespmem:v13+s20+$0x0], $0xffff  }
0xc5: {  	v21 =	vmul.f32 v15, v14;
	v4 =	vadd.f32 v15, v14;
	v3 =	vadd.f32 v18, v3  }
0xc6: {  	v23 =	vor.u32 $0x8, v2;
	v8 =	vld.idx.msk [tilespmem:v17+s16+$0x0], $0xffff  }
0xc7: {  	v24 =	vld.idx.msk [tilespmem:v20+s19+$0x0], $0xffff;
	v4 =	vmul.f32 v4, v10;
	v3 =	vadd.f32 v21, v3  }
0xc8: {  	v26 =	vor.u32 $0x8, v1;
	v7 =	vld.idx.msk [tilespmem:v20+s20+$0x0], $0xffff  }
0xc9: {  	v25 =	vmul.f32 v9, v19;
	v6 =	vadd.f32 v9, v19;
	v3 =	vadd.f32 v4, v3  }
0xca: {  	v29 =	vor.u32 $0x9, v2;
	v28 =	vld.idx.msk [tilespmem:v22+s16+$0x0], $0xffff  }
0xcb: {  	v30 =	vld.idx.msk [tilespmem:v23+s19+$0x0], $0xffff;
	v27 =	vmul.f32 v6, v8;
	v3 =	vadd.f32 v25, v3  }
0xcc: {  	v31 =	vld.idx.msk [tilespmem:v23+s20+$0x0], $0xffff;
	v33 =	vor.u32 $0x9, v1  }
0xcd: {  	v32 =	vmul.f32 v7, v24;
	v7 =	vadd.f32 v7, v24;
	v3 =	vadd.f32 v27, v3  }
0xce: {  	v36 =	vor.u32 $0xA, v2;
	v9 =	vld.idx.msk [tilespmem:v26+s16+$0x0], $0xffff  }
0xcf: {  	v35 =	vld.idx.msk [tilespmem:v29+s19+$0x0], $0xffff;
	v34 =	vmul.f32 v7, v28;
	v3 =	vadd.f32 v32, v3  }
0xd0: {  	v38 =	vor.u32 $0xA, v1;
	v8 =	vld.idx.msk [tilespmem:v29+s20+$0x0], $0xffff  }
0xd1: {  	v37 =	vmul.f32 v31, v30;
	v4 =	vadd.f32 v31, v30;
	v3 =	vadd.f32 v34, v3  }
0xd2: {  	v39 =	vor.u32 $0xB, v2;
	v10 =	vld.idx.msk [tilespmem:v33+s16+$0x0], $0xffff  }
0xd3: {  	v40 =	vld.idx.msk [tilespmem:v36+s19+$0x0], $0xffff;
	v4 =	vmul.f32 v4, v9;
	v3 =	vadd.f32 v37, v3  }
0xd4: {  	v42 =	vor.u32 $0xB, v1;
	v7 =	vld.idx.msk [tilespmem:v36+s20+$0x0], $0xffff  }
0xd5: {  	v41 =	vmul.f32 v8, v35;
	v6 =	vadd.f32 v8, v35;
	v3 =	vadd.f32 v4, v3  }
0xd6: {  	v45 =	vor.u32 $0xC, v2;
	v44 =	vld.idx.msk [tilespmem:v38+s16+$0x0], $0xffff  }
0xd7: {  	v46 =	vld.idx.msk [tilespmem:v39+s19+$0x0], $0xffff;
	v43 =	vmul.f32 v6, v10;
	v3 =	vadd.f32 v41, v3  }
0xd8: {  	v47 =	vld.idx.msk [tilespmem:v39+s20+$0x0], $0xffff;
	v49 =	vor.u32 $0xC, v1  }
0xd9: {  	v48 =	vmul.f32 v7, v40;
	v7 =	vadd.f32 v7, v40;
	v3 =	vadd.f32 v43, v3  }
0xda: {  	v52 =	vor.u32 $0xD, v2;
	v8 =	vld.idx.msk [tilespmem:v42+s16+$0x0], $0xffff  }
0xdb: {  	v51 =	vld.idx.msk [tilespmem:v45+s19+$0x0], $0xffff;
	v50 =	vmul.f32 v7, v44;
	v3 =	vadd.f32 v48, v3  }
0xdc: {  	v54 =	vor.u32 $0xD, v1;
	v10 =	vld.idx.msk [tilespmem:v45+s20+$0x0], $0xffff  }
0xdd: {  	v53 =	vmul.f32 v47, v46;
	v4 =	vadd.f32 v47, v46;
	v3 =	vadd.f32 v50, v3  }
0xde: {  	v55 =	vor.u32 $0xE, v2;
	v9 =	vld.idx.msk [tilespmem:v49+s16+$0x0], $0xffff  }
0xdf: {  	v56 =	vld.idx.msk [tilespmem:v52+s19+$0x0], $0xffff;
	v4 =	vmul.f32 v4, v8;
	v3 =	vadd.f32 v53, v3  }
0xe0: {  	v58 =	vor.u32 $0xE, v1;
	v7 =	vld.idx.msk [tilespmem:v52+s20+$0x0], $0xffff  }
0xe1: {  	v57 =	vmul.f32 v10, v51;
	v6 =	vadd.f32 v10, v51;
	v3 =	vadd.f32 v4, v3  }
0xe2: {  	v61 =	vor.u32 $0xF, v2;
	v60 =	vld.idx.msk [tilespmem:v54+s16+$0x0], $0xffff  }
0xe3: {  	v62 =	vld.idx.msk [tilespmem:v55+s19+$0x0], $0xffff;
	v59 =	vmul.f32 v6, v9;
	v3 =	vadd.f32 v57, v3  }
0xe4: {  	v13 =	vor.u32 $0xF, v1;
	v63 =	vld.idx.msk [tilespmem:v55+s20+$0x0], $0xffff  }
0xe5: {  	v12 =	vmul.f32 v7, v56;
	v7 =	vadd.f32 v7, v56;
	v3 =	vadd.f32 v59, v3  }
0xe6: {  	v16 =	vor.u32 $0x10, v2;
	v10 =	vld.idx.msk [tilespmem:v58+s16+$0x0], $0xffff  }
0xe7: {  	v15 =	vld.idx.msk [tilespmem:v61+s19+$0x0], $0xffff;
	v14 =	vmul.f32 v7, v60;
	v3 =	vadd.f32 v12, v3  }
0xe8: {  	v18 =	vor.u32 $0x10, v1;
	v9 =	vld.idx.msk [tilespmem:v61+s20+$0x0], $0xffff  }
0xe9: {  	v17 =	vmul.f32 v63, v62;
	v4 =	vadd.f32 v63, v62;
	v3 =	vadd.f32 v14, v3  }
0xea: {  	v19 =	vor.u32 $0x11, v2;
	v8 =	vld.idx.msk [tilespmem:v13+s16+$0x0], $0xffff  }
0xeb: {  	v20 =	vld.idx.msk [tilespmem:v16+s19+$0x0], $0xffff;
	v4 =	vmul.f32 v4, v10;
	v3 =	vadd.f32 v17, v3  }
0xec: {  	v22 =	vor.u32 $0x11, v1;
	v7 =	vld.idx.msk [tilespmem:v16+s20+$0x0], $0xffff  }
0xed: {  	v21 =	vmul.f32 v9, v15;
	v6 =	vadd.f32 v9, v15;
	v3 =	vadd.f32 v4, v3  }
0xee: {  	v24 =	vld.idx.msk [tilespmem:v18+s16+$0x0], $0xffff;
	v25 =	vor.u32 $0x12, v2  }
0xef: {  	v26 =	vld.idx.msk [tilespmem:v19+s19+$0x0], $0xffff;
	v23 =	vmul.f32 v6, v8;
	v3 =	vadd.f32 v21, v3  }
0xf0: {  	v29 =	vor.u32 $0x12, v1;
	v27 =	vld.idx.msk [tilespmem:v19+s20+$0x0], $0xffff  }
0xf1: {  	v28 =	vmul.f32 v7, v20;
	v7 =	vadd.f32 v7, v20;
	v3 =	vadd.f32 v23, v3  }
0xf2: {  	v32 =	vor.u32 $0x13, v2;
	v9 =	vld.idx.msk [tilespmem:v22+s16+$0x0], $0xffff  }
0xf3: {  	v31 =	vld.idx.msk [tilespmem:v25+s19+$0x0], $0xffff;
	v30 =	vmul.f32 v7, v24;
	v3 =	vadd.f32 v28, v3  }
0xf4: {  	v34 =	vor.u32 $0x13, v1;
	v8 =	vld.idx.msk [tilespmem:v25+s20+$0x0], $0xffff  }
0xf5: {  	v33 =	vmul.f32 v27, v26;
	v4 =	vadd.f32 v27, v26;
	v3 =	vadd.f32 v30, v3  }
0xf6: {  	v35 =	vor.u32 $0x14, v2;
	v10 =	vld.idx.msk [tilespmem:v29+s16+$0x0], $0xffff  }
0xf7: {  	v36 =	vld.idx.msk [tilespmem:v32+s19+$0x0], $0xffff;
	v4 =	vmul.f32 v4, v9;
	v3 =	vadd.f32 v33, v3  }
0xf8: {  	v38 =	vor.u32 $0x14, v1;
	v7 =	vld.idx.msk [tilespmem:v32+s20+$0x0], $0xffff  }
0xf9: {  	v37 =	vmul.f32 v8, v31;
	v6 =	vadd.f32 v8, v31;
	v3 =	vadd.f32 v4, v3  }
0xfa: {  	v40 =	vld.idx.msk [tilespmem:v34+s16+$0x0], $0xffff;
	v41 =	vor.u32 $0x15, v2  }
0xfb: {  	v42 =	vld.idx.msk [tilespmem:v35+s19+$0x0], $0xffff;
	v39 =	vmul.f32 v6, v10;
	v3 =	vadd.f32 v37, v3  }
0xfc: {  	v45 =	vor.u32 $0x15, v1;
	v43 =	vld.idx.msk [tilespmem:v35+s20+$0x0], $0xffff  }
0xfd: {  	v44 =	vmul.f32 v7, v36;
	v7 =	vadd.f32 v7, v36;
	v3 =	vadd.f32 v39, v3  }
0xfe: {  	v48 =	vor.u32 $0x16, v2;
	v8 =	vld.idx.msk [tilespmem:v38+s16+$0x0], $0xffff  }
0xff: {  	v46 =	vmul.f32 v7, v40;
	v47 =	vld.idx.msk [tilespmem:v41+s19+$0x0], $0xffff;
	v3 =	vadd.f32 v44, v3  }
0x100: {  	v50 =	vor.u32 $0x16, v1;
	v10 =	vld.idx.msk [tilespmem:v41+s20+$0x0], $0xffff  }
0x101: {  	v49 =	vmul.f32 v43, v42;
	v4 =	vadd.f32 v43, v42;
	v3 =	vadd.f32 v46, v3  }
0x102: {  	v51 =	vor.u32 $0x17, v2;
	v9 =	vld.idx.msk [tilespmem:v45+s16+$0x0], $0xffff  }
0x103: {  	v52 =	vld.idx.msk [tilespmem:v48+s19+$0x0], $0xffff;
	v4 =	vmul.f32 v4, v8;
	v3 =	vadd.f32 v49, v3  }
0x104: {  	v54 =	vor.u32 $0x17, v1;
	v7 =	vld.idx.msk [tilespmem:v48+s20+$0x0], $0xffff  }
0x105: {  	v53 =	vmul.f32 v10, v47;
	v6 =	vadd.f32 v10, v47;
	v3 =	vadd.f32 v4, v3  }
0x106: {  	v56 =	vld.idx.msk [tilespmem:v50+s16+$0x0], $0xffff;
	v57 =	vor.u32 $0x18, v2  }
0x107: {  	v58 =	vld.idx.msk [tilespmem:v51+s19+$0x0], $0xffff;
	v55 =	vmul.f32 v6, v9;
	v3 =	vadd.f32 v53, v3  }
0x108: {  	v61 =	vor.u32 $0x18, v1;
	v59 =	vld.idx.msk [tilespmem:v51+s20+$0x0], $0xffff  }
0x109: {  	v60 =	vmul.f32 v7, v52;
	v7 =	vadd.f32 v7, v52;
	v3 =	vadd.f32 v55, v3  }
0x10a: {  	v12 =	vor.u32 $0x19, v2;
	v10 =	vld.idx.msk [tilespmem:v54+s16+$0x0], $0xffff  }
0x10b: {  	v62 =	vmul.f32 v7, v56;
	v63 =	vld.idx.msk [tilespmem:v57+s19+$0x0], $0xffff;
	v3 =	vadd.f32 v60, v3  }
0x10c: {  	v14 =	vor.u32 $0x19, v1;
	v9 =	vld.idx.msk [tilespmem:v57+s20+$0x0], $0xffff  }
0x10d: {  	v13 =	vmul.f32 v59, v58;
	v4 =	vadd.f32 v59, v58;
	v3 =	vadd.f32 v62, v3  }
0x10e: {  	v15 =	vor.u32 $0x1A, v2;
	v8 =	vld.idx.msk [tilespmem:v61+s16+$0x0], $0xffff  }
0x10f: {  	v16 =	vld.idx.msk [tilespmem:v12+s19+$0x0], $0xffff;
	v4 =	vmul.f32 v4, v10;
	v3 =	vadd.f32 v13, v3  }
0x110: {  	v18 =	vor.u32 $0x1A, v1;
	v7 =	vld.idx.msk [tilespmem:v12+s20+$0x0], $0xffff  }
0x111: {  	v17 =	vmul.f32 v9, v63;
	v6 =	vadd.f32 v9, v63;
	v3 =	vadd.f32 v4, v3  }
0x112: {  	v20 =	vld.idx.msk [tilespmem:v14+s16+$0x0], $0xffff;
	v21 =	vor.u32 $0x1B, v2  }
0x113: {  	v22 =	vld.idx.msk [tilespmem:v15+s19+$0x0], $0xffff;
	v19 =	vmul.f32 v6, v8;
	v3 =	vadd.f32 v17, v3  }
0x114: {  	v25 =	vor.u32 $0x1B, v1;
	v23 =	vld.idx.msk [tilespmem:v15+s20+$0x0], $0xffff  }
0x115: {  	v24 =	vmul.f32 v7, v16;
	v7 =	vadd.f32 v7, v16;
	v3 =	vadd.f32 v19, v3  }
0x116: {  	v28 =	vor.u32 $0x1C, v2;
	v9 =	vld.idx.msk [tilespmem:v18+s16+$0x0], $0xffff  }
0x117: {  	v26 =	vmul.f32 v7, v20;
	v27 =	vld.idx.msk [tilespmem:v21+s19+$0x0], $0xffff;
	v3 =	vadd.f32 v24, v3  }
0x118: {  	v30 =	vor.u32 $0x1C, v1;
	v8 =	vld.idx.msk [tilespmem:v21+s20+$0x0], $0xffff  }
0x119: {  	v29 =	vmul.f32 v23, v22;
	v4 =	vadd.f32 v23, v22;
	v3 =	vadd.f32 v26, v3  }
0x11a: {  	v31 =	vor.u32 $0x1D, v2;
	v10 =	vld.idx.msk [tilespmem:v25+s16+$0x0], $0xffff  }
0x11b: {  	v32 =	vld.idx.msk [tilespmem:v28+s19+$0x0], $0xffff;
	v4 =	vmul.f32 v4, v9;
	v3 =	vadd.f32 v29, v3  }
0x11c: {  	v34 =	vor.u32 $0x1D, v1;
	v7 =	vld.idx.msk [tilespmem:v28+s20+$0x0], $0xffff  }
0x11d: {  	v33 =	vmul.f32 v8, v27;
	v6 =	vadd.f32 v8, v27;
	v3 =	vadd.f32 v4, v3  }
0x11e: {  	v36 =	vld.idx.msk [tilespmem:v30+s16+$0x0], $0xffff;
	v37 =	vor.u32 $0x1E, v2  }
0x11f: {  	v38 =	vld.idx.msk [tilespmem:v31+s19+$0x0], $0xffff;
	v35 =	vmul.f32 v6, v10;
	v3 =	vadd.f32 v33, v3  }
0x120: {  	v41 =	vor.u32 $0x1E, v1;
	v39 =	vld.idx.msk [tilespmem:v31+s20+$0x0], $0xffff  }
0x121: {  	v40 =	vmul.f32 v7, v32;
	v7 =	vadd.f32 v7, v32;
	v3 =	vadd.f32 v35, v3  }
0x122: {  	v44 =	vor.u32 $0x1F, v2;
	v8 =	vld.idx.msk [tilespmem:v34+s16+$0x0], $0xffff  }
0x123: {  	v42 =	vmul.f32 v7, v36;
	v43 =	vld.idx.msk [tilespmem:v37+s19+$0x0], $0xffff;
	v3 =	vadd.f32 v40, v3  }
0x124: {  	v46 =	vor.u32 $0x1F, v1;
	v10 =	vld.idx.msk [tilespmem:v37+s20+$0x0], $0xffff  }
0x125: {  	v45 =	vmul.f32 v39, v38;
	v4 =	vadd.f32 v39, v38;
	v3 =	vadd.f32 v42, v3  }
0x126: {  	v47 =	vor.u32 $0x20, v2;
	v9 =	vld.idx.msk [tilespmem:v41+s16+$0x0], $0xffff  }
0x127: {  	v48 =	vld.idx.msk [tilespmem:v44+s19+$0x0], $0xffff;
	v4 =	vmul.f32 v4, v8;
	v3 =	vadd.f32 v45, v3  }
0x128: {  	v50 =	vor.u32 $0x20, v1;
	v7 =	vld.idx.msk [tilespmem:v44+s20+$0x0], $0xffff  }
0x129: {  	v49 =	vmul.f32 v10, v43;
	v6 =	vadd.f32 v10, v43;
	v3 =	vadd.f32 v4, v3  }
0x12a: {  	v52 =	vld.idx.msk [tilespmem:v46+s16+$0x0], $0xffff;
	v53 =	vor.u32 $0x21, v2  }
0x12b: {  	v54 =	vld.idx.msk [tilespmem:v47+s19+$0x0], $0xffff;
	v51 =	vmul.f32 v6, v9;
	v3 =	vadd.f32 v49, v3  }
0x12c: {  	v57 =	vor.u32 $0x21, v1;
	v55 =	vld.idx.msk [tilespmem:v47+s20+$0x0], $0xffff  }
0x12d: {  	v56 =	vmul.f32 v7, v48;
	v7 =	vadd.f32 v7, v48;
	v3 =	vadd.f32 v51, v3  }
0x12e: {  	v60 =	vor.u32 $0x22, v2;
	v10 =	vld.idx.msk [tilespmem:v50+s16+$0x0], $0xffff  }
0x12f: {  	v58 =	vmul.f32 v7, v52;
	v59 =	vld.idx.msk [tilespmem:v53+s19+$0x0], $0xffff;
	v3 =	vadd.f32 v56, v3  }
0x130: {  	v62 =	vor.u32 $0x22, v1;
	v9 =	vld.idx.msk [tilespmem:v53+s20+$0x0], $0xffff  }
0x131: {  	v61 =	vmul.f32 v55, v54;
	v4 =	vadd.f32 v55, v54;
	v3 =	vadd.f32 v58, v3  }
0x132: {  	v63 =	vor.u32 $0x23, v2;
	v8 =	vld.idx.msk [tilespmem:v57+s16+$0x0], $0xffff  }
0x133: {  	v12 =	vld.idx.msk [tilespmem:v60+s19+$0x0], $0xffff;
	v4 =	vmul.f32 v4, v10;
	v3 =	vadd.f32 v61, v3  }
0x134: {  	v14 =	vor.u32 $0x23, v1;
	v7 =	vld.idx.msk [tilespmem:v60+s20+$0x0], $0xffff  }
0x135: {  	v13 =	vmul.f32 v9, v59;
	v6 =	vadd.f32 v9, v59;
	v3 =	vadd.f32 v4, v3  }
0x136: {  	v16 =	vld.idx.msk [tilespmem:v62+s16+$0x0], $0xffff;
	v17 =	vor.u32 $0x24, v2  }
0x137: {  	v18 =	vld.idx.msk [tilespmem:v63+s19+$0x0], $0xffff;
	v15 =	vmul.f32 v6, v8;
	v3 =	vadd.f32 v13, v3  }
0x138: {  	v21 =	vor.u32 $0x24, v1;
	v19 =	vld.idx.msk [tilespmem:v63+s20+$0x0], $0xffff  }
0x139: {  	v20 =	vmul.f32 v7, v12;
	v7 =	vadd.f32 v7, v12;
	v3 =	vadd.f32 v15, v3  }
0x13a: {  	v24 =	vor.u32 $0x25, v2;
	v9 =	vld.idx.msk [tilespmem:v14+s16+$0x0], $0xffff  }
0x13b: {  	v22 =	vmul.f32 v7, v16;
	v23 =	vld.idx.msk [tilespmem:v17+s19+$0x0], $0xffff;
	v3 =	vadd.f32 v20, v3  }
0x13c: {  	v26 =	vor.u32 $0x25, v1;
	v8 =	vld.idx.msk [tilespmem:v17+s20+$0x0], $0xffff  }
0x13d: {  	v25 =	vmul.f32 v19, v18;
	v4 =	vadd.f32 v19, v18;
	v3 =	vadd.f32 v22, v3  }
0x13e: {  	v27 =	vor.u32 $0x26, v2;
	v10 =	vld.idx.msk [tilespmem:v21+s16+$0x0], $0xffff  }
0x13f: {  	v28 =	vld.idx.msk [tilespmem:v24+s19+$0x0], $0xffff;
	v4 =	vmul.f32 v4, v9;
	v3 =	vadd.f32 v25, v3  }
0x140: {  	v30 =	vor.u32 $0x26, v1;
	v7 =	vld.idx.msk [tilespmem:v24+s20+$0x0], $0xffff  }
0x141: {  	v29 =	vmul.f32 v8, v23;
	v6 =	vadd.f32 v8, v23;
	v3 =	vadd.f32 v4, v3  }
0x142: {  	v32 =	vld.idx.msk [tilespmem:v26+s16+$0x0], $0xffff;
	v33 =	vor.u32 $0x27, v2  }
0x143: {  	v34 =	vld.idx.msk [tilespmem:v27+s19+$0x0], $0xffff;
	v31 =	vmul.f32 v6, v10;
	v3 =	vadd.f32 v29, v3  }
0x144: {  	v37 =	vor.u32 $0x27, v1;
	v35 =	vld.idx.msk [tilespmem:v27+s20+$0x0], $0xffff  }
0x145: {  	v36 =	vmul.f32 v7, v28;
	v7 =	vadd.f32 v7, v28;
	v3 =	vadd.f32 v31, v3  }
0x146: {  	v40 =	vor.u32 $0x28, v2;
	v8 =	vld.idx.msk [tilespmem:v30+s16+$0x0], $0xffff  }
0x147: {  	v38 =	vmul.f32 v7, v32;
	v39 =	vld.idx.msk [tilespmem:v33+s19+$0x0], $0xffff;
	v3 =	vadd.f32 v36, v3  }
0x148: {  	v42 =	vor.u32 $0x28, v1;
	v10 =	vld.idx.msk [tilespmem:v33+s20+$0x0], $0xffff  }
0x149: {  	v41 =	vmul.f32 v35, v34;
	v4 =	vadd.f32 v35, v34;
	v3 =	vadd.f32 v38, v3  }
0x14a: {  	v43 =	vor.u32 $0x29, v2;
	v9 =	vld.idx.msk [tilespmem:v37+s16+$0x0], $0xffff  }
0x14b: {  	v44 =	vld.idx.msk [tilespmem:v40+s19+$0x0], $0xffff;
	v4 =	vmul.f32 v4, v8;
	v3 =	vadd.f32 v41, v3  }
0x14c: {  	v46 =	vor.u32 $0x29, v1;
	v7 =	vld.idx.msk [tilespmem:v40+s20+$0x0], $0xffff  }
0x14d: {  	v45 =	vmul.f32 v10, v39;
	v6 =	vadd.f32 v10, v39;
	v3 =	vadd.f32 v4, v3  }
0x14e: {  	v48 =	vld.idx.msk [tilespmem:v42+s16+$0x0], $0xffff;
	v49 =	vor.u32 $0x2A, v2  }
0x14f: {  	v50 =	vld.idx.msk [tilespmem:v43+s19+$0x0], $0xffff;
	v47 =	vmul.f32 v6, v9;
	v3 =	vadd.f32 v45, v3  }
0x150: {  	v53 =	vor.u32 $0x2A, v1;
	v51 =	vld.idx.msk [tilespmem:v43+s20+$0x0], $0xffff  }
0x151: {  	v52 =	vmul.f32 v7, v44;
	v7 =	vadd.f32 v7, v44;
	v3 =	vadd.f32 v47, v3  }
0x152: {  	v56 =	vor.u32 $0x2B, v2;
	v10 =	vld.idx.msk [tilespmem:v46+s16+$0x0], $0xffff  }
0x153: {  	v54 =	vmul.f32 v7, v48;
	v55 =	vld.idx.msk [tilespmem:v49+s19+$0x0], $0xffff;
	v3 =	vadd.f32 v52, v3  }
0x154: {  	v58 =	vor.u32 $0x2B, v1;
	v9 =	vld.idx.msk [tilespmem:v49+s20+$0x0], $0xffff  }
0x155: {  	v57 =	vmul.f32 v51, v50;
	v4 =	vadd.f32 v51, v50;
	v3 =	vadd.f32 v54, v3  }
0x156: {  	v59 =	vor.u32 $0x2C, v2;
	v8 =	vld.idx.msk [tilespmem:v53+s16+$0x0], $0xffff  }
0x157: {  	v60 =	vld.idx.msk [tilespmem:v56+s19+$0x0], $0xffff;
	v4 =	vmul.f32 v4, v10;
	v3 =	vadd.f32 v57, v3  }
0x158: {  	v62 =	vor.u32 $0x2C, v1;
	v7 =	vld.idx.msk [tilespmem:v56+s20+$0x0], $0xffff  }
0x159: {  	v61 =	vmul.f32 v9, v55;
	v6 =	vadd.f32 v9, v55;
	v3 =	vadd.f32 v4, v3  }
0x15a: {  	v12 =	vld.idx.msk [tilespmem:v58+s16+$0x0], $0xffff;
	v13 =	vor.u32 $0x2D, v2  }
0x15b: {  	v14 =	vld.idx.msk [tilespmem:v59+s19+$0x0], $0xffff;
	v63 =	vmul.f32 v6, v8;
	v3 =	vadd.f32 v61, v3  }
0x15c: {  	v17 =	vor.u32 $0x2D, v1;
	v15 =	vld.idx.msk [tilespmem:v59+s20+$0x0], $0xffff  }
0x15d: {  	v16 =	vmul.f32 v7, v60;
	v7 =	vadd.f32 v7, v60;
	v3 =	vadd.f32 v63, v3  }
0x15e: {  	v20 =	vor.u32 $0x2E, v2;
	v9 =	vld.idx.msk [tilespmem:v62+s16+$0x0], $0xffff  }
0x15f: {  	v18 =	vmul.f32 v7, v12;
	v19 =	vld.idx.msk [tilespmem:v13+s19+$0x0], $0xffff;
	v3 =	vadd.f32 v16, v3  }
0x160: {  	v22 =	vor.u32 $0x2E, v1;
	v8 =	vld.idx.msk [tilespmem:v13+s20+$0x0], $0xffff  }
0x161: {  	v21 =	vmul.f32 v15, v14;
	v4 =	vadd.f32 v15, v14;
	v3 =	vadd.f32 v18, v3  }
0x162: {  	v23 =	vor.u32 $0x2F, v2;
	v10 =	vld.idx.msk [tilespmem:v17+s16+$0x0], $0xffff  }
0x163: {  	v24 =	vld.idx.msk [tilespmem:v20+s19+$0x0], $0xffff;
	v4 =	vmul.f32 v4, v9;
	v3 =	vadd.f32 v21, v3  }
0x164: {  	v26 =	vor.u32 $0x2F, v1;
	v7 =	vld.idx.msk [tilespmem:v20+s20+$0x0], $0xffff  }
0x165: {  	v25 =	vmul.f32 v8, v19;
	v6 =	vadd.f32 v8, v19;
	v3 =	vadd.f32 v4, v3  }
0x166: {  	v28 =	vld.idx.msk [tilespmem:v22+s16+$0x0], $0xffff;
	v29 =	vor.u32 $0x30, v2  }
0x167: {  	v30 =	vld.idx.msk [tilespmem:v23+s19+$0x0], $0xffff;
	v27 =	vmul.f32 v6, v10;
	v3 =	vadd.f32 v25, v3  }
0x168: {  	v33 =	vor.u32 $0x30, v1;
	v31 =	vld.idx.msk [tilespmem:v23+s20+$0x0], $0xffff  }
0x169: {  	v32 =	vmul.f32 v7, v24;
	v7 =	vadd.f32 v7, v24;
	v3 =	vadd.f32 v27, v3  }
0x16a: {  	v36 =	vor.u32 $0x31, v2;
	v8 =	vld.idx.msk [tilespmem:v26+s16+$0x0], $0xffff  }
0x16b: {  	v34 =	vmul.f32 v7, v28;
	v35 =	vld.idx.msk [tilespmem:v29+s19+$0x0], $0xffff;
	v3 =	vadd.f32 v32, v3  }
0x16c: {  	v38 =	vor.u32 $0x31, v1;
	v10 =	vld.idx.msk [tilespmem:v29+s20+$0x0], $0xffff  }
0x16d: {  	v37 =	vmul.f32 v31, v30;
	v4 =	vadd.f32 v31, v30;
	v3 =	vadd.f32 v34, v3  }
0x16e: {  	v39 =	vor.u32 $0x32, v2;
	v9 =	vld.idx.msk [tilespmem:v33+s16+$0x0], $0xffff  }
0x16f: {  	v40 =	vld.idx.msk [tilespmem:v36+s19+$0x0], $0xffff;
	v4 =	vmul.f32 v4, v8;
	v3 =	vadd.f32 v37, v3  }
0x170: {  	v42 =	vor.u32 $0x32, v1;
	v7 =	vld.idx.msk [tilespmem:v36+s20+$0x0], $0xffff  }
0x171: {  	v41 =	vmul.f32 v10, v35;
	v6 =	vadd.f32 v10, v35;
	v3 =	vadd.f32 v4, v3  }
0x172: {  	v44 =	vld.idx.msk [tilespmem:v38+s16+$0x0], $0xffff;
	v45 =	vor.u32 $0x33, v2  }
0x173: {  	v46 =	vld.idx.msk [tilespmem:v39+s19+$0x0], $0xffff;
	v43 =	vmul.f32 v6, v9;
	v3 =	vadd.f32 v41, v3  }
0x174: {  	v49 =	vor.u32 $0x33, v1;
	v47 =	vld.idx.msk [tilespmem:v39+s20+$0x0], $0xffff  }
0x175: {  	v48 =	vmul.f32 v7, v40;
	v7 =	vadd.f32 v7, v40;
	v3 =	vadd.f32 v43, v3  }
0x176: {  	v52 =	vor.u32 $0x34, v2;
	v10 =	vld.idx.msk [tilespmem:v42+s16+$0x0], $0xffff  }
0x177: {  	v50 =	vmul.f32 v7, v44;
	v51 =	vld.idx.msk [tilespmem:v45+s19+$0x0], $0xffff;
	v3 =	vadd.f32 v48, v3  }
0x178: {  	v54 =	vor.u32 $0x34, v1;
	v9 =	vld.idx.msk [tilespmem:v45+s20+$0x0], $0xffff  }
0x179: {  	v53 =	vmul.f32 v47, v46;
	v4 =	vadd.f32 v47, v46;
	v3 =	vadd.f32 v50, v3  }
0x17a: {  	v55 =	vor.u32 $0x35, v2;
	v8 =	vld.idx.msk [tilespmem:v49+s16+$0x0], $0xffff  }
0x17b: {  	v56 =	vld.idx.msk [tilespmem:v52+s19+$0x0], $0xffff;
	v4 =	vmul.f32 v4, v10;
	v3 =	vadd.f32 v53, v3  }
0x17c: {  	v58 =	vor.u32 $0x35, v1;
	v7 =	vld.idx.msk [tilespmem:v52+s20+$0x0], $0xffff  }
0x17d: {  	v57 =	vmul.f32 v9, v51;
	v6 =	vadd.f32 v9, v51;
	v3 =	vadd.f32 v4, v3  }
0x17e: {  	v60 =	vld.idx.msk [tilespmem:v54+s16+$0x0], $0xffff;
	v61 =	vor.u32 $0x36, v2  }
0x17f: {  	v62 =	vld.idx.msk [tilespmem:v55+s19+$0x0], $0xffff;
	v59 =	vmul.f32 v6, v8;
	v3 =	vadd.f32 v57, v3  }
0x180: {  	v13 =	vor.u32 $0x36, v1;
	v63 =	vld.idx.msk [tilespmem:v55+s20+$0x0], $0xffff  }
0x181: {  	v12 =	vmul.f32 v7, v56;
	v7 =	vadd.f32 v7, v56;
	v3 =	vadd.f32 v59, v3  }
0x182: {  	v16 =	vor.u32 $0x37, v2;
	v9 =	vld.idx.msk [tilespmem:v58+s16+$0x0], $0xffff  }
0x183: {  	v14 =	vmul.f32 v7, v60;
	v15 =	vld.idx.msk [tilespmem:v61+s19+$0x0], $0xffff;
	v3 =	vadd.f32 v12, v3  }
0x184: {  	v18 =	vor.u32 $0x37, v1;
	v8 =	vld.idx.msk [tilespmem:v61+s20+$0x0], $0xffff  }
0x185: {  	v17 =	vmul.f32 v63, v62;
	v4 =	vadd.f32 v63, v62;
	v3 =	vadd.f32 v14, v3  }
0x186: {  	v19 =	vor.u32 $0x38, v2;
	v10 =	vld.idx.msk [tilespmem:v13+s16+$0x0], $0xffff  }
0x187: {  	v20 =	vld.idx.msk [tilespmem:v16+s19+$0x0], $0xffff;
	v4 =	vmul.f32 v4, v9;
	v3 =	vadd.f32 v17, v3  }
0x188: {  	v22 =	vor.u32 $0x38, v1;
	v7 =	vld.idx.msk [tilespmem:v16+s20+$0x0], $0xffff  }
0x189: {  	v21 =	vmul.f32 v8, v15;
	v6 =	vadd.f32 v8, v15;
	v3 =	vadd.f32 v4, v3  }
0x18a: {  	v24 =	vld.idx.msk [tilespmem:v18+s16+$0x0], $0xffff;
	v25 =	vor.u32 $0x39, v2  }
0x18b: {  	v26 =	vld.idx.msk [tilespmem:v19+s19+$0x0], $0xffff;
	v23 =	vmul.f32 v6, v10;
	v3 =	vadd.f32 v21, v3  }
0x18c: {  	v29 =	vor.u32 $0x39, v1;
	v27 =	vld.idx.msk [tilespmem:v19+s20+$0x0], $0xffff  }
0x18d: {  	v28 =	vmul.f32 v7, v20;
	v7 =	vadd.f32 v7, v20;
	v3 =	vadd.f32 v23, v3  }
0x18e: {  	v32 =	vor.u32 $0x3A, v2;
	v8 =	vld.idx.msk [tilespmem:v22+s16+$0x0], $0xffff  }
0x18f: {  	v30 =	vmul.f32 v7, v24;
	v31 =	vld.idx.msk [tilespmem:v25+s19+$0x0], $0xffff;
	v3 =	vadd.f32 v28, v3  }
0x190: {  	v34 =	vor.u32 $0x3A, v1;
	v10 =	vld.idx.msk [tilespmem:v25+s20+$0x0], $0xffff  }
0x191: {  	v33 =	vmul.f32 v27, v26;
	v4 =	vadd.f32 v27, v26;
	v3 =	vadd.f32 v30, v3  }
0x192: {  	v35 =	vor.u32 $0x3B, v2;
	v9 =	vld.idx.msk [tilespmem:v29+s16+$0x0], $0xffff  }
0x193: {  	v36 =	vld.idx.msk [tilespmem:v32+s19+$0x0], $0xffff;
	v4 =	vmul.f32 v4, v8;
	v3 =	vadd.f32 v33, v3  }
0x194: {  	v38 =	vor.u32 $0x3B, v1;
	v7 =	vld.idx.msk [tilespmem:v32+s20+$0x0], $0xffff  }
0x195: {  	v37 =	vmul.f32 v10, v31;
	v6 =	vadd.f32 v10, v31;
	v3 =	vadd.f32 v4, v3  }
0x196: {  	v40 =	vld.idx.msk [tilespmem:v34+s16+$0x0], $0xffff;
	v41 =	vor.u32 $0x3C, v2  }
0x197: {  	v42 =	vld.idx.msk [tilespmem:v35+s19+$0x0], $0xffff;
	v39 =	vmul.f32 v6, v9;
	v3 =	vadd.f32 v37, v3  }
0x198: {  	v45 =	vor.u32 $0x3C, v1;
	v43 =	vld.idx.msk [tilespmem:v35+s20+$0x0], $0xffff  }
0x199: {  	v44 =	vmul.f32 v7, v36;
	v7 =	vadd.f32 v7, v36;
	v3 =	vadd.f32 v39, v3  }
0x19a: {  	v48 =	vor.u32 $0x3D, v2;
	v10 =	vld.idx.msk [tilespmem:v38+s16+$0x0], $0xffff  }
0x19b: {  	v46 =	vmul.f32 v7, v40;
	v47 =	vld.idx.msk [tilespmem:v41+s19+$0x0], $0xffff;
	v3 =	vadd.f32 v44, v3  }
0x19c: {  	v50 =	vor.u32 $0x3D, v1;
	v9 =	vld.idx.msk [tilespmem:v41+s20+$0x0], $0xffff  }
0x19d: {  	v49 =	vmul.f32 v43, v42;
	v4 =	vadd.f32 v43, v42;
	v3 =	vadd.f32 v46, v3  }
0x19e: {  	v51 =	vor.u32 $0x3E, v2;
	v8 =	vld.idx.msk [tilespmem:v45+s16+$0x0], $0xffff  }
0x19f: {  	v52 =	vld.idx.msk [tilespmem:v48+s19+$0x0], $0xffff;
	v4 =	vmul.f32 v4, v10;
	v3 =	vadd.f32 v49, v3  }
0x1a0: {  	v54 =	vor.u32 $0x3E, v1;
	v7 =	vld.idx.msk [tilespmem:v48+s20+$0x0], $0xffff  }
0x1a1: {  	v53 =	vmul.f32 v9, v47;
	v6 =	vadd.f32 v9, v47;
	v3 =	vadd.f32 v4, v3  }
0x1a2: {  	v2 =	vor.u32 $0x3F, v2;
	v56 =	vld.idx.msk [tilespmem:v50+s16+$0x0], $0xffff  }
0x1a3: {  	v58 =	vld.idx.msk [tilespmem:v51+s20+$0x0], $0xffff;
	v55 =	vmul.f32 v6, v8;
	v3 =	vadd.f32 v53, v3  }
0x1a4: {  	v1 =	vor.u32 $0x3F, v1;
	v57 =	vld.idx.msk [tilespmem:v51+s19+$0x0], $0xffff  }
0x1a5: {  	v59 =	vmul.f32 v7, v52;
	v7 =	vadd.f32 v7, v52;
	v3 =	vadd.f32 v55, v3  }
0x1a6: {  	v9 =	vld.idx.msk [tilespmem:v54+s16+$0x0], $0xffff  }
0x1a7: {  	v61 =	vld.idx.msk [tilespmem:v2+s19+$0x0], $0xffff;
	v60 =	vmul.f32 v7, v56;
	v3 =	vadd.f32 v59, v3  }
0x1a8: {  	v2 =	vld.idx.msk [tilespmem:v2+s20+$0x0], $0xffff  }
0x1a9: {  	v62 =	vmul.f32 v58, v57;
	v4 =	vadd.f32 v58, v57;
	v3 =	vadd.f32 v60, v3  }
0x1aa: {  	v1 =	vld.idx.msk [tilespmem:v1+s16+$0x0], $0xffff  }
0x1ab: {  	v4 =	vmul.f32 v4, v9;
	v3 =	vadd.f32 v62, v3;
	_ =	sdelay $0x1  }
0x1ac: {  	s25 =	sadd.s32 $0x80, s25;
	v63 =	vmul.f32 v2, v61;
	v2 =	vadd.f32 v2, v61;
	v3 =	vadd.f32 v4, v3  }
0x1ad: {  	p0 =	sne.s32 s25, $0x800  }
.Ltmp3:
0x1ae: {  	v1 =	vmul.f32 v2, v1;
	v3 =	vadd.f32 v63, v3;
	(pc) =	sbr.rel @!p0 .LBB2_5-.Ltmp3, $3  }
0x1af: {  	_ = 	snop  }
0x1b0: {  	v1 =	vadd.f32 v1, v3;
	_ =	sdelay $0x1  }
0x1b1: {  	s23 =	sadd.s32 $0x1000, s23;
	s24 =	sadd.s32 $0x20, s24;
	[tilespmem:s26+$0x4810] =	vst v1  }
.LBB2_2:
0x1b2: {  	s26 =	sshra.s32 s25, $0x2  }
0x1b3: {  	v1 =	vld [tilespmem:s26+$0x10];
	_ =	sdelay $0x3  }
0x1b4: {  	v3 =	vld [tilespmem:s26+$0x210]  }
0x1b5: {  	v2 =	vshll.u32 v1, $0x4  }
0x1b6: {  	(v2sf) =	vpush v2, $0x0;
	_ =	sdelay $0x2  }
0x1b7: {  	v1 =	vshll.u32 v3, $0x4  }
0x1b8: {  	(v2sf) =	vpush v1, $0x0;
	_ =	sdelay $0x3  }
0x1b9: {  	(v2sf) =	vpush v2, $0x1;
	_ =	sdelay $0x1  }
0x1ba: {  	(v2sf) =	vpush v1, $0x1;
	_ =	sdelay $0x4  }
0x1bb: {  	s28 =	sand.u32 $0x30, s24;
	s30 =	spop (v2sf);
	(v2sf) =	vpush v2, $0x2  }
0x1bc: {  	s29 =	sshll.u32 s28, $0x7;
	s30 =	sand.u32 $0x1FFFFFF0, s30  }
0x1bd: {  	s31 =	sor.u32 $0x600, s29;
	s30 =	sadd.s32 s4, s30  }
0x1be: {  	[tilespmem:s31], [sflag:$0x2] =	stream.linear.gather [hbm4b:s30+s3], $0x80, $0x38;
	[tilespmem:$0x4A00] =	vst v63  }
0x1bf: {  	s31 =	spop (v2sf);
	(v2sf) =	vpush v1, $0x2;
	_ =	sdelay $0x2  }
0x1c0: {  	s30 =	sand.u32 $0x1FFFFFF0, s31;
	(v2sf) =	vpush v2, $0x3  }
0x1c1: {  	s0 =	sor.u32 $0x2600, s29;
	s31 =	spop (v2sf);
	s30 =	sadd.s32 s5, s30  }
0x1c2: {  	[tilespmem:s0], [sflag:$0x2] =	stream.linear.gather [hbm4b:s30+s3], $0x80, $0x38;
	[tilespmem:$0x4A00] =	vst v63  }
0x1c3: {  	s30 =	sand.u32 $0x1FFFFFF0, s31;
	s31 =	spop (v2sf);
	(v2sf) =	vpush v1, $0x3;
	_ =	sdelay $0x2  }
0x1c4: {  	s0 =	sor.u32 $0x680, s29;
	s30 =	sadd.s32 s4, s30  }
0x1c5: {  	[tilespmem:s0], [sflag:$0x2] =	stream.linear.gather [hbm4b:s30+s3], $0x80, $0x38;
	[tilespmem:$0x4A00] =	vst v63  }
0x1c6: {  	s30 =	sand.u32 $0x1FFFFFF0, s31;
	s31 =	spop (v2sf);
	(v2sf) =	vpush v2, $0x4;
	_ =	sdelay $0x1  }
0x1c7: {  	s0 =	sor.u32 $0x2680, s29;
	s30 =	sadd.s32 s5, s30  }
0x1c8: {  	[tilespmem:s0], [sflag:$0x2] =	stream.linear.gather [hbm4b:s30+s3], $0x80, $0x38;
	[tilespmem:$0x4A00] =	vst v63  }
0x1c9: {  	s30 =	sand.u32 $0x1FFFFFF0, s31;
	s31 =	spop (v2sf);
	(v2sf) =	vpush v1, $0x4  }
0x1ca: {  	s0 =	sor.u32 $0x700, s29;
	s30 =	sadd.s32 s4, s30  }
0x1cb: {  	[tilespmem:s0], [sflag:$0x2] =	stream.linear.gather [hbm4b:s30+s3], $0x80, $0x38;
	[tilespmem:$0x4A00] =	vst v63  }
0x1cc: {  	s30 =	sand.u32 $0x1FFFFFF0, s31;
	s31 =	spop (v2sf);
	(v2sf) =	vpush v2, $0x5  }
0x1cd: {  	s0 =	sor.u32 $0x2700, s29;
	s30 =	sadd.s32 s5, s30  }
0x1ce: {  	[tilespmem:s0], [sflag:$0x2] =	stream.linear.gather [hbm4b:s30+s3], $0x80, $0x38;
	[tilespmem:$0x4A00] =	vst v63  }
0x1cf: {  	s30 =	sand.u32 $0x1FFFFFF0, s31;
	s31 =	spop (v2sf);
	(v2sf) =	vpush v1, $0x5;
	_ =	sdelay $0x2  }
0x1d0: {  	s0 =	sor.u32 $0x780, s29;
	s30 =	sadd.s32 s4, s30  }
0x1d1: {  	[tilespmem:s0], [sflag:$0x2] =	stream.linear.gather [hbm4b:s30+s3], $0x80, $0x38;
	[tilespmem:$0x4A00] =	vst v63  }
0x1d2: {  	s30 =	sand.u32 $0x1FFFFFF0, s31;
	s31 =	spop (v2sf);
	(v2sf) =	vpush v2, $0x6;
	_ =	sdelay $0x1  }
0x1d3: {  	s0 =	sor.u32 $0x2780, s29;
	s30 =	sadd.s32 s5, s30  }
0x1d4: {  	[tilespmem:s0], [sflag:$0x2] =	stream.linear.gather [hbm4b:s30+s3], $0x80, $0x38;
	[tilespmem:$0x4A00] =	vst v63  }
0x1d5: {  	s30 =	sand.u32 $0x1FFFFFF0, s31;
	s31 =	spop (v2sf);
	(v2sf) =	vpush v1, $0x6  }
0x1d6: {  	s0 =	sadd.s32 $0x800, s29;
	s30 =	sadd.s32 s4, s30  }
0x1d7: {  	[tilespmem:s0], [sflag:$0x2] =	stream.linear.gather [hbm4b:s30+s3], $0x80, $0x38;
	[tilespmem:$0x4A00] =	vst v63  }
0x1d8: {  	s30 =	sand.u32 $0x1FFFFFF0, s31;
	s31 =	spop (v2sf);
	(v2sf) =	vpush v2, $0x7  }
0x1d9: {  	s0 =	sadd.s32 $0x2800, s29;
	s30 =	sadd.s32 s5, s30  }
0x1da: {  	[tilespmem:s0], [sflag:$0x2] =	stream.linear.gather [hbm4b:s30+s3], $0x80, $0x38;
	[tilespmem:$0x4A00] =	vst v63  }
0x1db: {  	s30 =	sand.u32 $0x1FFFFFF0, s31;
	s31 =	spop (v2sf);
	(v2sf) =	vpush v1, $0x7;
	_ =	sdelay $0x2  }
0x1dc: {  	s0 =	sadd.s32 $0x880, s29;
	s30 =	sadd.s32 s4, s30  }
0x1dd: {  	[tilespmem:s0], [sflag:$0x2] =	stream.linear.gather [hbm4b:s30+s3], $0x80, $0x38;
	[tilespmem:$0x4A00] =	vst v63  }
0x1de: {  	s30 =	sand.u32 $0x1FFFFFF0, s31;
	s31 =	spop (v2sf);
	(v2sf) =	vpush v2, $0x8;
	_ =	sdelay $0x1  }
0x1df: {  	s0 =	sadd.s32 $0x2880, s29;
	s30 =	sadd.s32 s5, s30  }
0x1e0: {  	[tilespmem:s0], [sflag:$0x2] =	stream.linear.gather [hbm4b:s30+s3], $0x80, $0x38;
	[tilespmem:$0x4A00] =	vst v63  }
0x1e1: {  	s30 =	sand.u32 $0x1FFFFFF0, s31;
	s31 =	spop (v2sf);
	(v2sf) =	vpush v1, $0x8  }
0x1e2: {  	s0 =	sadd.s32 $0x900, s29;
	s30 =	sadd.s32 s4, s30  }
0x1e3: {  	[tilespmem:s0], [sflag:$0x2] =	stream.linear.gather [hbm4b:s30+s3], $0x80, $0x38;
	[tilespmem:$0x4A00] =	vst v63  }
0x1e4: {  	s30 =	sand.u32 $0x1FFFFFF0, s31;
	s31 =	spop (v2sf);
	(v2sf) =	vpush v2, $0x9  }
0x1e5: {  	s0 =	sadd.s32 $0x2900, s29;
	s30 =	sadd.s32 s5, s30  }
0x1e6: {  	[tilespmem:s0], [sflag:$0x2] =	stream.linear.gather [hbm4b:s30+s3], $0x80, $0x38;
	[tilespmem:$0x4A00] =	vst v63  }
0x1e7: {  	s30 =	sand.u32 $0x1FFFFFF0, s31;
	s31 =	spop (v2sf);
	(v2sf) =	vpush v1, $0x9;
	_ =	sdelay $0x2  }
0x1e8: {  	s0 =	sadd.s32 $0x980, s29;
	s30 =	sadd.s32 s4, s30  }
0x1e9: {  	[tilespmem:s0], [sflag:$0x2] =	stream.linear.gather [hbm4b:s30+s3], $0x80, $0x38;
	[tilespmem:$0x4A00] =	vst v63  }
0x1ea: {  	s30 =	sand.u32 $0x1FFFFFF0, s31;
	s31 =	spop (v2sf);
	(v2sf) =	vpush v2, $0xA;
	_ =	sdelay $0x1  }
0x1eb: {  	s0 =	sadd.s32 $0x2980, s29;
	s30 =	sadd.s32 s5, s30  }
0x1ec: {  	[tilespmem:s0], [sflag:$0x2] =	stream.linear.gather [hbm4b:s30+s3], $0x80, $0x38;
	[tilespmem:$0x4A00] =	vst v63  }
0x1ed: {  	s30 =	sand.u32 $0x1FFFFFF0, s31;
	s31 =	spop (v2sf);
	(v2sf) =	vpush v1, $0xA  }
0x1ee: {  	s0 =	sadd.s32 $0xA00, s29;
	s30 =	sadd.s32 s4, s30  }
0x1ef: {  	[tilespmem:s0], [sflag:$0x2] =	stream.linear.gather [hbm4b:s30+s3], $0x80, $0x38;
	[tilespmem:$0x4A00] =	vst v63  }
0x1f0: {  	s30 =	sand.u32 $0x1FFFFFF0, s31;
	s31 =	spop (v2sf);
	(v2sf) =	vpush v2, $0xB  }
0x1f1: {  	s0 =	sadd.s32 $0x2A00, s29;
	s30 =	sadd.s32 s5, s30  }
0x1f2: {  	[tilespmem:s0], [sflag:$0x2] =	stream.linear.gather [hbm4b:s30+s3], $0x80, $0x38;
	[tilespmem:$0x4A00] =	vst v63  }
0x1f3: {  	s30 =	sand.u32 $0x1FFFFFF0, s31;
	s31 =	spop (v2sf);
	(v2sf) =	vpush v1, $0xB;
	_ =	sdelay $0x2  }
0x1f4: {  	s0 =	sadd.s32 $0xA80, s29;
	s30 =	sadd.s32 s4, s30  }
0x1f5: {  	[tilespmem:s0], [sflag:$0x2] =	stream.linear.gather [hbm4b:s30+s3], $0x80, $0x38;
	[tilespmem:$0x4A00] =	vst v63  }
0x1f6: {  	s30 =	sand.u32 $0x1FFFFFF0, s31;
	s31 =	spop (v2sf);
	(v2sf) =	vpush v2, $0xC  }
0x1f7: {  	s0 =	sadd.s32 $0x2A80, s29;
	s30 =	sadd.s32 s5, s30  }
0x1f8: {  	[tilespmem:s0], [sflag:$0x2] =	stream.linear.gather [hbm4b:s30+s3], $0x80, $0x38;
	[tilespmem:$0x4A00] =	vst v63  }
0x1f9: {  	s30 =	sand.u32 $0x1FFFFFF0, s31  }
0x1fa: {  	s0 =	sadd.s32 $0xB00, s29;
	s30 =	sadd.s32 s4, s30;
	s31 =	spop (v2sf);
	(v2sf) =	vpush v1, $0xC  }
0x1fb: {  	[tilespmem:s0], [sflag:$0x2] =	stream.linear.gather [hbm4b:s30+s3], $0x80, $0x38;
	[tilespmem:$0x4A00] =	vst v63  }
0x1fc: {  	s30 =	sand.u32 $0x1FFFFFF0, s31  }
0x1fd: {  	s0 =	sadd.s32 $0x2B00, s29;
	s31 =	spop (v2sf);
	s30 =	sadd.s32 s5, s30  }
0x1fe: {  	(v2sf) =	vpush v2, $0xD;
	[tilespmem:s0], [sflag:$0x2] =	stream.linear.gather [hbm4b:s30+s3], $0x80, $0x38;
	[tilespmem:$0x4A00] =	vst v63  }
0x1ff: {  	s30 =	sand.u32 $0x1FFFFFF0, s31  }
0x200: {  	(v2sf) =	vpush v1, $0xD;
	s0 =	sadd.s32 $0xB80, s29;
	s31 =	spop (v2sf);
	s30 =	sadd.s32 s4, s30  }
0x201: {  	[tilespmem:s0], [sflag:$0x2] =	stream.linear.gather [hbm4b:s30+s3], $0x80, $0x38;
	[tilespmem:$0x4A00] =	vst v63  }
0x202: {  	s30 =	sand.u32 $0x1FFFFFF0, s31  }
0x203: {  	(v2sf) =	vpush v2, $0xE;
	s0 =	sadd.s32 $0x2B80, s29;
	s30 =	sadd.s32 s5, s30  }
0x204: {  	[tilespmem:s0], [sflag:$0x2] =	stream.linear.gather [hbm4b:s30+s3], $0x80, $0x38;
	[tilespmem:$0x4A00] =	vst v63  }
0x205: {  	s31 =	spop (v2sf)  }
0x206: {  	s30 =	sand.u32 $0x1FFFFFF0, s31  }
0x207: {  	s0 =	sadd.s32 $0xC00, s29;
	s30 =	sadd.s32 s4, s30  }
0x208: {  	(v2sf) =	vpush v1, $0xE;
	[tilespmem:s0], [sflag:$0x2] =	stream.linear.gather [hbm4b:s30+s3], $0x80, $0x38;
	[tilespmem:$0x4A00] =	vst v63  }
0x209: {  	s31 =	spop (v2sf)  }
0x20a: {  	(v2sf) =	vpush v2, $0xF;
	s30 =	sand.u32 $0x1FFFFFF0, s31  }
0x20b: {  	s0 =	sadd.s32 $0x2C00, s29;
	s30 =	sadd.s32 s5, s30  }
0x20c: {  	[tilespmem:s0], [sflag:$0x2] =	stream.linear.gather [hbm4b:s30+s3], $0x80, $0x38;
	[tilespmem:$0x4A00] =	vst v63  }
0x20d: {  	s0 =	spop (v2sf)  }
0x20e: {  	s30 =	sand.u32 $0x1FFFFFF0, s0  }
0x20f: {  	(v2sf) =	vpush v1, $0xF;
	s31 =	spop (v2sf);
	s0 =	sadd.s32 $0xC80, s29;
	s30 =	sadd.s32 s4, s30  }
0x210: {  	[tilespmem:s0], [sflag:$0x2] =	stream.linear.gather [hbm4b:s30+s3], $0x80, $0x38;
	[tilespmem:$0x4A00] =	vst v63  }
0x211: {  	s0 =	sand.u32 $0x1FFFFFF0, s31  }
0x212: {  	s30 =	spop (v2sf);
	s31 =	sadd.s32 $0x2C80, s29;
	s0 =	sadd.s32 s5, s0  }
0x213: {  	[tilespmem:s31], [sflag:$0x2] =	stream.linear.gather [hbm4b:s0+s3], $0x80, $0x38;
	[tilespmem:$0x4A00] =	vst v63  }
0x214: {  	s0 =	sand.u32 $0x1FFFFFF0, s30  }
0x215: {  	s31 =	sadd.s32 $0xD00, s29;
	s0 =	sadd.s32 s4, s0  }
0x216: {  	[tilespmem:s31], [sflag:$0x2] =	stream.linear.gather [hbm4b:s0+s3], $0x80, $0x38;
	[tilespmem:$0x4A00] =	vst v63  }
0x217: {  	s30 =	spop (v2sf)  }
0x218: {  	s0 =	sand.u32 $0x1FFFFFF0, s30  }
0x219: {  	s31 =	sadd.s32 $0x2D00, s29;
	s0 =	sadd.s32 s5, s0;
	s30 =	spop (v2sf)  }
0x21a: {  	[tilespmem:s31], [sflag:$0x2] =	stream.linear.gather [hbm4b:s0+s3], $0x80, $0x38;
	[tilespmem:$0x4A00] =	vst v63  }
0x21b: {  	s0 =	sand.u32 $0x1FFFFFF0, s30  }
0x21c: {  	s31 =	sadd.s32 $0xD80, s29;
	s0 =	sadd.s32 s4, s0  }
0x21d: {  	[tilespmem:s31], [sflag:$0x2] =	stream.linear.gather [hbm4b:s0+s3], $0x80, $0x38;
	[tilespmem:$0x4A00] =	vst v63  }
0x21e: {  	s30 =	spop (v2sf)  }
0x21f: {  	s0 =	sand.u32 $0x1FFFFFF0, s30  }
0x220: {  	s29 =	sadd.s32 $0x2D80, s29;
	s0 =	sadd.s32 s5, s0  }
0x221: {  	[tilespmem:s29], [sflag:$0x2] =	stream.linear.gather [hbm4b:s0+s3], $0x80, $0x38;
	[tilespmem:$0x4A00] =	vst v63  }
0x222: {  	_ =	swait.ge [sflag:s17], $0x800  }
0x223: {  	[sflag:s17] =	ssyncset.done $0x0  }
0x224: {  	[sflag:s17] =	ssyncadd.s32 $0xFFFFF800  }
0x225: {  	_ =	swait.ge [sflag:s17], $0x800  }
0x226: {  	s31 =	sadd.s32 $0xFFFFFFF0, s24;
	[sflag:s17] =	ssyncset.done $0x0  }
0x227: {  	s0 =	sand.u32 $0x20, s31;
	[sflag:s17] =	ssyncadd.s32 $0xFFFFF800  }
0x228: {  	v1 =	vmov s0;
	v3 =	vld [tilespmem:s26+$0x400]  }
0x229: {  	v1 =	vshll.u32 v1, $0x7  }
0x22a: {  	v2 =	vor.u32 v0, v1;
	_ =	sdelay $0x2  }
0x22b: {  	v1 =	vshll.u32 v3, $0x7  }
0x22c: {  	v4 =	vor.u32 $0x1, v2  }
0x22d: {  	v5 =	vld.idx.msk [tilespmem:v2+s20+$0x0], $0xffff  }
0x22e: {  	v3 =	vld.idx.msk [tilespmem:v2+s19+$0x0], $0xffff  }
0x22f: {  	v7 =	vor.u32 $0x1, v1  }
0x230: {  	v8 =	vor.u32 $0x2, v2;
	v6 =	vld.idx.msk [tilespmem:v1+s16+$0x0], $0xffff  }
0x231: {  	v9 =	vld.idx.msk [tilespmem:v4+s19+$0x0], $0xffff  }
0x232: {  	v4 =	vld.idx.msk [tilespmem:v4+s20+$0x0], $0xffff  }
0x233: {  	v48 =	vor.u32 $0x2, v1;
	v10 =	vmul.f32 v5, v3;
	v3 =	vadd.f32 v5, v3  }
0x234: {  	v50 =	vor.u32 $0x3, v2;
	v49 =	vld.idx.msk [tilespmem:v7+s16+$0x0], $0xffff  }
0x235: {  	v11 =	vld.idx.msk [tilespmem:v8+s19+$0x0], $0xffff;
	v10 =	vadd.f32 $0.0e+00, v10;
	v3 =	vmul.f32 v3, v6  }
0x236: {  	v8 =	vld.idx.msk [tilespmem:v8+s20+$0x0], $0xffff;
	v52 =	vor.u32 $0x3, v1  }
0x237: {  	v51 =	vmul.f32 v4, v9;
	v4 =	vadd.f32 v4, v9;
	v3 =	vadd.f32 v3, v10  }
0x238: {  	v54 =	vor.u32 $0x4, v2;
	v5 =	vld.idx.msk [tilespmem:v48+s16+$0x0], $0xffff  }
0x239: {  	v53 =	vld.idx.msk [tilespmem:v50+s19+$0x0], $0xffff;
	v4 =	vmul.f32 v4, v49;
	v3 =	vadd.f32 v51, v3  }
0x23a: {  	v56 =	vor.u32 $0x4, v1;
	v7 =	vld.idx.msk [tilespmem:v50+s20+$0x0], $0xffff  }
0x23b: {  	v55 =	vmul.f32 v8, v11;
	v8 =	vadd.f32 v8, v11;
	v3 =	vadd.f32 v4, v3  }
0x23c: {  	v58 =	vor.u32 $0x5, v2;
	v9 =	vld.idx.msk [tilespmem:v52+s16+$0x0], $0xffff  }
0x23d: {  	v59 =	vld.idx.msk [tilespmem:v54+s19+$0x0], $0xffff;
	v57 =	vmul.f32 v8, v5;
	v3 =	vadd.f32 v55, v3  }
0x23e: {  	v61 =	vld.idx.msk [tilespmem:v54+s20+$0x0], $0xffff;
	v62 =	vor.u32 $0x5, v1  }
0x23f: {  	v60 =	vmul.f32 v7, v53;
	v6 =	vadd.f32 v7, v53;
	v3 =	vadd.f32 v57, v3  }
0x240: {  	v13 =	vor.u32 $0x6, v2;
	v12 =	vld.idx.msk [tilespmem:v56+s16+$0x0], $0xffff  }
0x241: {  	v14 =	vld.idx.msk [tilespmem:v58+s19+$0x0], $0xffff;
	v63 =	vmul.f32 v6, v9;
	v3 =	vadd.f32 v60, v3  }
0x242: {  	v15 =	vld.idx.msk [tilespmem:v58+s20+$0x0], $0xffff;
	v17 =	vor.u32 $0x6, v1  }
0x243: {  	v16 =	vmul.f32 v61, v59;
	v7 =	vadd.f32 v61, v59;
	v3 =	vadd.f32 v63, v3  }
0x244: {  	v20 =	vor.u32 $0x7, v2;
	v10 =	vld.idx.msk [tilespmem:v62+s16+$0x0], $0xffff  }
0x245: {  	v19 =	vld.idx.msk [tilespmem:v13+s19+$0x0], $0xffff;
	v18 =	vmul.f32 v7, v12;
	v3 =	vadd.f32 v16, v3  }
0x246: {  	v22 =	vor.u32 $0x7, v1;
	v9 =	vld.idx.msk [tilespmem:v13+s20+$0x0], $0xffff  }
0x247: {  	v21 =	vmul.f32 v15, v14;
	v4 =	vadd.f32 v15, v14;
	v3 =	vadd.f32 v18, v3  }
0x248: {  	v23 =	vor.u32 $0x8, v2;
	v8 =	vld.idx.msk [tilespmem:v17+s16+$0x0], $0xffff  }
0x249: {  	v24 =	vld.idx.msk [tilespmem:v20+s19+$0x0], $0xffff;
	v4 =	vmul.f32 v4, v10;
	v3 =	vadd.f32 v21, v3  }
0x24a: {  	v26 =	vor.u32 $0x8, v1;
	v7 =	vld.idx.msk [tilespmem:v20+s20+$0x0], $0xffff  }
0x24b: {  	v25 =	vmul.f32 v9, v19;
	v6 =	vadd.f32 v9, v19;
	v3 =	vadd.f32 v4, v3  }
0x24c: {  	v29 =	vor.u32 $0x9, v2;
	v28 =	vld.idx.msk [tilespmem:v22+s16+$0x0], $0xffff  }
0x24d: {  	v30 =	vld.idx.msk [tilespmem:v23+s19+$0x0], $0xffff;
	v27 =	vmul.f32 v6, v8;
	v3 =	vadd.f32 v25, v3  }
0x24e: {  	v31 =	vld.idx.msk [tilespmem:v23+s20+$0x0], $0xffff;
	v33 =	vor.u32 $0x9, v1  }
0x24f: {  	v32 =	vmul.f32 v7, v24;
	v7 =	vadd.f32 v7, v24;
	v3 =	vadd.f32 v27, v3  }
0x250: {  	v36 =	vor.u32 $0xA, v2;
	v9 =	vld.idx.msk [tilespmem:v26+s16+$0x0], $0xffff  }
0x251: {  	v35 =	vld.idx.msk [tilespmem:v29+s19+$0x0], $0xffff;
	v34 =	vmul.f32 v7, v28;
	v3 =	vadd.f32 v32, v3  }
0x252: {  	v38 =	vor.u32 $0xA, v1;
	v8 =	vld.idx.msk [tilespmem:v29+s20+$0x0], $0xffff  }
0x253: {  	v37 =	vmul.f32 v31, v30;
	v4 =	vadd.f32 v31, v30;
	v3 =	vadd.f32 v34, v3  }
0x254: {  	v39 =	vor.u32 $0xB, v2;
	v10 =	vld.idx.msk [tilespmem:v33+s16+$0x0], $0xffff  }
0x255: {  	v40 =	vld.idx.msk [tilespmem:v36+s19+$0x0], $0xffff;
	v4 =	vmul.f32 v4, v9;
	v3 =	vadd.f32 v37, v3  }
0x256: {  	v42 =	vor.u32 $0xB, v1;
	v7 =	vld.idx.msk [tilespmem:v36+s20+$0x0], $0xffff  }
0x257: {  	v41 =	vmul.f32 v8, v35;
	v6 =	vadd.f32 v8, v35;
	v3 =	vadd.f32 v4, v3  }
0x258: {  	v45 =	vor.u32 $0xC, v2;
	v44 =	vld.idx.msk [tilespmem:v38+s16+$0x0], $0xffff  }
0x259: {  	v46 =	vld.idx.msk [tilespmem:v39+s19+$0x0], $0xffff;
	v43 =	vmul.f32 v6, v10;
	v3 =	vadd.f32 v41, v3  }
0x25a: {  	v47 =	vld.idx.msk [tilespmem:v39+s20+$0x0], $0xffff;
	v49 =	vor.u32 $0xC, v1  }
0x25b: {  	v48 =	vmul.f32 v7, v40;
	v7 =	vadd.f32 v7, v40;
	v3 =	vadd.f32 v43, v3  }
0x25c: {  	v52 =	vor.u32 $0xD, v2;
	v8 =	vld.idx.msk [tilespmem:v42+s16+$0x0], $0xffff  }
0x25d: {  	v51 =	vld.idx.msk [tilespmem:v45+s19+$0x0], $0xffff;
	v50 =	vmul.f32 v7, v44;
	v3 =	vadd.f32 v48, v3  }
0x25e: {  	v54 =	vor.u32 $0xD, v1;
	v10 =	vld.idx.msk [tilespmem:v45+s20+$0x0], $0xffff  }
0x25f: {  	v53 =	vmul.f32 v47, v46;
	v4 =	vadd.f32 v47, v46;
	v3 =	vadd.f32 v50, v3  }
0x260: {  	v55 =	vor.u32 $0xE, v2;
	v9 =	vld.idx.msk [tilespmem:v49+s16+$0x0], $0xffff  }
0x261: {  	v56 =	vld.idx.msk [tilespmem:v52+s19+$0x0], $0xffff;
	v4 =	vmul.f32 v4, v8;
	v3 =	vadd.f32 v53, v3  }
0x262: {  	v58 =	vor.u32 $0xE, v1;
	v7 =	vld.idx.msk [tilespmem:v52+s20+$0x0], $0xffff  }
0x263: {  	v57 =	vmul.f32 v10, v51;
	v6 =	vadd.f32 v10, v51;
	v3 =	vadd.f32 v4, v3  }
0x264: {  	v61 =	vor.u32 $0xF, v2;
	v60 =	vld.idx.msk [tilespmem:v54+s16+$0x0], $0xffff  }
0x265: {  	v62 =	vld.idx.msk [tilespmem:v55+s19+$0x0], $0xffff;
	v59 =	vmul.f32 v6, v9;
	v3 =	vadd.f32 v57, v3  }
0x266: {  	v13 =	vor.u32 $0xF, v1;
	v63 =	vld.idx.msk [tilespmem:v55+s20+$0x0], $0xffff  }
0x267: {  	v12 =	vmul.f32 v7, v56;
	v7 =	vadd.f32 v7, v56;
	v3 =	vadd.f32 v59, v3  }
0x268: {  	v16 =	vor.u32 $0x10, v2;
	v10 =	vld.idx.msk [tilespmem:v58+s16+$0x0], $0xffff  }
0x269: {  	v15 =	vld.idx.msk [tilespmem:v61+s19+$0x0], $0xffff;
	v14 =	vmul.f32 v7, v60;
	v3 =	vadd.f32 v12, v3  }
0x26a: {  	v18 =	vor.u32 $0x10, v1;
	v9 =	vld.idx.msk [tilespmem:v61+s20+$0x0], $0xffff  }
0x26b: {  	v17 =	vmul.f32 v63, v62;
	v4 =	vadd.f32 v63, v62;
	v3 =	vadd.f32 v14, v3  }
0x26c: {  	v19 =	vor.u32 $0x11, v2;
	v8 =	vld.idx.msk [tilespmem:v13+s16+$0x0], $0xffff  }
0x26d: {  	v20 =	vld.idx.msk [tilespmem:v16+s19+$0x0], $0xffff;
	v4 =	vmul.f32 v4, v10;
	v3 =	vadd.f32 v17, v3  }
0x26e: {  	v22 =	vor.u32 $0x11, v1;
	v7 =	vld.idx.msk [tilespmem:v16+s20+$0x0], $0xffff  }
0x26f: {  	v21 =	vmul.f32 v9, v15;
	v6 =	vadd.f32 v9, v15;
	v3 =	vadd.f32 v4, v3  }
0x270: {  	v24 =	vld.idx.msk [tilespmem:v18+s16+$0x0], $0xffff;
	v25 =	vor.u32 $0x12, v2  }
0x271: {  	v26 =	vld.idx.msk [tilespmem:v19+s19+$0x0], $0xffff;
	v23 =	vmul.f32 v6, v8;
	v3 =	vadd.f32 v21, v3  }
0x272: {  	v29 =	vor.u32 $0x12, v1;
	v27 =	vld.idx.msk [tilespmem:v19+s20+$0x0], $0xffff  }
0x273: {  	v28 =	vmul.f32 v7, v20;
	v7 =	vadd.f32 v7, v20;
	v3 =	vadd.f32 v23, v3  }
0x274: {  	v32 =	vor.u32 $0x13, v2;
	v9 =	vld.idx.msk [tilespmem:v22+s16+$0x0], $0xffff  }
0x275: {  	v31 =	vld.idx.msk [tilespmem:v25+s19+$0x0], $0xffff;
	v30 =	vmul.f32 v7, v24;
	v3 =	vadd.f32 v28, v3  }
0x276: {  	v34 =	vor.u32 $0x13, v1;
	v8 =	vld.idx.msk [tilespmem:v25+s20+$0x0], $0xffff  }
0x277: {  	v33 =	vmul.f32 v27, v26;
	v4 =	vadd.f32 v27, v26;
	v3 =	vadd.f32 v30, v3  }
0x278: {  	v35 =	vor.u32 $0x14, v2;
	v10 =	vld.idx.msk [tilespmem:v29+s16+$0x0], $0xffff  }
0x279: {  	v36 =	vld.idx.msk [tilespmem:v32+s19+$0x0], $0xffff;
	v4 =	vmul.f32 v4, v9;
	v3 =	vadd.f32 v33, v3  }
0x27a: {  	v38 =	vor.u32 $0x14, v1;
	v7 =	vld.idx.msk [tilespmem:v32+s20+$0x0], $0xffff  }
0x27b: {  	v37 =	vmul.f32 v8, v31;
	v6 =	vadd.f32 v8, v31;
	v3 =	vadd.f32 v4, v3  }
0x27c: {  	v40 =	vld.idx.msk [tilespmem:v34+s16+$0x0], $0xffff;
	v41 =	vor.u32 $0x15, v2  }
0x27d: {  	v42 =	vld.idx.msk [tilespmem:v35+s19+$0x0], $0xffff;
	v39 =	vmul.f32 v6, v10;
	v3 =	vadd.f32 v37, v3  }
0x27e: {  	v45 =	vor.u32 $0x15, v1;
	v43 =	vld.idx.msk [tilespmem:v35+s20+$0x0], $0xffff  }
0x27f: {  	v44 =	vmul.f32 v7, v36;
	v7 =	vadd.f32 v7, v36;
	v3 =	vadd.f32 v39, v3  }
0x280: {  	v48 =	vor.u32 $0x16, v2;
	v8 =	vld.idx.msk [tilespmem:v38+s16+$0x0], $0xffff  }
0x281: {  	v46 =	vmul.f32 v7, v40;
	v47 =	vld.idx.msk [tilespmem:v41+s19+$0x0], $0xffff;
	v3 =	vadd.f32 v44, v3  }
0x282: {  	v50 =	vor.u32 $0x16, v1;
	v10 =	vld.idx.msk [tilespmem:v41+s20+$0x0], $0xffff  }
0x283: {  	v49 =	vmul.f32 v43, v42;
	v4 =	vadd.f32 v43, v42;
	v3 =	vadd.f32 v46, v3  }
0x284: {  	v51 =	vor.u32 $0x17, v2;
	v9 =	vld.idx.msk [tilespmem:v45+s16+$0x0], $0xffff  }
0x285: {  	v52 =	vld.idx.msk [tilespmem:v48+s19+$0x0], $0xffff;
	v4 =	vmul.f32 v4, v8;
	v3 =	vadd.f32 v49, v3  }
0x286: {  	v54 =	vor.u32 $0x17, v1;
	v7 =	vld.idx.msk [tilespmem:v48+s20+$0x0], $0xffff  }
0x287: {  	v53 =	vmul.f32 v10, v47;
	v6 =	vadd.f32 v10, v47;
	v3 =	vadd.f32 v4, v3  }
0x288: {  	v56 =	vld.idx.msk [tilespmem:v50+s16+$0x0], $0xffff;
	v57 =	vor.u32 $0x18, v2  }
0x289: {  	v58 =	vld.idx.msk [tilespmem:v51+s19+$0x0], $0xffff;
	v55 =	vmul.f32 v6, v9;
	v3 =	vadd.f32 v53, v3  }
0x28a: {  	v61 =	vor.u32 $0x18, v1;
	v59 =	vld.idx.msk [tilespmem:v51+s20+$0x0], $0xffff  }
0x28b: {  	v60 =	vmul.f32 v7, v52;
	v7 =	vadd.f32 v7, v52;
	v3 =	vadd.f32 v55, v3  }
0x28c: {  	v12 =	vor.u32 $0x19, v2;
	v10 =	vld.idx.msk [tilespmem:v54+s16+$0x0], $0xffff  }
0x28d: {  	v62 =	vmul.f32 v7, v56;
	v63 =	vld.idx.msk [tilespmem:v57+s19+$0x0], $0xffff;
	v3 =	vadd.f32 v60, v3  }
0x28e: {  	v14 =	vor.u32 $0x19, v1;
	v9 =	vld.idx.msk [tilespmem:v57+s20+$0x0], $0xffff  }
0x28f: {  	v13 =	vmul.f32 v59, v58;
	v4 =	vadd.f32 v59, v58;
	v3 =	vadd.f32 v62, v3  }
0x290: {  	v15 =	vor.u32 $0x1A, v2;
	v8 =	vld.idx.msk [tilespmem:v61+s16+$0x0], $0xffff  }
0x291: {  	v16 =	vld.idx.msk [tilespmem:v12+s19+$0x0], $0xffff;
	v4 =	vmul.f32 v4, v10;
	v3 =	vadd.f32 v13, v3  }
0x292: {  	v18 =	vor.u32 $0x1A, v1;
	v7 =	vld.idx.msk [tilespmem:v12+s20+$0x0], $0xffff  }
0x293: {  	v17 =	vmul.f32 v9, v63;
	v6 =	vadd.f32 v9, v63;
	v3 =	vadd.f32 v4, v3  }
0x294: {  	v20 =	vld.idx.msk [tilespmem:v14+s16+$0x0], $0xffff;
	v21 =	vor.u32 $0x1B, v2  }
0x295: {  	v22 =	vld.idx.msk [tilespmem:v15+s19+$0x0], $0xffff;
	v19 =	vmul.f32 v6, v8;
	v3 =	vadd.f32 v17, v3  }
0x296: {  	v25 =	vor.u32 $0x1B, v1;
	v23 =	vld.idx.msk [tilespmem:v15+s20+$0x0], $0xffff  }
0x297: {  	v24 =	vmul.f32 v7, v16;
	v7 =	vadd.f32 v7, v16;
	v3 =	vadd.f32 v19, v3  }
0x298: {  	v28 =	vor.u32 $0x1C, v2;
	v9 =	vld.idx.msk [tilespmem:v18+s16+$0x0], $0xffff  }
0x299: {  	v26 =	vmul.f32 v7, v20;
	v27 =	vld.idx.msk [tilespmem:v21+s19+$0x0], $0xffff;
	v3 =	vadd.f32 v24, v3  }
0x29a: {  	v30 =	vor.u32 $0x1C, v1;
	v8 =	vld.idx.msk [tilespmem:v21+s20+$0x0], $0xffff  }
0x29b: {  	v29 =	vmul.f32 v23, v22;
	v4 =	vadd.f32 v23, v22;
	v3 =	vadd.f32 v26, v3  }
0x29c: {  	v31 =	vor.u32 $0x1D, v2;
	v10 =	vld.idx.msk [tilespmem:v25+s16+$0x0], $0xffff  }
0x29d: {  	v32 =	vld.idx.msk [tilespmem:v28+s19+$0x0], $0xffff;
	v4 =	vmul.f32 v4, v9;
	v3 =	vadd.f32 v29, v3  }
0x29e: {  	v34 =	vor.u32 $0x1D, v1;
	v7 =	vld.idx.msk [tilespmem:v28+s20+$0x0], $0xffff  }
0x29f: {  	v33 =	vmul.f32 v8, v27;
	v6 =	vadd.f32 v8, v27;
	v3 =	vadd.f32 v4, v3  }
0x2a0: {  	v36 =	vld.idx.msk [tilespmem:v30+s16+$0x0], $0xffff;
	v37 =	vor.u32 $0x1E, v2  }
0x2a1: {  	v38 =	vld.idx.msk [tilespmem:v31+s19+$0x0], $0xffff;
	v35 =	vmul.f32 v6, v10;
	v3 =	vadd.f32 v33, v3  }
0x2a2: {  	v41 =	vor.u32 $0x1E, v1;
	v39 =	vld.idx.msk [tilespmem:v31+s20+$0x0], $0xffff  }
0x2a3: {  	v40 =	vmul.f32 v7, v32;
	v7 =	vadd.f32 v7, v32;
	v3 =	vadd.f32 v35, v3  }
0x2a4: {  	v44 =	vor.u32 $0x1F, v2;
	v8 =	vld.idx.msk [tilespmem:v34+s16+$0x0], $0xffff  }
0x2a5: {  	v42 =	vmul.f32 v7, v36;
	v43 =	vld.idx.msk [tilespmem:v37+s19+$0x0], $0xffff;
	v3 =	vadd.f32 v40, v3  }
0x2a6: {  	v46 =	vor.u32 $0x1F, v1;
	v10 =	vld.idx.msk [tilespmem:v37+s20+$0x0], $0xffff  }
0x2a7: {  	v45 =	vmul.f32 v39, v38;
	v4 =	vadd.f32 v39, v38;
	v3 =	vadd.f32 v42, v3  }
0x2a8: {  	v47 =	vor.u32 $0x20, v2;
	v9 =	vld.idx.msk [tilespmem:v41+s16+$0x0], $0xffff  }
0x2a9: {  	v48 =	vld.idx.msk [tilespmem:v44+s19+$0x0], $0xffff;
	v4 =	vmul.f32 v4, v8;
	v3 =	vadd.f32 v45, v3  }
0x2aa: {  	v50 =	vor.u32 $0x20, v1;
	v7 =	vld.idx.msk [tilespmem:v44+s20+$0x0], $0xffff  }
0x2ab: {  	v49 =	vmul.f32 v10, v43;
	v6 =	vadd.f32 v10, v43;
	v3 =	vadd.f32 v4, v3  }
0x2ac: {  	v52 =	vld.idx.msk [tilespmem:v46+s16+$0x0], $0xffff;
	v53 =	vor.u32 $0x21, v2  }
0x2ad: {  	v54 =	vld.idx.msk [tilespmem:v47+s19+$0x0], $0xffff;
	v51 =	vmul.f32 v6, v9;
	v3 =	vadd.f32 v49, v3  }
0x2ae: {  	v57 =	vor.u32 $0x21, v1;
	v55 =	vld.idx.msk [tilespmem:v47+s20+$0x0], $0xffff  }
0x2af: {  	v56 =	vmul.f32 v7, v48;
	v7 =	vadd.f32 v7, v48;
	v3 =	vadd.f32 v51, v3  }
0x2b0: {  	v60 =	vor.u32 $0x22, v2;
	v10 =	vld.idx.msk [tilespmem:v50+s16+$0x0], $0xffff  }
0x2b1: {  	v58 =	vmul.f32 v7, v52;
	v59 =	vld.idx.msk [tilespmem:v53+s19+$0x0], $0xffff;
	v3 =	vadd.f32 v56, v3  }
0x2b2: {  	v62 =	vor.u32 $0x22, v1;
	v9 =	vld.idx.msk [tilespmem:v53+s20+$0x0], $0xffff  }
0x2b3: {  	v61 =	vmul.f32 v55, v54;
	v4 =	vadd.f32 v55, v54;
	v3 =	vadd.f32 v58, v3  }
0x2b4: {  	v63 =	vor.u32 $0x23, v2;
	v8 =	vld.idx.msk [tilespmem:v57+s16+$0x0], $0xffff  }
0x2b5: {  	v12 =	vld.idx.msk [tilespmem:v60+s19+$0x0], $0xffff;
	v4 =	vmul.f32 v4, v10;
	v3 =	vadd.f32 v61, v3  }
0x2b6: {  	v14 =	vor.u32 $0x23, v1;
	v7 =	vld.idx.msk [tilespmem:v60+s20+$0x0], $0xffff  }
0x2b7: {  	v13 =	vmul.f32 v9, v59;
	v6 =	vadd.f32 v9, v59;
	v3 =	vadd.f32 v4, v3  }
0x2b8: {  	v16 =	vld.idx.msk [tilespmem:v62+s16+$0x0], $0xffff;
	v17 =	vor.u32 $0x24, v2  }
0x2b9: {  	v18 =	vld.idx.msk [tilespmem:v63+s19+$0x0], $0xffff;
	v15 =	vmul.f32 v6, v8;
	v3 =	vadd.f32 v13, v3  }
0x2ba: {  	v21 =	vor.u32 $0x24, v1;
	v19 =	vld.idx.msk [tilespmem:v63+s20+$0x0], $0xffff  }
0x2bb: {  	v20 =	vmul.f32 v7, v12;
	v7 =	vadd.f32 v7, v12;
	v3 =	vadd.f32 v15, v3  }
0x2bc: {  	v24 =	vor.u32 $0x25, v2;
	v9 =	vld.idx.msk [tilespmem:v14+s16+$0x0], $0xffff  }
0x2bd: {  	v22 =	vmul.f32 v7, v16;
	v23 =	vld.idx.msk [tilespmem:v17+s19+$0x0], $0xffff;
	v3 =	vadd.f32 v20, v3  }
0x2be: {  	v26 =	vor.u32 $0x25, v1;
	v8 =	vld.idx.msk [tilespmem:v17+s20+$0x0], $0xffff  }
0x2bf: {  	v25 =	vmul.f32 v19, v18;
	v4 =	vadd.f32 v19, v18;
	v3 =	vadd.f32 v22, v3  }
0x2c0: {  	v27 =	vor.u32 $0x26, v2;
	v10 =	vld.idx.msk [tilespmem:v21+s16+$0x0], $0xffff  }
0x2c1: {  	v28 =	vld.idx.msk [tilespmem:v24+s19+$0x0], $0xffff;
	v4 =	vmul.f32 v4, v9;
	v3 =	vadd.f32 v25, v3  }
0x2c2: {  	v30 =	vor.u32 $0x26, v1;
	v7 =	vld.idx.msk [tilespmem:v24+s20+$0x0], $0xffff  }
0x2c3: {  	v29 =	vmul.f32 v8, v23;
	v6 =	vadd.f32 v8, v23;
	v3 =	vadd.f32 v4, v3  }
0x2c4: {  	v32 =	vld.idx.msk [tilespmem:v26+s16+$0x0], $0xffff;
	v33 =	vor.u32 $0x27, v2  }
0x2c5: {  	v34 =	vld.idx.msk [tilespmem:v27+s19+$0x0], $0xffff;
	v31 =	vmul.f32 v6, v10;
	v3 =	vadd.f32 v29, v3  }
0x2c6: {  	v37 =	vor.u32 $0x27, v1;
	v35 =	vld.idx.msk [tilespmem:v27+s20+$0x0], $0xffff  }
0x2c7: {  	v36 =	vmul.f32 v7, v28;
	v7 =	vadd.f32 v7, v28;
	v3 =	vadd.f32 v31, v3  }
0x2c8: {  	v40 =	vor.u32 $0x28, v2;
	v8 =	vld.idx.msk [tilespmem:v30+s16+$0x0], $0xffff  }
0x2c9: {  	v38 =	vmul.f32 v7, v32;
	v39 =	vld.idx.msk [tilespmem:v33+s19+$0x0], $0xffff;
	v3 =	vadd.f32 v36, v3  }
0x2ca: {  	v42 =	vor.u32 $0x28, v1;
	v10 =	vld.idx.msk [tilespmem:v33+s20+$0x0], $0xffff  }
0x2cb: {  	v41 =	vmul.f32 v35, v34;
	v4 =	vadd.f32 v35, v34;
	v3 =	vadd.f32 v38, v3  }
0x2cc: {  	v43 =	vor.u32 $0x29, v2;
	v9 =	vld.idx.msk [tilespmem:v37+s16+$0x0], $0xffff  }
0x2cd: {  	v44 =	vld.idx.msk [tilespmem:v40+s19+$0x0], $0xffff;
	v4 =	vmul.f32 v4, v8;
	v3 =	vadd.f32 v41, v3  }
0x2ce: {  	v46 =	vor.u32 $0x29, v1;
	v7 =	vld.idx.msk [tilespmem:v40+s20+$0x0], $0xffff  }
0x2cf: {  	v45 =	vmul.f32 v10, v39;
	v6 =	vadd.f32 v10, v39;
	v3 =	vadd.f32 v4, v3  }
0x2d0: {  	v48 =	vld.idx.msk [tilespmem:v42+s16+$0x0], $0xffff;
	v49 =	vor.u32 $0x2A, v2  }
0x2d1: {  	v50 =	vld.idx.msk [tilespmem:v43+s19+$0x0], $0xffff;
	v47 =	vmul.f32 v6, v9;
	v3 =	vadd.f32 v45, v3  }
0x2d2: {  	v53 =	vor.u32 $0x2A, v1;
	v51 =	vld.idx.msk [tilespmem:v43+s20+$0x0], $0xffff  }
0x2d3: {  	v52 =	vmul.f32 v7, v44;
	v7 =	vadd.f32 v7, v44;
	v3 =	vadd.f32 v47, v3  }
0x2d4: {  	v56 =	vor.u32 $0x2B, v2;
	v10 =	vld.idx.msk [tilespmem:v46+s16+$0x0], $0xffff  }
0x2d5: {  	v54 =	vmul.f32 v7, v48;
	v55 =	vld.idx.msk [tilespmem:v49+s19+$0x0], $0xffff;
	v3 =	vadd.f32 v52, v3  }
0x2d6: {  	v58 =	vor.u32 $0x2B, v1;
	v9 =	vld.idx.msk [tilespmem:v49+s20+$0x0], $0xffff  }
0x2d7: {  	v57 =	vmul.f32 v51, v50;
	v4 =	vadd.f32 v51, v50;
	v3 =	vadd.f32 v54, v3  }
0x2d8: {  	v59 =	vor.u32 $0x2C, v2;
	v8 =	vld.idx.msk [tilespmem:v53+s16+$0x0], $0xffff  }
0x2d9: {  	v60 =	vld.idx.msk [tilespmem:v56+s19+$0x0], $0xffff;
	v4 =	vmul.f32 v4, v10;
	v3 =	vadd.f32 v57, v3  }
0x2da: {  	v62 =	vor.u32 $0x2C, v1;
	v7 =	vld.idx.msk [tilespmem:v56+s20+$0x0], $0xffff  }
0x2db: {  	v61 =	vmul.f32 v9, v55;
	v6 =	vadd.f32 v9, v55;
	v3 =	vadd.f32 v4, v3  }
0x2dc: {  	v12 =	vld.idx.msk [tilespmem:v58+s16+$0x0], $0xffff;
	v13 =	vor.u32 $0x2D, v2  }
0x2dd: {  	v14 =	vld.idx.msk [tilespmem:v59+s19+$0x0], $0xffff;
	v63 =	vmul.f32 v6, v8;
	v3 =	vadd.f32 v61, v3  }
0x2de: {  	v17 =	vor.u32 $0x2D, v1;
	v15 =	vld.idx.msk [tilespmem:v59+s20+$0x0], $0xffff  }
0x2df: {  	v16 =	vmul.f32 v7, v60;
	v7 =	vadd.f32 v7, v60;
	v3 =	vadd.f32 v63, v3  }
0x2e0: {  	v20 =	vor.u32 $0x2E, v2;
	v9 =	vld.idx.msk [tilespmem:v62+s16+$0x0], $0xffff  }
0x2e1: {  	v18 =	vmul.f32 v7, v12;
	v19 =	vld.idx.msk [tilespmem:v13+s19+$0x0], $0xffff;
	v3 =	vadd.f32 v16, v3  }
0x2e2: {  	v22 =	vor.u32 $0x2E, v1;
	v8 =	vld.idx.msk [tilespmem:v13+s20+$0x0], $0xffff  }
0x2e3: {  	v21 =	vmul.f32 v15, v14;
	v4 =	vadd.f32 v15, v14;
	v3 =	vadd.f32 v18, v3  }
0x2e4: {  	v23 =	vor.u32 $0x2F, v2;
	v10 =	vld.idx.msk [tilespmem:v17+s16+$0x0], $0xffff  }
0x2e5: {  	v24 =	vld.idx.msk [tilespmem:v20+s19+$0x0], $0xffff;
	v4 =	vmul.f32 v4, v9;
	v3 =	vadd.f32 v21, v3  }
0x2e6: {  	v26 =	vor.u32 $0x2F, v1;
	v7 =	vld.idx.msk [tilespmem:v20+s20+$0x0], $0xffff  }
0x2e7: {  	v25 =	vmul.f32 v8, v19;
	v6 =	vadd.f32 v8, v19;
	v3 =	vadd.f32 v4, v3  }
0x2e8: {  	v28 =	vld.idx.msk [tilespmem:v22+s16+$0x0], $0xffff;
	v29 =	vor.u32 $0x30, v2  }
0x2e9: {  	v30 =	vld.idx.msk [tilespmem:v23+s19+$0x0], $0xffff;
	v27 =	vmul.f32 v6, v10;
	v3 =	vadd.f32 v25, v3  }
0x2ea: {  	v33 =	vor.u32 $0x30, v1;
	v31 =	vld.idx.msk [tilespmem:v23+s20+$0x0], $0xffff  }
0x2eb: {  	v32 =	vmul.f32 v7, v24;
	v7 =	vadd.f32 v7, v24;
	v3 =	vadd.f32 v27, v3  }
0x2ec: {  	v36 =	vor.u32 $0x31, v2;
	v8 =	vld.idx.msk [tilespmem:v26+s16+$0x0], $0xffff  }
0x2ed: {  	v34 =	vmul.f32 v7, v28;
	v35 =	vld.idx.msk [tilespmem:v29+s19+$0x0], $0xffff;
	v3 =	vadd.f32 v32, v3  }
0x2ee: {  	v38 =	vor.u32 $0x31, v1;
	v10 =	vld.idx.msk [tilespmem:v29+s20+$0x0], $0xffff  }
0x2ef: {  	v37 =	vmul.f32 v31, v30;
	v4 =	vadd.f32 v31, v30;
	v3 =	vadd.f32 v34, v3  }
0x2f0: {  	v39 =	vor.u32 $0x32, v2;
	v9 =	vld.idx.msk [tilespmem:v33+s16+$0x0], $0xffff  }
0x2f1: {  	v40 =	vld.idx.msk [tilespmem:v36+s19+$0x0], $0xffff;
	v4 =	vmul.f32 v4, v8;
	v3 =	vadd.f32 v37, v3  }
0x2f2: {  	v42 =	vor.u32 $0x32, v1;
	v7 =	vld.idx.msk [tilespmem:v36+s20+$0x0], $0xffff  }
0x2f3: {  	v41 =	vmul.f32 v10, v35;
	v6 =	vadd.f32 v10, v35;
	v3 =	vadd.f32 v4, v3  }
0x2f4: {  	v44 =	vld.idx.msk [tilespmem:v38+s16+$0x0], $0xffff;
	v45 =	vor.u32 $0x33, v2  }
0x2f5: {  	v46 =	vld.idx.msk [tilespmem:v39+s19+$0x0], $0xffff;
	v43 =	vmul.f32 v6, v9;
	v3 =	vadd.f32 v41, v3  }
0x2f6: {  	v49 =	vor.u32 $0x33, v1;
	v47 =	vld.idx.msk [tilespmem:v39+s20+$0x0], $0xffff  }
0x2f7: {  	v48 =	vmul.f32 v7, v40;
	v7 =	vadd.f32 v7, v40;
	v3 =	vadd.f32 v43, v3  }
0x2f8: {  	v52 =	vor.u32 $0x34, v2;
	v10 =	vld.idx.msk [tilespmem:v42+s16+$0x0], $0xffff  }
0x2f9: {  	v50 =	vmul.f32 v7, v44;
	v51 =	vld.idx.msk [tilespmem:v45+s19+$0x0], $0xffff;
	v3 =	vadd.f32 v48, v3  }
0x2fa: {  	v54 =	vor.u32 $0x34, v1;
	v9 =	vld.idx.msk [tilespmem:v45+s20+$0x0], $0xffff  }
0x2fb: {  	v53 =	vmul.f32 v47, v46;
	v4 =	vadd.f32 v47, v46;
	v3 =	vadd.f32 v50, v3  }
0x2fc: {  	v55 =	vor.u32 $0x35, v2;
	v8 =	vld.idx.msk [tilespmem:v49+s16+$0x0], $0xffff  }
0x2fd: {  	v56 =	vld.idx.msk [tilespmem:v52+s19+$0x0], $0xffff;
	v4 =	vmul.f32 v4, v10;
	v3 =	vadd.f32 v53, v3  }
0x2fe: {  	v58 =	vor.u32 $0x35, v1;
	v7 =	vld.idx.msk [tilespmem:v52+s20+$0x0], $0xffff  }
0x2ff: {  	v57 =	vmul.f32 v9, v51;
	v6 =	vadd.f32 v9, v51;
	v3 =	vadd.f32 v4, v3  }
0x300: {  	v60 =	vld.idx.msk [tilespmem:v54+s16+$0x0], $0xffff;
	v61 =	vor.u32 $0x36, v2  }
0x301: {  	v62 =	vld.idx.msk [tilespmem:v55+s19+$0x0], $0xffff;
	v59 =	vmul.f32 v6, v8;
	v3 =	vadd.f32 v57, v3  }
0x302: {  	v13 =	vor.u32 $0x36, v1;
	v63 =	vld.idx.msk [tilespmem:v55+s20+$0x0], $0xffff  }
0x303: {  	v12 =	vmul.f32 v7, v56;
	v7 =	vadd.f32 v7, v56;
	v3 =	vadd.f32 v59, v3  }
0x304: {  	v16 =	vor.u32 $0x37, v2;
	v9 =	vld.idx.msk [tilespmem:v58+s16+$0x0], $0xffff  }
0x305: {  	v14 =	vmul.f32 v7, v60;
	v15 =	vld.idx.msk [tilespmem:v61+s19+$0x0], $0xffff;
	v3 =	vadd.f32 v12, v3  }
0x306: {  	v18 =	vor.u32 $0x37, v1;
	v8 =	vld.idx.msk [tilespmem:v61+s20+$0x0], $0xffff  }
0x307: {  	v17 =	vmul.f32 v63, v62;
	v4 =	vadd.f32 v63, v62;
	v3 =	vadd.f32 v14, v3  }
0x308: {  	v19 =	vor.u32 $0x38, v2;
	v10 =	vld.idx.msk [tilespmem:v13+s16+$0x0], $0xffff  }
0x309: {  	v20 =	vld.idx.msk [tilespmem:v16+s19+$0x0], $0xffff;
	v4 =	vmul.f32 v4, v9;
	v3 =	vadd.f32 v17, v3  }
0x30a: {  	v22 =	vor.u32 $0x38, v1;
	v7 =	vld.idx.msk [tilespmem:v16+s20+$0x0], $0xffff  }
0x30b: {  	v21 =	vmul.f32 v8, v15;
	v6 =	vadd.f32 v8, v15;
	v3 =	vadd.f32 v4, v3  }
0x30c: {  	v24 =	vld.idx.msk [tilespmem:v18+s16+$0x0], $0xffff;
	v25 =	vor.u32 $0x39, v2  }
0x30d: {  	v26 =	vld.idx.msk [tilespmem:v19+s19+$0x0], $0xffff;
	v23 =	vmul.f32 v6, v10;
	v3 =	vadd.f32 v21, v3  }
0x30e: {  	v29 =	vor.u32 $0x39, v1;
	v27 =	vld.idx.msk [tilespmem:v19+s20+$0x0], $0xffff  }
0x30f: {  	v28 =	vmul.f32 v7, v20;
	v7 =	vadd.f32 v7, v20;
	v3 =	vadd.f32 v23, v3  }
0x310: {  	v32 =	vor.u32 $0x3A, v2;
	v8 =	vld.idx.msk [tilespmem:v22+s16+$0x0], $0xffff  }
0x311: {  	v30 =	vmul.f32 v7, v24;
	v31 =	vld.idx.msk [tilespmem:v25+s19+$0x0], $0xffff;
	v3 =	vadd.f32 v28, v3  }
0x312: {  	v34 =	vor.u32 $0x3A, v1;
	v10 =	vld.idx.msk [tilespmem:v25+s20+$0x0], $0xffff  }
0x313: {  	v33 =	vmul.f32 v27, v26;
	v4 =	vadd.f32 v27, v26;
	v3 =	vadd.f32 v30, v3  }
0x314: {  	v35 =	vor.u32 $0x3B, v2;
	v9 =	vld.idx.msk [tilespmem:v29+s16+$0x0], $0xffff  }
0x315: {  	v36 =	vld.idx.msk [tilespmem:v32+s19+$0x0], $0xffff;
	v4 =	vmul.f32 v4, v8;
	v3 =	vadd.f32 v33, v3  }
0x316: {  	v38 =	vor.u32 $0x3B, v1;
	v7 =	vld.idx.msk [tilespmem:v32+s20+$0x0], $0xffff  }
0x317: {  	v37 =	vmul.f32 v10, v31;
	v6 =	vadd.f32 v10, v31;
	v3 =	vadd.f32 v4, v3  }
0x318: {  	v40 =	vld.idx.msk [tilespmem:v34+s16+$0x0], $0xffff;
	v41 =	vor.u32 $0x3C, v2  }
0x319: {  	v42 =	vld.idx.msk [tilespmem:v35+s19+$0x0], $0xffff;
	v39 =	vmul.f32 v6, v9;
	v3 =	vadd.f32 v37, v3  }
0x31a: {  	v45 =	vor.u32 $0x3C, v1;
	v43 =	vld.idx.msk [tilespmem:v35+s20+$0x0], $0xffff  }
0x31b: {  	v44 =	vmul.f32 v7, v36;
	v7 =	vadd.f32 v7, v36;
	v3 =	vadd.f32 v39, v3  }
0x31c: {  	v48 =	vor.u32 $0x3D, v2;
	v10 =	vld.idx.msk [tilespmem:v38+s16+$0x0], $0xffff  }
0x31d: {  	v46 =	vmul.f32 v7, v40;
	v47 =	vld.idx.msk [tilespmem:v41+s19+$0x0], $0xffff;
	v3 =	vadd.f32 v44, v3  }
0x31e: {  	v50 =	vor.u32 $0x3D, v1;
	v9 =	vld.idx.msk [tilespmem:v41+s20+$0x0], $0xffff  }
0x31f: {  	v49 =	vmul.f32 v43, v42;
	v4 =	vadd.f32 v43, v42;
	v3 =	vadd.f32 v46, v3  }
0x320: {  	v51 =	vor.u32 $0x3E, v2;
	v8 =	vld.idx.msk [tilespmem:v45+s16+$0x0], $0xffff  }
0x321: {  	v52 =	vld.idx.msk [tilespmem:v48+s19+$0x0], $0xffff;
	v4 =	vmul.f32 v4, v10;
	v3 =	vadd.f32 v49, v3  }
0x322: {  	v54 =	vor.u32 $0x3E, v1;
	v7 =	vld.idx.msk [tilespmem:v48+s20+$0x0], $0xffff  }
0x323: {  	v53 =	vmul.f32 v9, v47;
	v6 =	vadd.f32 v9, v47;
	v3 =	vadd.f32 v4, v3  }
0x324: {  	v2 =	vor.u32 $0x3F, v2;
	v56 =	vld.idx.msk [tilespmem:v50+s16+$0x0], $0xffff  }
0x325: {  	v58 =	vld.idx.msk [tilespmem:v51+s20+$0x0], $0xffff;
	v55 =	vmul.f32 v6, v8;
	v3 =	vadd.f32 v53, v3  }
0x326: {  	v1 =	vor.u32 $0x3F, v1;
	v57 =	vld.idx.msk [tilespmem:v51+s19+$0x0], $0xffff  }
0x327: {  	v59 =	vmul.f32 v7, v52;
	v7 =	vadd.f32 v7, v52;
	v3 =	vadd.f32 v55, v3  }
0x328: {  	v9 =	vld.idx.msk [tilespmem:v54+s16+$0x0], $0xffff  }
0x329: {  	v61 =	vld.idx.msk [tilespmem:v2+s19+$0x0], $0xffff;
	v60 =	vmul.f32 v7, v56;
	v3 =	vadd.f32 v59, v3  }
0x32a: {  	v2 =	vld.idx.msk [tilespmem:v2+s20+$0x0], $0xffff  }
0x32b: {  	v62 =	vmul.f32 v58, v57;
	v4 =	vadd.f32 v58, v57;
	v3 =	vadd.f32 v60, v3  }
0x32c: {  	v1 =	vld.idx.msk [tilespmem:v1+s16+$0x0], $0xffff  }
0x32d: {  	v4 =	vmul.f32 v4, v9;
	v3 =	vadd.f32 v62, v3;
	_ =	sdelay $0x1  }
0x32e: {  	v63 =	vmul.f32 v2, v61;
	v2 =	vadd.f32 v2, v61;
	v3 =	vadd.f32 v4, v3  }
0x32f: {  	p0 =	seq.s32 s25, $0x780  }
.Ltmp4:
0x330: {  	v1 =	vmul.f32 v2, v1;
	v3 =	vadd.f32 v63, v3;
	(pc) =	sbr.rel @p0 .LBB2_4-.Ltmp4, $3  }
0x331: {  	_ = 	snop  }
0x332: {  	v1 =	vadd.f32 v1, v3;
	_ =	sdelay $0x1  }
0x333: {  	[tilespmem:s26+$0x4800] =	vst v1  }
0x334: {  	v1 =	vld [tilespmem:s26+$0x20];
	_ =	sdelay $0x3  }
0x335: {  	v3 =	vld [tilespmem:s26+$0x220]  }
0x336: {  	v2 =	vshll.u32 v1, $0x4  }
0x337: {  	(v2sf) =	vpush v2, $0x0;
	_ =	sdelay $0x2  }
0x338: {  	v1 =	vshll.u32 v3, $0x4  }
0x339: {  	(v2sf) =	vpush v1, $0x0;
	_ =	sdelay $0x1  }
0x33a: {  	(v2sf) =	vpush v2, $0x1;
	_ =	sdelay $0x3  }
0x33b: {  	(v2sf) =	vpush v1, $0x1;
	_ =	sdelay $0x4  }
0x33c: {  	s0 =	spop (v2sf);
	(v2sf) =	vpush v2, $0x2  }
0x33d: {  	s29 =	sand.u32 $0x1000, s23;
	s0 =	sand.u32 $0x1FFFFFF0, s0  }
0x33e: {  	s30 =	sor.u32 $0x600, s29;
	s0 =	sadd.s32 s4, s0  }
0x33f: {  	[tilespmem:s30], [sflag:$0x1] =	stream.linear.gather [hbm4b:s0+s3], $0x80, $0x38;
	[tilespmem:$0x4A00] =	vst v63  }
0x340: {  	s30 =	spop (v2sf);
	(v2sf) =	vpush v1, $0x2;
	_ =	sdelay $0x1  }
0x341: {  	s0 =	sand.u32 $0x1FFFFFF0, s30;
	s30 =	spop (v2sf);
	(v2sf) =	vpush v2, $0x3;
	_ =	sdelay $0x1  }
0x342: {  	s31 =	sor.u32 $0x2600, s29;
	s0 =	sadd.s32 s5, s0  }
0x343: {  	[tilespmem:s31], [sflag:$0x1] =	stream.linear.gather [hbm4b:s0+s3], $0x80, $0x38;
	[tilespmem:$0x4A00] =	vst v63  }
0x344: {  	s0 =	sand.u32 $0x1FFFFFF0, s30;
	s30 =	spop (v2sf);
	(v2sf) =	vpush v1, $0x3;
	_ =	sdelay $0x2  }
0x345: {  	s31 =	sor.u32 $0x680, s29;
	s0 =	sadd.s32 s4, s0  }
0x346: {  	[tilespmem:s31], [sflag:$0x1] =	stream.linear.gather [hbm4b:s0+s3], $0x80, $0x38;
	[tilespmem:$0x4A00] =	vst v63  }
0x347: {  	s0 =	sand.u32 $0x1FFFFFF0, s30;
	s30 =	spop (v2sf);
	(v2sf) =	vpush v2, $0x4  }
0x348: {  	s31 =	sor.u32 $0x2680, s29;
	s0 =	sadd.s32 s5, s0  }
0x349: {  	[tilespmem:s31], [sflag:$0x1] =	stream.linear.gather [hbm4b:s0+s3], $0x80, $0x38;
	[tilespmem:$0x4A00] =	vst v63  }
0x34a: {  	s0 =	sand.u32 $0x1FFFFFF0, s30  }
0x34b: {  	s31 =	sor.u32 $0x700, s29;
	s0 =	sadd.s32 s4, s0;
	s30 =	spop (v2sf);
	(v2sf) =	vpush v1, $0x4  }
0x34c: {  	[tilespmem:s31], [sflag:$0x1] =	stream.linear.gather [hbm4b:s0+s3], $0x80, $0x38;
	[tilespmem:$0x4A00] =	vst v63  }
0x34d: {  	s0 =	sand.u32 $0x1FFFFFF0, s30;
	s30 =	spop (v2sf);
	(v2sf) =	vpush v2, $0x5;
	_ =	sdelay $0x1  }
0x34e: {  	s31 =	sor.u32 $0x2700, s29;
	s0 =	sadd.s32 s5, s0  }
0x34f: {  	[tilespmem:s31], [sflag:$0x1] =	stream.linear.gather [hbm4b:s0+s3], $0x80, $0x38;
	[tilespmem:$0x4A00] =	vst v63  }
0x350: {  	s0 =	sand.u32 $0x1FFFFFF0, s30;
	s30 =	spop (v2sf);
	(v2sf) =	vpush v1, $0x5;
	_ =	sdelay $0x2  }
0x351: {  	s31 =	sor.u32 $0x780, s29;
	s0 =	sadd.s32 s4, s0  }
0x352: {  	[tilespmem:s31], [sflag:$0x1] =	stream.linear.gather [hbm4b:s0+s3], $0x80, $0x38;
	[tilespmem:$0x4A00] =	vst v63  }
0x353: {  	s0 =	sand.u32 $0x1FFFFFF0, s30;
	s30 =	spop (v2sf);
	(v2sf) =	vpush v2, $0x6  }
0x354: {  	s31 =	sor.u32 $0x2780, s29;
	s0 =	sadd.s32 s5, s0  }
0x355: {  	[tilespmem:s31], [sflag:$0x1] =	stream.linear.gather [hbm4b:s0+s3], $0x80, $0x38;
	[tilespmem:$0x4A00] =	vst v63  }
0x356: {  	s0 =	sand.u32 $0x1FFFFFF0, s30  }
0x357: {  	s31 =	sor.u32 $0x800, s29;
	s0 =	sadd.s32 s4, s0;
	s30 =	spop (v2sf);
	(v2sf) =	vpush v1, $0x6  }
0x358: {  	[tilespmem:s31], [sflag:$0x1] =	stream.linear.gather [hbm4b:s0+s3], $0x80, $0x38;
	[tilespmem:$0x4A00] =	vst v63  }
0x359: {  	s0 =	sand.u32 $0x1FFFFFF0, s30;
	s30 =	spop (v2sf);
	(v2sf) =	vpush v2, $0x7;
	_ =	sdelay $0x1  }
0x35a: {  	s31 =	sor.u32 $0x2800, s29;
	s0 =	sadd.s32 s5, s0  }
0x35b: {  	[tilespmem:s31], [sflag:$0x1] =	stream.linear.gather [hbm4b:s0+s3], $0x80, $0x38;
	[tilespmem:$0x4A00] =	vst v63  }
0x35c: {  	s0 =	sand.u32 $0x1FFFFFF0, s30;
	s30 =	spop (v2sf);
	(v2sf) =	vpush v1, $0x7;
	_ =	sdelay $0x2  }
0x35d: {  	s31 =	sor.u32 $0x880, s29;
	s0 =	sadd.s32 s4, s0  }
0x35e: {  	[tilespmem:s31], [sflag:$0x1] =	stream.linear.gather [hbm4b:s0+s3], $0x80, $0x38;
	[tilespmem:$0x4A00] =	vst v63  }
0x35f: {  	s0 =	sand.u32 $0x1FFFFFF0, s30;
	s30 =	spop (v2sf);
	(v2sf) =	vpush v2, $0x8  }
0x360: {  	s31 =	sor.u32 $0x2880, s29;
	s0 =	sadd.s32 s5, s0  }
0x361: {  	[tilespmem:s31], [sflag:$0x1] =	stream.linear.gather [hbm4b:s0+s3], $0x80, $0x38;
	[tilespmem:$0x4A00] =	vst v63  }
0x362: {  	s0 =	sand.u32 $0x1FFFFFF0, s30  }
0x363: {  	s31 =	sor.u32 $0x900, s29;
	s0 =	sadd.s32 s4, s0;
	s30 =	spop (v2sf);
	(v2sf) =	vpush v1, $0x8  }
0x364: {  	[tilespmem:s31], [sflag:$0x1] =	stream.linear.gather [hbm4b:s0+s3], $0x80, $0x38;
	[tilespmem:$0x4A00] =	vst v63  }
0x365: {  	s0 =	sand.u32 $0x1FFFFFF0, s30;
	s30 =	spop (v2sf);
	(v2sf) =	vpush v2, $0x9;
	_ =	sdelay $0x1  }
0x366: {  	s31 =	sor.u32 $0x2900, s29;
	s0 =	sadd.s32 s5, s0  }
0x367: {  	[tilespmem:s31], [sflag:$0x1] =	stream.linear.gather [hbm4b:s0+s3], $0x80, $0x38;
	[tilespmem:$0x4A00] =	vst v63  }
0x368: {  	s0 =	sand.u32 $0x1FFFFFF0, s30;
	s30 =	spop (v2sf);
	(v2sf) =	vpush v1, $0x9;
	_ =	sdelay $0x2  }
0x369: {  	s31 =	sor.u32 $0x980, s29;
	s0 =	sadd.s32 s4, s0  }
0x36a: {  	[tilespmem:s31], [sflag:$0x1] =	stream.linear.gather [hbm4b:s0+s3], $0x80, $0x38;
	[tilespmem:$0x4A00] =	vst v63  }
0x36b: {  	s0 =	sand.u32 $0x1FFFFFF0, s30;
	s30 =	spop (v2sf);
	(v2sf) =	vpush v2, $0xA  }
0x36c: {  	s31 =	sor.u32 $0x2980, s29;
	s0 =	sadd.s32 s5, s0  }
0x36d: {  	[tilespmem:s31], [sflag:$0x1] =	stream.linear.gather [hbm4b:s0+s3], $0x80, $0x38;
	[tilespmem:$0x4A00] =	vst v63  }
0x36e: {  	s0 =	sand.u32 $0x1FFFFFF0, s30  }
0x36f: {  	s31 =	sor.u32 $0xA00, s29;
	s0 =	sadd.s32 s4, s0;
	s30 =	spop (v2sf);
	(v2sf) =	vpush v1, $0xA  }
0x370: {  	[tilespmem:s31], [sflag:$0x1] =	stream.linear.gather [hbm4b:s0+s3], $0x80, $0x38;
	[tilespmem:$0x4A00] =	vst v63  }
0x371: {  	s0 =	sand.u32 $0x1FFFFFF0, s30;
	s30 =	spop (v2sf);
	(v2sf) =	vpush v2, $0xB;
	_ =	sdelay $0x1  }
0x372: {  	s31 =	sor.u32 $0x2A00, s29;
	s0 =	sadd.s32 s5, s0  }
0x373: {  	[tilespmem:s31], [sflag:$0x1] =	stream.linear.gather [hbm4b:s0+s3], $0x80, $0x38;
	[tilespmem:$0x4A00] =	vst v63  }
0x374: {  	s0 =	sand.u32 $0x1FFFFFF0, s30;
	s30 =	spop (v2sf);
	(v2sf) =	vpush v1, $0xB;
	_ =	sdelay $0x2  }
0x375: {  	s31 =	sor.u32 $0xA80, s29;
	s0 =	sadd.s32 s4, s0  }
0x376: {  	[tilespmem:s31], [sflag:$0x1] =	stream.linear.gather [hbm4b:s0+s3], $0x80, $0x38;
	[tilespmem:$0x4A00] =	vst v63  }
0x377: {  	s0 =	sand.u32 $0x1FFFFFF0, s30;
	s30 =	spop (v2sf);
	(v2sf) =	vpush v2, $0xC  }
0x378: {  	s31 =	sor.u32 $0x2A80, s29;
	s0 =	sadd.s32 s5, s0  }
0x379: {  	[tilespmem:s31], [sflag:$0x1] =	stream.linear.gather [hbm4b:s0+s3], $0x80, $0x38;
	[tilespmem:$0x4A00] =	vst v63  }
0x37a: {  	s0 =	sand.u32 $0x1FFFFFF0, s30  }
0x37b: {  	s31 =	sor.u32 $0xB00, s29;
	s0 =	sadd.s32 s4, s0;
	s30 =	spop (v2sf);
	(v2sf) =	vpush v1, $0xC  }
0x37c: {  	[tilespmem:s31], [sflag:$0x1] =	stream.linear.gather [hbm4b:s0+s3], $0x80, $0x38;
	[tilespmem:$0x4A00] =	vst v63  }
0x37d: {  	s0 =	sand.u32 $0x1FFFFFF0, s30;
	s30 =	spop (v2sf);
	(v2sf) =	vpush v2, $0xD;
	_ =	sdelay $0x1  }
0x37e: {  	s31 =	sor.u32 $0x2B00, s29;
	s0 =	sadd.s32 s5, s0  }
0x37f: {  	[tilespmem:s31], [sflag:$0x1] =	stream.linear.gather [hbm4b:s0+s3], $0x80, $0x38;
	[tilespmem:$0x4A00] =	vst v63  }
0x380: {  	s0 =	sand.u32 $0x1FFFFFF0, s30;
	s30 =	spop (v2sf);
	(v2sf) =	vpush v1, $0xD;
	_ =	sdelay $0x2  }
0x381: {  	s31 =	sor.u32 $0xB80, s29;
	s0 =	sadd.s32 s4, s0  }
0x382: {  	[tilespmem:s31], [sflag:$0x1] =	stream.linear.gather [hbm4b:s0+s3], $0x80, $0x38;
	[tilespmem:$0x4A00] =	vst v63  }
0x383: {  	s0 =	sand.u32 $0x1FFFFFF0, s30;
	s30 =	spop (v2sf);
	(v2sf) =	vpush v2, $0xE  }
0x384: {  	s31 =	sor.u32 $0x2B80, s29;
	s0 =	sadd.s32 s5, s0  }
0x385: {  	[tilespmem:s31], [sflag:$0x1] =	stream.linear.gather [hbm4b:s0+s3], $0x80, $0x38;
	[tilespmem:$0x4A00] =	vst v63  }
0x386: {  	s0 =	sand.u32 $0x1FFFFFF0, s30  }
0x387: {  	s31 =	sor.u32 $0xC00, s29;
	s0 =	sadd.s32 s4, s0;
	s30 =	spop (v2sf);
	(v2sf) =	vpush v1, $0xE  }
0x388: {  	[tilespmem:s31], [sflag:$0x1] =	stream.linear.gather [hbm4b:s0+s3], $0x80, $0x38;
	[tilespmem:$0x4A00] =	vst v63  }
0x389: {  	s0 =	sand.u32 $0x1FFFFFF0, s30;
	s30 =	spop (v2sf);
	(v2sf) =	vpush v2, $0xF  }
0x38a: {  	s31 =	sor.u32 $0x2C00, s29;
	s0 =	sadd.s32 s5, s0  }
0x38b: {  	[tilespmem:s31], [sflag:$0x1] =	stream.linear.gather [hbm4b:s0+s3], $0x80, $0x38;
	[tilespmem:$0x4A00] =	vst v63  }
0x38c: {  	s0 =	sand.u32 $0x1FFFFFF0, s30  }
0x38d: {  	s31 =	sor.u32 $0xC80, s29;
	s30 =	spop (v2sf);
	s0 =	sadd.s32 s4, s0  }
0x38e: {  	[tilespmem:s31], [sflag:$0x1] =	stream.linear.gather [hbm4b:s0+s3], $0x80, $0x38;
	[tilespmem:$0x4A00] =	vst v63  }
0x38f: {  	(v2sf) =	vpush v1, $0xF;
	s0 =	sand.u32 $0x1FFFFFF0, s30  }
0x390: {  	s31 =	sor.u32 $0x2C80, s29;
	s0 =	sadd.s32 s5, s0  }
0x391: {  	[tilespmem:s31], [sflag:$0x1] =	stream.linear.gather [hbm4b:s0+s3], $0x80, $0x38;
	[tilespmem:$0x4A00] =	vst v63  }
0x392: {  	s30 =	spop (v2sf)  }
0x393: {  	s0 =	sand.u32 $0x1FFFFFF0, s30  }
0x394: {  	s31 =	sor.u32 $0xD00, s29;
	s0 =	sadd.s32 s4, s0  }
0x395: {  	[tilespmem:s31], [sflag:$0x1] =	stream.linear.gather [hbm4b:s0+s3], $0x80, $0x38;
	[tilespmem:$0x4A00] =	vst v63  }
0x396: {  	s30 =	spop (v2sf)  }
0x397: {  	s0 =	sand.u32 $0x1FFFFFF0, s30  }
0x398: {  	s31 =	sor.u32 $0x2D00, s29;
	s30 =	spop (v2sf);
	s0 =	sadd.s32 s5, s0  }
0x399: {  	[tilespmem:s31], [sflag:$0x1] =	stream.linear.gather [hbm4b:s0+s3], $0x80, $0x38;
	[tilespmem:$0x4A00] =	vst v63  }
0x39a: {  	s0 =	sand.u32 $0x1FFFFFF0, s30  }
0x39b: {  	s31 =	sor.u32 $0xD80, s29;
	s0 =	sadd.s32 s4, s0  }
0x39c: {  	[tilespmem:s31], [sflag:$0x1] =	stream.linear.gather [hbm4b:s0+s3], $0x80, $0x38;
	[tilespmem:$0x4A00] =	vst v63  }
.Ltmp5:
0x39d: {  	_ = 	snop;
	(pc) =	sbr.rel .LBB2_4-.Ltmp5, $4  }
0x39e: {  	s31 =	spop (v2sf)  }
0x39f: {  	s0 =	sand.u32 $0x1FFFFFF0, s31  }
0x3a0: {  	s29 =	sor.u32 $0x2D80, s29;
	s0 =	sadd.s32 s5, s0  }
0x3a1: {  	[tilespmem:s29], [sflag:$0x1] =	stream.linear.gather [hbm4b:s0+s3], $0x80, $0x38;
	[tilespmem:$0x4A00] =	vst v63  }
.LBB2_6:
0x3a2: {  	_ =	sfence.sel $0x180000  }
0x3a3: {  	[bflag:$0x0] =	sbarrier.arrive $0xFFFF  }
0x3a4: {  	_ =	strace $0x90000047  }
0x3a5: {  	s0 =	stileid.u32;
	[bflag:$0x2] =	sbarrier.arrive $0xFFFF  }
0x3a6: {  	p0 =	sne.s32 s0, $0x0;
	s0 =	rddreg [dreg:$0x6]  }
0x3a7: {  	s0 =	sadd.s32 @!p0 $0x100000, s0  }
0x3a8: {  	[sflag:s0] =	ssyncadd.tile.s32 @!p0 $0x1;
	_ =	shalt  }
.Lfunc_end2:
_tile_overlayer_lowered:
.L_overlay_start_2:
0x3a9: {  	(tag) =	ssettag $0x2  }
0x3aa: {  	s0 =	rddreg [dreg:$0x0];
	s2 =	stileid.u32  }
0x3ab: {  	s1 =	rddreg [dreg:$0x1];
	p0 =	sne.s32 s2, $0x0  }
0x3ac: {  	s3 =	rddreg [dreg:$0x2];
	[bflag:$0x3] =	sbarrier.arrive $0xFFFF;
	s2 =	simm.s32 @!p0 $0x1C03  }
0x3ad: {  	[timem:s3], [sflag:s2] =	dma.local @!p0 [hbm:s0], s1  }
0x3ae: {  	s0 =	simm.s32 @!p0 $0x3  }
0x3af: {  	_ =	swait.ge @!p0 [sflag:s0], s1  }
0x3b0: {  	s1 =	ssub.s32 @!p0 $0x0, s1;
	[sflag:s0] =	ssyncset.done @!p0 $0x0  }
0x3b1: {  	[sflag:s0] =	ssyncadd.s32 @!p0 s1  }
0x3b2: {  	[bflag:$0x3] =	sbarrier.arrive $0xFFFF  }
0x3b3: {  	_ =	shalt  }

</sc_bundles>
